<compile_context>
chip_gen: v7x
topology: tpu7x:2x2x1
jax: 0.10.2.dev20260603
libtpu: 0.0.44.dev20260713+nightly
codegen_flags: <defaults>
</compile_context>

<pallas_src>
import functools

import jax
import jax.numpy as jnp
from jax import lax
from jax.experimental import pallas as pl
from jax.experimental.pallas import tpu as pltpu
from jax.experimental.pallas import tpu_sc as plsc

N_NODES = 10000
N_EDGES = 320000
D_FEAT = 128
D_HID1 = 50
D_HID2 = 128
N_CLASSES = 40

HP = 64
CPS = HP // 2
NP = 10240
NC, NS = 2, 16
NTILES = NC * NS
RPT = NP // NS
HB = RPT // 2
CHUNK = 128
EROWS = N_EDGES // CHUNK
DOFF = EROWS

_mesh = plsc.VectorSubcoreMesh(core_axis_name="c", subcore_axis_name="s")
_SC_PARAMS = pltpu.CompilerParams(use_tc_tiling_on_sc=False)


@functools.partial(
    pl.kernel,
    out_type=jax.ShapeDtypeStruct((NC * NP, 16), jnp.float32),
    mesh=_mesh,
    compiler_params=_SC_PARAMS,
    scratch_types=[
        pltpu.VMEM((79, CHUNK), jnp.int32),
        pltpu.VMEM((CHUNK, 16), jnp.float32),
        pltpu.VMEM_SHARED((NP, 16), jnp.float32),
        pltpu.SemaphoreType.DMA,
    ],
)
def _sc_degree(ei_hbm, ones_hbm, zeros_hbm, out_hbm, idx_v, ones_v, acc_sh,
               ssem):
    c = lax.axis_index("c")
    s = lax.axis_index("s")
    tid = c * NS + s
    start = 78 * tid + jnp.minimum(tid, 4)
    nch = 78 + (tid < 4).astype(jnp.int32)
    pltpu.sync_copy(zeros_hbm.at[pl.ds(s * RPT, RPT)],
                    acc_sh.at[pl.ds(s * RPT, RPT)])
    pltpu.sync_copy(ei_hbm.at[pl.ds(DOFF + start, 78)],
                    idx_v.at[pl.ds(0, 78)])

    @pl.when(tid < 4)
    def _():
        pltpu.sync_copy(ei_hbm.at[pl.ds(DOFF + start + 78, 1)],
                        idx_v.at[pl.ds(78, 1)])

    pltpu.sync_copy(ones_hbm, ones_v)
    plsc.subcore_barrier()

    def body(j, carry):
        pltpu.make_async_copy(ones_v, acc_sh.at[idx_v.at[j]],
                              ssem).start(add=True)

        @pl.when(j >= 8)
        def _():
            pltpu.make_async_copy(ones_v, acc_sh.at[idx_v.at[0]], ssem).wait()

        return carry

    lax.fori_loop(0, nch, body, 0)

    def drain(j, carry):
        pltpu.make_async_copy(ones_v, acc_sh.at[idx_v.at[0]], ssem).wait()
        return carry

    lax.fori_loop(0, 8, drain, 0)
    plsc.subcore_barrier()
    pltpu.sync_copy(acc_sh.at[pl.ds(s * RPT, RPT)],
                    out_hbm.at[pl.ds(c * NP + s * RPT, RPT)])


def _agg_loop(nch, y_sh, acc_sh, sidx, didx, rows0, rows1, sem0, sem1):
    pltpu.async_copy(y_sh.at[sidx.at[0]], rows0, sem0)

    def body(i, carry):
        j0 = 2 * i
        pltpu.async_copy(y_sh.at[sidx.at[j0 + 1]], rows1, sem1)
        pltpu.make_async_copy(y_sh.at[sidx.at[j0]], rows0, sem0).wait()
        pltpu.sync_copy(rows0, acc_sh.at[didx.at[j0]], add=True)

        @pl.when(j0 + 2 < nch)
        def _():
            pltpu.async_copy(y_sh.at[sidx.at[j0 + 2]], rows0, sem0)

        pltpu.make_async_copy(y_sh.at[sidx.at[j0 + 1]], rows1, sem1).wait()
        pltpu.sync_copy(rows1, acc_sh.at[didx.at[j0 + 1]], add=True)
        return carry

    lax.fori_loop(0, 78, body, 0)

    @pl.when(nch > 156)
    def _():
        pltpu.make_async_copy(y_sh.at[sidx.at[156]], rows0, sem0).wait()
        pltpu.sync_copy(rows0, acc_sh.at[didx.at[156]], add=True)


def _newton_rsqrt(p):
    i = lax.bitcast_convert_type(p, jnp.int32)
    i = jnp.int32(0x5F3759DF) - jnp.right_shift(i, jnp.int32(1))
    y = lax.bitcast_convert_type(i, jnp.float32)
    y = y * (1.5 - 0.5 * p * y * y)
    y = y * (1.5 - 0.5 * p * y * y)
    y = y * (1.5 - 0.5 * p * y * y)
    return y


@functools.partial(
    pl.kernel,
    out_type=jax.ShapeDtypeStruct((NP, 128), jnp.float32),
    mesh=_mesh,
    compiler_params=_SC_PARAMS,
    scratch_types=[
        pltpu.VMEM((157, CHUNK), jnp.int32),
        pltpu.VMEM((157, CHUNK), jnp.int32),
        pltpu.VMEM((CHUNK, CPS), jnp.float32),
        pltpu.VMEM((CHUNK, CPS), jnp.float32),
        pltpu.VMEM((HB, CPS), jnp.float32),
        pltpu.VMEM((HB, CPS), jnp.float32),
        pltpu.VMEM((RPT, 16), jnp.float32),
        pltpu.VMEM((HB, 16), jnp.float32),
        pltpu.VMEM((8, CPS), jnp.float32),
        pltpu.VMEM_SHARED((NP, CPS), jnp.float32),
        pltpu.VMEM_SHARED((NP, CPS), jnp.float32),
        pltpu.SemaphoreType.DMA,
        pltpu.SemaphoreType.DMA,
    ],
)
def _sc_fused(xw_hbm, ei_hbm, deg_hbm, b1s_hbm, zeros_hbm, a2s_hbm,
              sidx, didx, rows0, rows1, accv, yv, disfull, degb, b1v,
              acc_sh, y_sh, sem0, sem1):
    c = lax.axis_index("c")
    s = lax.axis_index("s")
    r0 = s * RPT
    start = 156 * s + jnp.minimum(s, 4)
    nch = 156 + (s < 4).astype(jnp.int32)
    pltpu.sync_copy(zeros_hbm.at[pl.ds(r0, RPT)], acc_sh.at[pl.ds(r0, RPT)])
    pltpu.sync_copy(ei_hbm.at[pl.ds(start, 156)], sidx.at[pl.ds(0, 156)])
    pltpu.sync_copy(ei_hbm.at[pl.ds(DOFF + start, 156)],
                    didx.at[pl.ds(0, 156)])

    @pl.when(s < 4)
    def _():
        pltpu.sync_copy(ei_hbm.at[pl.ds(start + 156, 1)],
                        sidx.at[pl.ds(156, 1)])
        pltpu.sync_copy(ei_hbm.at[pl.ds(DOFF + start + 156, 1)],
                        didx.at[pl.ds(156, 1)])

    pltpu.sync_copy(b1s_hbm.at[pl.ds(0, 8), pl.ds(c * CPS, CPS)], b1v)

    for h in range(2):
        rh = r0 + h * HB
        pltpu.sync_copy(deg_hbm.at[pl.ds(rh, HB)],
                        disfull.at[pl.ds(h * HB, HB)])
        pltpu.sync_copy(deg_hbm.at[pl.ds(NP + rh, HB)], degb)
        pltpu.sync_copy(xw_hbm.at[pl.ds(rh, HB), pl.ds(c * CPS, CPS)], accv)

        def prebody(r4, carry):
            for k in range(4):
                r = 4 * r4 + k
                p = disfull[h * HB + r, :] + degb[r, :] + 1.0
                y = _newton_rsqrt(p)
                disfull[h * HB + r, :] = y
                accv[r, 0:16] = accv[r, 0:16] * y
                accv[r, 16:32] = accv[r, 16:32] * y
            return carry

        lax.fori_loop(0, HB // 4, prebody, 0)
        pltpu.sync_copy(accv, y_sh.at[pl.ds(rh, HB)])
    plsc.subcore_barrier()

    _agg_loop(nch, y_sh, acc_sh, sidx, didx, rows0, rows1, sem0, sem1)
    plsc.subcore_barrier()

    b1a = b1v[0, 0:16]
    b1b = b1v[0, 16:32]
    for h in range(2):
        rh = r0 + h * HB
        pltpu.sync_copy(acc_sh.at[pl.ds(rh, HB)], accv)
        pltpu.sync_copy(y_sh.at[pl.ds(rh, HB)], yv)

        def midbody(r4, carry):
            for k in range(4):
                r = 4 * r4 + k
                dv = disfull[h * HB + r, :]
                o0 = jnp.maximum((accv[r, 0:16] + yv[r, 0:16]) * dv + b1a, 0.0)
                o1 = jnp.maximum((accv[r, 16:32] + yv[r, 16:32]) * dv + b1b, 0.0)
                yv[r, 0:16] = o0 * dv
                yv[r, 16:32] = o1 * dv
            return carry

        lax.fori_loop(0, HB // 4, midbody, 0)
        pltpu.sync_copy(yv, y_sh.at[pl.ds(rh, HB)])
        pltpu.sync_copy(zeros_hbm.at[pl.ds(rh, HB)], acc_sh.at[pl.ds(rh, HB)])
    plsc.subcore_barrier()

    _agg_loop(nch, y_sh, acc_sh, sidx, didx, rows0, rows1, sem0, sem1)
    plsc.subcore_barrier()

    for h in range(2):
        rh = r0 + h * HB
        pltpu.sync_copy(acc_sh.at[pl.ds(rh, HB)], accv)
        pltpu.sync_copy(y_sh.at[pl.ds(rh, HB)], yv)

        def finbody(r4, carry):
            for k in range(4):
                r = 4 * r4 + k
                dv = disfull[h * HB + r, :]
                accv[r, 0:16] = (accv[r, 0:16] + yv[r, 0:16]) * dv
                accv[r, 16:32] = (accv[r, 16:32] + yv[r, 16:32]) * dv
            return carry

        lax.fori_loop(0, HB // 4, finbody, 0)
        pltpu.sync_copy(accv, a2s_hbm.at[pl.ds(rh, HB), pl.ds(c * CPS, CPS)])


_TC_PARAMS = pltpu.CompilerParams(vmem_limit_bytes=100 * 1024 * 1024)
_GBLK = 2000


def _tc_xw_body(x_ref, w_ref, y_ref):
    y_ref[...] = jnp.dot(x_ref[...], w_ref[...],
                         preferred_element_type=jnp.float32)


_tc_xw = pl.pallas_call(
    _tc_xw_body,
    grid=(N_NODES // _GBLK,),
    in_specs=[pl.BlockSpec((_GBLK, D_FEAT), lambda i: (i, 0)),
              pl.BlockSpec((D_FEAT, 128), lambda i: (0, 0))],
    out_specs=pl.BlockSpec((_GBLK, 128), lambda i: (i, 0)),
    out_shape=jax.ShapeDtypeStruct((NP, 128), jnp.float32),
    compiler_params=_TC_PARAMS,
)


def _tc_final_body(a_ref, w2_ref, b2_ref, wl_ref, blc_ref, out_ref, h_ref):
    a2 = a_ref[:, 0:HP]
    h = jnp.dot(a2, w2_ref[...], preferred_element_type=jnp.float32) + b2_ref[...]
    h_ref[...] = h
    out = jnp.dot(h, wl_ref[...], preferred_element_type=jnp.float32)
    out_ref[...] = out[:, 0:N_CLASSES] + blc_ref[0:N_CLASSES, 0:1].T


_tc_final = pl.pallas_call(
    _tc_final_body,
    grid=(N_NODES // _GBLK,),
    in_specs=[pl.BlockSpec((_GBLK, 128), lambda i: (i, 0)),
              pl.BlockSpec((HP, D_HID2), lambda i: (0, 0)),
              pl.BlockSpec((1, D_HID2), lambda i: (0, 0)),
              pl.BlockSpec((D_HID2, 128), lambda i: (0, 0)),
              pl.BlockSpec((128, 8), lambda i: (0, 0))],
    out_specs=(pl.BlockSpec((_GBLK, N_CLASSES), lambda i: (i, 0)),
               pl.BlockSpec((_GBLK, D_HID2), lambda i: (i, 0))),
    out_shape=(jax.ShapeDtypeStruct((N_NODES, N_CLASSES), jnp.float32),
               jax.ShapeDtypeStruct((N_NODES, D_HID2), jnp.float32)),
    compiler_params=_TC_PARAMS,
)


def kernel(x, edge_index, W1, b1, W2, b2, Wl, bl):
    f32 = jnp.float32
    ei2d = edge_index.reshape(2 * EROWS, CHUNK)
    W1pp = jnp.zeros((D_FEAT, 128), f32).at[:, :D_HID1].set(W1)
    b1s = jnp.zeros((8, 128), f32).at[:, :D_HID1].set(
        jnp.broadcast_to(b1, (8, D_HID1)))
    W2p = jnp.zeros((HP, D_HID2), f32).at[:D_HID1].set(W2)
    b2p = b2.reshape(1, D_HID2)
    Wlp = jnp.zeros((D_HID2, 128), f32).at[:, :N_CLASSES].set(Wl)
    blc = jnp.zeros((128, 8), f32).at[:N_CLASSES].set(
        jnp.broadcast_to(bl[:, None], (N_CLASSES, 8)))

    ones16 = jnp.ones((CHUNK, 16), f32)
    z16 = jnp.zeros((NP, 16), f32)
    z32 = jnp.zeros((NP, CPS), f32)

    deg2 = _sc_degree(ei2d, ones16, z16)
    xw = _tc_xw(x, W1pp)
    a2s = _sc_fused(xw, ei2d, deg2, b1s, z32)
    outp, h = _tc_final(a2s, W2p, b2p, Wlp, blc)
    return (outp, h)

# --- scband reference (transcript-rebuilt; emitter-appended) ---
"""Pipeline reference for scband-my-gcn-24180665876562 (READ-ONLY COPY).

The authoritative reference and input builder live on the scoring server;
editing this copy changes nothing except your own understanding.
"""

import jax, jax.numpy as jnp
import numpy as np

N_NODES = 10000
N_EDGES = 320000
D_FEAT = 128
D_HID1 = 50
D_HID2 = 128
N_CLASSES = 40


def setup_inputs(seed: int = 0) -> dict:
    key = jax.random.key(seed)
    ks = jax.random.split(key, 8)
    x = jax.random.normal(ks[0], (N_NODES, D_FEAT), dtype=jnp.float32)
    edge_index = jax.random.randint(ks[1], (2, N_EDGES), 0, N_NODES, dtype=jnp.int32)
    W1 = jax.random.normal(ks[2], (D_FEAT, D_HID1), dtype=jnp.float32) * (1.0 / np.sqrt(D_FEAT))
    b1 = jnp.zeros((D_HID1,), dtype=jnp.float32)
    W2 = jax.random.normal(ks[3], (D_HID1, D_HID2), dtype=jnp.float32) * (1.0 / np.sqrt(D_HID1))
    b2 = jnp.zeros((D_HID2,), dtype=jnp.float32)
    Wl = jax.random.normal(ks[4], (D_HID2, N_CLASSES), dtype=jnp.float32) * (1.0 / np.sqrt(D_HID2))
    bl = jnp.zeros((N_CLASSES,), dtype=jnp.float32)
    return {"x": x, "edge_index": edge_index, "W1": W1, "b1": b1, "W2": W2, "b2": b2, "Wl": Wl, "bl": bl}


def _gcn_conv(x, edge_index, W, b):
    # PyG GCNConv: add self-loops, symmetric normalization D^-1/2 A D^-1/2, then linear
    src = edge_index[0]
    dst = edge_index[1]
    loop = jnp.arange(N_NODES, dtype=edge_index.dtype)
    src = jnp.concatenate([src, loop])
    dst = jnp.concatenate([dst, loop])
    deg = jnp.zeros((N_NODES,), dtype=x.dtype).at[dst].add(1.0)
    deg_inv_sqrt = jnp.where(deg > 0, 1.0 / jnp.sqrt(deg), 0.0)
    norm = deg_inv_sqrt[src] * deg_inv_sqrt[dst]
    xw = x @ W
    msg = xw[src] * norm[:, None]
    out = jnp.zeros((N_NODES, W.shape[1]), dtype=x.dtype).at[dst].add(msg)
    return out + b


def reference(x, edge_index, W1, b1, W2, b2, Wl, bl):
    o1 = _gcn_conv(x, edge_index, W1, b1)
    o2 = jax.nn.relu(o1)
    # F.dropout with training=False (eval mode) is identity
    h = _gcn_conv(o2, edge_index, W2, b2)
    out = h @ Wl + bl
    return (out, h)

if __name__ == "__main__":
    import jax
    _d = setup_inputs()
    print(jax.jit(kernel)(*tuple(_d.values())))

</pallas_src>

<mosaic_0001>
#map = affine_map<(d0, d1) -> (0, 0)>
module attributes {stable_mosaic.version = 14 : i64} {
  func.func @_sc_degree(%arg0: i32, %arg1: i32, %arg2: memref<5000x128xi32, #tpu.memory_space<hbm>>, %arg3: memref<128x16xf32, #tpu.memory_space<hbm>>, %arg4: memref<10240x16xf32, #tpu.memory_space<hbm>>, %arg5: memref<20480x16xf32, #tpu.memory_space<hbm>>, %arg6: memref<79x128xi32, #tpu.memory_space<vmem>>, %arg7: memref<128x16xf32, #tpu.memory_space<vmem>>, %arg8: memref<10240x16xf32, #tpu.memory_space<vmem_shared>>, %arg9: memref<!tpu.dma_semaphore, #tpu.memory_space<semaphore_mem>>) attributes {dimension_semantics = [#tpu.dimension_semantics<core_parallel>, #tpu.dimension_semantics<subcore_parallel>], iteration_bounds = array<i64: 2, 16>, scalar_prefetch = 0 : i64, scratch_operands = 4 : i64, tpu.core_type = #tpu.core_type<sc_vector_subcore>, window_params = [{transform_indices = #map}, {transform_indices = #map}, {transform_indices = #map}, {transform_indices = #map}]} {
    %mul3A = arith.constant 16 : i32
    %mul3A_0 = arith.muli %arg0, %mul3A : i32
    %add3A = arith.addi %mul3A_0, %arg1 : i32
    %mul3A_1 = arith.constant 78 : i32
    %mul3A_2 = arith.muli %mul3A_1, %add3A : i32
    %min3A = arith.constant 4 : i32
    %min3A_3 = arith.minsi %add3A, %min3A : i32
    %add3A_4 = arith.addi %mul3A_2, %min3A_3 : i32
    %lt3A = arith.constant 4 : i32
    %lt3A_5 = arith.cmpi slt, %add3A, %lt3A : i32
    %convert_element_type3A = arith.extui %lt3A_5 : i1 to i32
    %add3A_6 = arith.constant 78 : i32
    %add3A_7 = arith.addi %add3A_6, %convert_element_type3A : i32
    %mul3A_8 = arith.constant 640 : i32
    %mul3A_9 = arith.muli %arg1, %mul3A_8 : i32
    %mul3A_10 = arith.constant 640 : i32
    %mul3A_11 = arith.muli %arg1, %mul3A_10 : i32
    "tpu.region"() ({
      %run_scoped3A = tpu.sem_alloc : memref<!tpu.dma_semaphore, #tpu.memory_space<semaphore_mem>>
      %dma_start3A = arith.constant 0 : i32
      %dma_start3A_40 = tpu.memref_slice %arg8[%mul3A_11, %dma_start3A] : memref<10240x16xf32, #tpu.memory_space<vmem_shared>> -> memref<640x16xf32, #tpu.memory_space<vmem_shared>>
      %dma_start3A_41 = arith.constant 0 : i32
      %dma_start3A_42 = tpu.memref_slice %arg4[%mul3A_9, %dma_start3A_41] : memref<10240x16xf32, #tpu.memory_space<hbm>> -> memref<640x16xf32, #tpu.memory_space<hbm>>
      tpu.enqueue_dma source(%dma_start3A_42 : memref<640x16xf32, #tpu.memory_space<hbm>>) target(%dma_start3A_40 : memref<640x16xf32, #tpu.memory_space<vmem_shared>>) target_semaphore(%run_scoped3A : memref<!tpu.dma_semaphore, #tpu.memory_space<semaphore_mem>>)
      %dma_wait3A = arith.constant 0 : i32
      %dma_wait3A_43 = tpu.memref_slice %arg8[%mul3A_11, %dma_wait3A] : memref<10240x16xf32, #tpu.memory_space<vmem_shared>> -> memref<640x16xf32, #tpu.memory_space<vmem_shared>>
      %dma_wait3A_44 = arith.constant 0 : i32
      %dma_wait3A_45 = tpu.memref_slice %arg4[%mul3A_9, %dma_wait3A_44] : memref<10240x16xf32, #tpu.memory_space<hbm>> -> memref<640x16xf32, #tpu.memory_space<hbm>>
      tpu.wait_dma2 semaphore(%run_scoped3A : memref<!tpu.dma_semaphore, #tpu.memory_space<semaphore_mem>>) src(%dma_wait3A_45 : memref<640x16xf32, #tpu.memory_space<hbm>>) dst(%dma_wait3A_43 : memref<640x16xf32, #tpu.memory_space<vmem_shared>>)
      tpu.yield
    }) : () -> ()
    %add3A_12 = arith.constant 2500 : i32
    %add3A_13 = arith.addi %add3A_12, %add3A_4 : i32
    "tpu.region"() ({
      %run_scoped3A = tpu.sem_alloc : memref<!tpu.dma_semaphore, #tpu.memory_space<semaphore_mem>>
      %dma_start3A = arith.constant 0 : i32
      %dma_start3A_40 = arith.constant 0 : i32
      %dma_start3A_41 = tpu.memref_slice %arg6[%dma_start3A, %dma_start3A_40] : memref<79x128xi32, #tpu.memory_space<vmem>> -> memref<78x128xi32, #tpu.memory_space<vmem>>
      %dma_start3A_42 = arith.constant 0 : i32
      %dma_start3A_43 = tpu.memref_slice %arg2[%add3A_13, %dma_start3A_42] : memref<5000x128xi32, #tpu.memory_space<hbm>> -> memref<78x128xi32, #tpu.memory_space<hbm>>
      %dma_start3A_44 = arith.constant 0 : i32
      %dma_start3A_45 = arith.constant 0 : i32
      %dma_start3A_46 = tpu.memref_slice %arg6[%dma_start3A_44, %dma_start3A_45] : memref<79x128xi32, #tpu.memory_space<vmem>> -> memref<78x128xi32, #tpu.memory_space<vmem>>
      %dma_start3A_47 = arith.constant 0 : i32
      %dma_start3A_48 = tpu.memref_slice %arg2[%add3A_13, %dma_start3A_47] : memref<5000x128xi32, #tpu.memory_space<hbm>> -> memref<78x128xi32, #tpu.memory_space<hbm>>
      tpu.enqueue_dma source(%dma_start3A_48 : memref<78x128xi32, #tpu.memory_space<hbm>>) target(%dma_start3A_46 : memref<78x128xi32, #tpu.memory_space<vmem>>) target_semaphore(%run_scoped3A : memref<!tpu.dma_semaphore, #tpu.memory_space<semaphore_mem>>)
      %dma_wait3A = arith.constant 0 : i32
      %dma_wait3A_49 = arith.constant 0 : i32
      %dma_wait3A_50 = tpu.memref_slice %arg6[%dma_wait3A, %dma_wait3A_49] : memref<79x128xi32, #tpu.memory_space<vmem>> -> memref<78x128xi32, #tpu.memory_space<vmem>>
      %dma_wait3A_51 = arith.constant 0 : i32
      %dma_wait3A_52 = tpu.memref_slice %arg2[%add3A_13, %dma_wait3A_51] : memref<5000x128xi32, #tpu.memory_space<hbm>> -> memref<78x128xi32, #tpu.memory_space<hbm>>
      %dma_wait3A_53 = arith.constant 0 : i32
      %dma_wait3A_54 = arith.constant 0 : i32
      %dma_wait3A_55 = tpu.memref_slice %arg6[%dma_wait3A_53, %dma_wait3A_54] : memref<79x128xi32, #tpu.memory_space<vmem>> -> memref<78x128xi32, #tpu.memory_space<vmem>>
      %dma_wait3A_56 = arith.constant 0 : i32
      %dma_wait3A_57 = tpu.memref_slice %arg2[%add3A_13, %dma_wait3A_56] : memref<5000x128xi32, #tpu.memory_space<hbm>> -> memref<78x128xi32, #tpu.memory_space<hbm>>
      tpu.wait_dma2 semaphore(%run_scoped3A : memref<!tpu.dma_semaphore, #tpu.memory_space<semaphore_mem>>) src(%dma_wait3A_57 : memref<78x128xi32, #tpu.memory_space<hbm>>) dst(%dma_wait3A_55 : memref<78x128xi32, #tpu.memory_space<vmem>>)
      tpu.yield
    }) : () -> ()
    %lt3A_14 = arith.constant 4 : i32
    %lt3A_15 = arith.cmpi slt, %add3A, %lt3A_14 : i32
    %convert_element_type3A_16 = arith.extui %lt3A_15 : i1 to i32
    %cond3A = arith.constant 0 : i32
    %cond3A_17 = arith.cmpi ne, %convert_element_type3A_16, %cond3A : i32
    scf.if %cond3A_17 {
      %add3A_40 = arith.constant 2500 : i32
      %add3A_41 = arith.addi %add3A_40, %add3A_4 : i32
      %add3A_42 = arith.constant 78 : i32
      %add3A_43 = arith.addi %add3A_41, %add3A_42 : i32
      "tpu.region"() ({
        %run_scoped3A = tpu.sem_alloc : memref<!tpu.dma_semaphore, #tpu.memory_space<semaphore_mem>>
        %dma_start3A = arith.constant 78 : i32
        %dma_start3A_44 = arith.constant 0 : i32
        %dma_start3A_45 = tpu.memref_slice %arg6[%dma_start3A, %dma_start3A_44] : memref<79x128xi32, #tpu.memory_space<vmem>> -> memref<1x128xi32, #tpu.memory_space<vmem>>
        %dma_start3A_46 = arith.constant 0 : i32
        %dma_start3A_47 = tpu.memref_slice %arg2[%add3A_43, %dma_start3A_46] : memref<5000x128xi32, #tpu.memory_space<hbm>> -> memref<1x128xi32, #tpu.memory_space<hbm>>
        %dma_start3A_48 = arith.constant 78 : i32
        %dma_start3A_49 = arith.constant 0 : i32
        %dma_start3A_50 = tpu.memref_slice %arg6[%dma_start3A_48, %dma_start3A_49] : memref<79x128xi32, #tpu.memory_space<vmem>> -> memref<1x128xi32, #tpu.memory_space<vmem>>
        %dma_start3A_51 = arith.constant 0 : i32
        %dma_start3A_52 = tpu.memref_slice %arg2[%add3A_43, %dma_start3A_51] : memref<5000x128xi32, #tpu.memory_space<hbm>> -> memref<1x128xi32, #tpu.memory_space<hbm>>
        tpu.enqueue_dma source(%dma_start3A_52 : memref<1x128xi32, #tpu.memory_space<hbm>>) target(%dma_start3A_50 : memref<1x128xi32, #tpu.memory_space<vmem>>) target_semaphore(%run_scoped3A : memref<!tpu.dma_semaphore, #tpu.memory_space<semaphore_mem>>)
        %dma_wait3A = arith.constant 78 : i32
        %dma_wait3A_53 = arith.constant 0 : i32
        %dma_wait3A_54 = tpu.memref_slice %arg6[%dma_wait3A, %dma_wait3A_53] : memref<79x128xi32, #tpu.memory_space<vmem>> -> memref<1x128xi32, #tpu.memory_space<vmem>>
        %dma_wait3A_55 = arith.constant 0 : i32
        %dma_wait3A_56 = tpu.memref_slice %arg2[%add3A_43, %dma_wait3A_55] : memref<5000x128xi32, #tpu.memory_space<hbm>> -> memref<1x128xi32, #tpu.memory_space<hbm>>
        %dma_wait3A_57 = arith.constant 78 : i32
        %dma_wait3A_58 = arith.constant 0 : i32
        %dma_wait3A_59 = tpu.memref_slice %arg6[%dma_wait3A_57, %dma_wait3A_58] : memref<79x128xi32, #tpu.memory_space<vmem>> -> memref<1x128xi32, #tpu.memory_space<vmem>>
        %dma_wait3A_60 = arith.constant 0 : i32
        %dma_wait3A_61 = tpu.memref_slice %arg2[%add3A_43, %dma_wait3A_60] : memref<5000x128xi32, #tpu.memory_space<hbm>> -> memref<1x128xi32, #tpu.memory_space<hbm>>
        tpu.wait_dma2 semaphore(%run_scoped3A : memref<!tpu.dma_semaphore, #tpu.memory_space<semaphore_mem>>) src(%dma_wait3A_61 : memref<1x128xi32, #tpu.memory_space<hbm>>) dst(%dma_wait3A_59 : memref<1x128xi32, #tpu.memory_space<vmem>>)
        tpu.yield
      }) : () -> ()
    } else {
    }
    "tpu.region"() ({
      %run_scoped3A = tpu.sem_alloc : memref<!tpu.dma_semaphore, #tpu.memory_space<semaphore_mem>>
      tpu.enqueue_dma source(%arg3 : memref<128x16xf32, #tpu.memory_space<hbm>>) target(%arg7 : memref<128x16xf32, #tpu.memory_space<vmem>>) target_semaphore(%run_scoped3A : memref<!tpu.dma_semaphore, #tpu.memory_space<semaphore_mem>>)
      tpu.wait_dma2 semaphore(%run_scoped3A : memref<!tpu.dma_semaphore, #tpu.memory_space<semaphore_mem>>) src(%arg3 : memref<128x16xf32, #tpu.memory_space<hbm>>) dst(%arg7 : memref<128x16xf32, #tpu.memory_space<vmem>>)
      tpu.yield
    }) : () -> ()
    %barrier3A = arith.constant 0 : index
    tpu.barrier barrier_id(%barrier3A)
    %while3A = arith.constant 0 : i32
    %while3A_18 = arith.constant 0 : i32
    %while3A_19 = arith.subi %add3A_7, %while3A_18 : i32
    %while3A_20 = arith.addi %while3A_18, %while3A_19 : i32
    %while3A_21 = arith.constant 1 : i32
    %while3A_22 = arith.divsi %while3A_19, %while3A_21 : i32
    %while3A_23 = arith.muli %while3A_22, %while3A_21 : i32
    %while3A_24 = arith.addi %while3A_18, %while3A_23 : i32
    %while3A_25 = arith.constant 1 : i32
    scf.for %while3A_40 = %while3A_18 to %while3A_24 step %while3A_25  : i32 {
      %dma_start3A = arith.constant 0 : i32
      %dma_start3A_41 = tpu.memref_slice %arg6[%while3A_40, %dma_start3A] : memref<79x128xi32, #tpu.memory_space<vmem>> -> memref<1x128xi32, #tpu.memory_space<vmem>>
      %dma_start3A_42 = tpu.memref_squeeze %dma_start3A_41 : memref<1x128xi32, #tpu.memory_space<vmem>> -> memref<128xi32, #tpu.memory_space<vmem>>
      %dma_start3A_43 = arith.constant 0 : i32
      %dma_start3A_44 = arith.constant 0 : i32
      %dma_start3A_45 = tpu.memref_slice %arg8[%dma_start3A_43, %dma_start3A_44] : memref<10240x16xf32, #tpu.memory_space<vmem_shared>> -> memref<10240x16xf32, #tpu.memory_space<vmem_shared>>
      tpu.enqueue_indirect_dma source(%arg7 : memref<128x16xf32, #tpu.memory_space<vmem>>) target(%dma_start3A_45 : memref<10240x16xf32, #tpu.memory_space<vmem_shared>>) offsets(%dma_start3A_42 : memref<128xi32, #tpu.memory_space<vmem>>) semaphore(%arg9 : memref<!tpu.dma_semaphore, #tpu.memory_space<semaphore_mem>>) {add = true}
      %ge3A = arith.constant 8 : i32
      %ge3A_46 = arith.cmpi sge, %while3A_40, %ge3A : i32
      %convert_element_type3A_47 = arith.extui %ge3A_46 : i1 to i32
      %cond3A_48 = arith.constant 0 : i32
      %cond3A_49 = arith.cmpi ne, %convert_element_type3A_47, %cond3A_48 : i32
      scf.if %cond3A_49 {
        %dma_wait3A = arith.constant 0 : i32
        %dma_wait3A_50 = arith.constant 0 : i32
        %dma_wait3A_51 = tpu.memref_slice %arg6[%dma_wait3A, %dma_wait3A_50] : memref<79x128xi32, #tpu.memory_space<vmem>> -> memref<1x128xi32, #tpu.memory_space<vmem>>
        %dma_wait3A_52 = tpu.memref_squeeze %dma_wait3A_51 : memref<1x128xi32, #tpu.memory_space<vmem>> -> memref<128xi32, #tpu.memory_space<vmem>>
        %dma_wait3A_53 = arith.constant 0 : i32
        %dma_wait3A_54 = arith.constant 0 : i32
        %dma_wait3A_55 = tpu.memref_slice %arg8[%dma_wait3A_53, %dma_wait3A_54] : memref<10240x16xf32, #tpu.memory_space<vmem_shared>> -> memref<10240x16xf32, #tpu.memory_space<vmem_shared>>
        tpu.wait_indirect_dma semaphore(%arg9 : memref<!tpu.dma_semaphore, #tpu.memory_space<semaphore_mem>>) src(%arg7 : memref<128x16xf32, #tpu.memory_space<vmem>>) dst(%dma_wait3A_55 : memref<10240x16xf32, #tpu.memory_space<vmem_shared>>)
      } else {
      }
    }
    %while3A_26 = arith.constant 1 : i32
    scf.for %while3A_40 = %while3A_24 to %while3A_20 step %while3A_26  : i32 {
      %dma_start3A = arith.constant 0 : i32
      %dma_start3A_41 = tpu.memref_slice %arg6[%while3A_40, %dma_start3A] : memref<79x128xi32, #tpu.memory_space<vmem>> -> memref<1x128xi32, #tpu.memory_space<vmem>>
      %dma_start3A_42 = tpu.memref_squeeze %dma_start3A_41 : memref<1x128xi32, #tpu.memory_space<vmem>> -> memref<128xi32, #tpu.memory_space<vmem>>
      %dma_start3A_43 = arith.constant 0 : i32
      %dma_start3A_44 = arith.constant 0 : i32
      %dma_start3A_45 = tpu.memref_slice %arg8[%dma_start3A_43, %dma_start3A_44] : memref<10240x16xf32, #tpu.memory_space<vmem_shared>> -> memref<10240x16xf32, #tpu.memory_space<vmem_shared>>
      tpu.enqueue_indirect_dma source(%arg7 : memref<128x16xf32, #tpu.memory_space<vmem>>) target(%dma_start3A_45 : memref<10240x16xf32, #tpu.memory_space<vmem_shared>>) offsets(%dma_start3A_42 : memref<128xi32, #tpu.memory_space<vmem>>) semaphore(%arg9 : memref<!tpu.dma_semaphore, #tpu.memory_space<semaphore_mem>>) {add = true}
      %ge3A = arith.constant 8 : i32
      %ge3A_46 = arith.cmpi sge, %while3A_40, %ge3A : i32
      %convert_element_type3A_47 = arith.extui %ge3A_46 : i1 to i32
      %cond3A_48 = arith.constant 0 : i32
      %cond3A_49 = arith.cmpi ne, %convert_element_type3A_47, %cond3A_48 : i32
      scf.if %cond3A_49 {
        %dma_wait3A = arith.constant 0 : i32
        %dma_wait3A_50 = arith.constant 0 : i32
        %dma_wait3A_51 = tpu.memref_slice %arg6[%dma_wait3A, %dma_wait3A_50] : memref<79x128xi32, #tpu.memory_space<vmem>> -> memref<1x128xi32, #tpu.memory_space<vmem>>
        %dma_wait3A_52 = tpu.memref_squeeze %dma_wait3A_51 : memref<1x128xi32, #tpu.memory_space<vmem>> -> memref<128xi32, #tpu.memory_space<vmem>>
        %dma_wait3A_53 = arith.constant 0 : i32
        %dma_wait3A_54 = arith.constant 0 : i32
        %dma_wait3A_55 = tpu.memref_slice %arg8[%dma_wait3A_53, %dma_wait3A_54] : memref<10240x16xf32, #tpu.memory_space<vmem_shared>> -> memref<10240x16xf32, #tpu.memory_space<vmem_shared>>
        tpu.wait_indirect_dma semaphore(%arg9 : memref<!tpu.dma_semaphore, #tpu.memory_space<semaphore_mem>>) src(%arg7 : memref<128x16xf32, #tpu.memory_space<vmem>>) dst(%dma_wait3A_55 : memref<10240x16xf32, #tpu.memory_space<vmem_shared>>)
      } else {
      }
    }
    %scan3A = arith.constant 0 : i32
    %scan3A_27 = arith.constant 0 : i32
    %scan3A_28 = arith.constant 8 : i32
    %scan3A_29 = arith.addi %scan3A_27, %scan3A_28 : i32
    %scan3A_30 = arith.constant 1 : i32
    scf.for %scan3A_40 = %scan3A_27 to %scan3A_29 step %scan3A_30  : i32 {
      %dma_wait3A = arith.constant 0 : i32
      %dma_wait3A_41 = arith.constant 0 : i32
      %dma_wait3A_42 = tpu.memref_slice %arg6[%dma_wait3A, %dma_wait3A_41] : memref<79x128xi32, #tpu.memory_space<vmem>> -> memref<1x128xi32, #tpu.memory_space<vmem>>
      %dma_wait3A_43 = tpu.memref_squeeze %dma_wait3A_42 : memref<1x128xi32, #tpu.memory_space<vmem>> -> memref<128xi32, #tpu.memory_space<vmem>>
      %dma_wait3A_44 = arith.constant 0 : i32
      %dma_wait3A_45 = arith.constant 0 : i32
      %dma_wait3A_46 = tpu.memref_slice %arg8[%dma_wait3A_44, %dma_wait3A_45] : memref<10240x16xf32, #tpu.memory_space<vmem_shared>> -> memref<10240x16xf32, #tpu.memory_space<vmem_shared>>
      tpu.wait_indirect_dma semaphore(%arg9 : memref<!tpu.dma_semaphore, #tpu.memory_space<semaphore_mem>>) src(%arg7 : memref<128x16xf32, #tpu.memory_space<vmem>>) dst(%dma_wait3A_46 : memref<10240x16xf32, #tpu.memory_space<vmem_shared>>)
    }
    %scan3A_31 = arith.constant 8 : i32
    %barrier3A_32 = arith.constant 0 : index
    tpu.barrier barrier_id(%barrier3A_32)
    %mul3A_33 = arith.constant 640 : i32
    %mul3A_34 = arith.muli %arg1, %mul3A_33 : i32
    %mul3A_35 = arith.constant 10240 : i32
    %mul3A_36 = arith.muli %arg0, %mul3A_35 : i32
    %mul3A_37 = arith.constant 640 : i32
    %mul3A_38 = arith.muli %arg1, %mul3A_37 : i32
    %add3A_39 = arith.addi %mul3A_36, %mul3A_38 : i32
    "tpu.region"() ({
      %run_scoped3A = tpu.sem_alloc : memref<!tpu.dma_semaphore, #tpu.memory_space<semaphore_mem>>
      %dma_start3A = arith.constant 0 : i32
      %dma_start3A_40 = tpu.memref_slice %arg5[%add3A_39, %dma_start3A] : memref<20480x16xf32, #tpu.memory_space<hbm>> -> memref<640x16xf32, #tpu.memory_space<hbm>>
      %dma_start3A_41 = arith.constant 0 : i32
      %dma_start3A_42 = tpu.memref_slice %arg8[%mul3A_34, %dma_start3A_41] : memref<10240x16xf32, #tpu.memory_space<vmem_shared>> -> memref<640x16xf32, #tpu.memory_space<vmem_shared>>
      tpu.enqueue_dma source(%dma_start3A_42 : memref<640x16xf32, #tpu.memory_space<vmem_shared>>) target(%dma_start3A_40 : memref<640x16xf32, #tpu.memory_space<hbm>>) target_semaphore(%run_scoped3A : memref<!tpu.dma_semaphore, #tpu.memory_space<semaphore_mem>>)
      %dma_wait3A = arith.constant 0 : i32
      %dma_wait3A_43 = tpu.memref_slice %arg5[%add3A_39, %dma_wait3A] : memref<20480x16xf32, #tpu.memory_space<hbm>> -> memref<640x16xf32, #tpu.memory_space<hbm>>
      %dma_wait3A_44 = arith.constant 0 : i32
      %dma_wait3A_45 = tpu.memref_slice %arg8[%mul3A_34, %dma_wait3A_44] : memref<10240x16xf32, #tpu.memory_space<vmem_shared>> -> memref<640x16xf32, #tpu.memory_space<vmem_shared>>
      tpu.wait_dma2 semaphore(%run_scoped3A : memref<!tpu.dma_semaphore, #tpu.memory_space<semaphore_mem>>) src(%dma_wait3A_45 : memref<640x16xf32, #tpu.memory_space<vmem_shared>>) dst(%dma_wait3A_43 : memref<640x16xf32, #tpu.memory_space<hbm>>)
      tpu.yield
    }) : () -> ()
    return
  }
}

#map = affine_map<(d0, d1) -> (0, 0)>
module attributes {stable_mosaic.version = 14 : i64} {
  func.func @_sc_fused(%arg0: i32, %arg1: i32, %arg2: memref<10240x128xf32, #tpu.memory_space<hbm>>, %arg3: memref<5000x128xi32, #tpu.memory_space<hbm>>, %arg4: memref<20480x16xf32, #tpu.memory_space<hbm>>, %arg5: memref<8x128xf32, #tpu.memory_space<hbm>>, %arg6: memref<10240x32xf32, #tpu.memory_space<hbm>>, %arg7: memref<10240x128xf32, #tpu.memory_space<hbm>>, %arg8: memref<157x128xi32, #tpu.memory_space<vmem>>, %arg9: memref<157x128xi32, #tpu.memory_space<vmem>>, %arg10: memref<128x32xf32, #tpu.memory_space<vmem>>, %arg11: memref<128x32xf32, #tpu.memory_space<vmem>>, %arg12: memref<320x32xf32, #tpu.memory_space<vmem>>, %arg13: memref<320x32xf32, #tpu.memory_space<vmem>>, %arg14: memref<640x16xf32, #tpu.memory_space<vmem>>, %arg15: memref<320x16xf32, #tpu.memory_space<vmem>>, %arg16: memref<8x32xf32, #tpu.memory_space<vmem>>, %arg17: memref<10240x32xf32, #tpu.memory_space<vmem_shared>>, %arg18: memref<10240x32xf32, #tpu.memory_space<vmem_shared>>, %arg19: memref<!tpu.dma_semaphore, #tpu.memory_space<semaphore_mem>>, %arg20: memref<!tpu.dma_semaphore, #tpu.memory_space<semaphore_mem>>) attributes {dimension_semantics = [#tpu.dimension_semantics<core_parallel>, #tpu.dimension_semantics<subcore_parallel>], iteration_bounds = array<i64: 2, 16>, scalar_prefetch = 0 : i64, scratch_operands = 13 : i64, tpu.core_type = #tpu.core_type<sc_vector_subcore>, window_params = [{transform_indices = #map}, {transform_indices = #map}, {transform_indices = #map}, {transform_indices = #map}, {transform_indices = #map}, {transform_indices = #map}]} {
    %mul3A = arith.constant 640 : i32
    %mul3A_0 = arith.muli %arg1, %mul3A : i32
    %mul3A_1 = arith.constant 156 : i32
    %mul3A_2 = arith.muli %mul3A_1, %arg1 : i32
    %min3A = arith.constant 4 : i32
    %min3A_3 = arith.minsi %arg1, %min3A : i32
    %add3A = arith.addi %mul3A_2, %min3A_3 : i32
    %lt3A = arith.constant 4 : i32
    %lt3A_4 = arith.cmpi slt, %arg1, %lt3A : i32
    %convert_element_type3A = arith.extui %lt3A_4 : i1 to i32
    %add3A_5 = arith.constant 156 : i32
    %add3A_6 = arith.addi %add3A_5, %convert_element_type3A : i32
    "tpu.region"() ({
      %run_scoped3A = tpu.sem_alloc : memref<!tpu.dma_semaphore, #tpu.memory_space<semaphore_mem>>
      %dma_start3A_120 = arith.constant 0 : i32
      %dma_start3A_121 = tpu.memref_slice %arg17[%mul3A_0, %dma_start3A_120] : memref<10240x32xf32, #tpu.memory_space<vmem_shared>> -> memref<640x32xf32, #tpu.memory_space<vmem_shared>>
      %dma_start3A_122 = arith.constant 0 : i32
      %dma_start3A_123 = tpu.memref_slice %arg6[%mul3A_0, %dma_start3A_122] : memref<10240x32xf32, #tpu.memory_space<hbm>> -> memref<640x32xf32, #tpu.memory_space<hbm>>
      tpu.enqueue_dma source(%dma_start3A_123 : memref<640x32xf32, #tpu.memory_space<hbm>>) target(%dma_start3A_121 : memref<640x32xf32, #tpu.memory_space<vmem_shared>>) target_semaphore(%run_scoped3A : memref<!tpu.dma_semaphore, #tpu.memory_space<semaphore_mem>>)
      %dma_wait3A = arith.constant 0 : i32
      %dma_wait3A_124 = tpu.memref_slice %arg17[%mul3A_0, %dma_wait3A] : memref<10240x32xf32, #tpu.memory_space<vmem_shared>> -> memref<640x32xf32, #tpu.memory_space<vmem_shared>>
      %dma_wait3A_125 = arith.constant 0 : i32
      %dma_wait3A_126 = tpu.memref_slice %arg6[%mul3A_0, %dma_wait3A_125] : memref<10240x32xf32, #tpu.memory_space<hbm>> -> memref<640x32xf32, #tpu.memory_space<hbm>>
      tpu.wait_dma2 semaphore(%run_scoped3A : memref<!tpu.dma_semaphore, #tpu.memory_space<semaphore_mem>>) src(%dma_wait3A_126 : memref<640x32xf32, #tpu.memory_space<hbm>>) dst(%dma_wait3A_124 : memref<640x32xf32, #tpu.memory_space<vmem_shared>>)
      tpu.yield
    }) : () -> ()
    "tpu.region"() ({
      %run_scoped3A = tpu.sem_alloc : memref<!tpu.dma_semaphore, #tpu.memory_space<semaphore_mem>>
      %dma_start3A_120 = arith.constant 0 : i32
      %dma_start3A_121 = arith.constant 0 : i32
      %dma_start3A_122 = tpu.memref_slice %arg8[%dma_start3A_120, %dma_start3A_121] : memref<157x128xi32, #tpu.memory_space<vmem>> -> memref<156x128xi32, #tpu.memory_space<vmem>>
      %dma_start3A_123 = arith.constant 0 : i32
      %dma_start3A_124 = tpu.memref_slice %arg3[%add3A, %dma_start3A_123] : memref<5000x128xi32, #tpu.memory_space<hbm>> -> memref<156x128xi32, #tpu.memory_space<hbm>>
      %dma_start3A_125 = arith.constant 0 : i32
      %dma_start3A_126 = arith.constant 0 : i32
      %dma_start3A_127 = tpu.memref_slice %arg8[%dma_start3A_125, %dma_start3A_126] : memref<157x128xi32, #tpu.memory_space<vmem>> -> memref<156x128xi32, #tpu.memory_space<vmem>>
      %dma_start3A_128 = arith.constant 0 : i32
      %dma_start3A_129 = tpu.memref_slice %arg3[%add3A, %dma_start3A_128] : memref<5000x128xi32, #tpu.memory_space<hbm>> -> memref<156x128xi32, #tpu.memory_space<hbm>>
      tpu.enqueue_dma source(%dma_start3A_129 : memref<156x128xi32, #tpu.memory_space<hbm>>) target(%dma_start3A_127 : memref<156x128xi32, #tpu.memory_space<vmem>>) target_semaphore(%run_scoped3A : memref<!tpu.dma_semaphore, #tpu.memory_space<semaphore_mem>>)
      %dma_wait3A = arith.constant 0 : i32
      %dma_wait3A_130 = arith.constant 0 : i32
      %dma_wait3A_131 = tpu.memref_slice %arg8[%dma_wait3A, %dma_wait3A_130] : memref<157x128xi32, #tpu.memory_space<vmem>> -> memref<156x128xi32, #tpu.memory_space<vmem>>
      %dma_wait3A_132 = arith.constant 0 : i32
      %dma_wait3A_133 = tpu.memref_slice %arg3[%add3A, %dma_wait3A_132] : memref<5000x128xi32, #tpu.memory_space<hbm>> -> memref<156x128xi32, #tpu.memory_space<hbm>>
      %dma_wait3A_134 = arith.constant 0 : i32
      %dma_wait3A_135 = arith.constant 0 : i32
      %dma_wait3A_136 = tpu.memref_slice %arg8[%dma_wait3A_134, %dma_wait3A_135] : memref<157x128xi32, #tpu.memory_space<vmem>> -> memref<156x128xi32, #tpu.memory_space<vmem>>
      %dma_wait3A_137 = arith.constant 0 : i32
      %dma_wait3A_138 = tpu.memref_slice %arg3[%add3A, %dma_wait3A_137] : memref<5000x128xi32, #tpu.memory_space<hbm>> -> memref<156x128xi32, #tpu.memory_space<hbm>>
      tpu.wait_dma2 semaphore(%run_scoped3A : memref<!tpu.dma_semaphore, #tpu.memory_space<semaphore_mem>>) src(%dma_wait3A_138 : memref<156x128xi32, #tpu.memory_space<hbm>>) dst(%dma_wait3A_136 : memref<156x128xi32, #tpu.memory_space<vmem>>)
      tpu.yield
    }) : () -> ()
    %add3A_7 = arith.constant 2500 : i32
    %add3A_8 = arith.addi %add3A_7, %add3A : i32
    "tpu.region"() ({
      %run_scoped3A = tpu.sem_alloc : memref<!tpu.dma_semaphore, #tpu.memory_space<semaphore_mem>>
      %dma_start3A_120 = arith.constant 0 : i32
      %dma_start3A_121 = arith.constant 0 : i32
      %dma_start3A_122 = tpu.memref_slice %arg9[%dma_start3A_120, %dma_start3A_121] : memref<157x128xi32, #tpu.memory_space<vmem>> -> memref<156x128xi32, #tpu.memory_space<vmem>>
      %dma_start3A_123 = arith.constant 0 : i32
      %dma_start3A_124 = tpu.memref_slice %arg3[%add3A_8, %dma_start3A_123] : memref<5000x128xi32, #tpu.memory_space<hbm>> -> memref<156x128xi32, #tpu.memory_space<hbm>>
      %dma_start3A_125 = arith.constant 0 : i32
      %dma_start3A_126 = arith.constant 0 : i32
      %dma_start3A_127 = tpu.memref_slice %arg9[%dma_start3A_125, %dma_start3A_126] : memref<157x128xi32, #tpu.memory_space<vmem>> -> memref<156x128xi32, #tpu.memory_space<vmem>>
      %dma_start3A_128 = arith.constant 0 : i32
      %dma_start3A_129 = tpu.memref_slice %arg3[%add3A_8, %dma_start3A_128] : memref<5000x128xi32, #tpu.memory_space<hbm>> -> memref<156x128xi32, #tpu.memory_space<hbm>>
      tpu.enqueue_dma source(%dma_start3A_129 : memref<156x128xi32, #tpu.memory_space<hbm>>) target(%dma_start3A_127 : memref<156x128xi32, #tpu.memory_space<vmem>>) target_semaphore(%run_scoped3A : memref<!tpu.dma_semaphore, #tpu.memory_space<semaphore_mem>>)
      %dma_wait3A = arith.constant 0 : i32
      %dma_wait3A_130 = arith.constant 0 : i32
      %dma_wait3A_131 = tpu.memref_slice %arg9[%dma_wait3A, %dma_wait3A_130] : memref<157x128xi32, #tpu.memory_space<vmem>> -> memref<156x128xi32, #tpu.memory_space<vmem>>
      %dma_wait3A_132 = arith.constant 0 : i32
      %dma_wait3A_133 = tpu.memref_slice %arg3[%add3A_8, %dma_wait3A_132] : memref<5000x128xi32, #tpu.memory_space<hbm>> -> memref<156x128xi32, #tpu.memory_space<hbm>>
      %dma_wait3A_134 = arith.constant 0 : i32
      %dma_wait3A_135 = arith.constant 0 : i32
      %dma_wait3A_136 = tpu.memref_slice %arg9[%dma_wait3A_134, %dma_wait3A_135] : memref<157x128xi32, #tpu.memory_space<vmem>> -> memref<156x128xi32, #tpu.memory_space<vmem>>
      %dma_wait3A_137 = arith.constant 0 : i32
      %dma_wait3A_138 = tpu.memref_slice %arg3[%add3A_8, %dma_wait3A_137] : memref<5000x128xi32, #tpu.memory_space<hbm>> -> memref<156x128xi32, #tpu.memory_space<hbm>>
      tpu.wait_dma2 semaphore(%run_scoped3A : memref<!tpu.dma_semaphore, #tpu.memory_space<semaphore_mem>>) src(%dma_wait3A_138 : memref<156x128xi32, #tpu.memory_space<hbm>>) dst(%dma_wait3A_136 : memref<156x128xi32, #tpu.memory_space<vmem>>)
      tpu.yield
    }) : () -> ()
    %lt3A_9 = arith.constant 4 : i32
    %lt3A_10 = arith.cmpi slt, %arg1, %lt3A_9 : i32
    %convert_element_type3A_11 = arith.extui %lt3A_10 : i1 to i32
    %cond3A = arith.constant 0 : i32
    %cond3A_12 = arith.cmpi ne, %convert_element_type3A_11, %cond3A : i32
    scf.if %cond3A_12 {
      %add3A_120 = arith.constant 156 : i32
      %add3A_121 = arith.addi %add3A, %add3A_120 : i32
      "tpu.region"() ({
        %run_scoped3A = tpu.sem_alloc : memref<!tpu.dma_semaphore, #tpu.memory_space<semaphore_mem>>
        %dma_start3A_126 = arith.constant 156 : i32
        %dma_start3A_127 = arith.constant 0 : i32
        %dma_start3A_128 = tpu.memref_slice %arg8[%dma_start3A_126, %dma_start3A_127] : memref<157x128xi32, #tpu.memory_space<vmem>> -> memref<1x128xi32, #tpu.memory_space<vmem>>
        %dma_start3A_129 = arith.constant 0 : i32
        %dma_start3A_130 = tpu.memref_slice %arg3[%add3A_121, %dma_start3A_129] : memref<5000x128xi32, #tpu.memory_space<hbm>> -> memref<1x128xi32, #tpu.memory_space<hbm>>
        %dma_start3A_131 = arith.constant 156 : i32
        %dma_start3A_132 = arith.constant 0 : i32
        %dma_start3A_133 = tpu.memref_slice %arg8[%dma_start3A_131, %dma_start3A_132] : memref<157x128xi32, #tpu.memory_space<vmem>> -> memref<1x128xi32, #tpu.memory_space<vmem>>
        %dma_start3A_134 = arith.constant 0 : i32
        %dma_start3A_135 = tpu.memref_slice %arg3[%add3A_121, %dma_start3A_134] : memref<5000x128xi32, #tpu.memory_space<hbm>> -> memref<1x128xi32, #tpu.memory_space<hbm>>
        tpu.enqueue_dma source(%dma_start3A_135 : memref<1x128xi32, #tpu.memory_space<hbm>>) target(%dma_start3A_133 : memref<1x128xi32, #tpu.memory_space<vmem>>) target_semaphore(%run_scoped3A : memref<!tpu.dma_semaphore, #tpu.memory_space<semaphore_mem>>)
        %dma_wait3A = arith.constant 156 : i32
        %dma_wait3A_136 = arith.constant 0 : i32
        %dma_wait3A_137 = tpu.memref_slice %arg8[%dma_wait3A, %dma_wait3A_136] : memref<157x128xi32, #tpu.memory_space<vmem>> -> memref<1x128xi32, #tpu.memory_space<vmem>>
        %dma_wait3A_138 = arith.constant 0 : i32
        %dma_wait3A_139 = tpu.memref_slice %arg3[%add3A_121, %dma_wait3A_138] : memref<5000x128xi32, #tpu.memory_space<hbm>> -> memref<1x128xi32, #tpu.memory_space<hbm>>
        %dma_wait3A_140 = arith.constant 156 : i32
        %dma_wait3A_141 = arith.constant 0 : i32
        %dma_wait3A_142 = tpu.memref_slice %arg8[%dma_wait3A_140, %dma_wait3A_141] : memref<157x128xi32, #tpu.memory_space<vmem>> -> memref<1x128xi32, #tpu.memory_space<vmem>>
        %dma_wait3A_143 = arith.constant 0 : i32
        %dma_wait3A_144 = tpu.memref_slice %arg3[%add3A_121, %dma_wait3A_143] : memref<5000x128xi32, #tpu.memory_space<hbm>> -> memref<1x128xi32, #tpu.memory_space<hbm>>
        tpu.wait_dma2 semaphore(%run_scoped3A : memref<!tpu.dma_semaphore, #tpu.memory_space<semaphore_mem>>) src(%dma_wait3A_144 : memref<1x128xi32, #tpu.memory_space<hbm>>) dst(%dma_wait3A_142 : memref<1x128xi32, #tpu.memory_space<vmem>>)
        tpu.yield
      }) : () -> ()
      %add3A_122 = arith.constant 2500 : i32
      %add3A_123 = arith.addi %add3A_122, %add3A : i32
      %add3A_124 = arith.constant 156 : i32
      %add3A_125 = arith.addi %add3A_123, %add3A_124 : i32
      "tpu.region"() ({
        %run_scoped3A = tpu.sem_alloc : memref<!tpu.dma_semaphore, #tpu.memory_space<semaphore_mem>>
        %dma_start3A_126 = arith.constant 156 : i32
        %dma_start3A_127 = arith.constant 0 : i32
        %dma_start3A_128 = tpu.memref_slice %arg9[%dma_start3A_126, %dma_start3A_127] : memref<157x128xi32, #tpu.memory_space<vmem>> -> memref<1x128xi32, #tpu.memory_space<vmem>>
        %dma_start3A_129 = arith.constant 0 : i32
        %dma_start3A_130 = tpu.memref_slice %arg3[%add3A_125, %dma_start3A_129] : memref<5000x128xi32, #tpu.memory_space<hbm>> -> memref<1x128xi32, #tpu.memory_space<hbm>>
        %dma_start3A_131 = arith.constant 156 : i32
        %dma_start3A_132 = arith.constant 0 : i32
        %dma_start3A_133 = tpu.memref_slice %arg9[%dma_start3A_131, %dma_start3A_132] : memref<157x128xi32, #tpu.memory_space<vmem>> -> memref<1x128xi32, #tpu.memory_space<vmem>>
        %dma_start3A_134 = arith.constant 0 : i32
        %dma_start3A_135 = tpu.memref_slice %arg3[%add3A_125, %dma_start3A_134] : memref<5000x128xi32, #tpu.memory_space<hbm>> -> memref<1x128xi32, #tpu.memory_space<hbm>>
        tpu.enqueue_dma source(%dma_start3A_135 : memref<1x128xi32, #tpu.memory_space<hbm>>) target(%dma_start3A_133 : memref<1x128xi32, #tpu.memory_space<vmem>>) target_semaphore(%run_scoped3A : memref<!tpu.dma_semaphore, #tpu.memory_space<semaphore_mem>>)
        %dma_wait3A = arith.constant 156 : i32
        %dma_wait3A_136 = arith.constant 0 : i32
        %dma_wait3A_137 = tpu.memref_slice %arg9[%dma_wait3A, %dma_wait3A_136] : memref<157x128xi32, #tpu.memory_space<vmem>> -> memref<1x128xi32, #tpu.memory_space<vmem>>
        %dma_wait3A_138 = arith.constant 0 : i32
        %dma_wait3A_139 = tpu.memref_slice %arg3[%add3A_125, %dma_wait3A_138] : memref<5000x128xi32, #tpu.memory_space<hbm>> -> memref<1x128xi32, #tpu.memory_space<hbm>>
        %dma_wait3A_140 = arith.constant 156 : i32
        %dma_wait3A_141 = arith.constant 0 : i32
        %dma_wait3A_142 = tpu.memref_slice %arg9[%dma_wait3A_140, %dma_wait3A_141] : memref<157x128xi32, #tpu.memory_space<vmem>> -> memref<1x128xi32, #tpu.memory_space<vmem>>
        %dma_wait3A_143 = arith.constant 0 : i32
        %dma_wait3A_144 = tpu.memref_slice %arg3[%add3A_125, %dma_wait3A_143] : memref<5000x128xi32, #tpu.memory_space<hbm>> -> memref<1x128xi32, #tpu.memory_space<hbm>>
        tpu.wait_dma2 semaphore(%run_scoped3A : memref<!tpu.dma_semaphore, #tpu.memory_space<semaphore_mem>>) src(%dma_wait3A_144 : memref<1x128xi32, #tpu.memory_space<hbm>>) dst(%dma_wait3A_142 : memref<1x128xi32, #tpu.memory_space<vmem>>)
        tpu.yield
      }) : () -> ()
    } else {
    }
    %mul3A_13 = arith.constant 32 : i32
    %mul3A_14 = arith.muli %arg0, %mul3A_13 : i32
    "tpu.region"() ({
      %run_scoped3A = tpu.sem_alloc : memref<!tpu.dma_semaphore, #tpu.memory_space<semaphore_mem>>
      %dma_start3A_120 = arith.constant 0 : i32
      %dma_start3A_121 = tpu.memref_slice %arg5[%dma_start3A_120, %mul3A_14] : memref<8x128xf32, #tpu.memory_space<hbm>> -> memref<8x32xf32, #tpu.memory_space<hbm>>
      %dma_start3A_122 = arith.constant 0 : i32
      %dma_start3A_123 = tpu.memref_slice %arg5[%dma_start3A_122, %mul3A_14] : memref<8x128xf32, #tpu.memory_space<hbm>> -> memref<8x32xf32, #tpu.memory_space<hbm>>
      tpu.enqueue_dma source(%dma_start3A_123 : memref<8x32xf32, #tpu.memory_space<hbm>>) target(%arg16 : memref<8x32xf32, #tpu.memory_space<vmem>>) target_semaphore(%run_scoped3A : memref<!tpu.dma_semaphore, #tpu.memory_space<semaphore_mem>>)
      %dma_wait3A = arith.constant 0 : i32
      %dma_wait3A_124 = tpu.memref_slice %arg5[%dma_wait3A, %mul3A_14] : memref<8x128xf32, #tpu.memory_space<hbm>> -> memref<8x32xf32, #tpu.memory_space<hbm>>
      %dma_wait3A_125 = arith.constant 0 : i32
      %dma_wait3A_126 = tpu.memref_slice %arg5[%dma_wait3A_125, %mul3A_14] : memref<8x128xf32, #tpu.memory_space<hbm>> -> memref<8x32xf32, #tpu.memory_space<hbm>>
      tpu.wait_dma2 semaphore(%run_scoped3A : memref<!tpu.dma_semaphore, #tpu.memory_space<semaphore_mem>>) src(%dma_wait3A_126 : memref<8x32xf32, #tpu.memory_space<hbm>>) dst(%arg16 : memref<8x32xf32, #tpu.memory_space<vmem>>)
      tpu.yield
    }) : () -> ()
    %add3A_15 = arith.constant 0 : i32
    %add3A_16 = arith.addi %mul3A_0, %add3A_15 : i32
    "tpu.region"() ({
      %run_scoped3A = tpu.sem_alloc : memref<!tpu.dma_semaphore, #tpu.memory_space<semaphore_mem>>
      %dma_start3A_120 = arith.constant 0 : i32
      %dma_start3A_121 = arith.constant 0 : i32
      %dma_start3A_122 = tpu.memref_slice %arg14[%dma_start3A_120, %dma_start3A_121] : memref<640x16xf32, #tpu.memory_space<vmem>> -> memref<320x16xf32, #tpu.memory_space<vmem>>
      %dma_start3A_123 = arith.constant 0 : i32
      %dma_start3A_124 = tpu.memref_slice %arg4[%add3A_16, %dma_start3A_123] : memref<20480x16xf32, #tpu.memory_space<hbm>> -> memref<320x16xf32, #tpu.memory_space<hbm>>
      %dma_start3A_125 = arith.constant 0 : i32
      %dma_start3A_126 = arith.constant 0 : i32
      %dma_start3A_127 = tpu.memref_slice %arg14[%dma_start3A_125, %dma_start3A_126] : memref<640x16xf32, #tpu.memory_space<vmem>> -> memref<320x16xf32, #tpu.memory_space<vmem>>
      %dma_start3A_128 = arith.constant 0 : i32
      %dma_start3A_129 = tpu.memref_slice %arg4[%add3A_16, %dma_start3A_128] : memref<20480x16xf32, #tpu.memory_space<hbm>> -> memref<320x16xf32, #tpu.memory_space<hbm>>
      tpu.enqueue_dma source(%dma_start3A_129 : memref<320x16xf32, #tpu.memory_space<hbm>>) target(%dma_start3A_127 : memref<320x16xf32, #tpu.memory_space<vmem>>) target_semaphore(%run_scoped3A : memref<!tpu.dma_semaphore, #tpu.memory_space<semaphore_mem>>)
      %dma_wait3A = arith.constant 0 : i32
      %dma_wait3A_130 = arith.constant 0 : i32
      %dma_wait3A_131 = tpu.memref_slice %arg14[%dma_wait3A, %dma_wait3A_130] : memref<640x16xf32, #tpu.memory_space<vmem>> -> memref<320x16xf32, #tpu.memory_space<vmem>>
      %dma_wait3A_132 = arith.constant 0 : i32
      %dma_wait3A_133 = tpu.memref_slice %arg4[%add3A_16, %dma_wait3A_132] : memref<20480x16xf32, #tpu.memory_space<hbm>> -> memref<320x16xf32, #tpu.memory_space<hbm>>
      %dma_wait3A_134 = arith.constant 0 : i32
      %dma_wait3A_135 = arith.constant 0 : i32
      %dma_wait3A_136 = tpu.memref_slice %arg14[%dma_wait3A_134, %dma_wait3A_135] : memref<640x16xf32, #tpu.memory_space<vmem>> -> memref<320x16xf32, #tpu.memory_space<vmem>>
      %dma_wait3A_137 = arith.constant 0 : i32
      %dma_wait3A_138 = tpu.memref_slice %arg4[%add3A_16, %dma_wait3A_137] : memref<20480x16xf32, #tpu.memory_space<hbm>> -> memref<320x16xf32, #tpu.memory_space<hbm>>
      tpu.wait_dma2 semaphore(%run_scoped3A : memref<!tpu.dma_semaphore, #tpu.memory_space<semaphore_mem>>) src(%dma_wait3A_138 : memref<320x16xf32, #tpu.memory_space<hbm>>) dst(%dma_wait3A_136 : memref<320x16xf32, #tpu.memory_space<vmem>>)
      tpu.yield
    }) : () -> ()
    %add3A_17 = arith.constant 10240 : i32
    %add3A_18 = arith.addi %add3A_17, %add3A_16 : i32
    "tpu.region"() ({
      %run_scoped3A = tpu.sem_alloc : memref<!tpu.dma_semaphore, #tpu.memory_space<semaphore_mem>>
      %dma_start3A_120 = arith.constant 0 : i32
      %dma_start3A_121 = tpu.memref_slice %arg4[%add3A_18, %dma_start3A_120] : memref<20480x16xf32, #tpu.memory_space<hbm>> -> memref<320x16xf32, #tpu.memory_space<hbm>>
      %dma_start3A_122 = arith.constant 0 : i32
      %dma_start3A_123 = tpu.memref_slice %arg4[%add3A_18, %dma_start3A_122] : memref<20480x16xf32, #tpu.memory_space<hbm>> -> memref<320x16xf32, #tpu.memory_space<hbm>>
      tpu.enqueue_dma source(%dma_start3A_123 : memref<320x16xf32, #tpu.memory_space<hbm>>) target(%arg15 : memref<320x16xf32, #tpu.memory_space<vmem>>) target_semaphore(%run_scoped3A : memref<!tpu.dma_semaphore, #tpu.memory_space<semaphore_mem>>)
      %dma_wait3A = arith.constant 0 : i32
      %dma_wait3A_124 = tpu.memref_slice %arg4[%add3A_18, %dma_wait3A] : memref<20480x16xf32, #tpu.memory_space<hbm>> -> memref<320x16xf32, #tpu.memory_space<hbm>>
      %dma_wait3A_125 = arith.constant 0 : i32
      %dma_wait3A_126 = tpu.memref_slice %arg4[%add3A_18, %dma_wait3A_125] : memref<20480x16xf32, #tpu.memory_space<hbm>> -> memref<320x16xf32, #tpu.memory_space<hbm>>
      tpu.wait_dma2 semaphore(%run_scoped3A : memref<!tpu.dma_semaphore, #tpu.memory_space<semaphore_mem>>) src(%dma_wait3A_126 : memref<320x16xf32, #tpu.memory_space<hbm>>) dst(%arg15 : memref<320x16xf32, #tpu.memory_space<vmem>>)
      tpu.yield
    }) : () -> ()
    %mul3A_19 = arith.constant 32 : i32
    %mul3A_20 = arith.muli %arg0, %mul3A_19 : i32
    "tpu.region"() ({
      %run_scoped3A = tpu.sem_alloc : memref<!tpu.dma_semaphore, #tpu.memory_space<semaphore_mem>>
      %dma_start3A_120 = tpu.memref_slice %arg2[%add3A_16, %mul3A_20] : memref<10240x128xf32, #tpu.memory_space<hbm>> -> memref<320x32xf32, #tpu.memory_space<hbm>>
      %dma_start3A_121 = tpu.memref_slice %arg2[%add3A_16, %mul3A_20] : memref<10240x128xf32, #tpu.memory_space<hbm>> -> memref<320x32xf32, #tpu.memory_space<hbm>>
      tpu.enqueue_dma source(%dma_start3A_121 : memref<320x32xf32, #tpu.memory_space<hbm>>) target(%arg12 : memref<320x32xf32, #tpu.memory_space<vmem>>) target_semaphore(%run_scoped3A : memref<!tpu.dma_semaphore, #tpu.memory_space<semaphore_mem>>)
      %dma_wait3A = tpu.memref_slice %arg2[%add3A_16, %mul3A_20] : memref<10240x128xf32, #tpu.memory_space<hbm>> -> memref<320x32xf32, #tpu.memory_space<hbm>>
      %dma_wait3A_122 = tpu.memref_slice %arg2[%add3A_16, %mul3A_20] : memref<10240x128xf32, #tpu.memory_space<hbm>> -> memref<320x32xf32, #tpu.memory_space<hbm>>
      tpu.wait_dma2 semaphore(%run_scoped3A : memref<!tpu.dma_semaphore, #tpu.memory_space<semaphore_mem>>) src(%dma_wait3A_122 : memref<320x32xf32, #tpu.memory_space<hbm>>) dst(%arg12 : memref<320x32xf32, #tpu.memory_space<vmem>>)
      tpu.yield
    }) : () -> ()
    %scan3A = arith.constant 0 : i32
    %scan3A_21 = arith.constant 0 : i32
    %scan3A_22 = arith.constant 80 : i32
    %scan3A_23 = arith.addi %scan3A_21, %scan3A_22 : i32
    %scan3A_24 = arith.constant 1 : i32
    scf.for %scan3A_120 = %scan3A_21 to %scan3A_23 step %scan3A_24  : i32 {
      %mul3A_121 = arith.constant 4 : i32
      %mul3A_122 = arith.muli %mul3A_121, %scan3A_120 : i32
      %add3A_123 = arith.constant 0 : i32
      %add3A_124 = arith.addi %mul3A_122, %add3A_123 : i32
      %add3A_125 = arith.constant 0 : i32
      %add3A_126 = arith.addi %add3A_125, %add3A_124 : i32
      %get3A_127 = arith.index_cast %add3A_126 : i32 to index
      %get3A_128 = arith.constant 0 : index
      %get3A_129 = tpu.vector_load %arg14[%get3A_127, %get3A_128] {strides = array<i32>} : memref<640x16xf32, #tpu.memory_space<vmem>>, vector<1x16xf32>,
      %get3A_130 = vector.shape_cast %get3A_129 : vector<1x16xf32> to vector<16xf32>
      %get3A_131 = arith.index_cast %add3A_124 : i32 to index
      %get3A_132 = arith.constant 0 : index
      %get3A_133 = tpu.vector_load %arg15[%get3A_131, %get3A_132] {strides = array<i32>} : memref<320x16xf32, #tpu.memory_space<vmem>>, vector<1x16xf32>,
      %get3A_134 = vector.shape_cast %get3A_133 : vector<1x16xf32> to vector<16xf32>
      %add3A_135 = arith.addf %get3A_130, %get3A_134 : vector<16xf32>
      %add3A_136 = arith.constant 1.000000e+00 : f32
      %add3A_137 = vector.broadcast %add3A_136 : f32 to vector<16xf32>
      %add3A_138 = arith.addf %add3A_135, %add3A_137 : vector<16xf32>
      %bitcast_convert_type3A = tpu.bitcast %add3A_138 : vector<16xf32> -> vector<16xi32>
      %shift_right_arithmetic3A = arith.constant 1 : i32
      %shift_right_arithmetic3A_139 = vector.broadcast %shift_right_arithmetic3A : i32 to vector<16xi32>
      %shift_right_arithmetic3A_140 = arith.shrsi %bitcast_convert_type3A, %shift_right_arithmetic3A_139 : vector<16xi32>
      %sub3A = arith.constant 1597463007 : i32
      %sub3A_141 = vector.broadcast %sub3A : i32 to vector<16xi32>
      %sub3A_142 = arith.subi %sub3A_141, %shift_right_arithmetic3A_140 : vector<16xi32>
      %bitcast_convert_type3A_143 = tpu.bitcast %sub3A_142 : vector<16xi32> -> vector<16xf32>
      %mul3A_144 = arith.constant 5.000000e-01 : f32
      %mul3A_145 = vector.broadcast %mul3A_144 : f32 to vector<16xf32>
      %mul3A_146 = arith.mulf %mul3A_145, %add3A_138 : vector<16xf32>
      %mul3A_147 = arith.mulf %mul3A_146, %bitcast_convert_type3A_143 : vector<16xf32>
      %mul3A_148 = arith.mulf %mul3A_147, %bitcast_convert_type3A_143 : vector<16xf32>
      %sub3A_149 = arith.constant 1.500000e+00 : f32
      %sub3A_150 = vector.broadcast %sub3A_149 : f32 to vector<16xf32>
      %sub3A_151 = arith.subf %sub3A_150, %mul3A_148 : vector<16xf32>
      %mul3A_152 = arith.mulf %bitcast_convert_type3A_143, %sub3A_151 : vector<16xf32>
      %mul3A_153 = arith.constant 5.000000e-01 : f32
      %mul3A_154 = vector.broadcast %mul3A_153 : f32 to vector<16xf32>
      %mul3A_155 = arith.mulf %mul3A_154, %add3A_138 : vector<16xf32>
      %mul3A_156 = arith.mulf %mul3A_155, %mul3A_152 : vector<16xf32>
      %mul3A_157 = arith.mulf %mul3A_156, %mul3A_152 : vector<16xf32>
      %sub3A_158 = arith.constant 1.500000e+00 : f32
      %sub3A_159 = vector.broadcast %sub3A_158 : f32 to vector<16xf32>
      %sub3A_160 = arith.subf %sub3A_159, %mul3A_157 : vector<16xf32>
      %mul3A_161 = arith.mulf %mul3A_152, %sub3A_160 : vector<16xf32>
      %mul3A_162 = arith.constant 5.000000e-01 : f32
      %mul3A_163 = vector.broadcast %mul3A_162 : f32 to vector<16xf32>
      %mul3A_164 = arith.mulf %mul3A_163, %add3A_138 : vector<16xf32>
      %mul3A_165 = arith.mulf %mul3A_164, %mul3A_161 : vector<16xf32>
      %mul3A_166 = arith.mulf %mul3A_165, %mul3A_161 : vector<16xf32>
      %sub3A_167 = arith.constant 1.500000e+00 : f32
      %sub3A_168 = vector.broadcast %sub3A_167 : f32 to vector<16xf32>
      %sub3A_169 = arith.subf %sub3A_168, %mul3A_166 : vector<16xf32>
      %mul3A_170 = arith.mulf %mul3A_161, %sub3A_169 : vector<16xf32>
      %add3A_171 = arith.constant 0 : i32
      %add3A_172 = arith.addi %add3A_171, %add3A_124 : i32
      %swap3A = arith.index_cast %add3A_172 : i32 to index
      %swap3A_173 = arith.constant 0 : index
      %swap3A_174 = tpu.vector_load %arg14[%swap3A, %swap3A_173] {strides = array<i32>} : memref<640x16xf32, #tpu.memory_space<vmem>>, vector<1x16xf32>,
      %swap3A_175 = vector.shape_cast %swap3A_174 : vector<1x16xf32> to vector<16xf32>
      %swap3A_176 = vector.shape_cast %mul3A_170 : vector<16xf32> to vector<1x16xf32>
      tpu.vector_store %arg14[%swap3A, %swap3A_173], %swap3A_176 {strides = array<i32>} : memref<640x16xf32, #tpu.memory_space<vmem>>, vector<1x16xf32>,
      %get3A_177 = arith.index_cast %add3A_124 : i32 to index
      %get3A_178 = arith.constant 0 : index
      %get3A_179 = tpu.vector_load %arg12[%get3A_177, %get3A_178] {strides = array<i32>} : memref<320x32xf32, #tpu.memory_space<vmem>>, vector<1x16xf32>,
      %get3A_180 = vector.shape_cast %get3A_179 : vector<1x16xf32> to vector<16xf32>
      %mul3A_181 = arith.mulf %get3A_180, %mul3A_170 : vector<16xf32>
      %swap3A_182 = arith.index_cast %add3A_124 : i32 to index
      %swap3A_183 = arith.constant 0 : index
      %swap3A_184 = tpu.vector_load %arg12[%swap3A_182, %swap3A_183] {strides = array<i32>} : memref<320x32xf32, #tpu.memory_space<vmem>>, vector<1x16xf32>,
      %swap3A_185 = vector.shape_cast %swap3A_184 : vector<1x16xf32> to vector<16xf32>
      %swap3A_186 = vector.shape_cast %mul3A_181 : vector<16xf32> to vector<1x16xf32>
      tpu.vector_store %arg12[%swap3A_182, %swap3A_183], %swap3A_186 {strides = array<i32>} : memref<320x32xf32, #tpu.memory_space<vmem>>, vector<1x16xf32>,
      %get3A_187 = arith.index_cast %add3A_124 : i32 to index
      %get3A_188 = arith.constant 16 : index
      %get3A_189 = tpu.vector_load %arg12[%get3A_187, %get3A_188] {strides = array<i32>} : memref<320x32xf32, #tpu.memory_space<vmem>>, vector<1x16xf32>,
      %get3A_190 = vector.shape_cast %get3A_189 : vector<1x16xf32> to vector<16xf32>
      %mul3A_191 = arith.mulf %get3A_190, %mul3A_170 : vector<16xf32>
      %swap3A_192 = arith.index_cast %add3A_124 : i32 to index
      %swap3A_193 = arith.constant 16 : index
      %swap3A_194 = tpu.vector_load %arg12[%swap3A_192, %swap3A_193] {strides = array<i32>} : memref<320x32xf32, #tpu.memory_space<vmem>>, vector<1x16xf32>,
      %swap3A_195 = vector.shape_cast %swap3A_194 : vector<1x16xf32> to vector<16xf32>
      %swap3A_196 = vector.shape_cast %mul3A_191 : vector<16xf32> to vector<1x16xf32>
      tpu.vector_store %arg12[%swap3A_192, %swap3A_193], %swap3A_196 {strides = array<i32>} : memref<320x32xf32, #tpu.memory_space<vmem>>, vector<1x16xf32>,
      %mul3A_197 = arith.constant 4 : i32
      %mul3A_198 = arith.muli %mul3A_197, %scan3A_120 : i32
      %add3A_199 = arith.constant 1 : i32
      %add3A_200 = arith.addi %mul3A_198, %add3A_199 : i32
      %add3A_201 = arith.constant 0 : i32
      %add3A_202 = arith.addi %add3A_201, %add3A_200 : i32
      %get3A_203 = arith.index_cast %add3A_202 : i32 to index
      %get3A_204 = arith.constant 0 : index
      %get3A_205 = tpu.vector_load %arg14[%get3A_203, %get3A_204] {strides = array<i32>} : memref<640x16xf32, #tpu.memory_space<vmem>>, vector<1x16xf32>,
      %get3A_206 = vector.shape_cast %get3A_205 : vector<1x16xf32> to vector<16xf32>
      %get3A_207 = arith.index_cast %add3A_200 : i32 to index
      %get3A_208 = arith.constant 0 : index
      %get3A_209 = tpu.vector_load %arg15[%get3A_207, %get3A_208] {strides = array<i32>} : memref<320x16xf32, #tpu.memory_space<vmem>>, vector<1x16xf32>,
      %get3A_210 = vector.shape_cast %get3A_209 : vector<1x16xf32> to vector<16xf32>
      %add3A_211 = arith.addf %get3A_206, %get3A_210 : vector<16xf32>
      %add3A_212 = arith.constant 1.000000e+00 : f32
      %add3A_213 = vector.broadcast %add3A_212 : f32 to vector<16xf32>
      %add3A_214 = arith.addf %add3A_211, %add3A_213 : vector<16xf32>
      %bitcast_convert_type3A_215 = tpu.bitcast %add3A_214 : vector<16xf32> -> vector<16xi32>
      %shift_right_arithmetic3A_216 = arith.constant 1 : i32
      %shift_right_arithmetic3A_217 = vector.broadcast %shift_right_arithmetic3A_216 : i32 to vector<16xi32>
      %shift_right_arithmetic3A_218 = arith.shrsi %bitcast_convert_type3A_215, %shift_right_arithmetic3A_217 : vector<16xi32>
      %sub3A_219 = arith.constant 1597463007 : i32
      %sub3A_220 = vector.broadcast %sub3A_219 : i32 to vector<16xi32>
      %sub3A_221 = arith.subi %sub3A_220, %shift_right_arithmetic3A_218 : vector<16xi32>
      %bitcast_convert_type3A_222 = tpu.bitcast %sub3A_221 : vector<16xi32> -> vector<16xf32>
      %mul3A_223 = arith.constant 5.000000e-01 : f32
      %mul3A_224 = vector.broadcast %mul3A_223 : f32 to vector<16xf32>
      %mul3A_225 = arith.mulf %mul3A_224, %add3A_214 : vector<16xf32>
      %mul3A_226 = arith.mulf %mul3A_225, %bitcast_convert_type3A_222 : vector<16xf32>
      %mul3A_227 = arith.mulf %mul3A_226, %bitcast_convert_type3A_222 : vector<16xf32>
      %sub3A_228 = arith.constant 1.500000e+00 : f32
      %sub3A_229 = vector.broadcast %sub3A_228 : f32 to vector<16xf32>
      %sub3A_230 = arith.subf %sub3A_229, %mul3A_227 : vector<16xf32>
      %mul3A_231 = arith.mulf %bitcast_convert_type3A_222, %sub3A_230 : vector<16xf32>
      %mul3A_232 = arith.constant 5.000000e-01 : f32
      %mul3A_233 = vector.broadcast %mul3A_232 : f32 to vector<16xf32>
      %mul3A_234 = arith.mulf %mul3A_233, %add3A_214 : vector<16xf32>
      %mul3A_235 = arith.mulf %mul3A_234, %mul3A_231 : vector<16xf32>
      %mul3A_236 = arith.mulf %mul3A_235, %mul3A_231 : vector<16xf32>
      %sub3A_237 = arith.constant 1.500000e+00 : f32
      %sub3A_238 = vector.broadcast %sub3A_237 : f32 to vector<16xf32>
      %sub3A_239 = arith.subf %sub3A_238, %mul3A_236 : vector<16xf32>
      %mul3A_240 = arith.mulf %mul3A_231, %sub3A_239 : vector<16xf32>
      %mul3A_241 = arith.constant 5.000000e-01 : f32
      %mul3A_242 = vector.broadcast %mul3A_241 : f32 to vector<16xf32>
      %mul3A_243 = arith.mulf %mul3A_242, %add3A_214 : vector<16xf32>
      %mul3A_244 = arith.mulf %mul3A_243, %mul3A_240 : vector<16xf32>
      %mul3A_245 = arith.mulf %mul3A_244, %mul3A_240 : vector<16xf32>
      %sub3A_246 = arith.constant 1.500000e+00 : f32
      %sub3A_247 = vector.broadcast %sub3A_246 : f32 to vector<16xf32>
      %sub3A_248 = arith.subf %sub3A_247, %mul3A_245 : vector<16xf32>
      %mul3A_249 = arith.mulf %mul3A_240, %sub3A_248 : vector<16xf32>
      %add3A_250 = arith.constant 0 : i32
      %add3A_251 = arith.addi %add3A_250, %add3A_200 : i32
      %swap3A_252 = arith.index_cast %add3A_251 : i32 to index
      %swap3A_253 = arith.constant 0 : index
      %swap3A_254 = tpu.vector_load %arg14[%swap3A_252, %swap3A_253] {strides = array<i32>} : memref<640x16xf32, #tpu.memory_space<vmem>>, vector<1x16xf32>,
      %swap3A_255 = vector.shape_cast %swap3A_254 : vector<1x16xf32> to vector<16xf32>
      %swap3A_256 = vector.shape_cast %mul3A_249 : vector<16xf32> to vector<1x16xf32>
      tpu.vector_store %arg14[%swap3A_252, %swap3A_253], %swap3A_256 {strides = array<i32>} : memref<640x16xf32, #tpu.memory_space<vmem>>, vector<1x16xf32>,
      %get3A_257 = arith.index_cast %add3A_200 : i32 to index
      %get3A_258 = arith.constant 0 : index
      %get3A_259 = tpu.vector_load %arg12[%get3A_257, %get3A_258] {strides = array<i32>} : memref<320x32xf32, #tpu.memory_space<vmem>>, vector<1x16xf32>,
      %get3A_260 = vector.shape_cast %get3A_259 : vector<1x16xf32> to vector<16xf32>
      %mul3A_261 = arith.mulf %get3A_260, %mul3A_249 : vector<16xf32>
      %swap3A_262 = arith.index_cast %add3A_200 : i32 to index
      %swap3A_263 = arith.constant 0 : index
      %swap3A_264 = tpu.vector_load %arg12[%swap3A_262, %swap3A_263] {strides = array<i32>} : memref<320x32xf32, #tpu.memory_space<vmem>>, vector<1x16xf32>,
      %swap3A_265 = vector.shape_cast %swap3A_264 : vector<1x16xf32> to vector<16xf32>
      %swap3A_266 = vector.shape_cast %mul3A_261 : vector<16xf32> to vector<1x16xf32>
      tpu.vector_store %arg12[%swap3A_262, %swap3A_263], %swap3A_266 {strides = array<i32>} : memref<320x32xf32, #tpu.memory_space<vmem>>, vector<1x16xf32>,
      %get3A_267 = arith.index_cast %add3A_200 : i32 to index
      %get3A_268 = arith.constant 16 : index
      %get3A_269 = tpu.vector_load %arg12[%get3A_267, %get3A_268] {strides = array<i32>} : memref<320x32xf32, #tpu.memory_space<vmem>>, vector<1x16xf32>,
      %get3A_270 = vector.shape_cast %get3A_269 : vector<1x16xf32> to vector<16xf32>
      %mul3A_271 = arith.mulf %get3A_270, %mul3A_249 : vector<16xf32>
      %swap3A_272 = arith.index_cast %add3A_200 : i32 to index
      %swap3A_273 = arith.constant 16 : index
      %swap3A_274 = tpu.vector_load %arg12[%swap3A_272, %swap3A_273] {strides = array<i32>} : memref<320x32xf32, #tpu.memory_space<vmem>>, vector<1x16xf32>,
      %swap3A_275 = vector.shape_cast %swap3A_274 : vector<1x16xf32> to vector<16xf32>
      %swap3A_276 = vector.shape_cast %mul3A_271 : vector<16xf32> to vector<1x16xf32>
      tpu.vector_store %arg12[%swap3A_272, %swap3A_273], %swap3A_276 {strides = array<i32>} : memref<320x32xf32, #tpu.memory_space<vmem>>, vector<1x16xf32>,
      %mul3A_277 = arith.constant 4 : i32
      %mul3A_278 = arith.muli %mul3A_277, %scan3A_120 : i32
      %add3A_279 = arith.constant 2 : i32
      %add3A_280 = arith.addi %mul3A_278, %add3A_279 : i32
      %add3A_281 = arith.constant 0 : i32
      %add3A_282 = arith.addi %add3A_281, %add3A_280 : i32
      %get3A_283 = arith.index_cast %add3A_282 : i32 to index
      %get3A_284 = arith.constant 0 : index
      %get3A_285 = tpu.vector_load %arg14[%get3A_283, %get3A_284] {strides = array<i32>} : memref<640x16xf32, #tpu.memory_space<vmem>>, vector<1x16xf32>,
      %get3A_286 = vector.shape_cast %get3A_285 : vector<1x16xf32> to vector<16xf32>
      %get3A_287 = arith.index_cast %add3A_280 : i32 to index
      %get3A_288 = arith.constant 0 : index
      %get3A_289 = tpu.vector_load %arg15[%get3A_287, %get3A_288] {strides = array<i32>} : memref<320x16xf32, #tpu.memory_space<vmem>>, vector<1x16xf32>,
      %get3A_290 = vector.shape_cast %get3A_289 : vector<1x16xf32> to vector<16xf32>
      %add3A_291 = arith.addf %get3A_286, %get3A_290 : vector<16xf32>
      %add3A_292 = arith.constant 1.000000e+00 : f32
      %add3A_293 = vector.broadcast %add3A_292 : f32 to vector<16xf32>
      %add3A_294 = arith.addf %add3A_291, %add3A_293 : vector<16xf32>
      %bitcast_convert_type3A_295 = tpu.bitcast %add3A_294 : vector<16xf32> -> vector<16xi32>
      %shift_right_arithmetic3A_296 = arith.constant 1 : i32
      %shift_right_arithmetic3A_297 = vector.broadcast %shift_right_arithmetic3A_296 : i32 to vector<16xi32>
      %shift_right_arithmetic3A_298 = arith.shrsi %bitcast_convert_type3A_295, %shift_right_arithmetic3A_297 : vector<16xi32>
      %sub3A_299 = arith.constant 1597463007 : i32
      %sub3A_300 = vector.broadcast %sub3A_299 : i32 to vector<16xi32>
      %sub3A_301 = arith.subi %sub3A_300, %shift_right_arithmetic3A_298 : vector<16xi32>
      %bitcast_convert_type3A_302 = tpu.bitcast %sub3A_301 : vector<16xi32> -> vector<16xf32>
      %mul3A_303 = arith.constant 5.000000e-01 : f32
      %mul3A_304 = vector.broadcast %mul3A_303 : f32 to vector<16xf32>
      %mul3A_305 = arith.mulf %mul3A_304, %add3A_294 : vector<16xf32>
      %mul3A_306 = arith.mulf %mul3A_305, %bitcast_convert_type3A_302 : vector<16xf32>
      %mul3A_307 = arith.mulf %mul3A_306, %bitcast_convert_type3A_302 : vector<16xf32>
      %sub3A_308 = arith.constant 1.500000e+00 : f32
      %sub3A_309 = vector.broadcast %sub3A_308 : f32 to vector<16xf32>
      %sub3A_310 = arith.subf %sub3A_309, %mul3A_307 : vector<16xf32>
      %mul3A_311 = arith.mulf %bitcast_convert_type3A_302, %sub3A_310 : vector<16xf32>
      %mul3A_312 = arith.constant 5.000000e-01 : f32
      %mul3A_313 = vector.broadcast %mul3A_312 : f32 to vector<16xf32>
      %mul3A_314 = arith.mulf %mul3A_313, %add3A_294 : vector<16xf32>
      %mul3A_315 = arith.mulf %mul3A_314, %mul3A_311 : vector<16xf32>
      %mul3A_316 = arith.mulf %mul3A_315, %mul3A_311 : vector<16xf32>
      %sub3A_317 = arith.constant 1.500000e+00 : f32
      %sub3A_318 = vector.broadcast %sub3A_317 : f32 to vector<16xf32>
      %sub3A_319 = arith.subf %sub3A_318, %mul3A_316 : vector<16xf32>
      %mul3A_320 = arith.mulf %mul3A_311, %sub3A_319 : vector<16xf32>
      %mul3A_321 = arith.constant 5.000000e-01 : f32
      %mul3A_322 = vector.broadcast %mul3A_321 : f32 to vector<16xf32>
      %mul3A_323 = arith.mulf %mul3A_322, %add3A_294 : vector<16xf32>
      %mul3A_324 = arith.mulf %mul3A_323, %mul3A_320 : vector<16xf32>
      %mul3A_325 = arith.mulf %mul3A_324, %mul3A_320 : vector<16xf32>
      %sub3A_326 = arith.constant 1.500000e+00 : f32
      %sub3A_327 = vector.broadcast %sub3A_326 : f32 to vector<16xf32>
      %sub3A_328 = arith.subf %sub3A_327, %mul3A_325 : vector<16xf32>
      %mul3A_329 = arith.mulf %mul3A_320, %sub3A_328 : vector<16xf32>
      %add3A_330 = arith.constant 0 : i32
      %add3A_331 = arith.addi %add3A_330, %add3A_280 : i32
      %swap3A_332 = arith.index_cast %add3A_331 : i32 to index
      %swap3A_333 = arith.constant 0 : index
      %swap3A_334 = tpu.vector_load %arg14[%swap3A_332, %swap3A_333] {strides = array<i32>} : memref<640x16xf32, #tpu.memory_space<vmem>>, vector<1x16xf32>,
      %swap3A_335 = vector.shape_cast %swap3A_334 : vector<1x16xf32> to vector<16xf32>
      %swap3A_336 = vector.shape_cast %mul3A_329 : vector<16xf32> to vector<1x16xf32>
      tpu.vector_store %arg14[%swap3A_332, %swap3A_333], %swap3A_336 {strides = array<i32>} : memref<640x16xf32, #tpu.memory_space<vmem>>, vector<1x16xf32>,
      %get3A_337 = arith.index_cast %add3A_280 : i32 to index
      %get3A_338 = arith.constant 0 : index
      %get3A_339 = tpu.vector_load %arg12[%get3A_337, %get3A_338] {strides = array<i32>} : memref<320x32xf32, #tpu.memory_space<vmem>>, vector<1x16xf32>,
      %get3A_340 = vector.shape_cast %get3A_339 : vector<1x16xf32> to vector<16xf32>
      %mul3A_341 = arith.mulf %get3A_340, %mul3A_329 : vector<16xf32>
      %swap3A_342 = arith.index_cast %add3A_280 : i32 to index
      %swap3A_343 = arith.constant 0 : index
      %swap3A_344 = tpu.vector_load %arg12[%swap3A_342, %swap3A_343] {strides = array<i32>} : memref<320x32xf32, #tpu.memory_space<vmem>>, vector<1x16xf32>,
      %swap3A_345 = vector.shape_cast %swap3A_344 : vector<1x16xf32> to vector<16xf32>
      %swap3A_346 = vector.shape_cast %mul3A_341 : vector<16xf32> to vector<1x16xf32>
      tpu.vector_store %arg12[%swap3A_342, %swap3A_343], %swap3A_346 {strides = array<i32>} : memref<320x32xf32, #tpu.memory_space<vmem>>, vector<1x16xf32>,
      %get3A_347 = arith.index_cast %add3A_280 : i32 to index
      %get3A_348 = arith.constant 16 : index
      %get3A_349 = tpu.vector_load %arg12[%get3A_347, %get3A_348] {strides = array<i32>} : memref<320x32xf32, #tpu.memory_space<vmem>>, vector<1x16xf32>,
      %get3A_350 = vector.shape_cast %get3A_349 : vector<1x16xf32> to vector<16xf32>
      %mul3A_351 = arith.mulf %get3A_350, %mul3A_329 : vector<16xf32>
      %swap3A_352 = arith.index_cast %add3A_280 : i32 to index
      %swap3A_353 = arith.constant 16 : index
      %swap3A_354 = tpu.vector_load %arg12[%swap3A_352, %swap3A_353] {strides = array<i32>} : memref<320x32xf32, #tpu.memory_space<vmem>>, vector<1x16xf32>,
      %swap3A_355 = vector.shape_cast %swap3A_354 : vector<1x16xf32> to vector<16xf32>
      %swap3A_356 = vector.shape_cast %mul3A_351 : vector<16xf32> to vector<1x16xf32>
      tpu.vector_store %arg12[%swap3A_352, %swap3A_353], %swap3A_356 {strides = array<i32>} : memref<320x32xf32, #tpu.memory_space<vmem>>, vector<1x16xf32>,
      %mul3A_357 = arith.constant 4 : i32
      %mul3A_358 = arith.muli %mul3A_357, %scan3A_120 : i32
      %add3A_359 = arith.constant 3 : i32
      %add3A_360 = arith.addi %mul3A_358, %add3A_359 : i32
      %add3A_361 = arith.constant 0 : i32
      %add3A_362 = arith.addi %add3A_361, %add3A_360 : i32
      %get3A_363 = arith.index_cast %add3A_362 : i32 to index
      %get3A_364 = arith.constant 0 : index
      %get3A_365 = tpu.vector_load %arg14[%get3A_363, %get3A_364] {strides = array<i32>} : memref<640x16xf32, #tpu.memory_space<vmem>>, vector<1x16xf32>,
      %get3A_366 = vector.shape_cast %get3A_365 : vector<1x16xf32> to vector<16xf32>
      %get3A_367 = arith.index_cast %add3A_360 : i32 to index
      %get3A_368 = arith.constant 0 : index
      %get3A_369 = tpu.vector_load %arg15[%get3A_367, %get3A_368] {strides = array<i32>} : memref<320x16xf32, #tpu.memory_space<vmem>>, vector<1x16xf32>,
      %get3A_370 = vector.shape_cast %get3A_369 : vector<1x16xf32> to vector<16xf32>
      %add3A_371 = arith.addf %get3A_366, %get3A_370 : vector<16xf32>
      %add3A_372 = arith.constant 1.000000e+00 : f32
      %add3A_373 = vector.broadcast %add3A_372 : f32 to vector<16xf32>
      %add3A_374 = arith.addf %add3A_371, %add3A_373 : vector<16xf32>
      %bitcast_convert_type3A_375 = tpu.bitcast %add3A_374 : vector<16xf32> -> vector<16xi32>
      %shift_right_arithmetic3A_376 = arith.constant 1 : i32
      %shift_right_arithmetic3A_377 = vector.broadcast %shift_right_arithmetic3A_376 : i32 to vector<16xi32>
      %shift_right_arithmetic3A_378 = arith.shrsi %bitcast_convert_type3A_375, %shift_right_arithmetic3A_377 : vector<16xi32>
      %sub3A_379 = arith.constant 1597463007 : i32
      %sub3A_380 = vector.broadcast %sub3A_379 : i32 to vector<16xi32>
      %sub3A_381 = arith.subi %sub3A_380, %shift_right_arithmetic3A_378 : vector<16xi32>
      %bitcast_convert_type3A_382 = tpu.bitcast %sub3A_381 : vector<16xi32> -> vector<16xf32>
      %mul3A_383 = arith.constant 5.000000e-01 : f32
      %mul3A_384 = vector.broadcast %mul3A_383 : f32 to vector<16xf32>
      %mul3A_385 = arith.mulf %mul3A_384, %add3A_374 : vector<16xf32>
      %mul3A_386 = arith.mulf %mul3A_385, %bitcast_convert_type3A_382 : vector<16xf32>
      %mul3A_387 = arith.mulf %mul3A_386, %bitcast_convert_type3A_382 : vector<16xf32>
      %sub3A_388 = arith.constant 1.500000e+00 : f32
      %sub3A_389 = vector.broadcast %sub3A_388 : f32 to vector<16xf32>
      %sub3A_390 = arith.subf %sub3A_389, %mul3A_387 : vector<16xf32>
      %mul3A_391 = arith.mulf %bitcast_convert_type3A_382, %sub3A_390 : vector<16xf32>
      %mul3A_392 = arith.constant 5.000000e-01 : f32
      %mul3A_393 = vector.broadcast %mul3A_392 : f32 to vector<16xf32>
      %mul3A_394 = arith.mulf %mul3A_393, %add3A_374 : vector<16xf32>
      %mul3A_395 = arith.mulf %mul3A_394, %mul3A_391 : vector<16xf32>
      %mul3A_396 = arith.mulf %mul3A_395, %mul3A_391 : vector<16xf32>
      %sub3A_397 = arith.constant 1.500000e+00 : f32
      %sub3A_398 = vector.broadcast %sub3A_397 : f32 to vector<16xf32>
      %sub3A_399 = arith.subf %sub3A_398, %mul3A_396 : vector<16xf32>
      %mul3A_400 = arith.mulf %mul3A_391, %sub3A_399 : vector<16xf32>
      %mul3A_401 = arith.constant 5.000000e-01 : f32
      %mul3A_402 = vector.broadcast %mul3A_401 : f32 to vector<16xf32>
      %mul3A_403 = arith.mulf %mul3A_402, %add3A_374 : vector<16xf32>
      %mul3A_404 = arith.mulf %mul3A_403, %mul3A_400 : vector<16xf32>
      %mul3A_405 = arith.mulf %mul3A_404, %mul3A_400 : vector<16xf32>
      %sub3A_406 = arith.constant 1.500000e+00 : f32
      %sub3A_407 = vector.broadcast %sub3A_406 : f32 to vector<16xf32>
      %sub3A_408 = arith.subf %sub3A_407, %mul3A_405 : vector<16xf32>
      %mul3A_409 = arith.mulf %mul3A_400, %sub3A_408 : vector<16xf32>
      %add3A_410 = arith.constant 0 : i32
      %add3A_411 = arith.addi %add3A_410, %add3A_360 : i32
      %swap3A_412 = arith.index_cast %add3A_411 : i32 to index
      %swap3A_413 = arith.constant 0 : index
      %swap3A_414 = tpu.vector_load %arg14[%swap3A_412, %swap3A_413] {strides = array<i32>} : memref<640x16xf32, #tpu.memory_space<vmem>>, vector<1x16xf32>,
      %swap3A_415 = vector.shape_cast %swap3A_414 : vector<1x16xf32> to vector<16xf32>
      %swap3A_416 = vector.shape_cast %mul3A_409 : vector<16xf32> to vector<1x16xf32>
      tpu.vector_store %arg14[%swap3A_412, %swap3A_413], %swap3A_416 {strides = array<i32>} : memref<640x16xf32, #tpu.memory_space<vmem>>, vector<1x16xf32>,
      %get3A_417 = arith.index_cast %add3A_360 : i32 to index
      %get3A_418 = arith.constant 0 : index
      %get3A_419 = tpu.vector_load %arg12[%get3A_417, %get3A_418] {strides = array<i32>} : memref<320x32xf32, #tpu.memory_space<vmem>>, vector<1x16xf32>,
      %get3A_420 = vector.shape_cast %get3A_419 : vector<1x16xf32> to vector<16xf32>
      %mul3A_421 = arith.mulf %get3A_420, %mul3A_409 : vector<16xf32>
      %swap3A_422 = arith.index_cast %add3A_360 : i32 to index
      %swap3A_423 = arith.constant 0 : index
      %swap3A_424 = tpu.vector_load %arg12[%swap3A_422, %swap3A_423] {strides = array<i32>} : memref<320x32xf32, #tpu.memory_space<vmem>>, vector<1x16xf32>,
      %swap3A_425 = vector.shape_cast %swap3A_424 : vector<1x16xf32> to vector<16xf32>
      %swap3A_426 = vector.shape_cast %mul3A_421 : vector<16xf32> to vector<1x16xf32>
      tpu.vector_store %arg12[%swap3A_422, %swap3A_423], %swap3A_426 {strides = array<i32>} : memref<320x32xf32, #tpu.memory_space<vmem>>, vector<1x16xf32>,
      %get3A_427 = arith.index_cast %add3A_360 : i32 to index
      %get3A_428 = arith.constant 16 : index
      %get3A_429 = tpu.vector_load %arg12[%get3A_427, %get3A_428] {strides = array<i32>} : memref<320x32xf32, #tpu.memory_space<vmem>>, vector<1x16xf32>,
      %get3A_430 = vector.shape_cast %get3A_429 : vector<1x16xf32> to vector<16xf32>
      %mul3A_431 = arith.mulf %get3A_430, %mul3A_409 : vector<16xf32>
      %swap3A_432 = arith.index_cast %add3A_360 : i32 to index
      %swap3A_433 = arith.constant 16 : index
      %swap3A_434 = tpu.vector_load %arg12[%swap3A_432, %swap3A_433] {strides = array<i32>} : memref<320x32xf32, #tpu.memory_space<vmem>>, vector<1x16xf32>,
      %swap3A_435 = vector.shape_cast %swap3A_434 : vector<1x16xf32> to vector<16xf32>
      %swap3A_436 = vector.shape_cast %mul3A_431 : vector<16xf32> to vector<1x16xf32>
      tpu.vector_store %arg12[%swap3A_432, %swap3A_433], %swap3A_436 {strides = array<i32>} : memref<320x32xf32, #tpu.memory_space<vmem>>, vector<1x16xf32>,
    }
    %scan3A_25 = arith.constant 80 : i32
    "tpu.region"() ({
      %run_scoped3A = tpu.sem_alloc : memref<!tpu.dma_semaphore, #tpu.memory_space<semaphore_mem>>
      %dma_start3A_120 = arith.constant 0 : i32
      %dma_start3A_121 = tpu.memref_slice %arg18[%add3A_16, %dma_start3A_120] : memref<10240x32xf32, #tpu.memory_space<vmem_shared>> -> memref<320x32xf32, #tpu.memory_space<vmem_shared>>
      %dma_start3A_122 = arith.constant 0 : i32
      %dma_start3A_123 = tpu.memref_slice %arg18[%add3A_16, %dma_start3A_122] : memref<10240x32xf32, #tpu.memory_space<vmem_shared>> -> memref<320x32xf32, #tpu.memory_space<vmem_shared>>
      tpu.enqueue_dma source(%arg12 : memref<320x32xf32, #tpu.memory_space<vmem>>) target(%dma_start3A_123 : memref<320x32xf32, #tpu.memory_space<vmem_shared>>) target_semaphore(%run_scoped3A : memref<!tpu.dma_semaphore, #tpu.memory_space<semaphore_mem>>)
      %dma_wait3A = arith.constant 0 : i32
      %dma_wait3A_124 = tpu.memref_slice %arg18[%add3A_16, %dma_wait3A] : memref<10240x32xf32, #tpu.memory_space<vmem_shared>> -> memref<320x32xf32, #tpu.memory_space<vmem_shared>>
      %dma_wait3A_125 = arith.constant 0 : i32
      %dma_wait3A_126 = tpu.memref_slice %arg18[%add3A_16, %dma_wait3A_125] : memref<10240x32xf32, #tpu.memory_space<vmem_shared>> -> memref<320x32xf32, #tpu.memory_space<vmem_shared>>
      tpu.wait_dma2 semaphore(%run_scoped3A : memref<!tpu.dma_semaphore, #tpu.memory_space<semaphore_mem>>) src(%arg12 : memref<320x32xf32, #tpu.memory_space<vmem>>) dst(%dma_wait3A_126 : memref<320x32xf32, #tpu.memory_space<vmem_shared>>)
      tpu.yield
    }) : () -> ()
    %add3A_26 = arith.constant 320 : i32
    %add3A_27 = arith.addi %mul3A_0, %add3A_26 : i32
    "tpu.region"() ({
      %run_scoped3A = tpu.sem_alloc : memref<!tpu.dma_semaphore, #tpu.memory_space<semaphore_mem>>
      %dma_start3A_120 = arith.constant 320 : i32
      %dma_start3A_121 = arith.constant 0 : i32
      %dma_start3A_122 = tpu.memref_slice %arg14[%dma_start3A_120, %dma_start3A_121] : memref<640x16xf32, #tpu.memory_space<vmem>> -> memref<320x16xf32, #tpu.memory_space<vmem>>
      %dma_start3A_123 = arith.constant 0 : i32
      %dma_start3A_124 = tpu.memref_slice %arg4[%add3A_27, %dma_start3A_123] : memref<20480x16xf32, #tpu.memory_space<hbm>> -> memref<320x16xf32, #tpu.memory_space<hbm>>
      %dma_start3A_125 = arith.constant 320 : i32
      %dma_start3A_126 = arith.constant 0 : i32
      %dma_start3A_127 = tpu.memref_slice %arg14[%dma_start3A_125, %dma_start3A_126] : memref<640x16xf32, #tpu.memory_space<vmem>> -> memref<320x16xf32, #tpu.memory_space<vmem>>
      %dma_start3A_128 = arith.constant 0 : i32
      %dma_start3A_129 = tpu.memref_slice %arg4[%add3A_27, %dma_start3A_128] : memref<20480x16xf32, #tpu.memory_space<hbm>> -> memref<320x16xf32, #tpu.memory_space<hbm>>
      tpu.enqueue_dma source(%dma_start3A_129 : memref<320x16xf32, #tpu.memory_space<hbm>>) target(%dma_start3A_127 : memref<320x16xf32, #tpu.memory_space<vmem>>) target_semaphore(%run_scoped3A : memref<!tpu.dma_semaphore, #tpu.memory_space<semaphore_mem>>)
      %dma_wait3A = arith.constant 320 : i32
      %dma_wait3A_130 = arith.constant 0 : i32
      %dma_wait3A_131 = tpu.memref_slice %arg14[%dma_wait3A, %dma_wait3A_130] : memref<640x16xf32, #tpu.memory_space<vmem>> -> memref<320x16xf32, #tpu.memory_space<vmem>>
      %dma_wait3A_132 = arith.constant 0 : i32
      %dma_wait3A_133 = tpu.memref_slice %arg4[%add3A_27, %dma_wait3A_132] : memref<20480x16xf32, #tpu.memory_space<hbm>> -> memref<320x16xf32, #tpu.memory_space<hbm>>
      %dma_wait3A_134 = arith.constant 320 : i32
      %dma_wait3A_135 = arith.constant 0 : i32
      %dma_wait3A_136 = tpu.memref_slice %arg14[%dma_wait3A_134, %dma_wait3A_135] : memref<640x16xf32, #tpu.memory_space<vmem>> -> memref<320x16xf32, #tpu.memory_space<vmem>>
      %dma_wait3A_137 = arith.constant 0 : i32
      %dma_wait3A_138 = tpu.memref_slice %arg4[%add3A_27, %dma_wait3A_137] : memref<20480x16xf32, #tpu.memory_space<hbm>> -> memref<320x16xf32, #tpu.memory_space<hbm>>
      tpu.wait_dma2 semaphore(%run_scoped3A : memref<!tpu.dma_semaphore, #tpu.memory_space<semaphore_mem>>) src(%dma_wait3A_138 : memref<320x16xf32, #tpu.memory_space<hbm>>) dst(%dma_wait3A_136 : memref<320x16xf32, #tpu.memory_space<vmem>>)
      tpu.yield
    }) : () -> ()
    %add3A_28 = arith.constant 10240 : i32
    %add3A_29 = arith.addi %add3A_28, %add3A_27 : i32
    "tpu.region"() ({
      %run_scoped3A = tpu.sem_alloc : memref<!tpu.dma_semaphore, #tpu.memory_space<semaphore_mem>>
      %dma_start3A_120 = arith.constant 0 : i32
      %dma_start3A_121 = tpu.memref_slice %arg4[%add3A_29, %dma_start3A_120] : memref<20480x16xf32, #tpu.memory_space<hbm>> -> memref<320x16xf32, #tpu.memory_space<hbm>>
      %dma_start3A_122 = arith.constant 0 : i32
      %dma_start3A_123 = tpu.memref_slice %arg4[%add3A_29, %dma_start3A_122] : memref<20480x16xf32, #tpu.memory_space<hbm>> -> memref<320x16xf32, #tpu.memory_space<hbm>>
      tpu.enqueue_dma source(%dma_start3A_123 : memref<320x16xf32, #tpu.memory_space<hbm>>) target(%arg15 : memref<320x16xf32, #tpu.memory_space<vmem>>) target_semaphore(%run_scoped3A : memref<!tpu.dma_semaphore, #tpu.memory_space<semaphore_mem>>)
      %dma_wait3A = arith.constant 0 : i32
      %dma_wait3A_124 = tpu.memref_slice %arg4[%add3A_29, %dma_wait3A] : memref<20480x16xf32, #tpu.memory_space<hbm>> -> memref<320x16xf32, #tpu.memory_space<hbm>>
      %dma_wait3A_125 = arith.constant 0 : i32
      %dma_wait3A_126 = tpu.memref_slice %arg4[%add3A_29, %dma_wait3A_125] : memref<20480x16xf32, #tpu.memory_space<hbm>> -> memref<320x16xf32, #tpu.memory_space<hbm>>
      tpu.wait_dma2 semaphore(%run_scoped3A : memref<!tpu.dma_semaphore, #tpu.memory_space<semaphore_mem>>) src(%dma_wait3A_126 : memref<320x16xf32, #tpu.memory_space<hbm>>) dst(%arg15 : memref<320x16xf32, #tpu.memory_space<vmem>>)
      tpu.yield
    }) : () -> ()
    %mul3A_30 = arith.constant 32 : i32
    %mul3A_31 = arith.muli %arg0, %mul3A_30 : i32
    "tpu.region"() ({
      %run_scoped3A = tpu.sem_alloc : memref<!tpu.dma_semaphore, #tpu.memory_space<semaphore_mem>>
      %dma_start3A_120 = tpu.memref_slice %arg2[%add3A_27, %mul3A_31] : memref<10240x128xf32, #tpu.memory_space<hbm>> -> memref<320x32xf32, #tpu.memory_space<hbm>>
      %dma_start3A_121 = tpu.memref_slice %arg2[%add3A_27, %mul3A_31] : memref<10240x128xf32, #tpu.memory_space<hbm>> -> memref<320x32xf32, #tpu.memory_space<hbm>>
      tpu.enqueue_dma source(%dma_start3A_121 : memref<320x32xf32, #tpu.memory_space<hbm>>) target(%arg12 : memref<320x32xf32, #tpu.memory_space<vmem>>) target_semaphore(%run_scoped3A : memref<!tpu.dma_semaphore, #tpu.memory_space<semaphore_mem>>)
      %dma_wait3A = tpu.memref_slice %arg2[%add3A_27, %mul3A_31] : memref<10240x128xf32, #tpu.memory_space<hbm>> -> memref<320x32xf32, #tpu.memory_space<hbm>>
      %dma_wait3A_122 = tpu.memref_slice %arg2[%add3A_27, %mul3A_31] : memref<10240x128xf32, #tpu.memory_space<hbm>> -> memref<320x32xf32, #tpu.memory_space<hbm>>
      tpu.wait_dma2 semaphore(%run_scoped3A : memref<!tpu.dma_semaphore, #tpu.memory_space<semaphore_mem>>) src(%dma_wait3A_122 : memref<320x32xf32, #tpu.memory_space<hbm>>) dst(%arg12 : memref<320x32xf32, #tpu.memory_space<vmem>>)
      tpu.yield
    }) : () -> ()
    %scan3A_32 = arith.constant 0 : i32
    %scan3A_33 = arith.constant 0 : i32
    %scan3A_34 = arith.constant 80 : i32
    %scan3A_35 = arith.addi %scan3A_33, %scan3A_34 : i32
    %scan3A_36 = arith.constant 1 : i32
    scf.for %scan3A_120 = %scan3A_33 to %scan3A_35 step %scan3A_36  : i32 {
      %mul3A_121 = arith.constant 4 : i32
      %mul3A_122 = arith.muli %mul3A_121, %scan3A_120 : i32
      %add3A_123 = arith.constant 0 : i32
      %add3A_124 = arith.addi %mul3A_122, %add3A_123 : i32
      %add3A_125 = arith.constant 320 : i32
      %add3A_126 = arith.addi %add3A_125, %add3A_124 : i32
      %get3A_127 = arith.index_cast %add3A_126 : i32 to index
      %get3A_128 = arith.constant 0 : index
      %get3A_129 = tpu.vector_load %arg14[%get3A_127, %get3A_128] {strides = array<i32>} : memref<640x16xf32, #tpu.memory_space<vmem>>, vector<1x16xf32>,
      %get3A_130 = vector.shape_cast %get3A_129 : vector<1x16xf32> to vector<16xf32>
      %get3A_131 = arith.index_cast %add3A_124 : i32 to index
      %get3A_132 = arith.constant 0 : index
      %get3A_133 = tpu.vector_load %arg15[%get3A_131, %get3A_132] {strides = array<i32>} : memref<320x16xf32, #tpu.memory_space<vmem>>, vector<1x16xf32>,
      %get3A_134 = vector.shape_cast %get3A_133 : vector<1x16xf32> to vector<16xf32>
      %add3A_135 = arith.addf %get3A_130, %get3A_134 : vector<16xf32>
      %add3A_136 = arith.constant 1.000000e+00 : f32
      %add3A_137 = vector.broadcast %add3A_136 : f32 to vector<16xf32>
      %add3A_138 = arith.addf %add3A_135, %add3A_137 : vector<16xf32>
      %bitcast_convert_type3A = tpu.bitcast %add3A_138 : vector<16xf32> -> vector<16xi32>
      %shift_right_arithmetic3A = arith.constant 1 : i32
      %shift_right_arithmetic3A_139 = vector.broadcast %shift_right_arithmetic3A : i32 to vector<16xi32>
      %shift_right_arithmetic3A_140 = arith.shrsi %bitcast_convert_type3A, %shift_right_arithmetic3A_139 : vector<16xi32>
      %sub3A = arith.constant 1597463007 : i32
      %sub3A_141 = vector.broadcast %sub3A : i32 to vector<16xi32>
      %sub3A_142 = arith.subi %sub3A_141, %shift_right_arithmetic3A_140 : vector<16xi32>
      %bitcast_convert_type3A_143 = tpu.bitcast %sub3A_142 : vector<16xi32> -> vector<16xf32>
      %mul3A_144 = arith.constant 5.000000e-01 : f32
      %mul3A_145 = vector.broadcast %mul3A_144 : f32 to vector<16xf32>
      %mul3A_146 = arith.mulf %mul3A_145, %add3A_138 : vector<16xf32>
      %mul3A_147 = arith.mulf %mul3A_146, %bitcast_convert_type3A_143 : vector<16xf32>
      %mul3A_148 = arith.mulf %mul3A_147, %bitcast_convert_type3A_143 : vector<16xf32>
      %sub3A_149 = arith.constant 1.500000e+00 : f32
      %sub3A_150 = vector.broadcast %sub3A_149 : f32 to vector<16xf32>
      %sub3A_151 = arith.subf %sub3A_150, %mul3A_148 : vector<16xf32>
      %mul3A_152 = arith.mulf %bitcast_convert_type3A_143, %sub3A_151 : vector<16xf32>
      %mul3A_153 = arith.constant 5.000000e-01 : f32
      %mul3A_154 = vector.broadcast %mul3A_153 : f32 to vector<16xf32>
      %mul3A_155 = arith.mulf %mul3A_154, %add3A_138 : vector<16xf32>
      %mul3A_156 = arith.mulf %mul3A_155, %mul3A_152 : vector<16xf32>
      %mul3A_157 = arith.mulf %mul3A_156, %mul3A_152 : vector<16xf32>
      %sub3A_158 = arith.constant 1.500000e+00 : f32
      %sub3A_159 = vector.broadcast %sub3A_158 : f32 to vector<16xf32>
      %sub3A_160 = arith.subf %sub3A_159, %mul3A_157 : vector<16xf32>
      %mul3A_161 = arith.mulf %mul3A_152, %sub3A_160 : vector<16xf32>
      %mul3A_162 = arith.constant 5.000000e-01 : f32
      %mul3A_163 = vector.broadcast %mul3A_162 : f32 to vector<16xf32>
      %mul3A_164 = arith.mulf %mul3A_163, %add3A_138 : vector<16xf32>
      %mul3A_165 = arith.mulf %mul3A_164, %mul3A_161 : vector<16xf32>
      %mul3A_166 = arith.mulf %mul3A_165, %mul3A_161 : vector<16xf32>
      %sub3A_167 = arith.constant 1.500000e+00 : f32
      %sub3A_168 = vector.broadcast %sub3A_167 : f32 to vector<16xf32>
      %sub3A_169 = arith.subf %sub3A_168, %mul3A_166 : vector<16xf32>
      %mul3A_170 = arith.mulf %mul3A_161, %sub3A_169 : vector<16xf32>
      %add3A_171 = arith.constant 320 : i32
      %add3A_172 = arith.addi %add3A_171, %add3A_124 : i32
      %swap3A = arith.index_cast %add3A_172 : i32 to index
      %swap3A_173 = arith.constant 0 : index
      %swap3A_174 = tpu.vector_load %arg14[%swap3A, %swap3A_173] {strides = array<i32>} : memref<640x16xf32, #tpu.memory_space<vmem>>, vector<1x16xf32>,
      %swap3A_175 = vector.shape_cast %swap3A_174 : vector<1x16xf32> to vector<16xf32>
      %swap3A_176 = vector.shape_cast %mul3A_170 : vector<16xf32> to vector<1x16xf32>
      tpu.vector_store %arg14[%swap3A, %swap3A_173], %swap3A_176 {strides = array<i32>} : memref<640x16xf32, #tpu.memory_space<vmem>>, vector<1x16xf32>,
      %get3A_177 = arith.index_cast %add3A_124 : i32 to index
      %get3A_178 = arith.constant 0 : index
      %get3A_179 = tpu.vector_load %arg12[%get3A_177, %get3A_178] {strides = array<i32>} : memref<320x32xf32, #tpu.memory_space<vmem>>, vector<1x16xf32>,
      %get3A_180 = vector.shape_cast %get3A_179 : vector<1x16xf32> to vector<16xf32>
      %mul3A_181 = arith.mulf %get3A_180, %mul3A_170 : vector<16xf32>
      %swap3A_182 = arith.index_cast %add3A_124 : i32 to index
      %swap3A_183 = arith.constant 0 : index
      %swap3A_184 = tpu.vector_load %arg12[%swap3A_182, %swap3A_183] {strides = array<i32>} : memref<320x32xf32, #tpu.memory_space<vmem>>, vector<1x16xf32>,
      %swap3A_185 = vector.shape_cast %swap3A_184 : vector<1x16xf32> to vector<16xf32>
      %swap3A_186 = vector.shape_cast %mul3A_181 : vector<16xf32> to vector<1x16xf32>
      tpu.vector_store %arg12[%swap3A_182, %swap3A_183], %swap3A_186 {strides = array<i32>} : memref<320x32xf32, #tpu.memory_space<vmem>>, vector<1x16xf32>,
      %get3A_187 = arith.index_cast %add3A_124 : i32 to index
      %get3A_188 = arith.constant 16 : index
      %get3A_189 = tpu.vector_load %arg12[%get3A_187, %get3A_188] {strides = array<i32>} : memref<320x32xf32, #tpu.memory_space<vmem>>, vector<1x16xf32>,
      %get3A_190 = vector.shape_cast %get3A_189 : vector<1x16xf32> to vector<16xf32>
      %mul3A_191 = arith.mulf %get3A_190, %mul3A_170 : vector<16xf32>
      %swap3A_192 = arith.index_cast %add3A_124 : i32 to index
      %swap3A_193 = arith.constant 16 : index
      %swap3A_194 = tpu.vector_load %arg12[%swap3A_192, %swap3A_193] {strides = array<i32>} : memref<320x32xf32, #tpu.memory_space<vmem>>, vector<1x16xf32>,
      %swap3A_195 = vector.shape_cast %swap3A_194 : vector<1x16xf32> to vector<16xf32>
      %swap3A_196 = vector.shape_cast %mul3A_191 : vector<16xf32> to vector<1x16xf32>
      tpu.vector_store %arg12[%swap3A_192, %swap3A_193], %swap3A_196 {strides = array<i32>} : memref<320x32xf32, #tpu.memory_space<vmem>>, vector<1x16xf32>,
      %mul3A_197 = arith.constant 4 : i32
      %mul3A_198 = arith.muli %mul3A_197, %scan3A_120 : i32
      %add3A_199 = arith.constant 1 : i32
      %add3A_200 = arith.addi %mul3A_198, %add3A_199 : i32
      %add3A_201 = arith.constant 320 : i32
      %add3A_202 = arith.addi %add3A_201, %add3A_200 : i32
      %get3A_203 = arith.index_cast %add3A_202 : i32 to index
      %get3A_204 = arith.constant 0 : index
      %get3A_205 = tpu.vector_load %arg14[%get3A_203, %get3A_204] {strides = array<i32>} : memref<640x16xf32, #tpu.memory_space<vmem>>, vector<1x16xf32>,
      %get3A_206 = vector.shape_cast %get3A_205 : vector<1x16xf32> to vector<16xf32>
      %get3A_207 = arith.index_cast %add3A_200 : i32 to index
      %get3A_208 = arith.constant 0 : index
      %get3A_209 = tpu.vector_load %arg15[%get3A_207, %get3A_208] {strides = array<i32>} : memref<320x16xf32, #tpu.memory_space<vmem>>, vector<1x16xf32>,
      %get3A_210 = vector.shape_cast %get3A_209 : vector<1x16xf32> to vector<16xf32>
      %add3A_211 = arith.addf %get3A_206, %get3A_210 : vector<16xf32>
      %add3A_212 = arith.constant 1.000000e+00 : f32
      %add3A_213 = vector.broadcast %add3A_212 : f32 to vector<16xf32>
      %add3A_214 = arith.addf %add3A_211, %add3A_213 : vector<16xf32>
      %bitcast_convert_type3A_215 = tpu.bitcast %add3A_214 : vector<16xf32> -> vector<16xi32>
      %shift_right_arithmetic3A_216 = arith.constant 1 : i32
      %shift_right_arithmetic3A_217 = vector.broadcast %shift_right_arithmetic3A_216 : i32 to vector<16xi32>
      %shift_right_arithmetic3A_218 = arith.shrsi %bitcast_convert_type3A_215, %shift_right_arithmetic3A_217 : vector<16xi32>
      %sub3A_219 = arith.constant 1597463007 : i32
      %sub3A_220 = vector.broadcast %sub3A_219 : i32 to vector<16xi32>
      %sub3A_221 = arith.subi %sub3A_220, %shift_right_arithmetic3A_218 : vector<16xi32>
      %bitcast_convert_type3A_222 = tpu.bitcast %sub3A_221 : vector<16xi32> -> vector<16xf32>
      %mul3A_223 = arith.constant 5.000000e-01 : f32
      %mul3A_224 = vector.broadcast %mul3A_223 : f32 to vector<16xf32>
      %mul3A_225 = arith.mulf %mul3A_224, %add3A_214 : vector<16xf32>
      %mul3A_226 = arith.mulf %mul3A_225, %bitcast_convert_type3A_222 : vector<16xf32>
      %mul3A_227 = arith.mulf %mul3A_226, %bitcast_convert_type3A_222 : vector<16xf32>
      %sub3A_228 = arith.constant 1.500000e+00 : f32
      %sub3A_229 = vector.broadcast %sub3A_228 : f32 to vector<16xf32>
      %sub3A_230 = arith.subf %sub3A_229, %mul3A_227 : vector<16xf32>
      %mul3A_231 = arith.mulf %bitcast_convert_type3A_222, %sub3A_230 : vector<16xf32>
      %mul3A_232 = arith.constant 5.000000e-01 : f32
      %mul3A_233 = vector.broadcast %mul3A_232 : f32 to vector<16xf32>
      %mul3A_234 = arith.mulf %mul3A_233, %add3A_214 : vector<16xf32>
      %mul3A_235 = arith.mulf %mul3A_234, %mul3A_231 : vector<16xf32>
      %mul3A_236 = arith.mulf %mul3A_235, %mul3A_231 : vector<16xf32>
      %sub3A_237 = arith.constant 1.500000e+00 : f32
      %sub3A_238 = vector.broadcast %sub3A_237 : f32 to vector<16xf32>
      %sub3A_239 = arith.subf %sub3A_238, %mul3A_236 : vector<16xf32>
      %mul3A_240 = arith.mulf %mul3A_231, %sub3A_239 : vector<16xf32>
      %mul3A_241 = arith.constant 5.000000e-01 : f32
      %mul3A_242 = vector.broadcast %mul3A_241 : f32 to vector<16xf32>
      %mul3A_243 = arith.mulf %mul3A_242, %add3A_214 : vector<16xf32>
      %mul3A_244 = arith.mulf %mul3A_243, %mul3A_240 : vector<16xf32>
      %mul3A_245 = arith.mulf %mul3A_244, %mul3A_240 : vector<16xf32>
      %sub3A_246 = arith.constant 1.500000e+00 : f32
      %sub3A_247 = vector.broadcast %sub3A_246 : f32 to vector<16xf32>
      %sub3A_248 = arith.subf %sub3A_247, %mul3A_245 : vector<16xf32>
      %mul3A_249 = arith.mulf %mul3A_240, %sub3A_248 : vector<16xf32>
      %add3A_250 = arith.constant 320 : i32
      %add3A_251 = arith.addi %add3A_250, %add3A_200 : i32
      %swap3A_252 = arith.index_cast %add3A_251 : i32 to index
      %swap3A_253 = arith.constant 0 : index
      %swap3A_254 = tpu.vector_load %arg14[%swap3A_252, %swap3A_253] {strides = array<i32>} : memref<640x16xf32, #tpu.memory_space<vmem>>, vector<1x16xf32>,
      %swap3A_255 = vector.shape_cast %swap3A_254 : vector<1x16xf32> to vector<16xf32>
      %swap3A_256 = vector.shape_cast %mul3A_249 : vector<16xf32> to vector<1x16xf32>
      tpu.vector_store %arg14[%swap3A_252, %swap3A_253], %swap3A_256 {strides = array<i32>} : memref<640x16xf32, #tpu.memory_space<vmem>>, vector<1x16xf32>,
      %get3A_257 = arith.index_cast %add3A_200 : i32 to index
      %get3A_258 = arith.constant 0 : index
      %get3A_259 = tpu.vector_load %arg12[%get3A_257, %get3A_258] {strides = array<i32>} : memref<320x32xf32, #tpu.memory_space<vmem>>, vector<1x16xf32>,
      %get3A_260 = vector.shape_cast %get3A_259 : vector<1x16xf32> to vector<16xf32>
      %mul3A_261 = arith.mulf %get3A_260, %mul3A_249 : vector<16xf32>
      %swap3A_262 = arith.index_cast %add3A_200 : i32 to index
      %swap3A_263 = arith.constant 0 : index
      %swap3A_264 = tpu.vector_load %arg12[%swap3A_262, %swap3A_263] {strides = array<i32>} : memref<320x32xf32, #tpu.memory_space<vmem>>, vector<1x16xf32>,
      %swap3A_265 = vector.shape_cast %swap3A_264 : vector<1x16xf32> to vector<16xf32>
      %swap3A_266 = vector.shape_cast %mul3A_261 : vector<16xf32> to vector<1x16xf32>
      tpu.vector_store %arg12[%swap3A_262, %swap3A_263], %swap3A_266 {strides = array<i32>} : memref<320x32xf32, #tpu.memory_space<vmem>>, vector<1x16xf32>,
      %get3A_267 = arith.index_cast %add3A_200 : i32 to index
      %get3A_268 = arith.constant 16 : index
      %get3A_269 = tpu.vector_load %arg12[%get3A_267, %get3A_268] {strides = array<i32>} : memref<320x32xf32, #tpu.memory_space<vmem>>, vector<1x16xf32>,
      %get3A_270 = vector.shape_cast %get3A_269 : vector<1x16xf32> to vector<16xf32>
      %mul3A_271 = arith.mulf %get3A_270, %mul3A_249 : vector<16xf32>
      %swap3A_272 = arith.index_cast %add3A_200 : i32 to index
      %swap3A_273 = arith.constant 16 : index
      %swap3A_274 = tpu.vector_load %arg12[%swap3A_272, %swap3A_273] {strides = array<i32>} : memref<320x32xf32, #tpu.memory_space<vmem>>, vector<1x16xf32>,
      %swap3A_275 = vector.shape_cast %swap3A_274 : vector<1x16xf32> to vector<16xf32>
      %swap3A_276 = vector.shape_cast %mul3A_271 : vector<16xf32> to vector<1x16xf32>
      tpu.vector_store %arg12[%swap3A_272, %swap3A_273], %swap3A_276 {strides = array<i32>} : memref<320x32xf32, #tpu.memory_space<vmem>>, vector<1x16xf32>,
      %mul3A_277 = arith.constant 4 : i32
      %mul3A_278 = arith.muli %mul3A_277, %scan3A_120 : i32
      %add3A_279 = arith.constant 2 : i32
      %add3A_280 = arith.addi %mul3A_278, %add3A_279 : i32
      %add3A_281 = arith.constant 320 : i32
      %add3A_282 = arith.addi %add3A_281, %add3A_280 : i32
      %get3A_283 = arith.index_cast %add3A_282 : i32 to index
      %get3A_284 = arith.constant 0 : index
      %get3A_285 = tpu.vector_load %arg14[%get3A_283, %get3A_284] {strides = array<i32>} : memref<640x16xf32, #tpu.memory_space<vmem>>, vector<1x16xf32>,
      %get3A_286 = vector.shape_cast %get3A_285 : vector<1x16xf32> to vector<16xf32>
      %get3A_287 = arith.index_cast %add3A_280 : i32 to index
      %get3A_288 = arith.constant 0 : index
      %get3A_289 = tpu.vector_load %arg15[%get3A_287, %get3A_288] {strides = array<i32>} : memref<320x16xf32, #tpu.memory_space<vmem>>, vector<1x16xf32>,
      %get3A_290 = vector.shape_cast %get3A_289 : vector<1x16xf32> to vector<16xf32>
      %add3A_291 = arith.addf %get3A_286, %get3A_290 : vector<16xf32>
      %add3A_292 = arith.constant 1.000000e+00 : f32
      %add3A_293 = vector.broadcast %add3A_292 : f32 to vector<16xf32>
      %add3A_294 = arith.addf %add3A_291, %add3A_293 : vector<16xf32>
      %bitcast_convert_type3A_295 = tpu.bitcast %add3A_294 : vector<16xf32> -> vector<16xi32>
      %shift_right_arithmetic3A_296 = arith.constant 1 : i32
      %shift_right_arithmetic3A_297 = vector.broadcast %shift_right_arithmetic3A_296 : i32 to vector<16xi32>
      %shift_right_arithmetic3A_298 = arith.shrsi %bitcast_convert_type3A_295, %shift_right_arithmetic3A_297 : vector<16xi32>
      %sub3A_299 = arith.constant 1597463007 : i32
      %sub3A_300 = vector.broadcast %sub3A_299 : i32 to vector<16xi32>
      %sub3A_301 = arith.subi %sub3A_300, %shift_right_arithmetic3A_298 : vector<16xi32>
      %bitcast_convert_type3A_302 = tpu.bitcast %sub3A_301 : vector<16xi32> -> vector<16xf32>
      %mul3A_303 = arith.constant 5.000000e-01 : f32
      %mul3A_304 = vector.broadcast %mul3A_303 : f32 to vector<16xf32>
      %mul3A_305 = arith.mulf %mul3A_304, %add3A_294 : vector<16xf32>
      %mul3A_306 = arith.mulf %mul3A_305, %bitcast_convert_type3A_302 : vector<16xf32>
      %mul3A_307 = arith.mulf %mul3A_306, %bitcast_convert_type3A_302 : vector<16xf32>
      %sub3A_308 = arith.constant 1.500000e+00 : f32
      %sub3A_309 = vector.broadcast %sub3A_308 : f32 to vector<16xf32>
      %sub3A_310 = arith.subf %sub3A_309, %mul3A_307 : vector<16xf32>
      %mul3A_311 = arith.mulf %bitcast_convert_type3A_302, %sub3A_310 : vector<16xf32>
      %mul3A_312 = arith.constant 5.000000e-01 : f32
      %mul3A_313 = vector.broadcast %mul3A_312 : f32 to vector<16xf32>
      %mul3A_314 = arith.mulf %mul3A_313, %add3A_294 : vector<16xf32>
      %mul3A_315 = arith.mulf %mul3A_314, %mul3A_311 : vector<16xf32>
      %mul3A_316 = arith.mulf %mul3A_315, %mul3A_311 : vector<16xf32>
      %sub3A_317 = arith.constant 1.500000e+00 : f32
      %sub3A_318 = vector.broadcast %sub3A_317 : f32 to vector<16xf32>
      %sub3A_319 = arith.subf %sub3A_318, %mul3A_316 : vector<16xf32>
      %mul3A_320 = arith.mulf %mul3A_311, %sub3A_319 : vector<16xf32>
      %mul3A_321 = arith.constant 5.000000e-01 : f32
      %mul3A_322 = vector.broadcast %mul3A_321 : f32 to vector<16xf32>
      %mul3A_323 = arith.mulf %mul3A_322, %add3A_294 : vector<16xf32>
      %mul3A_324 = arith.mulf %mul3A_323, %mul3A_320 : vector<16xf32>
      %mul3A_325 = arith.mulf %mul3A_324, %mul3A_320 : vector<16xf32>
      %sub3A_326 = arith.constant 1.500000e+00 : f32
      %sub3A_327 = vector.broadcast %sub3A_326 : f32 to vector<16xf32>
      %sub3A_328 = arith.subf %sub3A_327, %mul3A_325 : vector<16xf32>
      %mul3A_329 = arith.mulf %mul3A_320, %sub3A_328 : vector<16xf32>
      %add3A_330 = arith.constant 320 : i32
      %add3A_331 = arith.addi %add3A_330, %add3A_280 : i32
      %swap3A_332 = arith.index_cast %add3A_331 : i32 to index
      %swap3A_333 = arith.constant 0 : index
      %swap3A_334 = tpu.vector_load %arg14[%swap3A_332, %swap3A_333] {strides = array<i32>} : memref<640x16xf32, #tpu.memory_space<vmem>>, vector<1x16xf32>,
      %swap3A_335 = vector.shape_cast %swap3A_334 : vector<1x16xf32> to vector<16xf32>
      %swap3A_336 = vector.shape_cast %mul3A_329 : vector<16xf32> to vector<1x16xf32>
      tpu.vector_store %arg14[%swap3A_332, %swap3A_333], %swap3A_336 {strides = array<i32>} : memref<640x16xf32, #tpu.memory_space<vmem>>, vector<1x16xf32>,
      %get3A_337 = arith.index_cast %add3A_280 : i32 to index
      %get3A_338 = arith.constant 0 : index
      %get3A_339 = tpu.vector_load %arg12[%get3A_337, %get3A_338] {strides = array<i32>} : memref<320x32xf32, #tpu.memory_space<vmem>>, vector<1x16xf32>,
      %get3A_340 = vector.shape_cast %get3A_339 : vector<1x16xf32> to vector<16xf32>
      %mul3A_341 = arith.mulf %get3A_340, %mul3A_329 : vector<16xf32>
      %swap3A_342 = arith.index_cast %add3A_280 : i32 to index
      %swap3A_343 = arith.constant 0 : index
      %swap3A_344 = tpu.vector_load %arg12[%swap3A_342, %swap3A_343] {strides = array<i32>} : memref<320x32xf32, #tpu.memory_space<vmem>>, vector<1x16xf32>,
      %swap3A_345 = vector.shape_cast %swap3A_344 : vector<1x16xf32> to vector<16xf32>
      %swap3A_346 = vector.shape_cast %mul3A_341 : vector<16xf32> to vector<1x16xf32>
      tpu.vector_store %arg12[%swap3A_342, %swap3A_343], %swap3A_346 {strides = array<i32>} : memref<320x32xf32, #tpu.memory_space<vmem>>, vector<1x16xf32>,
      %get3A_347 = arith.index_cast %add3A_280 : i32 to index
      %get3A_348 = arith.constant 16 : index
      %get3A_349 = tpu.vector_load %arg12[%get3A_347, %get3A_348] {strides = array<i32>} : memref<320x32xf32, #tpu.memory_space<vmem>>, vector<1x16xf32>,
      %get3A_350 = vector.shape_cast %get3A_349 : vector<1x16xf32> to vector<16xf32>
      %mul3A_351 = arith.mulf %get3A_350, %mul3A_329 : vector<16xf32>
      %swap3A_352 = arith.index_cast %add3A_280 : i32 to index
      %swap3A_353 = arith.constant 16 : index
      %swap3A_354 = tpu.vector_load %arg12[%swap3A_352, %swap3A_353] {strides = array<i32>} : memref<320x32xf32, #tpu.memory_space<vmem>>, vector<1x16xf32>,
      %swap3A_355 = vector.shape_cast %swap3A_354 : vector<1x16xf32> to vector<16xf32>
      %swap3A_356 = vector.shape_cast %mul3A_351 : vector<16xf32> to vector<1x16xf32>
      tpu.vector_store %arg12[%swap3A_352, %swap3A_353], %swap3A_356 {strides = array<i32>} : memref<320x32xf32, #tpu.memory_space<vmem>>, vector<1x16xf32>,
      %mul3A_357 = arith.constant 4 : i32
      %mul3A_358 = arith.muli %mul3A_357, %scan3A_120 : i32
      %add3A_359 = arith.constant 3 : i32
      %add3A_360 = arith.addi %mul3A_358, %add3A_359 : i32
      %add3A_361 = arith.constant 320 : i32
      %add3A_362 = arith.addi %add3A_361, %add3A_360 : i32
      %get3A_363 = arith.index_cast %add3A_362 : i32 to index
      %get3A_364 = arith.constant 0 : index
      %get3A_365 = tpu.vector_load %arg14[%get3A_363, %get3A_364] {strides = array<i32>} : memref<640x16xf32, #tpu.memory_space<vmem>>, vector<1x16xf32>,
      %get3A_366 = vector.shape_cast %get3A_365 : vector<1x16xf32> to vector<16xf32>
      %get3A_367 = arith.index_cast %add3A_360 : i32 to index
      %get3A_368 = arith.constant 0 : index
      %get3A_369 = tpu.vector_load %arg15[%get3A_367, %get3A_368] {strides = array<i32>} : memref<320x16xf32, #tpu.memory_space<vmem>>, vector<1x16xf32>,
      %get3A_370 = vector.shape_cast %get3A_369 : vector<1x16xf32> to vector<16xf32>
      %add3A_371 = arith.addf %get3A_366, %get3A_370 : vector<16xf32>
      %add3A_372 = arith.constant 1.000000e+00 : f32
      %add3A_373 = vector.broadcast %add3A_372 : f32 to vector<16xf32>
      %add3A_374 = arith.addf %add3A_371, %add3A_373 : vector<16xf32>
      %bitcast_convert_type3A_375 = tpu.bitcast %add3A_374 : vector<16xf32> -> vector<16xi32>
      %shift_right_arithmetic3A_376 = arith.constant 1 : i32
      %shift_right_arithmetic3A_377 = vector.broadcast %shift_right_arithmetic3A_376 : i32 to vector<16xi32>
      %shift_right_arithmetic3A_378 = arith.shrsi %bitcast_convert_type3A_375, %shift_right_arithmetic3A_377 : vector<16xi32>
      %sub3A_379 = arith.constant 1597463007 : i32
      %sub3A_380 = vector.broadcast %sub3A_379 : i32 to vector<16xi32>
      %sub3A_381 = arith.subi %sub3A_380, %shift_right_arithmetic3A_378 : vector<16xi32>
      %bitcast_convert_type3A_382 = tpu.bitcast %sub3A_381 : vector<16xi32> -> vector<16xf32>
      %mul3A_383 = arith.constant 5.000000e-01 : f32
      %mul3A_384 = vector.broadcast %mul3A_383 : f32 to vector<16xf32>
      %mul3A_385 = arith.mulf %mul3A_384, %add3A_374 : vector<16xf32>
      %mul3A_386 = arith.mulf %mul3A_385, %bitcast_convert_type3A_382 : vector<16xf32>
      %mul3A_387 = arith.mulf %mul3A_386, %bitcast_convert_type3A_382 : vector<16xf32>
      %sub3A_388 = arith.constant 1.500000e+00 : f32
      %sub3A_389 = vector.broadcast %sub3A_388 : f32 to vector<16xf32>
      %sub3A_390 = arith.subf %sub3A_389, %mul3A_387 : vector<16xf32>
      %mul3A_391 = arith.mulf %bitcast_convert_type3A_382, %sub3A_390 : vector<16xf32>
      %mul3A_392 = arith.constant 5.000000e-01 : f32
      %mul3A_393 = vector.broadcast %mul3A_392 : f32 to vector<16xf32>
      %mul3A_394 = arith.mulf %mul3A_393, %add3A_374 : vector<16xf32>
      %mul3A_395 = arith.mulf %mul3A_394, %mul3A_391 : vector<16xf32>
      %mul3A_396 = arith.mulf %mul3A_395, %mul3A_391 : vector<16xf32>
      %sub3A_397 = arith.constant 1.500000e+00 : f32
      %sub3A_398 = vector.broadcast %sub3A_397 : f32 to vector<16xf32>
      %sub3A_399 = arith.subf %sub3A_398, %mul3A_396 : vector<16xf32>
      %mul3A_400 = arith.mulf %mul3A_391, %sub3A_399 : vector<16xf32>
      %mul3A_401 = arith.constant 5.000000e-01 : f32
      %mul3A_402 = vector.broadcast %mul3A_401 : f32 to vector<16xf32>
      %mul3A_403 = arith.mulf %mul3A_402, %add3A_374 : vector<16xf32>
      %mul3A_404 = arith.mulf %mul3A_403, %mul3A_400 : vector<16xf32>
      %mul3A_405 = arith.mulf %mul3A_404, %mul3A_400 : vector<16xf32>
      %sub3A_406 = arith.constant 1.500000e+00 : f32
      %sub3A_407 = vector.broadcast %sub3A_406 : f32 to vector<16xf32>
      %sub3A_408 = arith.subf %sub3A_407, %mul3A_405 : vector<16xf32>
      %mul3A_409 = arith.mulf %mul3A_400, %sub3A_408 : vector<16xf32>
      %add3A_410 = arith.constant 320 : i32
      %add3A_411 = arith.addi %add3A_410, %add3A_360 : i32
      %swap3A_412 = arith.index_cast %add3A_411 : i32 to index
      %swap3A_413 = arith.constant 0 : index
      %swap3A_414 = tpu.vector_load %arg14[%swap3A_412, %swap3A_413] {strides = array<i32>} : memref<640x16xf32, #tpu.memory_space<vmem>>, vector<1x16xf32>,
      %swap3A_415 = vector.shape_cast %swap3A_414 : vector<1x16xf32> to vector<16xf32>
      %swap3A_416 = vector.shape_cast %mul3A_409 : vector<16xf32> to vector<1x16xf32>
      tpu.vector_store %arg14[%swap3A_412, %swap3A_413], %swap3A_416 {strides = array<i32>} : memref<640x16xf32, #tpu.memory_space<vmem>>, vector<1x16xf32>,
      %get3A_417 = arith.index_cast %add3A_360 : i32 to index
      %get3A_418 = arith.constant 0 : index
      %get3A_419 = tpu.vector_load %arg12[%get3A_417, %get3A_418] {strides = array<i32>} : memref<320x32xf32, #tpu.memory_space<vmem>>, vector<1x16xf32>,
      %get3A_420 = vector.shape_cast %get3A_419 : vector<1x16xf32> to vector<16xf32>
      %mul3A_421 = arith.mulf %get3A_420, %mul3A_409 : vector<16xf32>
      %swap3A_422 = arith.index_cast %add3A_360 : i32 to index
      %swap3A_423 = arith.constant 0 : index
      %swap3A_424 = tpu.vector_load %arg12[%swap3A_422, %swap3A_423] {strides = array<i32>} : memref<320x32xf32, #tpu.memory_space<vmem>>, vector<1x16xf32>,
      %swap3A_425 = vector.shape_cast %swap3A_424 : vector<1x16xf32> to vector<16xf32>
      %swap3A_426 = vector.shape_cast %mul3A_421 : vector<16xf32> to vector<1x16xf32>
      tpu.vector_store %arg12[%swap3A_422, %swap3A_423], %swap3A_426 {strides = array<i32>} : memref<320x32xf32, #tpu.memory_space<vmem>>, vector<1x16xf32>,
      %get3A_427 = arith.index_cast %add3A_360 : i32 to index
      %get3A_428 = arith.constant 16 : index
      %get3A_429 = tpu.vector_load %arg12[%get3A_427, %get3A_428] {strides = array<i32>} : memref<320x32xf32, #tpu.memory_space<vmem>>, vector<1x16xf32>,
      %get3A_430 = vector.shape_cast %get3A_429 : vector<1x16xf32> to vector<16xf32>
      %mul3A_431 = arith.mulf %get3A_430, %mul3A_409 : vector<16xf32>
      %swap3A_432 = arith.index_cast %add3A_360 : i32 to index
      %swap3A_433 = arith.constant 16 : index
      %swap3A_434 = tpu.vector_load %arg12[%swap3A_432, %swap3A_433] {strides = array<i32>} : memref<320x32xf32, #tpu.memory_space<vmem>>, vector<1x16xf32>,
      %swap3A_435 = vector.shape_cast %swap3A_434 : vector<1x16xf32> to vector<16xf32>
      %swap3A_436 = vector.shape_cast %mul3A_431 : vector<16xf32> to vector<1x16xf32>
      tpu.vector_store %arg12[%swap3A_432, %swap3A_433], %swap3A_436 {strides = array<i32>} : memref<320x32xf32, #tpu.memory_space<vmem>>, vector<1x16xf32>,
    }
    %scan3A_37 = arith.constant 80 : i32
    "tpu.region"() ({
      %run_scoped3A = tpu.sem_alloc : memref<!tpu.dma_semaphore, #tpu.memory_space<semaphore_mem>>
      %dma_start3A_120 = arith.constant 0 : i32
      %dma_start3A_121 = tpu.memref_slice %arg18[%add3A_27, %dma_start3A_120] : memref<10240x32xf32, #tpu.memory_space<vmem_shared>> -> memref<320x32xf32, #tpu.memory_space<vmem_shared>>
      %dma_start3A_122 = arith.constant 0 : i32
      %dma_start3A_123 = tpu.memref_slice %arg18[%add3A_27, %dma_start3A_122] : memref<10240x32xf32, #tpu.memory_space<vmem_shared>> -> memref<320x32xf32, #tpu.memory_space<vmem_shared>>
      tpu.enqueue_dma source(%arg12 : memref<320x32xf32, #tpu.memory_space<vmem>>) target(%dma_start3A_123 : memref<320x32xf32, #tpu.memory_space<vmem_shared>>) target_semaphore(%run_scoped3A : memref<!tpu.dma_semaphore, #tpu.memory_space<semaphore_mem>>)
      %dma_wait3A = arith.constant 0 : i32
      %dma_wait3A_124 = tpu.memref_slice %arg18[%add3A_27, %dma_wait3A] : memref<10240x32xf32, #tpu.memory_space<vmem_shared>> -> memref<320x32xf32, #tpu.memory_space<vmem_shared>>
      %dma_wait3A_125 = arith.constant 0 : i32
      %dma_wait3A_126 = tpu.memref_slice %arg18[%add3A_27, %dma_wait3A_125] : memref<10240x32xf32, #tpu.memory_space<vmem_shared>> -> memref<320x32xf32, #tpu.memory_space<vmem_shared>>
      tpu.wait_dma2 semaphore(%run_scoped3A : memref<!tpu.dma_semaphore, #tpu.memory_space<semaphore_mem>>) src(%arg12 : memref<320x32xf32, #tpu.memory_space<vmem>>) dst(%dma_wait3A_126 : memref<320x32xf32, #tpu.memory_space<vmem_shared>>)
      tpu.yield
    }) : () -> ()
    %barrier3A = arith.constant 0 : index
    tpu.barrier barrier_id(%barrier3A)
    %dma_start3A = arith.constant 0 : i32
    %dma_start3A_38 = arith.constant 0 : i32
    %dma_start3A_39 = tpu.memref_slice %arg8[%dma_start3A, %dma_start3A_38] : memref<157x128xi32, #tpu.memory_space<vmem>> -> memref<1x128xi32, #tpu.memory_space<vmem>>
    %dma_start3A_40 = tpu.memref_squeeze %dma_start3A_39 : memref<1x128xi32, #tpu.memory_space<vmem>> -> memref<128xi32, #tpu.memory_space<vmem>>
    %dma_start3A_41 = arith.constant 0 : i32
    %dma_start3A_42 = arith.constant 0 : i32
    %dma_start3A_43 = tpu.memref_slice %arg18[%dma_start3A_41, %dma_start3A_42] : memref<10240x32xf32, #tpu.memory_space<vmem_shared>> -> memref<10240x32xf32, #tpu.memory_space<vmem_shared>>
    tpu.enqueue_indirect_dma source(%dma_start3A_43 : memref<10240x32xf32, #tpu.memory_space<vmem_shared>>) target(%arg10 : memref<128x32xf32, #tpu.memory_space<vmem>>) offsets(%dma_start3A_40 : memref<128xi32, #tpu.memory_space<vmem>>) semaphore(%arg19 : memref<!tpu.dma_semaphore, #tpu.memory_space<semaphore_mem>>)
    %scan3A_44 = arith.constant 0 : i32
    %scan3A_45 = arith.constant 0 : i32
    %scan3A_46 = arith.constant 78 : i32
    %scan3A_47 = arith.addi %scan3A_45, %scan3A_46 : i32
    %scan3A_48 = arith.constant 1 : i32
    scf.for %scan3A_120 = %scan3A_45 to %scan3A_47 step %scan3A_48  : i32 {
      %mul3A_121 = arith.constant 2 : i32
      %mul3A_122 = arith.muli %mul3A_121, %scan3A_120 : i32
      %add3A_123 = arith.constant 1 : i32
      %add3A_124 = arith.addi %mul3A_122, %add3A_123 : i32
      %dma_start3A_125 = arith.constant 0 : i32
      %dma_start3A_126 = tpu.memref_slice %arg8[%add3A_124, %dma_start3A_125] : memref<157x128xi32, #tpu.memory_space<vmem>> -> memref<1x128xi32, #tpu.memory_space<vmem>>
      %dma_start3A_127 = tpu.memref_squeeze %dma_start3A_126 : memref<1x128xi32, #tpu.memory_space<vmem>> -> memref<128xi32, #tpu.memory_space<vmem>>
      %dma_start3A_128 = arith.constant 0 : i32
      %dma_start3A_129 = arith.constant 0 : i32
      %dma_start3A_130 = tpu.memref_slice %arg18[%dma_start3A_128, %dma_start3A_129] : memref<10240x32xf32, #tpu.memory_space<vmem_shared>> -> memref<10240x32xf32, #tpu.memory_space<vmem_shared>>
      tpu.enqueue_indirect_dma source(%dma_start3A_130 : memref<10240x32xf32, #tpu.memory_space<vmem_shared>>) target(%arg11 : memref<128x32xf32, #tpu.memory_space<vmem>>) offsets(%dma_start3A_127 : memref<128xi32, #tpu.memory_space<vmem>>) semaphore(%arg20 : memref<!tpu.dma_semaphore, #tpu.memory_space<semaphore_mem>>)
      %dma_wait3A = arith.constant 0 : i32
      %dma_wait3A_131 = tpu.memref_slice %arg8[%mul3A_122, %dma_wait3A] : memref<157x128xi32, #tpu.memory_space<vmem>> -> memref<1x128xi32, #tpu.memory_space<vmem>>
      %dma_wait3A_132 = tpu.memref_squeeze %dma_wait3A_131 : memref<1x128xi32, #tpu.memory_space<vmem>> -> memref<128xi32, #tpu.memory_space<vmem>>
      %dma_wait3A_133 = arith.constant 0 : i32
      %dma_wait3A_134 = arith.constant 0 : i32
      %dma_wait3A_135 = tpu.memref_slice %arg18[%dma_wait3A_133, %dma_wait3A_134] : memref<10240x32xf32, #tpu.memory_space<vmem_shared>> -> memref<10240x32xf32, #tpu.memory_space<vmem_shared>>
      tpu.wait_indirect_dma semaphore(%arg19 : memref<!tpu.dma_semaphore, #tpu.memory_space<semaphore_mem>>) src(%dma_wait3A_135 : memref<10240x32xf32, #tpu.memory_space<vmem_shared>>) dst(%arg10 : memref<128x32xf32, #tpu.memory_space<vmem>>)
      "tpu.region"() ({
        %run_scoped3A = tpu.sem_alloc : memref<!tpu.dma_semaphore, #tpu.memory_space<semaphore_mem>>
        %dma_start3A_152 = arith.constant 0 : i32
        %dma_start3A_153 = tpu.memref_slice %arg9[%mul3A_122, %dma_start3A_152] : memref<157x128xi32, #tpu.memory_space<vmem>> -> memref<1x128xi32, #tpu.memory_space<vmem>>
        %dma_start3A_154 = tpu.memref_squeeze %dma_start3A_153 : memref<1x128xi32, #tpu.memory_space<vmem>> -> memref<128xi32, #tpu.memory_space<vmem>>
        %dma_start3A_155 = arith.constant 0 : i32
        %dma_start3A_156 = arith.constant 0 : i32
        %dma_start3A_157 = tpu.memref_slice %arg17[%dma_start3A_155, %dma_start3A_156] : memref<10240x32xf32, #tpu.memory_space<vmem_shared>> -> memref<10240x32xf32, #tpu.memory_space<vmem_shared>>
        tpu.enqueue_indirect_dma source(%arg10 : memref<128x32xf32, #tpu.memory_space<vmem>>) target(%dma_start3A_157 : memref<10240x32xf32, #tpu.memory_space<vmem_shared>>) offsets(%dma_start3A_154 : memref<128xi32, #tpu.memory_space<vmem>>) semaphore(%run_scoped3A : memref<!tpu.dma_semaphore, #tpu.memory_space<semaphore_mem>>) {add = true}
        %dma_wait3A_158 = arith.constant 0 : i32
        %dma_wait3A_159 = tpu.memref_slice %arg9[%mul3A_122, %dma_wait3A_158] : memref<157x128xi32, #tpu.memory_space<vmem>> -> memref<1x128xi32, #tpu.memory_space<vmem>>
        %dma_wait3A_160 = tpu.memref_squeeze %dma_wait3A_159 : memref<1x128xi32, #tpu.memory_space<vmem>> -> memref<128xi32, #tpu.memory_space<vmem>>
        %dma_wait3A_161 = arith.constant 0 : i32
        %dma_wait3A_162 = arith.constant 0 : i32
        %dma_wait3A_163 = tpu.memref_slice %arg17[%dma_wait3A_161, %dma_wait3A_162] : memref<10240x32xf32, #tpu.memory_space<vmem_shared>> -> memref<10240x32xf32, #tpu.memory_space<vmem_shared>>
        tpu.wait_indirect_dma semaphore(%run_scoped3A : memref<!tpu.dma_semaphore, #tpu.memory_space<semaphore_mem>>) src(%arg10 : memref<128x32xf32, #tpu.memory_space<vmem>>) dst(%dma_wait3A_163 : memref<10240x32xf32, #tpu.memory_space<vmem_shared>>)
        tpu.yield
      }) : () -> ()
      %add3A_136 = arith.constant 2 : i32
      %add3A_137 = arith.addi %mul3A_122, %add3A_136 : i32
      %lt3A_138 = arith.cmpi slt, %add3A_137, %add3A_6 : i32
      %convert_element_type3A_139 = arith.extui %lt3A_138 : i1 to i32
      %cond3A_140 = arith.constant 0 : i32
      %cond3A_141 = arith.cmpi ne, %convert_element_type3A_139, %cond3A_140 : i32
      scf.if %cond3A_141 {
        %add3A_152 = arith.constant 2 : i32
        %add3A_153 = arith.addi %mul3A_122, %add3A_152 : i32
        %dma_start3A_154 = arith.constant 0 : i32
        %dma_start3A_155 = tpu.memref_slice %arg8[%add3A_153, %dma_start3A_154] : memref<157x128xi32, #tpu.memory_space<vmem>> -> memref<1x128xi32, #tpu.memory_space<vmem>>
        %dma_start3A_156 = tpu.memref_squeeze %dma_start3A_155 : memref<1x128xi32, #tpu.memory_space<vmem>> -> memref<128xi32, #tpu.memory_space<vmem>>
        %dma_start3A_157 = arith.constant 0 : i32
        %dma_start3A_158 = arith.constant 0 : i32
        %dma_start3A_159 = tpu.memref_slice %arg18[%dma_start3A_157, %dma_start3A_158] : memref<10240x32xf32, #tpu.memory_space<vmem_shared>> -> memref<10240x32xf32, #tpu.memory_space<vmem_shared>>
        tpu.enqueue_indirect_dma source(%dma_start3A_159 : memref<10240x32xf32, #tpu.memory_space<vmem_shared>>) target(%arg10 : memref<128x32xf32, #tpu.memory_space<vmem>>) offsets(%dma_start3A_156 : memref<128xi32, #tpu.memory_space<vmem>>) semaphore(%arg19 : memref<!tpu.dma_semaphore, #tpu.memory_space<semaphore_mem>>)
      } else {
      }
      %add3A_142 = arith.constant 1 : i32
      %add3A_143 = arith.addi %mul3A_122, %add3A_142 : i32
      %dma_wait3A_144 = arith.constant 0 : i32
      %dma_wait3A_145 = tpu.memref_slice %arg8[%add3A_143, %dma_wait3A_144] : memref<157x128xi32, #tpu.memory_space<vmem>> -> memref<1x128xi32, #tpu.memory_space<vmem>>
      %dma_wait3A_146 = tpu.memref_squeeze %dma_wait3A_145 : memref<1x128xi32, #tpu.memory_space<vmem>> -> memref<128xi32, #tpu.memory_space<vmem>>
      %dma_wait3A_147 = arith.constant 0 : i32
      %dma_wait3A_148 = arith.constant 0 : i32
      %dma_wait3A_149 = tpu.memref_slice %arg18[%dma_wait3A_147, %dma_wait3A_148] : memref<10240x32xf32, #tpu.memory_space<vmem_shared>> -> memref<10240x32xf32, #tpu.memory_space<vmem_shared>>
      tpu.wait_indirect_dma semaphore(%arg20 : memref<!tpu.dma_semaphore, #tpu.memory_space<semaphore_mem>>) src(%dma_wait3A_149 : memref<10240x32xf32, #tpu.memory_space<vmem_shared>>) dst(%arg11 : memref<128x32xf32, #tpu.memory_space<vmem>>)
      %add3A_150 = arith.constant 1 : i32
      %add3A_151 = arith.addi %mul3A_122, %add3A_150 : i32
      "tpu.region"() ({
        %run_scoped3A = tpu.sem_alloc : memref<!tpu.dma_semaphore, #tpu.memory_space<semaphore_mem>>
        %dma_start3A_152 = arith.constant 0 : i32
        %dma_start3A_153 = tpu.memref_slice %arg9[%add3A_151, %dma_start3A_152] : memref<157x128xi32, #tpu.memory_space<vmem>> -> memref<1x128xi32, #tpu.memory_space<vmem>>
        %dma_start3A_154 = tpu.memref_squeeze %dma_start3A_153 : memref<1x128xi32, #tpu.memory_space<vmem>> -> memref<128xi32, #tpu.memory_space<vmem>>
        %dma_start3A_155 = arith.constant 0 : i32
        %dma_start3A_156 = arith.constant 0 : i32
        %dma_start3A_157 = tpu.memref_slice %arg17[%dma_start3A_155, %dma_start3A_156] : memref<10240x32xf32, #tpu.memory_space<vmem_shared>> -> memref<10240x32xf32, #tpu.memory_space<vmem_shared>>
        tpu.enqueue_indirect_dma source(%arg11 : memref<128x32xf32, #tpu.memory_space<vmem>>) target(%dma_start3A_157 : memref<10240x32xf32, #tpu.memory_space<vmem_shared>>) offsets(%dma_start3A_154 : memref<128xi32, #tpu.memory_space<vmem>>) semaphore(%run_scoped3A : memref<!tpu.dma_semaphore, #tpu.memory_space<semaphore_mem>>) {add = true}
        %dma_wait3A_158 = arith.constant 0 : i32
        %dma_wait3A_159 = tpu.memref_slice %arg9[%add3A_151, %dma_wait3A_158] : memref<157x128xi32, #tpu.memory_space<vmem>> -> memref<1x128xi32, #tpu.memory_space<vmem>>
        %dma_wait3A_160 = tpu.memref_squeeze %dma_wait3A_159 : memref<1x128xi32, #tpu.memory_space<vmem>> -> memref<128xi32, #tpu.memory_space<vmem>>
        %dma_wait3A_161 = arith.constant 0 : i32
        %dma_wait3A_162 = arith.constant 0 : i32
        %dma_wait3A_163 = tpu.memref_slice %arg17[%dma_wait3A_161, %dma_wait3A_162] : memref<10240x32xf32, #tpu.memory_space<vmem_shared>> -> memref<10240x32xf32, #tpu.memory_space<vmem_shared>>
        tpu.wait_indirect_dma semaphore(%run_scoped3A : memref<!tpu.dma_semaphore, #tpu.memory_space<semaphore_mem>>) src(%arg11 : memref<128x32xf32, #tpu.memory_space<vmem>>) dst(%dma_wait3A_163 : memref<10240x32xf32, #tpu.memory_space<vmem_shared>>)
        tpu.yield
      }) : () -> ()
    }
    %scan3A_49 = arith.constant 78 : i32
    %gt3A = arith.constant 156 : i32
    %gt3A_50 = arith.cmpi sgt, %add3A_6, %gt3A : i32
    %convert_element_type3A_51 = arith.extui %gt3A_50 : i1 to i32
    %cond3A_52 = arith.constant 0 : i32
    %cond3A_53 = arith.cmpi ne, %convert_element_type3A_51, %cond3A_52 : i32
    scf.if %cond3A_53 {
      %dma_wait3A = arith.constant 156 : i32
      %dma_wait3A_120 = arith.constant 0 : i32
      %dma_wait3A_121 = tpu.memref_slice %arg8[%dma_wait3A, %dma_wait3A_120] : memref<157x128xi32, #tpu.memory_space<vmem>> -> memref<1x128xi32, #tpu.memory_space<vmem>>
      %dma_wait3A_122 = tpu.memref_squeeze %dma_wait3A_121 : memref<1x128xi32, #tpu.memory_space<vmem>> -> memref<128xi32, #tpu.memory_space<vmem>>
      %dma_wait3A_123 = arith.constant 0 : i32
      %dma_wait3A_124 = arith.constant 0 : i32
      %dma_wait3A_125 = tpu.memref_slice %arg18[%dma_wait3A_123, %dma_wait3A_124] : memref<10240x32xf32, #tpu.memory_space<vmem_shared>> -> memref<10240x32xf32, #tpu.memory_space<vmem_shared>>
      tpu.wait_indirect_dma semaphore(%arg19 : memref<!tpu.dma_semaphore, #tpu.memory_space<semaphore_mem>>) src(%dma_wait3A_125 : memref<10240x32xf32, #tpu.memory_space<vmem_shared>>) dst(%arg10 : memref<128x32xf32, #tpu.memory_space<vmem>>)
      %run_scoped3A = arith.constant 156 : i32
      "tpu.region"() ({
        %run_scoped3A_126 = tpu.sem_alloc : memref<!tpu.dma_semaphore, #tpu.memory_space<semaphore_mem>>
        %dma_start3A_127 = arith.constant 0 : i32
        %dma_start3A_128 = tpu.memref_slice %arg9[%run_scoped3A, %dma_start3A_127] : memref<157x128xi32, #tpu.memory_space<vmem>> -> memref<1x128xi32, #tpu.memory_space<vmem>>
        %dma_start3A_129 = tpu.memref_squeeze %dma_start3A_128 : memref<1x128xi32, #tpu.memory_space<vmem>> -> memref<128xi32, #tpu.memory_space<vmem>>
        %dma_start3A_130 = arith.constant 0 : i32
        %dma_start3A_131 = arith.constant 0 : i32
        %dma_start3A_132 = tpu.memref_slice %arg17[%dma_start3A_130, %dma_start3A_131] : memref<10240x32xf32, #tpu.memory_space<vmem_shared>> -> memref<10240x32xf32, #tpu.memory_space<vmem_shared>>
        tpu.enqueue_indirect_dma source(%arg10 : memref<128x32xf32, #tpu.memory_space<vmem>>) target(%dma_start3A_132 : memref<10240x32xf32, #tpu.memory_space<vmem_shared>>) offsets(%dma_start3A_129 : memref<128xi32, #tpu.memory_space<vmem>>) semaphore(%run_scoped3A_126 : memref<!tpu.dma_semaphore, #tpu.memory_space<semaphore_mem>>) {add = true}
        %dma_wait3A_133 = arith.constant 0 : i32
        %dma_wait3A_134 = tpu.memref_slice %arg9[%run_scoped3A, %dma_wait3A_133] : memref<157x128xi32, #tpu.memory_space<vmem>> -> memref<1x128xi32, #tpu.memory_space<vmem>>
        %dma_wait3A_135 = tpu.memref_squeeze %dma_wait3A_134 : memref<1x128xi32, #tpu.memory_space<vmem>> -> memref<128xi32, #tpu.memory_space<vmem>>
        %dma_wait3A_136 = arith.constant 0 : i32
        %dma_wait3A_137 = arith.constant 0 : i32
        %dma_wait3A_138 = tpu.memref_slice %arg17[%dma_wait3A_136, %dma_wait3A_137] : memref<10240x32xf32, #tpu.memory_space<vmem_shared>> -> memref<10240x32xf32, #tpu.memory_space<vmem_shared>>
        tpu.wait_indirect_dma semaphore(%run_scoped3A_126 : memref<!tpu.dma_semaphore, #tpu.memory_space<semaphore_mem>>) src(%arg10 : memref<128x32xf32, #tpu.memory_space<vmem>>) dst(%dma_wait3A_138 : memref<10240x32xf32, #tpu.memory_space<vmem_shared>>)
        tpu.yield
      }) : () -> ()
    } else {
    }
    %barrier3A_54 = arith.constant 0 : index
    tpu.barrier barrier_id(%barrier3A_54)
    %get3A = arith.constant 0 : i32
    %get3A_55 = arith.index_cast %get3A : i32 to index
    %get3A_56 = arith.constant 0 : index
    %get3A_57 = tpu.vector_load %arg16[%get3A_55, %get3A_56] {strides = array<i32>} : memref<8x32xf32, #tpu.memory_space<vmem>>, vector<1x16xf32>,
    %get3A_58 = vector.shape_cast %get3A_57 : vector<1x16xf32> to vector<16xf32>
    %get3A_59 = arith.constant 0 : i32
    %get3A_60 = arith.index_cast %get3A_59 : i32 to index
    %get3A_61 = arith.constant 16 : index
    %get3A_62 = tpu.vector_load %arg16[%get3A_60, %get3A_61] {strides = array<i32>} : memref<8x32xf32, #tpu.memory_space<vmem>>, vector<1x16xf32>,
    %get3A_63 = vector.shape_cast %get3A_62 : vector<1x16xf32> to vector<16xf32>
    %add3A_64 = arith.constant 0 : i32
    %add3A_65 = arith.addi %mul3A_0, %add3A_64 : i32
    "tpu.region"() ({
      %run_scoped3A = tpu.sem_alloc : memref<!tpu.dma_semaphore, #tpu.memory_space<semaphore_mem>>
      %dma_start3A_120 = arith.constant 0 : i32
      %dma_start3A_121 = tpu.memref_slice %arg17[%add3A_65, %dma_start3A_120] : memref<10240x32xf32, #tpu.memory_space<vmem_shared>> -> memref<320x32xf32, #tpu.memory_space<vmem_shared>>
      %dma_start3A_122 = arith.constant 0 : i32
      %dma_start3A_123 = tpu.memref_slice %arg17[%add3A_65, %dma_start3A_122] : memref<10240x32xf32, #tpu.memory_space<vmem_shared>> -> memref<320x32xf32, #tpu.memory_space<vmem_shared>>
      tpu.enqueue_dma source(%dma_start3A_123 : memref<320x32xf32, #tpu.memory_space<vmem_shared>>) target(%arg12 : memref<320x32xf32, #tpu.memory_space<vmem>>) target_semaphore(%run_scoped3A : memref<!tpu.dma_semaphore, #tpu.memory_space<semaphore_mem>>)
      %dma_wait3A = arith.constant 0 : i32
      %dma_wait3A_124 = tpu.memref_slice %arg17[%add3A_65, %dma_wait3A] : memref<10240x32xf32, #tpu.memory_space<vmem_shared>> -> memref<320x32xf32, #tpu.memory_space<vmem_shared>>
      %dma_wait3A_125 = arith.constant 0 : i32
      %dma_wait3A_126 = tpu.memref_slice %arg17[%add3A_65, %dma_wait3A_125] : memref<10240x32xf32, #tpu.memory_space<vmem_shared>> -> memref<320x32xf32, #tpu.memory_space<vmem_shared>>
      tpu.wait_dma2 semaphore(%run_scoped3A : memref<!tpu.dma_semaphore, #tpu.memory_space<semaphore_mem>>) src(%dma_wait3A_126 : memref<320x32xf32, #tpu.memory_space<vmem_shared>>) dst(%arg12 : memref<320x32xf32, #tpu.memory_space<vmem>>)
      tpu.yield
    }) : () -> ()
    "tpu.region"() ({
      %run_scoped3A = tpu.sem_alloc : memref<!tpu.dma_semaphore, #tpu.memory_space<semaphore_mem>>
      %dma_start3A_120 = arith.constant 0 : i32
      %dma_start3A_121 = tpu.memref_slice %arg18[%add3A_65, %dma_start3A_120] : memref<10240x32xf32, #tpu.memory_space<vmem_shared>> -> memref<320x32xf32, #tpu.memory_space<vmem_shared>>
      %dma_start3A_122 = arith.constant 0 : i32
      %dma_start3A_123 = tpu.memref_slice %arg18[%add3A_65, %dma_start3A_122] : memref<10240x32xf32, #tpu.memory_space<vmem_shared>> -> memref<320x32xf32, #tpu.memory_space<vmem_shared>>
      tpu.enqueue_dma source(%dma_start3A_123 : memref<320x32xf32, #tpu.memory_space<vmem_shared>>) target(%arg13 : memref<320x32xf32, #tpu.memory_space<vmem>>) target_semaphore(%run_scoped3A : memref<!tpu.dma_semaphore, #tpu.memory_space<semaphore_mem>>)
      %dma_wait3A = arith.constant 0 : i32
      %dma_wait3A_124 = tpu.memref_slice %arg18[%add3A_65, %dma_wait3A] : memref<10240x32xf32, #tpu.memory_space<vmem_shared>> -> memref<320x32xf32, #tpu.memory_space<vmem_shared>>
      %dma_wait3A_125 = arith.constant 0 : i32
      %dma_wait3A_126 = tpu.memref_slice %arg18[%add3A_65, %dma_wait3A_125] : memref<10240x32xf32, #tpu.memory_space<vmem_shared>> -> memref<320x32xf32, #tpu.memory_space<vmem_shared>>
      tpu.wait_dma2 semaphore(%run_scoped3A : memref<!tpu.dma_semaphore, #tpu.memory_space<semaphore_mem>>) src(%dma_wait3A_126 : memref<320x32xf32, #tpu.memory_space<vmem_shared>>) dst(%arg13 : memref<320x32xf32, #tpu.memory_space<vmem>>)
      tpu.yield
    }) : () -> ()
    %scan3A_66 = arith.constant 0 : i32
    %scan3A_67 = arith.constant 0 : i32
    %scan3A_68 = arith.constant 80 : i32
    %scan3A_69 = arith.addi %scan3A_67, %scan3A_68 : i32
    %scan3A_70 = arith.constant 1 : i32
    scf.for %scan3A_120 = %scan3A_67 to %scan3A_69 step %scan3A_70  : i32 {
      %mul3A_121 = arith.constant 4 : i32
      %mul3A_122 = arith.muli %mul3A_121, %scan3A_120 : i32
      %add3A_123 = arith.constant 0 : i32
      %add3A_124 = arith.addi %mul3A_122, %add3A_123 : i32
      %add3A_125 = arith.constant 0 : i32
      %add3A_126 = arith.addi %add3A_125, %add3A_124 : i32
      %get3A_127 = arith.index_cast %add3A_126 : i32 to index
      %get3A_128 = arith.constant 0 : index
      %get3A_129 = tpu.vector_load %arg14[%get3A_127, %get3A_128] {strides = array<i32>} : memref<640x16xf32, #tpu.memory_space<vmem>>, vector<1x16xf32>,
      %get3A_130 = vector.shape_cast %get3A_129 : vector<1x16xf32> to vector<16xf32>
      %get3A_131 = arith.index_cast %add3A_124 : i32 to index
      %get3A_132 = arith.constant 0 : index
      %get3A_133 = tpu.vector_load %arg12[%get3A_131, %get3A_132] {strides = array<i32>} : memref<320x32xf32, #tpu.memory_space<vmem>>, vector<1x16xf32>,
      %get3A_134 = vector.shape_cast %get3A_133 : vector<1x16xf32> to vector<16xf32>
      %get3A_135 = arith.index_cast %add3A_124 : i32 to index
      %get3A_136 = arith.constant 0 : index
      %get3A_137 = tpu.vector_load %arg13[%get3A_135, %get3A_136] {strides = array<i32>} : memref<320x32xf32, #tpu.memory_space<vmem>>, vector<1x16xf32>,
      %get3A_138 = vector.shape_cast %get3A_137 : vector<1x16xf32> to vector<16xf32>
      %add3A_139 = arith.addf %get3A_134, %get3A_138 : vector<16xf32>
      %mul3A_140 = arith.mulf %add3A_139, %get3A_130 : vector<16xf32>
      %add3A_141 = arith.addf %mul3A_140, %get3A_58 : vector<16xf32>
      %max3A = arith.constant 0.000000e+00 : f32
      %max3A_142 = vector.broadcast %max3A : f32 to vector<16xf32>
      %max3A_143 = arith.maximumf %add3A_141, %max3A_142 : vector<16xf32>
      %get3A_144 = arith.index_cast %add3A_124 : i32 to index
      %get3A_145 = arith.constant 16 : index
      %get3A_146 = tpu.vector_load %arg12[%get3A_144, %get3A_145] {strides = array<i32>} : memref<320x32xf32, #tpu.memory_space<vmem>>, vector<1x16xf32>,
      %get3A_147 = vector.shape_cast %get3A_146 : vector<1x16xf32> to vector<16xf32>
      %get3A_148 = arith.index_cast %add3A_124 : i32 to index
      %get3A_149 = arith.constant 16 : index
      %get3A_150 = tpu.vector_load %arg13[%get3A_148, %get3A_149] {strides = array<i32>} : memref<320x32xf32, #tpu.memory_space<vmem>>, vector<1x16xf32>,
      %get3A_151 = vector.shape_cast %get3A_150 : vector<1x16xf32> to vector<16xf32>
      %add3A_152 = arith.addf %get3A_147, %get3A_151 : vector<16xf32>
      %mul3A_153 = arith.mulf %add3A_152, %get3A_130 : vector<16xf32>
      %add3A_154 = arith.addf %mul3A_153, %get3A_63 : vector<16xf32>
      %max3A_155 = arith.constant 0.000000e+00 : f32
      %max3A_156 = vector.broadcast %max3A_155 : f32 to vector<16xf32>
      %max3A_157 = arith.maximumf %add3A_154, %max3A_156 : vector<16xf32>
      %mul3A_158 = arith.mulf %max3A_143, %get3A_130 : vector<16xf32>
      %swap3A = arith.index_cast %add3A_124 : i32 to index
      %swap3A_159 = arith.constant 0 : index
      %swap3A_160 = tpu.vector_load %arg13[%swap3A, %swap3A_159] {strides = array<i32>} : memref<320x32xf32, #tpu.memory_space<vmem>>, vector<1x16xf32>,
      %swap3A_161 = vector.shape_cast %swap3A_160 : vector<1x16xf32> to vector<16xf32>
      %swap3A_162 = vector.shape_cast %mul3A_158 : vector<16xf32> to vector<1x16xf32>
      tpu.vector_store %arg13[%swap3A, %swap3A_159], %swap3A_162 {strides = array<i32>} : memref<320x32xf32, #tpu.memory_space<vmem>>, vector<1x16xf32>,
      %mul3A_163 = arith.mulf %max3A_157, %get3A_130 : vector<16xf32>
      %swap3A_164 = arith.index_cast %add3A_124 : i32 to index
      %swap3A_165 = arith.constant 16 : index
      %swap3A_166 = tpu.vector_load %arg13[%swap3A_164, %swap3A_165] {strides = array<i32>} : memref<320x32xf32, #tpu.memory_space<vmem>>, vector<1x16xf32>,
      %swap3A_167 = vector.shape_cast %swap3A_166 : vector<1x16xf32> to vector<16xf32>
      %swap3A_168 = vector.shape_cast %mul3A_163 : vector<16xf32> to vector<1x16xf32>
      tpu.vector_store %arg13[%swap3A_164, %swap3A_165], %swap3A_168 {strides = array<i32>} : memref<320x32xf32, #tpu.memory_space<vmem>>, vector<1x16xf32>,
      %mul3A_169 = arith.constant 4 : i32
      %mul3A_170 = arith.muli %mul3A_169, %scan3A_120 : i32
      %add3A_171 = arith.constant 1 : i32
      %add3A_172 = arith.addi %mul3A_170, %add3A_171 : i32
      %add3A_173 = arith.constant 0 : i32
      %add3A_174 = arith.addi %add3A_173, %add3A_172 : i32
      %get3A_175 = arith.index_cast %add3A_174 : i32 to index
      %get3A_176 = arith.constant 0 : index
      %get3A_177 = tpu.vector_load %arg14[%get3A_175, %get3A_176] {strides = array<i32>} : memref<640x16xf32, #tpu.memory_space<vmem>>, vector<1x16xf32>,
      %get3A_178 = vector.shape_cast %get3A_177 : vector<1x16xf32> to vector<16xf32>
      %get3A_179 = arith.index_cast %add3A_172 : i32 to index
      %get3A_180 = arith.constant 0 : index
      %get3A_181 = tpu.vector_load %arg12[%get3A_179, %get3A_180] {strides = array<i32>} : memref<320x32xf32, #tpu.memory_space<vmem>>, vector<1x16xf32>,
      %get3A_182 = vector.shape_cast %get3A_181 : vector<1x16xf32> to vector<16xf32>
      %get3A_183 = arith.index_cast %add3A_172 : i32 to index
      %get3A_184 = arith.constant 0 : index
      %get3A_185 = tpu.vector_load %arg13[%get3A_183, %get3A_184] {strides = array<i32>} : memref<320x32xf32, #tpu.memory_space<vmem>>, vector<1x16xf32>,
      %get3A_186 = vector.shape_cast %get3A_185 : vector<1x16xf32> to vector<16xf32>
      %add3A_187 = arith.addf %get3A_182, %get3A_186 : vector<16xf32>
      %mul3A_188 = arith.mulf %add3A_187, %get3A_178 : vector<16xf32>
      %add3A_189 = arith.addf %mul3A_188, %get3A_58 : vector<16xf32>
      %max3A_190 = arith.constant 0.000000e+00 : f32
      %max3A_191 = vector.broadcast %max3A_190 : f32 to vector<16xf32>
      %max3A_192 = arith.maximumf %add3A_189, %max3A_191 : vector<16xf32>
      %get3A_193 = arith.index_cast %add3A_172 : i32 to index
      %get3A_194 = arith.constant 16 : index
      %get3A_195 = tpu.vector_load %arg12[%get3A_193, %get3A_194] {strides = array<i32>} : memref<320x32xf32, #tpu.memory_space<vmem>>, vector<1x16xf32>,
      %get3A_196 = vector.shape_cast %get3A_195 : vector<1x16xf32> to vector<16xf32>
      %get3A_197 = arith.index_cast %add3A_172 : i32 to index
      %get3A_198 = arith.constant 16 : index
      %get3A_199 = tpu.vector_load %arg13[%get3A_197, %get3A_198] {strides = array<i32>} : memref<320x32xf32, #tpu.memory_space<vmem>>, vector<1x16xf32>,
      %get3A_200 = vector.shape_cast %get3A_199 : vector<1x16xf32> to vector<16xf32>
      %add3A_201 = arith.addf %get3A_196, %get3A_200 : vector<16xf32>
      %mul3A_202 = arith.mulf %add3A_201, %get3A_178 : vector<16xf32>
      %add3A_203 = arith.addf %mul3A_202, %get3A_63 : vector<16xf32>
      %max3A_204 = arith.constant 0.000000e+00 : f32
      %max3A_205 = vector.broadcast %max3A_204 : f32 to vector<16xf32>
      %max3A_206 = arith.maximumf %add3A_203, %max3A_205 : vector<16xf32>
      %mul3A_207 = arith.mulf %max3A_192, %get3A_178 : vector<16xf32>
      %swap3A_208 = arith.index_cast %add3A_172 : i32 to index
      %swap3A_209 = arith.constant 0 : index
      %swap3A_210 = tpu.vector_load %arg13[%swap3A_208, %swap3A_209] {strides = array<i32>} : memref<320x32xf32, #tpu.memory_space<vmem>>, vector<1x16xf32>,
      %swap3A_211 = vector.shape_cast %swap3A_210 : vector<1x16xf32> to vector<16xf32>
      %swap3A_212 = vector.shape_cast %mul3A_207 : vector<16xf32> to vector<1x16xf32>
      tpu.vector_store %arg13[%swap3A_208, %swap3A_209], %swap3A_212 {strides = array<i32>} : memref<320x32xf32, #tpu.memory_space<vmem>>, vector<1x16xf32>,
      %mul3A_213 = arith.mulf %max3A_206, %get3A_178 : vector<16xf32>
      %swap3A_214 = arith.index_cast %add3A_172 : i32 to index
      %swap3A_215 = arith.constant 16 : index
      %swap3A_216 = tpu.vector_load %arg13[%swap3A_214, %swap3A_215] {strides = array<i32>} : memref<320x32xf32, #tpu.memory_space<vmem>>, vector<1x16xf32>,
      %swap3A_217 = vector.shape_cast %swap3A_216 : vector<1x16xf32> to vector<16xf32>
      %swap3A_218 = vector.shape_cast %mul3A_213 : vector<16xf32> to vector<1x16xf32>
      tpu.vector_store %arg13[%swap3A_214, %swap3A_215], %swap3A_218 {strides = array<i32>} : memref<320x32xf32, #tpu.memory_space<vmem>>, vector<1x16xf32>,
      %mul3A_219 = arith.constant 4 : i32
      %mul3A_220 = arith.muli %mul3A_219, %scan3A_120 : i32
      %add3A_221 = arith.constant 2 : i32
      %add3A_222 = arith.addi %mul3A_220, %add3A_221 : i32
      %add3A_223 = arith.constant 0 : i32
      %add3A_224 = arith.addi %add3A_223, %add3A_222 : i32
      %get3A_225 = arith.index_cast %add3A_224 : i32 to index
      %get3A_226 = arith.constant 0 : index
      %get3A_227 = tpu.vector_load %arg14[%get3A_225, %get3A_226] {strides = array<i32>} : memref<640x16xf32, #tpu.memory_space<vmem>>, vector<1x16xf32>,
      %get3A_228 = vector.shape_cast %get3A_227 : vector<1x16xf32> to vector<16xf32>
      %get3A_229 = arith.index_cast %add3A_222 : i32 to index
      %get3A_230 = arith.constant 0 : index
      %get3A_231 = tpu.vector_load %arg12[%get3A_229, %get3A_230] {strides = array<i32>} : memref<320x32xf32, #tpu.memory_space<vmem>>, vector<1x16xf32>,
      %get3A_232 = vector.shape_cast %get3A_231 : vector<1x16xf32> to vector<16xf32>
      %get3A_233 = arith.index_cast %add3A_222 : i32 to index
      %get3A_234 = arith.constant 0 : index
      %get3A_235 = tpu.vector_load %arg13[%get3A_233, %get3A_234] {strides = array<i32>} : memref<320x32xf32, #tpu.memory_space<vmem>>, vector<1x16xf32>,
      %get3A_236 = vector.shape_cast %get3A_235 : vector<1x16xf32> to vector<16xf32>
      %add3A_237 = arith.addf %get3A_232, %get3A_236 : vector<16xf32>
      %mul3A_238 = arith.mulf %add3A_237, %get3A_228 : vector<16xf32>
      %add3A_239 = arith.addf %mul3A_238, %get3A_58 : vector<16xf32>
      %max3A_240 = arith.constant 0.000000e+00 : f32
      %max3A_241 = vector.broadcast %max3A_240 : f32 to vector<16xf32>
      %max3A_242 = arith.maximumf %add3A_239, %max3A_241 : vector<16xf32>
      %get3A_243 = arith.index_cast %add3A_222 : i32 to index
      %get3A_244 = arith.constant 16 : index
      %get3A_245 = tpu.vector_load %arg12[%get3A_243, %get3A_244] {strides = array<i32>} : memref<320x32xf32, #tpu.memory_space<vmem>>, vector<1x16xf32>,
      %get3A_246 = vector.shape_cast %get3A_245 : vector<1x16xf32> to vector<16xf32>
      %get3A_247 = arith.index_cast %add3A_222 : i32 to index
      %get3A_248 = arith.constant 16 : index
      %get3A_249 = tpu.vector_load %arg13[%get3A_247, %get3A_248] {strides = array<i32>} : memref<320x32xf32, #tpu.memory_space<vmem>>, vector<1x16xf32>,
      %get3A_250 = vector.shape_cast %get3A_249 : vector<1x16xf32> to vector<16xf32>
      %add3A_251 = arith.addf %get3A_246, %get3A_250 : vector<16xf32>
      %mul3A_252 = arith.mulf %add3A_251, %get3A_228 : vector<16xf32>
      %add3A_253 = arith.addf %mul3A_252, %get3A_63 : vector<16xf32>
      %max3A_254 = arith.constant 0.000000e+00 : f32
      %max3A_255 = vector.broadcast %max3A_254 : f32 to vector<16xf32>
      %max3A_256 = arith.maximumf %add3A_253, %max3A_255 : vector<16xf32>
      %mul3A_257 = arith.mulf %max3A_242, %get3A_228 : vector<16xf32>
      %swap3A_258 = arith.index_cast %add3A_222 : i32 to index
      %swap3A_259 = arith.constant 0 : index
      %swap3A_260 = tpu.vector_load %arg13[%swap3A_258, %swap3A_259] {strides = array<i32>} : memref<320x32xf32, #tpu.memory_space<vmem>>, vector<1x16xf32>,
      %swap3A_261 = vector.shape_cast %swap3A_260 : vector<1x16xf32> to vector<16xf32>
      %swap3A_262 = vector.shape_cast %mul3A_257 : vector<16xf32> to vector<1x16xf32>
      tpu.vector_store %arg13[%swap3A_258, %swap3A_259], %swap3A_262 {strides = array<i32>} : memref<320x32xf32, #tpu.memory_space<vmem>>, vector<1x16xf32>,
      %mul3A_263 = arith.mulf %max3A_256, %get3A_228 : vector<16xf32>
      %swap3A_264 = arith.index_cast %add3A_222 : i32 to index
      %swap3A_265 = arith.constant 16 : index
      %swap3A_266 = tpu.vector_load %arg13[%swap3A_264, %swap3A_265] {strides = array<i32>} : memref<320x32xf32, #tpu.memory_space<vmem>>, vector<1x16xf32>,
      %swap3A_267 = vector.shape_cast %swap3A_266 : vector<1x16xf32> to vector<16xf32>
      %swap3A_268 = vector.shape_cast %mul3A_263 : vector<16xf32> to vector<1x16xf32>
      tpu.vector_store %arg13[%swap3A_264, %swap3A_265], %swap3A_268 {strides = array<i32>} : memref<320x32xf32, #tpu.memory_space<vmem>>, vector<1x16xf32>,
      %mul3A_269 = arith.constant 4 : i32
      %mul3A_270 = arith.muli %mul3A_269, %scan3A_120 : i32
      %add3A_271 = arith.constant 3 : i32
      %add3A_272 = arith.addi %mul3A_270, %add3A_271 : i32
      %add3A_273 = arith.constant 0 : i32
      %add3A_274 = arith.addi %add3A_273, %add3A_272 : i32
      %get3A_275 = arith.index_cast %add3A_274 : i32 to index
      %get3A_276 = arith.constant 0 : index
      %get3A_277 = tpu.vector_load %arg14[%get3A_275, %get3A_276] {strides = array<i32>} : memref<640x16xf32, #tpu.memory_space<vmem>>, vector<1x16xf32>,
      %get3A_278 = vector.shape_cast %get3A_277 : vector<1x16xf32> to vector<16xf32>
      %get3A_279 = arith.index_cast %add3A_272 : i32 to index
      %get3A_280 = arith.constant 0 : index
      %get3A_281 = tpu.vector_load %arg12[%get3A_279, %get3A_280] {strides = array<i32>} : memref<320x32xf32, #tpu.memory_space<vmem>>, vector<1x16xf32>,
      %get3A_282 = vector.shape_cast %get3A_281 : vector<1x16xf32> to vector<16xf32>
      %get3A_283 = arith.index_cast %add3A_272 : i32 to index
      %get3A_284 = arith.constant 0 : index
      %get3A_285 = tpu.vector_load %arg13[%get3A_283, %get3A_284] {strides = array<i32>} : memref<320x32xf32, #tpu.memory_space<vmem>>, vector<1x16xf32>,
      %get3A_286 = vector.shape_cast %get3A_285 : vector<1x16xf32> to vector<16xf32>
      %add3A_287 = arith.addf %get3A_282, %get3A_286 : vector<16xf32>
      %mul3A_288 = arith.mulf %add3A_287, %get3A_278 : vector<16xf32>
      %add3A_289 = arith.addf %mul3A_288, %get3A_58 : vector<16xf32>
      %max3A_290 = arith.constant 0.000000e+00 : f32
      %max3A_291 = vector.broadcast %max3A_290 : f32 to vector<16xf32>
      %max3A_292 = arith.maximumf %add3A_289, %max3A_291 : vector<16xf32>
      %get3A_293 = arith.index_cast %add3A_272 : i32 to index
      %get3A_294 = arith.constant 16 : index
      %get3A_295 = tpu.vector_load %arg12[%get3A_293, %get3A_294] {strides = array<i32>} : memref<320x32xf32, #tpu.memory_space<vmem>>, vector<1x16xf32>,
      %get3A_296 = vector.shape_cast %get3A_295 : vector<1x16xf32> to vector<16xf32>
      %get3A_297 = arith.index_cast %add3A_272 : i32 to index
      %get3A_298 = arith.constant 16 : index
      %get3A_299 = tpu.vector_load %arg13[%get3A_297, %get3A_298] {strides = array<i32>} : memref<320x32xf32, #tpu.memory_space<vmem>>, vector<1x16xf32>,
      %get3A_300 = vector.shape_cast %get3A_299 : vector<1x16xf32> to vector<16xf32>
      %add3A_301 = arith.addf %get3A_296, %get3A_300 : vector<16xf32>
      %mul3A_302 = arith.mulf %add3A_301, %get3A_278 : vector<16xf32>
      %add3A_303 = arith.addf %mul3A_302, %get3A_63 : vector<16xf32>
      %max3A_304 = arith.constant 0.000000e+00 : f32
      %max3A_305 = vector.broadcast %max3A_304 : f32 to vector<16xf32>
      %max3A_306 = arith.maximumf %add3A_303, %max3A_305 : vector<16xf32>
      %mul3A_307 = arith.mulf %max3A_292, %get3A_278 : vector<16xf32>
      %swap3A_308 = arith.index_cast %add3A_272 : i32 to index
      %swap3A_309 = arith.constant 0 : index
      %swap3A_310 = tpu.vector_load %arg13[%swap3A_308, %swap3A_309] {strides = array<i32>} : memref<320x32xf32, #tpu.memory_space<vmem>>, vector<1x16xf32>,
      %swap3A_311 = vector.shape_cast %swap3A_310 : vector<1x16xf32> to vector<16xf32>
      %swap3A_312 = vector.shape_cast %mul3A_307 : vector<16xf32> to vector<1x16xf32>
      tpu.vector_store %arg13[%swap3A_308, %swap3A_309], %swap3A_312 {strides = array<i32>} : memref<320x32xf32, #tpu.memory_space<vmem>>, vector<1x16xf32>,
      %mul3A_313 = arith.mulf %max3A_306, %get3A_278 : vector<16xf32>
      %swap3A_314 = arith.index_cast %add3A_272 : i32 to index
      %swap3A_315 = arith.constant 16 : index
      %swap3A_316 = tpu.vector_load %arg13[%swap3A_314, %swap3A_315] {strides = array<i32>} : memref<320x32xf32, #tpu.memory_space<vmem>>, vector<1x16xf32>,
      %swap3A_317 = vector.shape_cast %swap3A_316 : vector<1x16xf32> to vector<16xf32>
      %swap3A_318 = vector.shape_cast %mul3A_313 : vector<16xf32> to vector<1x16xf32>
      tpu.vector_store %arg13[%swap3A_314, %swap3A_315], %swap3A_318 {strides = array<i32>} : memref<320x32xf32, #tpu.memory_space<vmem>>, vector<1x16xf32>,
    }
    %scan3A_71 = arith.constant 80 : i32
    "tpu.region"() ({
      %run_scoped3A = tpu.sem_alloc : memref<!tpu.dma_semaphore, #tpu.memory_space<semaphore_mem>>
      %dma_start3A_120 = arith.constant 0 : i32
      %dma_start3A_121 = tpu.memref_slice %arg18[%add3A_65, %dma_start3A_120] : memref<10240x32xf32, #tpu.memory_space<vmem_shared>> -> memref<320x32xf32, #tpu.memory_space<vmem_shared>>
      %dma_start3A_122 = arith.constant 0 : i32
      %dma_start3A_123 = tpu.memref_slice %arg18[%add3A_65, %dma_start3A_122] : memref<10240x32xf32, #tpu.memory_space<vmem_shared>> -> memref<320x32xf32, #tpu.memory_space<vmem_shared>>
      tpu.enqueue_dma source(%arg13 : memref<320x32xf32, #tpu.memory_space<vmem>>) target(%dma_start3A_123 : memref<320x32xf32, #tpu.memory_space<vmem_shared>>) target_semaphore(%run_scoped3A : memref<!tpu.dma_semaphore, #tpu.memory_space<semaphore_mem>>)
      %dma_wait3A = arith.constant 0 : i32
      %dma_wait3A_124 = tpu.memref_slice %arg18[%add3A_65, %dma_wait3A] : memref<10240x32xf32, #tpu.memory_space<vmem_shared>> -> memref<320x32xf32, #tpu.memory_space<vmem_shared>>
      %dma_wait3A_125 = arith.constant 0 : i32
      %dma_wait3A_126 = tpu.memref_slice %arg18[%add3A_65, %dma_wait3A_125] : memref<10240x32xf32, #tpu.memory_space<vmem_shared>> -> memref<320x32xf32, #tpu.memory_space<vmem_shared>>
      tpu.wait_dma2 semaphore(%run_scoped3A : memref<!tpu.dma_semaphore, #tpu.memory_space<semaphore_mem>>) src(%arg13 : memref<320x32xf32, #tpu.memory_space<vmem>>) dst(%dma_wait3A_126 : memref<320x32xf32, #tpu.memory_space<vmem_shared>>)
      tpu.yield
    }) : () -> ()
    "tpu.region"() ({
      %run_scoped3A = tpu.sem_alloc : memref<!tpu.dma_semaphore, #tpu.memory_space<semaphore_mem>>
      %dma_start3A_120 = arith.constant 0 : i32
      %dma_start3A_121 = tpu.memref_slice %arg17[%add3A_65, %dma_start3A_120] : memref<10240x32xf32, #tpu.memory_space<vmem_shared>> -> memref<320x32xf32, #tpu.memory_space<vmem_shared>>
      %dma_start3A_122 = arith.constant 0 : i32
      %dma_start3A_123 = tpu.memref_slice %arg6[%add3A_65, %dma_start3A_122] : memref<10240x32xf32, #tpu.memory_space<hbm>> -> memref<320x32xf32, #tpu.memory_space<hbm>>
      tpu.enqueue_dma source(%dma_start3A_123 : memref<320x32xf32, #tpu.memory_space<hbm>>) target(%dma_start3A_121 : memref<320x32xf32, #tpu.memory_space<vmem_shared>>) target_semaphore(%run_scoped3A : memref<!tpu.dma_semaphore, #tpu.memory_space<semaphore_mem>>)
      %dma_wait3A = arith.constant 0 : i32
      %dma_wait3A_124 = tpu.memref_slice %arg17[%add3A_65, %dma_wait3A] : memref<10240x32xf32, #tpu.memory_space<vmem_shared>> -> memref<320x32xf32, #tpu.memory_space<vmem_shared>>
      %dma_wait3A_125 = arith.constant 0 : i32
      %dma_wait3A_126 = tpu.memref_slice %arg6[%add3A_65, %dma_wait3A_125] : memref<10240x32xf32, #tpu.memory_space<hbm>> -> memref<320x32xf32, #tpu.memory_space<hbm>>
      tpu.wait_dma2 semaphore(%run_scoped3A : memref<!tpu.dma_semaphore, #tpu.memory_space<semaphore_mem>>) src(%dma_wait3A_126 : memref<320x32xf32, #tpu.memory_space<hbm>>) dst(%dma_wait3A_124 : memref<320x32xf32, #tpu.memory_space<vmem_shared>>)
      tpu.yield
    }) : () -> ()
    %add3A_72 = arith.constant 320 : i32
    %add3A_73 = arith.addi %mul3A_0, %add3A_72 : i32
    "tpu.region"() ({
      %run_scoped3A = tpu.sem_alloc : memref<!tpu.dma_semaphore, #tpu.memory_space<semaphore_mem>>
      %dma_start3A_120 = arith.constant 0 : i32
      %dma_start3A_121 = tpu.memref_slice %arg17[%add3A_73, %dma_start3A_120] : memref<10240x32xf32, #tpu.memory_space<vmem_shared>> -> memref<320x32xf32, #tpu.memory_space<vmem_shared>>
      %dma_start3A_122 = arith.constant 0 : i32
      %dma_start3A_123 = tpu.memref_slice %arg17[%add3A_73, %dma_start3A_122] : memref<10240x32xf32, #tpu.memory_space<vmem_shared>> -> memref<320x32xf32, #tpu.memory_space<vmem_shared>>
      tpu.enqueue_dma source(%dma_start3A_123 : memref<320x32xf32, #tpu.memory_space<vmem_shared>>) target(%arg12 : memref<320x32xf32, #tpu.memory_space<vmem>>) target_semaphore(%run_scoped3A : memref<!tpu.dma_semaphore, #tpu.memory_space<semaphore_mem>>)
      %dma_wait3A = arith.constant 0 : i32
      %dma_wait3A_124 = tpu.memref_slice %arg17[%add3A_73, %dma_wait3A] : memref<10240x32xf32, #tpu.memory_space<vmem_shared>> -> memref<320x32xf32, #tpu.memory_space<vmem_shared>>
      %dma_wait3A_125 = arith.constant 0 : i32
      %dma_wait3A_126 = tpu.memref_slice %arg17[%add3A_73, %dma_wait3A_125] : memref<10240x32xf32, #tpu.memory_space<vmem_shared>> -> memref<320x32xf32, #tpu.memory_space<vmem_shared>>
      tpu.wait_dma2 semaphore(%run_scoped3A : memref<!tpu.dma_semaphore, #tpu.memory_space<semaphore_mem>>) src(%dma_wait3A_126 : memref<320x32xf32, #tpu.memory_space<vmem_shared>>) dst(%arg12 : memref<320x32xf32, #tpu.memory_space<vmem>>)
      tpu.yield
    }) : () -> ()
    "tpu.region"() ({
      %run_scoped3A = tpu.sem_alloc : memref<!tpu.dma_semaphore, #tpu.memory_space<semaphore_mem>>
      %dma_start3A_120 = arith.constant 0 : i32
      %dma_start3A_121 = tpu.memref_slice %arg18[%add3A_73, %dma_start3A_120] : memref<10240x32xf32, #tpu.memory_space<vmem_shared>> -> memref<320x32xf32, #tpu.memory_space<vmem_shared>>
      %dma_start3A_122 = arith.constant 0 : i32
      %dma_start3A_123 = tpu.memref_slice %arg18[%add3A_73, %dma_start3A_122] : memref<10240x32xf32, #tpu.memory_space<vmem_shared>> -> memref<320x32xf32, #tpu.memory_space<vmem_shared>>
      tpu.enqueue_dma source(%dma_start3A_123 : memref<320x32xf32, #tpu.memory_space<vmem_shared>>) target(%arg13 : memref<320x32xf32, #tpu.memory_space<vmem>>) target_semaphore(%run_scoped3A : memref<!tpu.dma_semaphore, #tpu.memory_space<semaphore_mem>>)
      %dma_wait3A = arith.constant 0 : i32
      %dma_wait3A_124 = tpu.memref_slice %arg18[%add3A_73, %dma_wait3A] : memref<10240x32xf32, #tpu.memory_space<vmem_shared>> -> memref<320x32xf32, #tpu.memory_space<vmem_shared>>
      %dma_wait3A_125 = arith.constant 0 : i32
      %dma_wait3A_126 = tpu.memref_slice %arg18[%add3A_73, %dma_wait3A_125] : memref<10240x32xf32, #tpu.memory_space<vmem_shared>> -> memref<320x32xf32, #tpu.memory_space<vmem_shared>>
      tpu.wait_dma2 semaphore(%run_scoped3A : memref<!tpu.dma_semaphore, #tpu.memory_space<semaphore_mem>>) src(%dma_wait3A_126 : memref<320x32xf32, #tpu.memory_space<vmem_shared>>) dst(%arg13 : memref<320x32xf32, #tpu.memory_space<vmem>>)
      tpu.yield
    }) : () -> ()
    %scan3A_74 = arith.constant 0 : i32
    %scan3A_75 = arith.constant 0 : i32
    %scan3A_76 = arith.constant 80 : i32
    %scan3A_77 = arith.addi %scan3A_75, %scan3A_76 : i32
    %scan3A_78 = arith.constant 1 : i32
    scf.for %scan3A_120 = %scan3A_75 to %scan3A_77 step %scan3A_78  : i32 {
      %mul3A_121 = arith.constant 4 : i32
      %mul3A_122 = arith.muli %mul3A_121, %scan3A_120 : i32
      %add3A_123 = arith.constant 0 : i32
      %add3A_124 = arith.addi %mul3A_122, %add3A_123 : i32
      %add3A_125 = arith.constant 320 : i32
      %add3A_126 = arith.addi %add3A_125, %add3A_124 : i32
      %get3A_127 = arith.index_cast %add3A_126 : i32 to index
      %get3A_128 = arith.constant 0 : index
      %get3A_129 = tpu.vector_load %arg14[%get3A_127, %get3A_128] {strides = array<i32>} : memref<640x16xf32, #tpu.memory_space<vmem>>, vector<1x16xf32>,
      %get3A_130 = vector.shape_cast %get3A_129 : vector<1x16xf32> to vector<16xf32>
      %get3A_131 = arith.index_cast %add3A_124 : i32 to index
      %get3A_132 = arith.constant 0 : index
      %get3A_133 = tpu.vector_load %arg12[%get3A_131, %get3A_132] {strides = array<i32>} : memref<320x32xf32, #tpu.memory_space<vmem>>, vector<1x16xf32>,
      %get3A_134 = vector.shape_cast %get3A_133 : vector<1x16xf32> to vector<16xf32>
      %get3A_135 = arith.index_cast %add3A_124 : i32 to index
      %get3A_136 = arith.constant 0 : index
      %get3A_137 = tpu.vector_load %arg13[%get3A_135, %get3A_136] {strides = array<i32>} : memref<320x32xf32, #tpu.memory_space<vmem>>, vector<1x16xf32>,
      %get3A_138 = vector.shape_cast %get3A_137 : vector<1x16xf32> to vector<16xf32>
      %add3A_139 = arith.addf %get3A_134, %get3A_138 : vector<16xf32>
      %mul3A_140 = arith.mulf %add3A_139, %get3A_130 : vector<16xf32>
      %add3A_141 = arith.addf %mul3A_140, %get3A_58 : vector<16xf32>
      %max3A = arith.constant 0.000000e+00 : f32
      %max3A_142 = vector.broadcast %max3A : f32 to vector<16xf32>
      %max3A_143 = arith.maximumf %add3A_141, %max3A_142 : vector<16xf32>
      %get3A_144 = arith.index_cast %add3A_124 : i32 to index
      %get3A_145 = arith.constant 16 : index
      %get3A_146 = tpu.vector_load %arg12[%get3A_144, %get3A_145] {strides = array<i32>} : memref<320x32xf32, #tpu.memory_space<vmem>>, vector<1x16xf32>,
      %get3A_147 = vector.shape_cast %get3A_146 : vector<1x16xf32> to vector<16xf32>
      %get3A_148 = arith.index_cast %add3A_124 : i32 to index
      %get3A_149 = arith.constant 16 : index
      %get3A_150 = tpu.vector_load %arg13[%get3A_148, %get3A_149] {strides = array<i32>} : memref<320x32xf32, #tpu.memory_space<vmem>>, vector<1x16xf32>,
      %get3A_151 = vector.shape_cast %get3A_150 : vector<1x16xf32> to vector<16xf32>
      %add3A_152 = arith.addf %get3A_147, %get3A_151 : vector<16xf32>
      %mul3A_153 = arith.mulf %add3A_152, %get3A_130 : vector<16xf32>
      %add3A_154 = arith.addf %mul3A_153, %get3A_63 : vector<16xf32>
      %max3A_155 = arith.constant 0.000000e+00 : f32
      %max3A_156 = vector.broadcast %max3A_155 : f32 to vector<16xf32>
      %max3A_157 = arith.maximumf %add3A_154, %max3A_156 : vector<16xf32>
      %mul3A_158 = arith.mulf %max3A_143, %get3A_130 : vector<16xf32>
      %swap3A = arith.index_cast %add3A_124 : i32 to index
      %swap3A_159 = arith.constant 0 : index
      %swap3A_160 = tpu.vector_load %arg13[%swap3A, %swap3A_159] {strides = array<i32>} : memref<320x32xf32, #tpu.memory_space<vmem>>, vector<1x16xf32>,
      %swap3A_161 = vector.shape_cast %swap3A_160 : vector<1x16xf32> to vector<16xf32>
      %swap3A_162 = vector.shape_cast %mul3A_158 : vector<16xf32> to vector<1x16xf32>
      tpu.vector_store %arg13[%swap3A, %swap3A_159], %swap3A_162 {strides = array<i32>} : memref<320x32xf32, #tpu.memory_space<vmem>>, vector<1x16xf32>,
      %mul3A_163 = arith.mulf %max3A_157, %get3A_130 : vector<16xf32>
      %swap3A_164 = arith.index_cast %add3A_124 : i32 to index
      %swap3A_165 = arith.constant 16 : index
      %swap3A_166 = tpu.vector_load %arg13[%swap3A_164, %swap3A_165] {strides = array<i32>} : memref<320x32xf32, #tpu.memory_space<vmem>>, vector<1x16xf32>,
      %swap3A_167 = vector.shape_cast %swap3A_166 : vector<1x16xf32> to vector<16xf32>
      %swap3A_168 = vector.shape_cast %mul3A_163 : vector<16xf32> to vector<1x16xf32>
      tpu.vector_store %arg13[%swap3A_164, %swap3A_165], %swap3A_168 {strides = array<i32>} : memref<320x32xf32, #tpu.memory_space<vmem>>, vector<1x16xf32>,
      %mul3A_169 = arith.constant 4 : i32
      %mul3A_170 = arith.muli %mul3A_169, %scan3A_120 : i32
      %add3A_171 = arith.constant 1 : i32
      %add3A_172 = arith.addi %mul3A_170, %add3A_171 : i32
      %add3A_173 = arith.constant 320 : i32
      %add3A_174 = arith.addi %add3A_173, %add3A_172 : i32
      %get3A_175 = arith.index_cast %add3A_174 : i32 to index
      %get3A_176 = arith.constant 0 : index
      %get3A_177 = tpu.vector_load %arg14[%get3A_175, %get3A_176] {strides = array<i32>} : memref<640x16xf32, #tpu.memory_space<vmem>>, vector<1x16xf32>,
      %get3A_178 = vector.shape_cast %get3A_177 : vector<1x16xf32> to vector<16xf32>
      %get3A_179 = arith.index_cast %add3A_172 : i32 to index
      %get3A_180 = arith.constant 0 : index
      %get3A_181 = tpu.vector_load %arg12[%get3A_179, %get3A_180] {strides = array<i32>} : memref<320x32xf32, #tpu.memory_space<vmem>>, vector<1x16xf32>,
      %get3A_182 = vector.shape_cast %get3A_181 : vector<1x16xf32> to vector<16xf32>
      %get3A_183 = arith.index_cast %add3A_172 : i32 to index
      %get3A_184 = arith.constant 0 : index
      %get3A_185 = tpu.vector_load %arg13[%get3A_183, %get3A_184] {strides = array<i32>} : memref<320x32xf32, #tpu.memory_space<vmem>>, vector<1x16xf32>,
      %get3A_186 = vector.shape_cast %get3A_185 : vector<1x16xf32> to vector<16xf32>
      %add3A_187 = arith.addf %get3A_182, %get3A_186 : vector<16xf32>
      %mul3A_188 = arith.mulf %add3A_187, %get3A_178 : vector<16xf32>
      %add3A_189 = arith.addf %mul3A_188, %get3A_58 : vector<16xf32>
      %max3A_190 = arith.constant 0.000000e+00 : f32
      %max3A_191 = vector.broadcast %max3A_190 : f32 to vector<16xf32>
      %max3A_192 = arith.maximumf %add3A_189, %max3A_191 : vector<16xf32>
      %get3A_193 = arith.index_cast %add3A_172 : i32 to index
      %get3A_194 = arith.constant 16 : index
      %get3A_195 = tpu.vector_load %arg12[%get3A_193, %get3A_194] {strides = array<i32>} : memref<320x32xf32, #tpu.memory_space<vmem>>, vector<1x16xf32>,
      %get3A_196 = vector.shape_cast %get3A_195 : vector<1x16xf32> to vector<16xf32>
      %get3A_197 = arith.index_cast %add3A_172 : i32 to index
      %get3A_198 = arith.constant 16 : index
      %get3A_199 = tpu.vector_load %arg13[%get3A_197, %get3A_198] {strides = array<i32>} : memref<320x32xf32, #tpu.memory_space<vmem>>, vector<1x16xf32>,
      %get3A_200 = vector.shape_cast %get3A_199 : vector<1x16xf32> to vector<16xf32>
      %add3A_201 = arith.addf %get3A_196, %get3A_200 : vector<16xf32>
      %mul3A_202 = arith.mulf %add3A_201, %get3A_178 : vector<16xf32>
      %add3A_203 = arith.addf %mul3A_202, %get3A_63 : vector<16xf32>
      %max3A_204 = arith.constant 0.000000e+00 : f32
      %max3A_205 = vector.broadcast %max3A_204 : f32 to vector<16xf32>
      %max3A_206 = arith.maximumf %add3A_203, %max3A_205 : vector<16xf32>
      %mul3A_207 = arith.mulf %max3A_192, %get3A_178 : vector<16xf32>
      %swap3A_208 = arith.index_cast %add3A_172 : i32 to index
      %swap3A_209 = arith.constant 0 : index
      %swap3A_210 = tpu.vector_load %arg13[%swap3A_208, %swap3A_209] {strides = array<i32>} : memref<320x32xf32, #tpu.memory_space<vmem>>, vector<1x16xf32>,
      %swap3A_211 = vector.shape_cast %swap3A_210 : vector<1x16xf32> to vector<16xf32>
      %swap3A_212 = vector.shape_cast %mul3A_207 : vector<16xf32> to vector<1x16xf32>
      tpu.vector_store %arg13[%swap3A_208, %swap3A_209], %swap3A_212 {strides = array<i32>} : memref<320x32xf32, #tpu.memory_space<vmem>>, vector<1x16xf32>,
      %mul3A_213 = arith.mulf %max3A_206, %get3A_178 : vector<16xf32>
      %swap3A_214 = arith.index_cast %add3A_172 : i32 to index
      %swap3A_215 = arith.constant 16 : index
      %swap3A_216 = tpu.vector_load %arg13[%swap3A_214, %swap3A_215] {strides = array<i32>} : memref<320x32xf32, #tpu.memory_space<vmem>>, vector<1x16xf32>,
      %swap3A_217 = vector.shape_cast %swap3A_216 : vector<1x16xf32> to vector<16xf32>
      %swap3A_218 = vector.shape_cast %mul3A_213 : vector<16xf32> to vector<1x16xf32>
      tpu.vector_store %arg13[%swap3A_214, %swap3A_215], %swap3A_218 {strides = array<i32>} : memref<320x32xf32, #tpu.memory_space<vmem>>, vector<1x16xf32>,
      %mul3A_219 = arith.constant 4 : i32
      %mul3A_220 = arith.muli %mul3A_219, %scan3A_120 : i32
      %add3A_221 = arith.constant 2 : i32
      %add3A_222 = arith.addi %mul3A_220, %add3A_221 : i32
      %add3A_223 = arith.constant 320 : i32
      %add3A_224 = arith.addi %add3A_223, %add3A_222 : i32
      %get3A_225 = arith.index_cast %add3A_224 : i32 to index
      %get3A_226 = arith.constant 0 : index
      %get3A_227 = tpu.vector_load %arg14[%get3A_225, %get3A_226] {strides = array<i32>} : memref<640x16xf32, #tpu.memory_space<vmem>>, vector<1x16xf32>,
      %get3A_228 = vector.shape_cast %get3A_227 : vector<1x16xf32> to vector<16xf32>
      %get3A_229 = arith.index_cast %add3A_222 : i32 to index
      %get3A_230 = arith.constant 0 : index
      %get3A_231 = tpu.vector_load %arg12[%get3A_229, %get3A_230] {strides = array<i32>} : memref<320x32xf32, #tpu.memory_space<vmem>>, vector<1x16xf32>,
      %get3A_232 = vector.shape_cast %get3A_231 : vector<1x16xf32> to vector<16xf32>
      %get3A_233 = arith.index_cast %add3A_222 : i32 to index
      %get3A_234 = arith.constant 0 : index
      %get3A_235 = tpu.vector_load %arg13[%get3A_233, %get3A_234] {strides = array<i32>} : memref<320x32xf32, #tpu.memory_space<vmem>>, vector<1x16xf32>,
      %get3A_236 = vector.shape_cast %get3A_235 : vector<1x16xf32> to vector<16xf32>
      %add3A_237 = arith.addf %get3A_232, %get3A_236 : vector<16xf32>
      %mul3A_238 = arith.mulf %add3A_237, %get3A_228 : vector<16xf32>
      %add3A_239 = arith.addf %mul3A_238, %get3A_58 : vector<16xf32>
      %max3A_240 = arith.constant 0.000000e+00 : f32
      %max3A_241 = vector.broadcast %max3A_240 : f32 to vector<16xf32>
      %max3A_242 = arith.maximumf %add3A_239, %max3A_241 : vector<16xf32>
      %get3A_243 = arith.index_cast %add3A_222 : i32 to index
      %get3A_244 = arith.constant 16 : index
      %get3A_245 = tpu.vector_load %arg12[%get3A_243, %get3A_244] {strides = array<i32>} : memref<320x32xf32, #tpu.memory_space<vmem>>, vector<1x16xf32>,
      %get3A_246 = vector.shape_cast %get3A_245 : vector<1x16xf32> to vector<16xf32>
      %get3A_247 = arith.index_cast %add3A_222 : i32 to index
      %get3A_248 = arith.constant 16 : index
      %get3A_249 = tpu.vector_load %arg13[%get3A_247, %get3A_248] {strides = array<i32>} : memref<320x32xf32, #tpu.memory_space<vmem>>, vector<1x16xf32>,
      %get3A_250 = vector.shape_cast %get3A_249 : vector<1x16xf32> to vector<16xf32>
      %add3A_251 = arith.addf %get3A_246, %get3A_250 : vector<16xf32>
      %mul3A_252 = arith.mulf %add3A_251, %get3A_228 : vector<16xf32>
      %add3A_253 = arith.addf %mul3A_252, %get3A_63 : vector<16xf32>
      %max3A_254 = arith.constant 0.000000e+00 : f32
      %max3A_255 = vector.broadcast %max3A_254 : f32 to vector<16xf32>
      %max3A_256 = arith.maximumf %add3A_253, %max3A_255 : vector<16xf32>
      %mul3A_257 = arith.mulf %max3A_242, %get3A_228 : vector<16xf32>
      %swap3A_258 = arith.index_cast %add3A_222 : i32 to index
      %swap3A_259 = arith.constant 0 : index
      %swap3A_260 = tpu.vector_load %arg13[%swap3A_258, %swap3A_259] {strides = array<i32>} : memref<320x32xf32, #tpu.memory_space<vmem>>, vector<1x16xf32>,
      %swap3A_261 = vector.shape_cast %swap3A_260 : vector<1x16xf32> to vector<16xf32>
      %swap3A_262 = vector.shape_cast %mul3A_257 : vector<16xf32> to vector<1x16xf32>
      tpu.vector_store %arg13[%swap3A_258, %swap3A_259], %swap3A_262 {strides = array<i32>} : memref<320x32xf32, #tpu.memory_space<vmem>>, vector<1x16xf32>,
      %mul3A_263 = arith.mulf %max3A_256, %get3A_228 : vector<16xf32>
      %swap3A_264 = arith.index_cast %add3A_222 : i32 to index
      %swap3A_265 = arith.constant 16 : index
      %swap3A_266 = tpu.vector_load %arg13[%swap3A_264, %swap3A_265] {strides = array<i32>} : memref<320x32xf32, #tpu.memory_space<vmem>>, vector<1x16xf32>,
      %swap3A_267 = vector.shape_cast %swap3A_266 : vector<1x16xf32> to vector<16xf32>
      %swap3A_268 = vector.shape_cast %mul3A_263 : vector<16xf32> to vector<1x16xf32>
      tpu.vector_store %arg13[%swap3A_264, %swap3A_265], %swap3A_268 {strides = array<i32>} : memref<320x32xf32, #tpu.memory_space<vmem>>, vector<1x16xf32>,
      %mul3A_269 = arith.constant 4 : i32
      %mul3A_270 = arith.muli %mul3A_269, %scan3A_120 : i32
      %add3A_271 = arith.constant 3 : i32
      %add3A_272 = arith.addi %mul3A_270, %add3A_271 : i32
      %add3A_273 = arith.constant 320 : i32
      %add3A_274 = arith.addi %add3A_273, %add3A_272 : i32
      %get3A_275 = arith.index_cast %add3A_274 : i32 to index
      %get3A_276 = arith.constant 0 : index
      %get3A_277 = tpu.vector_load %arg14[%get3A_275, %get3A_276] {strides = array<i32>} : memref<640x16xf32, #tpu.memory_space<vmem>>, vector<1x16xf32>,
      %get3A_278 = vector.shape_cast %get3A_277 : vector<1x16xf32> to vector<16xf32>
      %get3A_279 = arith.index_cast %add3A_272 : i32 to index
      %get3A_280 = arith.constant 0 : index
      %get3A_281 = tpu.vector_load %arg12[%get3A_279, %get3A_280] {strides = array<i32>} : memref<320x32xf32, #tpu.memory_space<vmem>>, vector<1x16xf32>,
      %get3A_282 = vector.shape_cast %get3A_281 : vector<1x16xf32> to vector<16xf32>
      %get3A_283 = arith.index_cast %add3A_272 : i32 to index
      %get3A_284 = arith.constant 0 : index
      %get3A_285 = tpu.vector_load %arg13[%get3A_283, %get3A_284] {strides = array<i32>} : memref<320x32xf32, #tpu.memory_space<vmem>>, vector<1x16xf32>,
      %get3A_286 = vector.shape_cast %get3A_285 : vector<1x16xf32> to vector<16xf32>
      %add3A_287 = arith.addf %get3A_282, %get3A_286 : vector<16xf32>
      %mul3A_288 = arith.mulf %add3A_287, %get3A_278 : vector<16xf32>
      %add3A_289 = arith.addf %mul3A_288, %get3A_58 : vector<16xf32>
      %max3A_290 = arith.constant 0.000000e+00 : f32
      %max3A_291 = vector.broadcast %max3A_290 : f32 to vector<16xf32>
      %max3A_292 = arith.maximumf %add3A_289, %max3A_291 : vector<16xf32>
      %get3A_293 = arith.index_cast %add3A_272 : i32 to index
      %get3A_294 = arith.constant 16 : index
      %get3A_295 = tpu.vector_load %arg12[%get3A_293, %get3A_294] {strides = array<i32>} : memref<320x32xf32, #tpu.memory_space<vmem>>, vector<1x16xf32>,
      %get3A_296 = vector.shape_cast %get3A_295 : vector<1x16xf32> to vector<16xf32>
      %get3A_297 = arith.index_cast %add3A_272 : i32 to index
      %get3A_298 = arith.constant 16 : index
      %get3A_299 = tpu.vector_load %arg13[%get3A_297, %get3A_298] {strides = array<i32>} : memref<320x32xf32, #tpu.memory_space<vmem>>, vector<1x16xf32>,
      %get3A_300 = vector.shape_cast %get3A_299 : vector<1x16xf32> to vector<16xf32>
      %add3A_301 = arith.addf %get3A_296, %get3A_300 : vector<16xf32>
      %mul3A_302 = arith.mulf %add3A_301, %get3A_278 : vector<16xf32>
      %add3A_303 = arith.addf %mul3A_302, %get3A_63 : vector<16xf32>
      %max3A_304 = arith.constant 0.000000e+00 : f32
      %max3A_305 = vector.broadcast %max3A_304 : f32 to vector<16xf32>
      %max3A_306 = arith.maximumf %add3A_303, %max3A_305 : vector<16xf32>
      %mul3A_307 = arith.mulf %max3A_292, %get3A_278 : vector<16xf32>
      %swap3A_308 = arith.index_cast %add3A_272 : i32 to index
      %swap3A_309 = arith.constant 0 : index
      %swap3A_310 = tpu.vector_load %arg13[%swap3A_308, %swap3A_309] {strides = array<i32>} : memref<320x32xf32, #tpu.memory_space<vmem>>, vector<1x16xf32>,
      %swap3A_311 = vector.shape_cast %swap3A_310 : vector<1x16xf32> to vector<16xf32>
      %swap3A_312 = vector.shape_cast %mul3A_307 : vector<16xf32> to vector<1x16xf32>
      tpu.vector_store %arg13[%swap3A_308, %swap3A_309], %swap3A_312 {strides = array<i32>} : memref<320x32xf32, #tpu.memory_space<vmem>>, vector<1x16xf32>,
      %mul3A_313 = arith.mulf %max3A_306, %get3A_278 : vector<16xf32>
      %swap3A_314 = arith.index_cast %add3A_272 : i32 to index
      %swap3A_315 = arith.constant 16 : index
      %swap3A_316 = tpu.vector_load %arg13[%swap3A_314, %swap3A_315] {strides = array<i32>} : memref<320x32xf32, #tpu.memory_space<vmem>>, vector<1x16xf32>,
      %swap3A_317 = vector.shape_cast %swap3A_316 : vector<1x16xf32> to vector<16xf32>
      %swap3A_318 = vector.shape_cast %mul3A_313 : vector<16xf32> to vector<1x16xf32>
      tpu.vector_store %arg13[%swap3A_314, %swap3A_315], %swap3A_318 {strides = array<i32>} : memref<320x32xf32, #tpu.memory_space<vmem>>, vector<1x16xf32>,
    }
    %scan3A_79 = arith.constant 80 : i32
    "tpu.region"() ({
      %run_scoped3A = tpu.sem_alloc : memref<!tpu.dma_semaphore, #tpu.memory_space<semaphore_mem>>
      %dma_start3A_120 = arith.constant 0 : i32
      %dma_start3A_121 = tpu.memref_slice %arg18[%add3A_73, %dma_start3A_120] : memref<10240x32xf32, #tpu.memory_space<vmem_shared>> -> memref<320x32xf32, #tpu.memory_space<vmem_shared>>
      %dma_start3A_122 = arith.constant 0 : i32
      %dma_start3A_123 = tpu.memref_slice %arg18[%add3A_73, %dma_start3A_122] : memref<10240x32xf32, #tpu.memory_space<vmem_shared>> -> memref<320x32xf32, #tpu.memory_space<vmem_shared>>
      tpu.enqueue_dma source(%arg13 : memref<320x32xf32, #tpu.memory_space<vmem>>) target(%dma_start3A_123 : memref<320x32xf32, #tpu.memory_space<vmem_shared>>) target_semaphore(%run_scoped3A : memref<!tpu.dma_semaphore, #tpu.memory_space<semaphore_mem>>)
      %dma_wait3A = arith.constant 0 : i32
      %dma_wait3A_124 = tpu.memref_slice %arg18[%add3A_73, %dma_wait3A] : memref<10240x32xf32, #tpu.memory_space<vmem_shared>> -> memref<320x32xf32, #tpu.memory_space<vmem_shared>>
      %dma_wait3A_125 = arith.constant 0 : i32
      %dma_wait3A_126 = tpu.memref_slice %arg18[%add3A_73, %dma_wait3A_125] : memref<10240x32xf32, #tpu.memory_space<vmem_shared>> -> memref<320x32xf32, #tpu.memory_space<vmem_shared>>
      tpu.wait_dma2 semaphore(%run_scoped3A : memref<!tpu.dma_semaphore, #tpu.memory_space<semaphore_mem>>) src(%arg13 : memref<320x32xf32, #tpu.memory_space<vmem>>) dst(%dma_wait3A_126 : memref<320x32xf32, #tpu.memory_space<vmem_shared>>)
      tpu.yield
    }) : () -> ()
    "tpu.region"() ({
      %run_scoped3A = tpu.sem_alloc : memref<!tpu.dma_semaphore, #tpu.memory_space<semaphore_mem>>
      %dma_start3A_120 = arith.constant 0 : i32
      %dma_start3A_121 = tpu.memref_slice %arg17[%add3A_73, %dma_start3A_120] : memref<10240x32xf32, #tpu.memory_space<vmem_shared>> -> memref<320x32xf32, #tpu.memory_space<vmem_shared>>
      %dma_start3A_122 = arith.constant 0 : i32
      %dma_start3A_123 = tpu.memref_slice %arg6[%add3A_73, %dma_start3A_122] : memref<10240x32xf32, #tpu.memory_space<hbm>> -> memref<320x32xf32, #tpu.memory_space<hbm>>
      tpu.enqueue_dma source(%dma_start3A_123 : memref<320x32xf32, #tpu.memory_space<hbm>>) target(%dma_start3A_121 : memref<320x32xf32, #tpu.memory_space<vmem_shared>>) target_semaphore(%run_scoped3A : memref<!tpu.dma_semaphore, #tpu.memory_space<semaphore_mem>>)
      %dma_wait3A = arith.constant 0 : i32
      %dma_wait3A_124 = tpu.memref_slice %arg17[%add3A_73, %dma_wait3A] : memref<10240x32xf32, #tpu.memory_space<vmem_shared>> -> memref<320x32xf32, #tpu.memory_space<vmem_shared>>
      %dma_wait3A_125 = arith.constant 0 : i32
      %dma_wait3A_126 = tpu.memref_slice %arg6[%add3A_73, %dma_wait3A_125] : memref<10240x32xf32, #tpu.memory_space<hbm>> -> memref<320x32xf32, #tpu.memory_space<hbm>>
      tpu.wait_dma2 semaphore(%run_scoped3A : memref<!tpu.dma_semaphore, #tpu.memory_space<semaphore_mem>>) src(%dma_wait3A_126 : memref<320x32xf32, #tpu.memory_space<hbm>>) dst(%dma_wait3A_124 : memref<320x32xf32, #tpu.memory_space<vmem_shared>>)
      tpu.yield
    }) : () -> ()
    %barrier3A_80 = arith.constant 0 : index
    tpu.barrier barrier_id(%barrier3A_80)
    %dma_start3A_81 = arith.constant 0 : i32
    %dma_start3A_82 = arith.constant 0 : i32
    %dma_start3A_83 = tpu.memref_slice %arg8[%dma_start3A_81, %dma_start3A_82] : memref<157x128xi32, #tpu.memory_space<vmem>> -> memref<1x128xi32, #tpu.memory_space<vmem>>
    %dma_start3A_84 = tpu.memref_squeeze %dma_start3A_83 : memref<1x128xi32, #tpu.memory_space<vmem>> -> memref<128xi32, #tpu.memory_space<vmem>>
    %dma_start3A_85 = arith.constant 0 : i32
    %dma_start3A_86 = arith.constant 0 : i32
    %dma_start3A_87 = tpu.memref_slice %arg18[%dma_start3A_85, %dma_start3A_86] : memref<10240x32xf32, #tpu.memory_space<vmem_shared>> -> memref<10240x32xf32, #tpu.memory_space<vmem_shared>>
    tpu.enqueue_indirect_dma source(%dma_start3A_87 : memref<10240x32xf32, #tpu.memory_space<vmem_shared>>) target(%arg10 : memref<128x32xf32, #tpu.memory_space<vmem>>) offsets(%dma_start3A_84 : memref<128xi32, #tpu.memory_space<vmem>>) semaphore(%arg19 : memref<!tpu.dma_semaphore, #tpu.memory_space<semaphore_mem>>)
    %scan3A_88 = arith.constant 0 : i32
    %scan3A_89 = arith.constant 0 : i32
    %scan3A_90 = arith.constant 78 : i32
    %scan3A_91 = arith.addi %scan3A_89, %scan3A_90 : i32
    %scan3A_92 = arith.constant 1 : i32
    scf.for %scan3A_120 = %scan3A_89 to %scan3A_91 step %scan3A_92  : i32 {
      %mul3A_121 = arith.constant 2 : i32
      %mul3A_122 = arith.muli %mul3A_121, %scan3A_120 : i32
      %add3A_123 = arith.constant 1 : i32
      %add3A_124 = arith.addi %mul3A_122, %add3A_123 : i32
      %dma_start3A_125 = arith.constant 0 : i32
      %dma_start3A_126 = tpu.memref_slice %arg8[%add3A_124, %dma_start3A_125] : memref<157x128xi32, #tpu.memory_space<vmem>> -> memref<1x128xi32, #tpu.memory_space<vmem>>
      %dma_start3A_127 = tpu.memref_squeeze %dma_start3A_126 : memref<1x128xi32, #tpu.memory_space<vmem>> -> memref<128xi32, #tpu.memory_space<vmem>>
      %dma_start3A_128 = arith.constant 0 : i32
      %dma_start3A_129 = arith.constant 0 : i32
      %dma_start3A_130 = tpu.memref_slice %arg18[%dma_start3A_128, %dma_start3A_129] : memref<10240x32xf32, #tpu.memory_space<vmem_shared>> -> memref<10240x32xf32, #tpu.memory_space<vmem_shared>>
      tpu.enqueue_indirect_dma source(%dma_start3A_130 : memref<10240x32xf32, #tpu.memory_space<vmem_shared>>) target(%arg11 : memref<128x32xf32, #tpu.memory_space<vmem>>) offsets(%dma_start3A_127 : memref<128xi32, #tpu.memory_space<vmem>>) semaphore(%arg20 : memref<!tpu.dma_semaphore, #tpu.memory_space<semaphore_mem>>)
      %dma_wait3A = arith.constant 0 : i32
      %dma_wait3A_131 = tpu.memref_slice %arg8[%mul3A_122, %dma_wait3A] : memref<157x128xi32, #tpu.memory_space<vmem>> -> memref<1x128xi32, #tpu.memory_space<vmem>>
      %dma_wait3A_132 = tpu.memref_squeeze %dma_wait3A_131 : memref<1x128xi32, #tpu.memory_space<vmem>> -> memref<128xi32, #tpu.memory_space<vmem>>
      %dma_wait3A_133 = arith.constant 0 : i32
      %dma_wait3A_134 = arith.constant 0 : i32
      %dma_wait3A_135 = tpu.memref_slice %arg18[%dma_wait3A_133, %dma_wait3A_134] : memref<10240x32xf32, #tpu.memory_space<vmem_shared>> -> memref<10240x32xf32, #tpu.memory_space<vmem_shared>>
      tpu.wait_indirect_dma semaphore(%arg19 : memref<!tpu.dma_semaphore, #tpu.memory_space<semaphore_mem>>) src(%dma_wait3A_135 : memref<10240x32xf32, #tpu.memory_space<vmem_shared>>) dst(%arg10 : memref<128x32xf32, #tpu.memory_space<vmem>>)
      "tpu.region"() ({
        %run_scoped3A = tpu.sem_alloc : memref<!tpu.dma_semaphore, #tpu.memory_space<semaphore_mem>>
        %dma_start3A_152 = arith.constant 0 : i32
        %dma_start3A_153 = tpu.memref_slice %arg9[%mul3A_122, %dma_start3A_152] : memref<157x128xi32, #tpu.memory_space<vmem>> -> memref<1x128xi32, #tpu.memory_space<vmem>>
        %dma_start3A_154 = tpu.memref_squeeze %dma_start3A_153 : memref<1x128xi32, #tpu.memory_space<vmem>> -> memref<128xi32, #tpu.memory_space<vmem>>
        %dma_start3A_155 = arith.constant 0 : i32
        %dma_start3A_156 = arith.constant 0 : i32
        %dma_start3A_157 = tpu.memref_slice %arg17[%dma_start3A_155, %dma_start3A_156] : memref<10240x32xf32, #tpu.memory_space<vmem_shared>> -> memref<10240x32xf32, #tpu.memory_space<vmem_shared>>
        tpu.enqueue_indirect_dma source(%arg10 : memref<128x32xf32, #tpu.memory_space<vmem>>) target(%dma_start3A_157 : memref<10240x32xf32, #tpu.memory_space<vmem_shared>>) offsets(%dma_start3A_154 : memref<128xi32, #tpu.memory_space<vmem>>) semaphore(%run_scoped3A : memref<!tpu.dma_semaphore, #tpu.memory_space<semaphore_mem>>) {add = true}
        %dma_wait3A_158 = arith.constant 0 : i32
        %dma_wait3A_159 = tpu.memref_slice %arg9[%mul3A_122, %dma_wait3A_158] : memref<157x128xi32, #tpu.memory_space<vmem>> -> memref<1x128xi32, #tpu.memory_space<vmem>>
        %dma_wait3A_160 = tpu.memref_squeeze %dma_wait3A_159 : memref<1x128xi32, #tpu.memory_space<vmem>> -> memref<128xi32, #tpu.memory_space<vmem>>
        %dma_wait3A_161 = arith.constant 0 : i32
        %dma_wait3A_162 = arith.constant 0 : i32
        %dma_wait3A_163 = tpu.memref_slice %arg17[%dma_wait3A_161, %dma_wait3A_162] : memref<10240x32xf32, #tpu.memory_space<vmem_shared>> -> memref<10240x32xf32, #tpu.memory_space<vmem_shared>>
        tpu.wait_indirect_dma semaphore(%run_scoped3A : memref<!tpu.dma_semaphore, #tpu.memory_space<semaphore_mem>>) src(%arg10 : memref<128x32xf32, #tpu.memory_space<vmem>>) dst(%dma_wait3A_163 : memref<10240x32xf32, #tpu.memory_space<vmem_shared>>)
        tpu.yield
      }) : () -> ()
      %add3A_136 = arith.constant 2 : i32
      %add3A_137 = arith.addi %mul3A_122, %add3A_136 : i32
      %lt3A_138 = arith.cmpi slt, %add3A_137, %add3A_6 : i32
      %convert_element_type3A_139 = arith.extui %lt3A_138 : i1 to i32
      %cond3A_140 = arith.constant 0 : i32
      %cond3A_141 = arith.cmpi ne, %convert_element_type3A_139, %cond3A_140 : i32
      scf.if %cond3A_141 {
        %add3A_152 = arith.constant 2 : i32
        %add3A_153 = arith.addi %mul3A_122, %add3A_152 : i32
        %dma_start3A_154 = arith.constant 0 : i32
        %dma_start3A_155 = tpu.memref_slice %arg8[%add3A_153, %dma_start3A_154] : memref<157x128xi32, #tpu.memory_space<vmem>> -> memref<1x128xi32, #tpu.memory_space<vmem>>
        %dma_start3A_156 = tpu.memref_squeeze %dma_start3A_155 : memref<1x128xi32, #tpu.memory_space<vmem>> -> memref<128xi32, #tpu.memory_space<vmem>>
        %dma_start3A_157 = arith.constant 0 : i32
        %dma_start3A_158 = arith.constant 0 : i32
        %dma_start3A_159 = tpu.memref_slice %arg18[%dma_start3A_157, %dma_start3A_158] : memref<10240x32xf32, #tpu.memory_space<vmem_shared>> -> memref<10240x32xf32, #tpu.memory_space<vmem_shared>>
        tpu.enqueue_indirect_dma source(%dma_start3A_159 : memref<10240x32xf32, #tpu.memory_space<vmem_shared>>) target(%arg10 : memref<128x32xf32, #tpu.memory_space<vmem>>) offsets(%dma_start3A_156 : memref<128xi32, #tpu.memory_space<vmem>>) semaphore(%arg19 : memref<!tpu.dma_semaphore, #tpu.memory_space<semaphore_mem>>)
      } else {
      }
      %add3A_142 = arith.constant 1 : i32
      %add3A_143 = arith.addi %mul3A_122, %add3A_142 : i32
      %dma_wait3A_144 = arith.constant 0 : i32
      %dma_wait3A_145 = tpu.memref_slice %arg8[%add3A_143, %dma_wait3A_144] : memref<157x128xi32, #tpu.memory_space<vmem>> -> memref<1x128xi32, #tpu.memory_space<vmem>>
      %dma_wait3A_146 = tpu.memref_squeeze %dma_wait3A_145 : memref<1x128xi32, #tpu.memory_space<vmem>> -> memref<128xi32, #tpu.memory_space<vmem>>
      %dma_wait3A_147 = arith.constant 0 : i32
      %dma_wait3A_148 = arith.constant 0 : i32
      %dma_wait3A_149 = tpu.memref_slice %arg18[%dma_wait3A_147, %dma_wait3A_148] : memref<10240x32xf32, #tpu.memory_space<vmem_shared>> -> memref<10240x32xf32, #tpu.memory_space<vmem_shared>>
      tpu.wait_indirect_dma semaphore(%arg20 : memref<!tpu.dma_semaphore, #tpu.memory_space<semaphore_mem>>) src(%dma_wait3A_149 : memref<10240x32xf32, #tpu.memory_space<vmem_shared>>) dst(%arg11 : memref<128x32xf32, #tpu.memory_space<vmem>>)
      %add3A_150 = arith.constant 1 : i32
      %add3A_151 = arith.addi %mul3A_122, %add3A_150 : i32
      "tpu.region"() ({
        %run_scoped3A = tpu.sem_alloc : memref<!tpu.dma_semaphore, #tpu.memory_space<semaphore_mem>>
        %dma_start3A_152 = arith.constant 0 : i32
        %dma_start3A_153 = tpu.memref_slice %arg9[%add3A_151, %dma_start3A_152] : memref<157x128xi32, #tpu.memory_space<vmem>> -> memref<1x128xi32, #tpu.memory_space<vmem>>
        %dma_start3A_154 = tpu.memref_squeeze %dma_start3A_153 : memref<1x128xi32, #tpu.memory_space<vmem>> -> memref<128xi32, #tpu.memory_space<vmem>>
        %dma_start3A_155 = arith.constant 0 : i32
        %dma_start3A_156 = arith.constant 0 : i32
        %dma_start3A_157 = tpu.memref_slice %arg17[%dma_start3A_155, %dma_start3A_156] : memref<10240x32xf32, #tpu.memory_space<vmem_shared>> -> memref<10240x32xf32, #tpu.memory_space<vmem_shared>>
        tpu.enqueue_indirect_dma source(%arg11 : memref<128x32xf32, #tpu.memory_space<vmem>>) target(%dma_start3A_157 : memref<10240x32xf32, #tpu.memory_space<vmem_shared>>) offsets(%dma_start3A_154 : memref<128xi32, #tpu.memory_space<vmem>>) semaphore(%run_scoped3A : memref<!tpu.dma_semaphore, #tpu.memory_space<semaphore_mem>>) {add = true}
        %dma_wait3A_158 = arith.constant 0 : i32
        %dma_wait3A_159 = tpu.memref_slice %arg9[%add3A_151, %dma_wait3A_158] : memref<157x128xi32, #tpu.memory_space<vmem>> -> memref<1x128xi32, #tpu.memory_space<vmem>>
        %dma_wait3A_160 = tpu.memref_squeeze %dma_wait3A_159 : memref<1x128xi32, #tpu.memory_space<vmem>> -> memref<128xi32, #tpu.memory_space<vmem>>
        %dma_wait3A_161 = arith.constant 0 : i32
        %dma_wait3A_162 = arith.constant 0 : i32
        %dma_wait3A_163 = tpu.memref_slice %arg17[%dma_wait3A_161, %dma_wait3A_162] : memref<10240x32xf32, #tpu.memory_space<vmem_shared>> -> memref<10240x32xf32, #tpu.memory_space<vmem_shared>>
        tpu.wait_indirect_dma semaphore(%run_scoped3A : memref<!tpu.dma_semaphore, #tpu.memory_space<semaphore_mem>>) src(%arg11 : memref<128x32xf32, #tpu.memory_space<vmem>>) dst(%dma_wait3A_163 : memref<10240x32xf32, #tpu.memory_space<vmem_shared>>)
        tpu.yield
      }) : () -> ()
    }
    %scan3A_93 = arith.constant 78 : i32
    %gt3A_94 = arith.constant 156 : i32
    %gt3A_95 = arith.cmpi sgt, %add3A_6, %gt3A_94 : i32
    %convert_element_type3A_96 = arith.extui %gt3A_95 : i1 to i32
    %cond3A_97 = arith.constant 0 : i32
    %cond3A_98 = arith.cmpi ne, %convert_element_type3A_96, %cond3A_97 : i32
    scf.if %cond3A_98 {
      %dma_wait3A = arith.constant 156 : i32
      %dma_wait3A_120 = arith.constant 0 : i32
      %dma_wait3A_121 = tpu.memref_slice %arg8[%dma_wait3A, %dma_wait3A_120] : memref<157x128xi32, #tpu.memory_space<vmem>> -> memref<1x128xi32, #tpu.memory_space<vmem>>
      %dma_wait3A_122 = tpu.memref_squeeze %dma_wait3A_121 : memref<1x128xi32, #tpu.memory_space<vmem>> -> memref<128xi32, #tpu.memory_space<vmem>>
      %dma_wait3A_123 = arith.constant 0 : i32
      %dma_wait3A_124 = arith.constant 0 : i32
      %dma_wait3A_125 = tpu.memref_slice %arg18[%dma_wait3A_123, %dma_wait3A_124] : memref<10240x32xf32, #tpu.memory_space<vmem_shared>> -> memref<10240x32xf32, #tpu.memory_space<vmem_shared>>
      tpu.wait_indirect_dma semaphore(%arg19 : memref<!tpu.dma_semaphore, #tpu.memory_space<semaphore_mem>>) src(%dma_wait3A_125 : memref<10240x32xf32, #tpu.memory_space<vmem_shared>>) dst(%arg10 : memref<128x32xf32, #tpu.memory_space<vmem>>)
      %run_scoped3A = arith.constant 156 : i32
      "tpu.region"() ({
        %run_scoped3A_126 = tpu.sem_alloc : memref<!tpu.dma_semaphore, #tpu.memory_space<semaphore_mem>>
        %dma_start3A_127 = arith.constant 0 : i32
        %dma_start3A_128 = tpu.memref_slice %arg9[%run_scoped3A, %dma_start3A_127] : memref<157x128xi32, #tpu.memory_space<vmem>> -> memref<1x128xi32, #tpu.memory_space<vmem>>
        %dma_start3A_129 = tpu.memref_squeeze %dma_start3A_128 : memref<1x128xi32, #tpu.memory_space<vmem>> -> memref<128xi32, #tpu.memory_space<vmem>>
        %dma_start3A_130 = arith.constant 0 : i32
        %dma_start3A_131 = arith.constant 0 : i32
        %dma_start3A_132 = tpu.memref_slice %arg17[%dma_start3A_130, %dma_start3A_131] : memref<10240x32xf32, #tpu.memory_space<vmem_shared>> -> memref<10240x32xf32, #tpu.memory_space<vmem_shared>>
        tpu.enqueue_indirect_dma source(%arg10 : memref<128x32xf32, #tpu.memory_space<vmem>>) target(%dma_start3A_132 : memref<10240x32xf32, #tpu.memory_space<vmem_shared>>) offsets(%dma_start3A_129 : memref<128xi32, #tpu.memory_space<vmem>>) semaphore(%run_scoped3A_126 : memref<!tpu.dma_semaphore, #tpu.memory_space<semaphore_mem>>) {add = true}
        %dma_wait3A_133 = arith.constant 0 : i32
        %dma_wait3A_134 = tpu.memref_slice %arg9[%run_scoped3A, %dma_wait3A_133] : memref<157x128xi32, #tpu.memory_space<vmem>> -> memref<1x128xi32, #tpu.memory_space<vmem>>
        %dma_wait3A_135 = tpu.memref_squeeze %dma_wait3A_134 : memref<1x128xi32, #tpu.memory_space<vmem>> -> memref<128xi32, #tpu.memory_space<vmem>>
        %dma_wait3A_136 = arith.constant 0 : i32
        %dma_wait3A_137 = arith.constant 0 : i32
        %dma_wait3A_138 = tpu.memref_slice %arg17[%dma_wait3A_136, %dma_wait3A_137] : memref<10240x32xf32, #tpu.memory_space<vmem_shared>> -> memref<10240x32xf32, #tpu.memory_space<vmem_shared>>
        tpu.wait_indirect_dma semaphore(%run_scoped3A_126 : memref<!tpu.dma_semaphore, #tpu.memory_space<semaphore_mem>>) src(%arg10 : memref<128x32xf32, #tpu.memory_space<vmem>>) dst(%dma_wait3A_138 : memref<10240x32xf32, #tpu.memory_space<vmem_shared>>)
        tpu.yield
      }) : () -> ()
    } else {
    }
    %barrier3A_99 = arith.constant 0 : index
    tpu.barrier barrier_id(%barrier3A_99)
    %add3A_100 = arith.constant 0 : i32
    %add3A_101 = arith.addi %mul3A_0, %add3A_100 : i32
    "tpu.region"() ({
      %run_scoped3A = tpu.sem_alloc : memref<!tpu.dma_semaphore, #tpu.memory_space<semaphore_mem>>
      %dma_start3A_120 = arith.constant 0 : i32
      %dma_start3A_121 = tpu.memref_slice %arg17[%add3A_101, %dma_start3A_120] : memref<10240x32xf32, #tpu.memory_space<vmem_shared>> -> memref<320x32xf32, #tpu.memory_space<vmem_shared>>
      %dma_start3A_122 = arith.constant 0 : i32
      %dma_start3A_123 = tpu.memref_slice %arg17[%add3A_101, %dma_start3A_122] : memref<10240x32xf32, #tpu.memory_space<vmem_shared>> -> memref<320x32xf32, #tpu.memory_space<vmem_shared>>
      tpu.enqueue_dma source(%dma_start3A_123 : memref<320x32xf32, #tpu.memory_space<vmem_shared>>) target(%arg12 : memref<320x32xf32, #tpu.memory_space<vmem>>) target_semaphore(%run_scoped3A : memref<!tpu.dma_semaphore, #tpu.memory_space<semaphore_mem>>)
      %dma_wait3A = arith.constant 0 : i32
      %dma_wait3A_124 = tpu.memref_slice %arg17[%add3A_101, %dma_wait3A] : memref<10240x32xf32, #tpu.memory_space<vmem_shared>> -> memref<320x32xf32, #tpu.memory_space<vmem_shared>>
      %dma_wait3A_125 = arith.constant 0 : i32
      %dma_wait3A_126 = tpu.memref_slice %arg17[%add3A_101, %dma_wait3A_125] : memref<10240x32xf32, #tpu.memory_space<vmem_shared>> -> memref<320x32xf32, #tpu.memory_space<vmem_shared>>
      tpu.wait_dma2 semaphore(%run_scoped3A : memref<!tpu.dma_semaphore, #tpu.memory_space<semaphore_mem>>) src(%dma_wait3A_126 : memref<320x32xf32, #tpu.memory_space<vmem_shared>>) dst(%arg12 : memref<320x32xf32, #tpu.memory_space<vmem>>)
      tpu.yield
    }) : () -> ()
    "tpu.region"() ({
      %run_scoped3A = tpu.sem_alloc : memref<!tpu.dma_semaphore, #tpu.memory_space<semaphore_mem>>
      %dma_start3A_120 = arith.constant 0 : i32
      %dma_start3A_121 = tpu.memref_slice %arg18[%add3A_101, %dma_start3A_120] : memref<10240x32xf32, #tpu.memory_space<vmem_shared>> -> memref<320x32xf32, #tpu.memory_space<vmem_shared>>
      %dma_start3A_122 = arith.constant 0 : i32
      %dma_start3A_123 = tpu.memref_slice %arg18[%add3A_101, %dma_start3A_122] : memref<10240x32xf32, #tpu.memory_space<vmem_shared>> -> memref<320x32xf32, #tpu.memory_space<vmem_shared>>
      tpu.enqueue_dma source(%dma_start3A_123 : memref<320x32xf32, #tpu.memory_space<vmem_shared>>) target(%arg13 : memref<320x32xf32, #tpu.memory_space<vmem>>) target_semaphore(%run_scoped3A : memref<!tpu.dma_semaphore, #tpu.memory_space<semaphore_mem>>)
      %dma_wait3A = arith.constant 0 : i32
      %dma_wait3A_124 = tpu.memref_slice %arg18[%add3A_101, %dma_wait3A] : memref<10240x32xf32, #tpu.memory_space<vmem_shared>> -> memref<320x32xf32, #tpu.memory_space<vmem_shared>>
      %dma_wait3A_125 = arith.constant 0 : i32
      %dma_wait3A_126 = tpu.memref_slice %arg18[%add3A_101, %dma_wait3A_125] : memref<10240x32xf32, #tpu.memory_space<vmem_shared>> -> memref<320x32xf32, #tpu.memory_space<vmem_shared>>
      tpu.wait_dma2 semaphore(%run_scoped3A : memref<!tpu.dma_semaphore, #tpu.memory_space<semaphore_mem>>) src(%dma_wait3A_126 : memref<320x32xf32, #tpu.memory_space<vmem_shared>>) dst(%arg13 : memref<320x32xf32, #tpu.memory_space<vmem>>)
      tpu.yield
    }) : () -> ()
    %scan3A_102 = arith.constant 0 : i32
    %scan3A_103 = arith.constant 0 : i32
    %scan3A_104 = arith.constant 80 : i32
    %scan3A_105 = arith.addi %scan3A_103, %scan3A_104 : i32
    %scan3A_106 = arith.constant 1 : i32
    scf.for %scan3A_120 = %scan3A_103 to %scan3A_105 step %scan3A_106  : i32 {
      %mul3A_121 = arith.constant 4 : i32
      %mul3A_122 = arith.muli %mul3A_121, %scan3A_120 : i32
      %add3A_123 = arith.constant 0 : i32
      %add3A_124 = arith.addi %mul3A_122, %add3A_123 : i32
      %add3A_125 = arith.constant 0 : i32
      %add3A_126 = arith.addi %add3A_125, %add3A_124 : i32
      %get3A_127 = arith.index_cast %add3A_126 : i32 to index
      %get3A_128 = arith.constant 0 : index
      %get3A_129 = tpu.vector_load %arg14[%get3A_127, %get3A_128] {strides = array<i32>} : memref<640x16xf32, #tpu.memory_space<vmem>>, vector<1x16xf32>,
      %get3A_130 = vector.shape_cast %get3A_129 : vector<1x16xf32> to vector<16xf32>
      %get3A_131 = arith.index_cast %add3A_124 : i32 to index
      %get3A_132 = arith.constant 0 : index
      %get3A_133 = tpu.vector_load %arg12[%get3A_131, %get3A_132] {strides = array<i32>} : memref<320x32xf32, #tpu.memory_space<vmem>>, vector<1x16xf32>,
      %get3A_134 = vector.shape_cast %get3A_133 : vector<1x16xf32> to vector<16xf32>
      %get3A_135 = arith.index_cast %add3A_124 : i32 to index
      %get3A_136 = arith.constant 0 : index
      %get3A_137 = tpu.vector_load %arg13[%get3A_135, %get3A_136] {strides = array<i32>} : memref<320x32xf32, #tpu.memory_space<vmem>>, vector<1x16xf32>,
      %get3A_138 = vector.shape_cast %get3A_137 : vector<1x16xf32> to vector<16xf32>
      %add3A_139 = arith.addf %get3A_134, %get3A_138 : vector<16xf32>
      %mul3A_140 = arith.mulf %add3A_139, %get3A_130 : vector<16xf32>
      %swap3A = arith.index_cast %add3A_124 : i32 to index
      %swap3A_141 = arith.constant 0 : index
      %swap3A_142 = tpu.vector_load %arg12[%swap3A, %swap3A_141] {strides = array<i32>} : memref<320x32xf32, #tpu.memory_space<vmem>>, vector<1x16xf32>,
      %swap3A_143 = vector.shape_cast %swap3A_142 : vector<1x16xf32> to vector<16xf32>
      %swap3A_144 = vector.shape_cast %mul3A_140 : vector<16xf32> to vector<1x16xf32>
      tpu.vector_store %arg12[%swap3A, %swap3A_141], %swap3A_144 {strides = array<i32>} : memref<320x32xf32, #tpu.memory_space<vmem>>, vector<1x16xf32>,
      %get3A_145 = arith.index_cast %add3A_124 : i32 to index
      %get3A_146 = arith.constant 16 : index
      %get3A_147 = tpu.vector_load %arg12[%get3A_145, %get3A_146] {strides = array<i32>} : memref<320x32xf32, #tpu.memory_space<vmem>>, vector<1x16xf32>,
      %get3A_148 = vector.shape_cast %get3A_147 : vector<1x16xf32> to vector<16xf32>
      %get3A_149 = arith.index_cast %add3A_124 : i32 to index
      %get3A_150 = arith.constant 16 : index
      %get3A_151 = tpu.vector_load %arg13[%get3A_149, %get3A_150] {strides = array<i32>} : memref<320x32xf32, #tpu.memory_space<vmem>>, vector<1x16xf32>,
      %get3A_152 = vector.shape_cast %get3A_151 : vector<1x16xf32> to vector<16xf32>
      %add3A_153 = arith.addf %get3A_148, %get3A_152 : vector<16xf32>
      %mul3A_154 = arith.mulf %add3A_153, %get3A_130 : vector<16xf32>
      %swap3A_155 = arith.index_cast %add3A_124 : i32 to index
      %swap3A_156 = arith.constant 16 : index
      %swap3A_157 = tpu.vector_load %arg12[%swap3A_155, %swap3A_156] {strides = array<i32>} : memref<320x32xf32, #tpu.memory_space<vmem>>, vector<1x16xf32>,
      %swap3A_158 = vector.shape_cast %swap3A_157 : vector<1x16xf32> to vector<16xf32>
      %swap3A_159 = vector.shape_cast %mul3A_154 : vector<16xf32> to vector<1x16xf32>
      tpu.vector_store %arg12[%swap3A_155, %swap3A_156], %swap3A_159 {strides = array<i32>} : memref<320x32xf32, #tpu.memory_space<vmem>>, vector<1x16xf32>,
      %mul3A_160 = arith.constant 4 : i32
      %mul3A_161 = arith.muli %mul3A_160, %scan3A_120 : i32
      %add3A_162 = arith.constant 1 : i32
      %add3A_163 = arith.addi %mul3A_161, %add3A_162 : i32
      %add3A_164 = arith.constant 0 : i32
      %add3A_165 = arith.addi %add3A_164, %add3A_163 : i32
      %get3A_166 = arith.index_cast %add3A_165 : i32 to index
      %get3A_167 = arith.constant 0 : index
      %get3A_168 = tpu.vector_load %arg14[%get3A_166, %get3A_167] {strides = array<i32>} : memref<640x16xf32, #tpu.memory_space<vmem>>, vector<1x16xf32>,
      %get3A_169 = vector.shape_cast %get3A_168 : vector<1x16xf32> to vector<16xf32>
      %get3A_170 = arith.index_cast %add3A_163 : i32 to index
      %get3A_171 = arith.constant 0 : index
      %get3A_172 = tpu.vector_load %arg12[%get3A_170, %get3A_171] {strides = array<i32>} : memref<320x32xf32, #tpu.memory_space<vmem>>, vector<1x16xf32>,
      %get3A_173 = vector.shape_cast %get3A_172 : vector<1x16xf32> to vector<16xf32>
      %get3A_174 = arith.index_cast %add3A_163 : i32 to index
      %get3A_175 = arith.constant 0 : index
      %get3A_176 = tpu.vector_load %arg13[%get3A_174, %get3A_175] {strides = array<i32>} : memref<320x32xf32, #tpu.memory_space<vmem>>, vector<1x16xf32>,
      %get3A_177 = vector.shape_cast %get3A_176 : vector<1x16xf32> to vector<16xf32>
      %add3A_178 = arith.addf %get3A_173, %get3A_177 : vector<16xf32>
      %mul3A_179 = arith.mulf %add3A_178, %get3A_169 : vector<16xf32>
      %swap3A_180 = arith.index_cast %add3A_163 : i32 to index
      %swap3A_181 = arith.constant 0 : index
      %swap3A_182 = tpu.vector_load %arg12[%swap3A_180, %swap3A_181] {strides = array<i32>} : memref<320x32xf32, #tpu.memory_space<vmem>>, vector<1x16xf32>,
      %swap3A_183 = vector.shape_cast %swap3A_182 : vector<1x16xf32> to vector<16xf32>
      %swap3A_184 = vector.shape_cast %mul3A_179 : vector<16xf32> to vector<1x16xf32>
      tpu.vector_store %arg12[%swap3A_180, %swap3A_181], %swap3A_184 {strides = array<i32>} : memref<320x32xf32, #tpu.memory_space<vmem>>, vector<1x16xf32>,
      %get3A_185 = arith.index_cast %add3A_163 : i32 to index
      %get3A_186 = arith.constant 16 : index
      %get3A_187 = tpu.vector_load %arg12[%get3A_185, %get3A_186] {strides = array<i32>} : memref<320x32xf32, #tpu.memory_space<vmem>>, vector<1x16xf32>,
      %get3A_188 = vector.shape_cast %get3A_187 : vector<1x16xf32> to vector<16xf32>
      %get3A_189 = arith.index_cast %add3A_163 : i32 to index
      %get3A_190 = arith.constant 16 : index
      %get3A_191 = tpu.vector_load %arg13[%get3A_189, %get3A_190] {strides = array<i32>} : memref<320x32xf32, #tpu.memory_space<vmem>>, vector<1x16xf32>,
      %get3A_192 = vector.shape_cast %get3A_191 : vector<1x16xf32> to vector<16xf32>
      %add3A_193 = arith.addf %get3A_188, %get3A_192 : vector<16xf32>
      %mul3A_194 = arith.mulf %add3A_193, %get3A_169 : vector<16xf32>
      %swap3A_195 = arith.index_cast %add3A_163 : i32 to index
      %swap3A_196 = arith.constant 16 : index
      %swap3A_197 = tpu.vector_load %arg12[%swap3A_195, %swap3A_196] {strides = array<i32>} : memref<320x32xf32, #tpu.memory_space<vmem>>, vector<1x16xf32>,
      %swap3A_198 = vector.shape_cast %swap3A_197 : vector<1x16xf32> to vector<16xf32>
      %swap3A_199 = vector.shape_cast %mul3A_194 : vector<16xf32> to vector<1x16xf32>
      tpu.vector_store %arg12[%swap3A_195, %swap3A_196], %swap3A_199 {strides = array<i32>} : memref<320x32xf32, #tpu.memory_space<vmem>>, vector<1x16xf32>,
      %mul3A_200 = arith.constant 4 : i32
      %mul3A_201 = arith.muli %mul3A_200, %scan3A_120 : i32
      %add3A_202 = arith.constant 2 : i32
      %add3A_203 = arith.addi %mul3A_201, %add3A_202 : i32
      %add3A_204 = arith.constant 0 : i32
      %add3A_205 = arith.addi %add3A_204, %add3A_203 : i32
      %get3A_206 = arith.index_cast %add3A_205 : i32 to index
      %get3A_207 = arith.constant 0 : index
      %get3A_208 = tpu.vector_load %arg14[%get3A_206, %get3A_207] {strides = array<i32>} : memref<640x16xf32, #tpu.memory_space<vmem>>, vector<1x16xf32>,
      %get3A_209 = vector.shape_cast %get3A_208 : vector<1x16xf32> to vector<16xf32>
      %get3A_210 = arith.index_cast %add3A_203 : i32 to index
      %get3A_211 = arith.constant 0 : index
      %get3A_212 = tpu.vector_load %arg12[%get3A_210, %get3A_211] {strides = array<i32>} : memref<320x32xf32, #tpu.memory_space<vmem>>, vector<1x16xf32>,
      %get3A_213 = vector.shape_cast %get3A_212 : vector<1x16xf32> to vector<16xf32>
      %get3A_214 = arith.index_cast %add3A_203 : i32 to index
      %get3A_215 = arith.constant 0 : index
      %get3A_216 = tpu.vector_load %arg13[%get3A_214, %get3A_215] {strides = array<i32>} : memref<320x32xf32, #tpu.memory_space<vmem>>, vector<1x16xf32>,
      %get3A_217 = vector.shape_cast %get3A_216 : vector<1x16xf32> to vector<16xf32>
      %add3A_218 = arith.addf %get3A_213, %get3A_217 : vector<16xf32>
      %mul3A_219 = arith.mulf %add3A_218, %get3A_209 : vector<16xf32>
      %swap3A_220 = arith.index_cast %add3A_203 : i32 to index
      %swap3A_221 = arith.constant 0 : index
      %swap3A_222 = tpu.vector_load %arg12[%swap3A_220, %swap3A_221] {strides = array<i32>} : memref<320x32xf32, #tpu.memory_space<vmem>>, vector<1x16xf32>,
      %swap3A_223 = vector.shape_cast %swap3A_222 : vector<1x16xf32> to vector<16xf32>
      %swap3A_224 = vector.shape_cast %mul3A_219 : vector<16xf32> to vector<1x16xf32>
      tpu.vector_store %arg12[%swap3A_220, %swap3A_221], %swap3A_224 {strides = array<i32>} : memref<320x32xf32, #tpu.memory_space<vmem>>, vector<1x16xf32>,
      %get3A_225 = arith.index_cast %add3A_203 : i32 to index
      %get3A_226 = arith.constant 16 : index
      %get3A_227 = tpu.vector_load %arg12[%get3A_225, %get3A_226] {strides = array<i32>} : memref<320x32xf32, #tpu.memory_space<vmem>>, vector<1x16xf32>,
      %get3A_228 = vector.shape_cast %get3A_227 : vector<1x16xf32> to vector<16xf32>
      %get3A_229 = arith.index_cast %add3A_203 : i32 to index
      %get3A_230 = arith.constant 16 : index
      %get3A_231 = tpu.vector_load %arg13[%get3A_229, %get3A_230] {strides = array<i32>} : memref<320x32xf32, #tpu.memory_space<vmem>>, vector<1x16xf32>,
      %get3A_232 = vector.shape_cast %get3A_231 : vector<1x16xf32> to vector<16xf32>
      %add3A_233 = arith.addf %get3A_228, %get3A_232 : vector<16xf32>
      %mul3A_234 = arith.mulf %add3A_233, %get3A_209 : vector<16xf32>
      %swap3A_235 = arith.index_cast %add3A_203 : i32 to index
      %swap3A_236 = arith.constant 16 : index
      %swap3A_237 = tpu.vector_load %arg12[%swap3A_235, %swap3A_236] {strides = array<i32>} : memref<320x32xf32, #tpu.memory_space<vmem>>, vector<1x16xf32>,
      %swap3A_238 = vector.shape_cast %swap3A_237 : vector<1x16xf32> to vector<16xf32>
      %swap3A_239 = vector.shape_cast %mul3A_234 : vector<16xf32> to vector<1x16xf32>
      tpu.vector_store %arg12[%swap3A_235, %swap3A_236], %swap3A_239 {strides = array<i32>} : memref<320x32xf32, #tpu.memory_space<vmem>>, vector<1x16xf32>,
      %mul3A_240 = arith.constant 4 : i32
      %mul3A_241 = arith.muli %mul3A_240, %scan3A_120 : i32
      %add3A_242 = arith.constant 3 : i32
      %add3A_243 = arith.addi %mul3A_241, %add3A_242 : i32
      %add3A_244 = arith.constant 0 : i32
      %add3A_245 = arith.addi %add3A_244, %add3A_243 : i32
      %get3A_246 = arith.index_cast %add3A_245 : i32 to index
      %get3A_247 = arith.constant 0 : index
      %get3A_248 = tpu.vector_load %arg14[%get3A_246, %get3A_247] {strides = array<i32>} : memref<640x16xf32, #tpu.memory_space<vmem>>, vector<1x16xf32>,
      %get3A_249 = vector.shape_cast %get3A_248 : vector<1x16xf32> to vector<16xf32>
      %get3A_250 = arith.index_cast %add3A_243 : i32 to index
      %get3A_251 = arith.constant 0 : index
      %get3A_252 = tpu.vector_load %arg12[%get3A_250, %get3A_251] {strides = array<i32>} : memref<320x32xf32, #tpu.memory_space<vmem>>, vector<1x16xf32>,
      %get3A_253 = vector.shape_cast %get3A_252 : vector<1x16xf32> to vector<16xf32>
      %get3A_254 = arith.index_cast %add3A_243 : i32 to index
      %get3A_255 = arith.constant 0 : index
      %get3A_256 = tpu.vector_load %arg13[%get3A_254, %get3A_255] {strides = array<i32>} : memref<320x32xf32, #tpu.memory_space<vmem>>, vector<1x16xf32>,
      %get3A_257 = vector.shape_cast %get3A_256 : vector<1x16xf32> to vector<16xf32>
      %add3A_258 = arith.addf %get3A_253, %get3A_257 : vector<16xf32>
      %mul3A_259 = arith.mulf %add3A_258, %get3A_249 : vector<16xf32>
      %swap3A_260 = arith.index_cast %add3A_243 : i32 to index
      %swap3A_261 = arith.constant 0 : index
      %swap3A_262 = tpu.vector_load %arg12[%swap3A_260, %swap3A_261] {strides = array<i32>} : memref<320x32xf32, #tpu.memory_space<vmem>>, vector<1x16xf32>,
      %swap3A_263 = vector.shape_cast %swap3A_262 : vector<1x16xf32> to vector<16xf32>
      %swap3A_264 = vector.shape_cast %mul3A_259 : vector<16xf32> to vector<1x16xf32>
      tpu.vector_store %arg12[%swap3A_260, %swap3A_261], %swap3A_264 {strides = array<i32>} : memref<320x32xf32, #tpu.memory_space<vmem>>, vector<1x16xf32>,
      %get3A_265 = arith.index_cast %add3A_243 : i32 to index
      %get3A_266 = arith.constant 16 : index
      %get3A_267 = tpu.vector_load %arg12[%get3A_265, %get3A_266] {strides = array<i32>} : memref<320x32xf32, #tpu.memory_space<vmem>>, vector<1x16xf32>,
      %get3A_268 = vector.shape_cast %get3A_267 : vector<1x16xf32> to vector<16xf32>
      %get3A_269 = arith.index_cast %add3A_243 : i32 to index
      %get3A_270 = arith.constant 16 : index
      %get3A_271 = tpu.vector_load %arg13[%get3A_269, %get3A_270] {strides = array<i32>} : memref<320x32xf32, #tpu.memory_space<vmem>>, vector<1x16xf32>,
      %get3A_272 = vector.shape_cast %get3A_271 : vector<1x16xf32> to vector<16xf32>
      %add3A_273 = arith.addf %get3A_268, %get3A_272 : vector<16xf32>
      %mul3A_274 = arith.mulf %add3A_273, %get3A_249 : vector<16xf32>
      %swap3A_275 = arith.index_cast %add3A_243 : i32 to index
      %swap3A_276 = arith.constant 16 : index
      %swap3A_277 = tpu.vector_load %arg12[%swap3A_275, %swap3A_276] {strides = array<i32>} : memref<320x32xf32, #tpu.memory_space<vmem>>, vector<1x16xf32>,
      %swap3A_278 = vector.shape_cast %swap3A_277 : vector<1x16xf32> to vector<16xf32>
      %swap3A_279 = vector.shape_cast %mul3A_274 : vector<16xf32> to vector<1x16xf32>
      tpu.vector_store %arg12[%swap3A_275, %swap3A_276], %swap3A_279 {strides = array<i32>} : memref<320x32xf32, #tpu.memory_space<vmem>>, vector<1x16xf32>,
    }
    %scan3A_107 = arith.constant 80 : i32
    %mul3A_108 = arith.constant 32 : i32
    %mul3A_109 = arith.muli %arg0, %mul3A_108 : i32
    "tpu.region"() ({
      %run_scoped3A = tpu.sem_alloc : memref<!tpu.dma_semaphore, #tpu.memory_space<semaphore_mem>>
      %dma_start3A_120 = tpu.memref_slice %arg7[%add3A_101, %mul3A_109] : memref<10240x128xf32, #tpu.memory_space<hbm>> -> memref<320x32xf32, #tpu.memory_space<hbm>>
      %dma_start3A_121 = tpu.memref_slice %arg7[%add3A_101, %mul3A_109] : memref<10240x128xf32, #tpu.memory_space<hbm>> -> memref<320x32xf32, #tpu.memory_space<hbm>>
      tpu.enqueue_dma source(%arg12 : memref<320x32xf32, #tpu.memory_space<vmem>>) target(%dma_start3A_121 : memref<320x32xf32, #tpu.memory_space<hbm>>) target_semaphore(%run_scoped3A : memref<!tpu.dma_semaphore, #tpu.memory_space<semaphore_mem>>)
      %dma_wait3A = tpu.memref_slice %arg7[%add3A_101, %mul3A_109] : memref<10240x128xf32, #tpu.memory_space<hbm>> -> memref<320x32xf32, #tpu.memory_space<hbm>>
      %dma_wait3A_122 = tpu.memref_slice %arg7[%add3A_101, %mul3A_109] : memref<10240x128xf32, #tpu.memory_space<hbm>> -> memref<320x32xf32, #tpu.memory_space<hbm>>
      tpu.wait_dma2 semaphore(%run_scoped3A : memref<!tpu.dma_semaphore, #tpu.memory_space<semaphore_mem>>) src(%arg12 : memref<320x32xf32, #tpu.memory_space<vmem>>) dst(%dma_wait3A_122 : memref<320x32xf32, #tpu.memory_space<hbm>>)
      tpu.yield
    }) : () -> ()
    %add3A_110 = arith.constant 320 : i32
    %add3A_111 = arith.addi %mul3A_0, %add3A_110 : i32
    "tpu.region"() ({
      %run_scoped3A = tpu.sem_alloc : memref<!tpu.dma_semaphore, #tpu.memory_space<semaphore_mem>>
      %dma_start3A_120 = arith.constant 0 : i32
      %dma_start3A_121 = tpu.memref_slice %arg17[%add3A_111, %dma_start3A_120] : memref<10240x32xf32, #tpu.memory_space<vmem_shared>> -> memref<320x32xf32, #tpu.memory_space<vmem_shared>>
      %dma_start3A_122 = arith.constant 0 : i32
      %dma_start3A_123 = tpu.memref_slice %arg17[%add3A_111, %dma_start3A_122] : memref<10240x32xf32, #tpu.memory_space<vmem_shared>> -> memref<320x32xf32, #tpu.memory_space<vmem_shared>>
      tpu.enqueue_dma source(%dma_start3A_123 : memref<320x32xf32, #tpu.memory_space<vmem_shared>>) target(%arg12 : memref<320x32xf32, #tpu.memory_space<vmem>>) target_semaphore(%run_scoped3A : memref<!tpu.dma_semaphore, #tpu.memory_space<semaphore_mem>>)
      %dma_wait3A = arith.constant 0 : i32
      %dma_wait3A_124 = tpu.memref_slice %arg17[%add3A_111, %dma_wait3A] : memref<10240x32xf32, #tpu.memory_space<vmem_shared>> -> memref<320x32xf32, #tpu.memory_space<vmem_shared>>
      %dma_wait3A_125 = arith.constant 0 : i32
      %dma_wait3A_126 = tpu.memref_slice %arg17[%add3A_111, %dma_wait3A_125] : memref<10240x32xf32, #tpu.memory_space<vmem_shared>> -> memref<320x32xf32, #tpu.memory_space<vmem_shared>>
      tpu.wait_dma2 semaphore(%run_scoped3A : memref<!tpu.dma_semaphore, #tpu.memory_space<semaphore_mem>>) src(%dma_wait3A_126 : memref<320x32xf32, #tpu.memory_space<vmem_shared>>) dst(%arg12 : memref<320x32xf32, #tpu.memory_space<vmem>>)
      tpu.yield
    }) : () -> ()
    "tpu.region"() ({
      %run_scoped3A = tpu.sem_alloc : memref<!tpu.dma_semaphore, #tpu.memory_space<semaphore_mem>>
      %dma_start3A_120 = arith.constant 0 : i32
      %dma_start3A_121 = tpu.memref_slice %arg18[%add3A_111, %dma_start3A_120] : memref<10240x32xf32, #tpu.memory_space<vmem_shared>> -> memref<320x32xf32, #tpu.memory_space<vmem_shared>>
      %dma_start3A_122 = arith.constant 0 : i32
      %dma_start3A_123 = tpu.memref_slice %arg18[%add3A_111, %dma_start3A_122] : memref<10240x32xf32, #tpu.memory_space<vmem_shared>> -> memref<320x32xf32, #tpu.memory_space<vmem_shared>>
      tpu.enqueue_dma source(%dma_start3A_123 : memref<320x32xf32, #tpu.memory_space<vmem_shared>>) target(%arg13 : memref<320x32xf32, #tpu.memory_space<vmem>>) target_semaphore(%run_scoped3A : memref<!tpu.dma_semaphore, #tpu.memory_space<semaphore_mem>>)
      %dma_wait3A = arith.constant 0 : i32
      %dma_wait3A_124 = tpu.memref_slice %arg18[%add3A_111, %dma_wait3A] : memref<10240x32xf32, #tpu.memory_space<vmem_shared>> -> memref<320x32xf32, #tpu.memory_space<vmem_shared>>
      %dma_wait3A_125 = arith.constant 0 : i32
      %dma_wait3A_126 = tpu.memref_slice %arg18[%add3A_111, %dma_wait3A_125] : memref<10240x32xf32, #tpu.memory_space<vmem_shared>> -> memref<320x32xf32, #tpu.memory_space<vmem_shared>>
      tpu.wait_dma2 semaphore(%run_scoped3A : memref<!tpu.dma_semaphore, #tpu.memory_space<semaphore_mem>>) src(%dma_wait3A_126 : memref<320x32xf32, #tpu.memory_space<vmem_shared>>) dst(%arg13 : memref<320x32xf32, #tpu.memory_space<vmem>>)
      tpu.yield
    }) : () -> ()
    %scan3A_112 = arith.constant 0 : i32
    %scan3A_113 = arith.constant 0 : i32
    %scan3A_114 = arith.constant 80 : i32
    %scan3A_115 = arith.addi %scan3A_113, %scan3A_114 : i32
    %scan3A_116 = arith.constant 1 : i32
    scf.for %scan3A_120 = %scan3A_113 to %scan3A_115 step %scan3A_116  : i32 {
      %mul3A_121 = arith.constant 4 : i32
      %mul3A_122 = arith.muli %mul3A_121, %scan3A_120 : i32
      %add3A_123 = arith.constant 0 : i32
      %add3A_124 = arith.addi %mul3A_122, %add3A_123 : i32
      %add3A_125 = arith.constant 320 : i32
      %add3A_126 = arith.addi %add3A_125, %add3A_124 : i32
      %get3A_127 = arith.index_cast %add3A_126 : i32 to index
      %get3A_128 = arith.constant 0 : index
      %get3A_129 = tpu.vector_load %arg14[%get3A_127, %get3A_128] {strides = array<i32>} : memref<640x16xf32, #tpu.memory_space<vmem>>, vector<1x16xf32>,
      %get3A_130 = vector.shape_cast %get3A_129 : vector<1x16xf32> to vector<16xf32>
      %get3A_131 = arith.index_cast %add3A_124 : i32 to index
      %get3A_132 = arith.constant 0 : index
      %get3A_133 = tpu.vector_load %arg12[%get3A_131, %get3A_132] {strides = array<i32>} : memref<320x32xf32, #tpu.memory_space<vmem>>, vector<1x16xf32>,
      %get3A_134 = vector.shape_cast %get3A_133 : vector<1x16xf32> to vector<16xf32>
      %get3A_135 = arith.index_cast %add3A_124 : i32 to index
      %get3A_136 = arith.constant 0 : index
      %get3A_137 = tpu.vector_load %arg13[%get3A_135, %get3A_136] {strides = array<i32>} : memref<320x32xf32, #tpu.memory_space<vmem>>, vector<1x16xf32>,
      %get3A_138 = vector.shape_cast %get3A_137 : vector<1x16xf32> to vector<16xf32>
      %add3A_139 = arith.addf %get3A_134, %get3A_138 : vector<16xf32>
      %mul3A_140 = arith.mulf %add3A_139, %get3A_130 : vector<16xf32>
      %swap3A = arith.index_cast %add3A_124 : i32 to index
      %swap3A_141 = arith.constant 0 : index
      %swap3A_142 = tpu.vector_load %arg12[%swap3A, %swap3A_141] {strides = array<i32>} : memref<320x32xf32, #tpu.memory_space<vmem>>, vector<1x16xf32>,
      %swap3A_143 = vector.shape_cast %swap3A_142 : vector<1x16xf32> to vector<16xf32>
      %swap3A_144 = vector.shape_cast %mul3A_140 : vector<16xf32> to vector<1x16xf32>
      tpu.vector_store %arg12[%swap3A, %swap3A_141], %swap3A_144 {strides = array<i32>} : memref<320x32xf32, #tpu.memory_space<vmem>>, vector<1x16xf32>,
      %get3A_145 = arith.index_cast %add3A_124 : i32 to index
      %get3A_146 = arith.constant 16 : index
      %get3A_147 = tpu.vector_load %arg12[%get3A_145, %get3A_146] {strides = array<i32>} : memref<320x32xf32, #tpu.memory_space<vmem>>, vector<1x16xf32>,
      %get3A_148 = vector.shape_cast %get3A_147 : vector<1x16xf32> to vector<16xf32>
      %get3A_149 = arith.index_cast %add3A_124 : i32 to index
      %get3A_150 = arith.constant 16 : index
      %get3A_151 = tpu.vector_load %arg13[%get3A_149, %get3A_150] {strides = array<i32>} : memref<320x32xf32, #tpu.memory_space<vmem>>, vector<1x16xf32>,
      %get3A_152 = vector.shape_cast %get3A_151 : vector<1x16xf32> to vector<16xf32>
      %add3A_153 = arith.addf %get3A_148, %get3A_152 : vector<16xf32>
      %mul3A_154 = arith.mulf %add3A_153, %get3A_130 : vector<16xf32>
      %swap3A_155 = arith.index_cast %add3A_124 : i32 to index
      %swap3A_156 = arith.constant 16 : index
      %swap3A_157 = tpu.vector_load %arg12[%swap3A_155, %swap3A_156] {strides = array<i32>} : memref<320x32xf32, #tpu.memory_space<vmem>>, vector<1x16xf32>,
      %swap3A_158 = vector.shape_cast %swap3A_157 : vector<1x16xf32> to vector<16xf32>
      %swap3A_159 = vector.shape_cast %mul3A_154 : vector<16xf32> to vector<1x16xf32>
      tpu.vector_store %arg12[%swap3A_155, %swap3A_156], %swap3A_159 {strides = array<i32>} : memref<320x32xf32, #tpu.memory_space<vmem>>, vector<1x16xf32>,
      %mul3A_160 = arith.constant 4 : i32
      %mul3A_161 = arith.muli %mul3A_160, %scan3A_120 : i32
      %add3A_162 = arith.constant 1 : i32
      %add3A_163 = arith.addi %mul3A_161, %add3A_162 : i32
      %add3A_164 = arith.constant 320 : i32
      %add3A_165 = arith.addi %add3A_164, %add3A_163 : i32
      %get3A_166 = arith.index_cast %add3A_165 : i32 to index
      %get3A_167 = arith.constant 0 : index
      %get3A_168 = tpu.vector_load %arg14[%get3A_166, %get3A_167] {strides = array<i32>} : memref<640x16xf32, #tpu.memory_space<vmem>>, vector<1x16xf32>,
      %get3A_169 = vector.shape_cast %get3A_168 : vector<1x16xf32> to vector<16xf32>
      %get3A_170 = arith.index_cast %add3A_163 : i32 to index
      %get3A_171 = arith.constant 0 : index
      %get3A_172 = tpu.vector_load %arg12[%get3A_170, %get3A_171] {strides = array<i32>} : memref<320x32xf32, #tpu.memory_space<vmem>>, vector<1x16xf32>,
      %get3A_173 = vector.shape_cast %get3A_172 : vector<1x16xf32> to vector<16xf32>
      %get3A_174 = arith.index_cast %add3A_163 : i32 to index
      %get3A_175 = arith.constant 0 : index
      %get3A_176 = tpu.vector_load %arg13[%get3A_174, %get3A_175] {strides = array<i32>} : memref<320x32xf32, #tpu.memory_space<vmem>>, vector<1x16xf32>,
      %get3A_177 = vector.shape_cast %get3A_176 : vector<1x16xf32> to vector<16xf32>
      %add3A_178 = arith.addf %get3A_173, %get3A_177 : vector<16xf32>
      %mul3A_179 = arith.mulf %add3A_178, %get3A_169 : vector<16xf32>
      %swap3A_180 = arith.index_cast %add3A_163 : i32 to index
      %swap3A_181 = arith.constant 0 : index
      %swap3A_182 = tpu.vector_load %arg12[%swap3A_180, %swap3A_181] {strides = array<i32>} : memref<320x32xf32, #tpu.memory_space<vmem>>, vector<1x16xf32>,
      %swap3A_183 = vector.shape_cast %swap3A_182 : vector<1x16xf32> to vector<16xf32>
      %swap3A_184 = vector.shape_cast %mul3A_179 : vector<16xf32> to vector<1x16xf32>
      tpu.vector_store %arg12[%swap3A_180, %swap3A_181], %swap3A_184 {strides = array<i32>} : memref<320x32xf32, #tpu.memory_space<vmem>>, vector<1x16xf32>,
      %get3A_185 = arith.index_cast %add3A_163 : i32 to index
      %get3A_186 = arith.constant 16 : index
      %get3A_187 = tpu.vector_load %arg12[%get3A_185, %get3A_186] {strides = array<i32>} : memref<320x32xf32, #tpu.memory_space<vmem>>, vector<1x16xf32>,
      %get3A_188 = vector.shape_cast %get3A_187 : vector<1x16xf32> to vector<16xf32>
      %get3A_189 = arith.index_cast %add3A_163 : i32 to index
      %get3A_190 = arith.constant 16 : index
      %get3A_191 = tpu.vector_load %arg13[%get3A_189, %get3A_190] {strides = array<i32>} : memref<320x32xf32, #tpu.memory_space<vmem>>, vector<1x16xf32>,
      %get3A_192 = vector.shape_cast %get3A_191 : vector<1x16xf32> to vector<16xf32>
      %add3A_193 = arith.addf %get3A_188, %get3A_192 : vector<16xf32>
      %mul3A_194 = arith.mulf %add3A_193, %get3A_169 : vector<16xf32>
      %swap3A_195 = arith.index_cast %add3A_163 : i32 to index
      %swap3A_196 = arith.constant 16 : index
      %swap3A_197 = tpu.vector_load %arg12[%swap3A_195, %swap3A_196] {strides = array<i32>} : memref<320x32xf32, #tpu.memory_space<vmem>>, vector<1x16xf32>,
      %swap3A_198 = vector.shape_cast %swap3A_197 : vector<1x16xf32> to vector<16xf32>
      %swap3A_199 = vector.shape_cast %mul3A_194 : vector<16xf32> to vector<1x16xf32>
      tpu.vector_store %arg12[%swap3A_195, %swap3A_196], %swap3A_199 {strides = array<i32>} : memref<320x32xf32, #tpu.memory_space<vmem>>, vector<1x16xf32>,
      %mul3A_200 = arith.constant 4 : i32
      %mul3A_201 = arith.muli %mul3A_200, %scan3A_120 : i32
      %add3A_202 = arith.constant 2 : i32
      %add3A_203 = arith.addi %mul3A_201, %add3A_202 : i32
      %add3A_204 = arith.constant 320 : i32
      %add3A_205 = arith.addi %add3A_204, %add3A_203 : i32
      %get3A_206 = arith.index_cast %add3A_205 : i32 to index
      %get3A_207 = arith.constant 0 : index
      %get3A_208 = tpu.vector_load %arg14[%get3A_206, %get3A_207] {strides = array<i32>} : memref<640x16xf32, #tpu.memory_space<vmem>>, vector<1x16xf32>,
      %get3A_209 = vector.shape_cast %get3A_208 : vector<1x16xf32> to vector<16xf32>
      %get3A_210 = arith.index_cast %add3A_203 : i32 to index
      %get3A_211 = arith.constant 0 : index
      %get3A_212 = tpu.vector_load %arg12[%get3A_210, %get3A_211] {strides = array<i32>} : memref<320x32xf32, #tpu.memory_space<vmem>>, vector<1x16xf32>,
      %get3A_213 = vector.shape_cast %get3A_212 : vector<1x16xf32> to vector<16xf32>
      %get3A_214 = arith.index_cast %add3A_203 : i32 to index
      %get3A_215 = arith.constant 0 : index
      %get3A_216 = tpu.vector_load %arg13[%get3A_214, %get3A_215] {strides = array<i32>} : memref<320x32xf32, #tpu.memory_space<vmem>>, vector<1x16xf32>,
      %get3A_217 = vector.shape_cast %get3A_216 : vector<1x16xf32> to vector<16xf32>
      %add3A_218 = arith.addf %get3A_213, %get3A_217 : vector<16xf32>
      %mul3A_219 = arith.mulf %add3A_218, %get3A_209 : vector<16xf32>
      %swap3A_220 = arith.index_cast %add3A_203 : i32 to index
      %swap3A_221 = arith.constant 0 : index
      %swap3A_222 = tpu.vector_load %arg12[%swap3A_220, %swap3A_221] {strides = array<i32>} : memref<320x32xf32, #tpu.memory_space<vmem>>, vector<1x16xf32>,
      %swap3A_223 = vector.shape_cast %swap3A_222 : vector<1x16xf32> to vector<16xf32>
      %swap3A_224 = vector.shape_cast %mul3A_219 : vector<16xf32> to vector<1x16xf32>
      tpu.vector_store %arg12[%swap3A_220, %swap3A_221], %swap3A_224 {strides = array<i32>} : memref<320x32xf32, #tpu.memory_space<vmem>>, vector<1x16xf32>,
      %get3A_225 = arith.index_cast %add3A_203 : i32 to index
      %get3A_226 = arith.constant 16 : index
      %get3A_227 = tpu.vector_load %arg12[%get3A_225, %get3A_226] {strides = array<i32>} : memref<320x32xf32, #tpu.memory_space<vmem>>, vector<1x16xf32>,
      %get3A_228 = vector.shape_cast %get3A_227 : vector<1x16xf32> to vector<16xf32>
      %get3A_229 = arith.index_cast %add3A_203 : i32 to index
      %get3A_230 = arith.constant 16 : index
      %get3A_231 = tpu.vector_load %arg13[%get3A_229, %get3A_230] {strides = array<i32>} : memref<320x32xf32, #tpu.memory_space<vmem>>, vector<1x16xf32>,
      %get3A_232 = vector.shape_cast %get3A_231 : vector<1x16xf32> to vector<16xf32>
      %add3A_233 = arith.addf %get3A_228, %get3A_232 : vector<16xf32>
      %mul3A_234 = arith.mulf %add3A_233, %get3A_209 : vector<16xf32>
      %swap3A_235 = arith.index_cast %add3A_203 : i32 to index
      %swap3A_236 = arith.constant 16 : index
      %swap3A_237 = tpu.vector_load %arg12[%swap3A_235, %swap3A_236] {strides = array<i32>} : memref<320x32xf32, #tpu.memory_space<vmem>>, vector<1x16xf32>,
      %swap3A_238 = vector.shape_cast %swap3A_237 : vector<1x16xf32> to vector<16xf32>
      %swap3A_239 = vector.shape_cast %mul3A_234 : vector<16xf32> to vector<1x16xf32>
      tpu.vector_store %arg12[%swap3A_235, %swap3A_236], %swap3A_239 {strides = array<i32>} : memref<320x32xf32, #tpu.memory_space<vmem>>, vector<1x16xf32>,
      %mul3A_240 = arith.constant 4 : i32
      %mul3A_241 = arith.muli %mul3A_240, %scan3A_120 : i32
      %add3A_242 = arith.constant 3 : i32
      %add3A_243 = arith.addi %mul3A_241, %add3A_242 : i32
      %add3A_244 = arith.constant 320 : i32
      %add3A_245 = arith.addi %add3A_244, %add3A_243 : i32
      %get3A_246 = arith.index_cast %add3A_245 : i32 to index
      %get3A_247 = arith.constant 0 : index
      %get3A_248 = tpu.vector_load %arg14[%get3A_246, %get3A_247] {strides = array<i32>} : memref<640x16xf32, #tpu.memory_space<vmem>>, vector<1x16xf32>,
      %get3A_249 = vector.shape_cast %get3A_248 : vector<1x16xf32> to vector<16xf32>
      %get3A_250 = arith.index_cast %add3A_243 : i32 to index
      %get3A_251 = arith.constant 0 : index
      %get3A_252 = tpu.vector_load %arg12[%get3A_250, %get3A_251] {strides = array<i32>} : memref<320x32xf32, #tpu.memory_space<vmem>>, vector<1x16xf32>,
      %get3A_253 = vector.shape_cast %get3A_252 : vector<1x16xf32> to vector<16xf32>
      %get3A_254 = arith.index_cast %add3A_243 : i32 to index
      %get3A_255 = arith.constant 0 : index
      %get3A_256 = tpu.vector_load %arg13[%get3A_254, %get3A_255] {strides = array<i32>} : memref<320x32xf32, #tpu.memory_space<vmem>>, vector<1x16xf32>,
      %get3A_257 = vector.shape_cast %get3A_256 : vector<1x16xf32> to vector<16xf32>
      %add3A_258 = arith.addf %get3A_253, %get3A_257 : vector<16xf32>
      %mul3A_259 = arith.mulf %add3A_258, %get3A_249 : vector<16xf32>
      %swap3A_260 = arith.index_cast %add3A_243 : i32 to index
      %swap3A_261 = arith.constant 0 : index
      %swap3A_262 = tpu.vector_load %arg12[%swap3A_260, %swap3A_261] {strides = array<i32>} : memref<320x32xf32, #tpu.memory_space<vmem>>, vector<1x16xf32>,
      %swap3A_263 = vector.shape_cast %swap3A_262 : vector<1x16xf32> to vector<16xf32>
      %swap3A_264 = vector.shape_cast %mul3A_259 : vector<16xf32> to vector<1x16xf32>
      tpu.vector_store %arg12[%swap3A_260, %swap3A_261], %swap3A_264 {strides = array<i32>} : memref<320x32xf32, #tpu.memory_space<vmem>>, vector<1x16xf32>,
      %get3A_265 = arith.index_cast %add3A_243 : i32 to index
      %get3A_266 = arith.constant 16 : index
      %get3A_267 = tpu.vector_load %arg12[%get3A_265, %get3A_266] {strides = array<i32>} : memref<320x32xf32, #tpu.memory_space<vmem>>, vector<1x16xf32>,
      %get3A_268 = vector.shape_cast %get3A_267 : vector<1x16xf32> to vector<16xf32>
      %get3A_269 = arith.index_cast %add3A_243 : i32 to index
      %get3A_270 = arith.constant 16 : index
      %get3A_271 = tpu.vector_load %arg13[%get3A_269, %get3A_270] {strides = array<i32>} : memref<320x32xf32, #tpu.memory_space<vmem>>, vector<1x16xf32>,
      %get3A_272 = vector.shape_cast %get3A_271 : vector<1x16xf32> to vector<16xf32>
      %add3A_273 = arith.addf %get3A_268, %get3A_272 : vector<16xf32>
      %mul3A_274 = arith.mulf %add3A_273, %get3A_249 : vector<16xf32>
      %swap3A_275 = arith.index_cast %add3A_243 : i32 to index
      %swap3A_276 = arith.constant 16 : index
      %swap3A_277 = tpu.vector_load %arg12[%swap3A_275, %swap3A_276] {strides = array<i32>} : memref<320x32xf32, #tpu.memory_space<vmem>>, vector<1x16xf32>,
      %swap3A_278 = vector.shape_cast %swap3A_277 : vector<1x16xf32> to vector<16xf32>
      %swap3A_279 = vector.shape_cast %mul3A_274 : vector<16xf32> to vector<1x16xf32>
      tpu.vector_store %arg12[%swap3A_275, %swap3A_276], %swap3A_279 {strides = array<i32>} : memref<320x32xf32, #tpu.memory_space<vmem>>, vector<1x16xf32>,
    }
    %scan3A_117 = arith.constant 80 : i32
    %mul3A_118 = arith.constant 32 : i32
    %mul3A_119 = arith.muli %arg0, %mul3A_118 : i32
    "tpu.region"() ({
      %run_scoped3A = tpu.sem_alloc : memref<!tpu.dma_semaphore, #tpu.memory_space<semaphore_mem>>
      %dma_start3A_120 = tpu.memref_slice %arg7[%add3A_111, %mul3A_119] : memref<10240x128xf32, #tpu.memory_space<hbm>> -> memref<320x32xf32, #tpu.memory_space<hbm>>
      %dma_start3A_121 = tpu.memref_slice %arg7[%add3A_111, %mul3A_119] : memref<10240x128xf32, #tpu.memory_space<hbm>> -> memref<320x32xf32, #tpu.memory_space<hbm>>
      tpu.enqueue_dma source(%arg12 : memref<320x32xf32, #tpu.memory_space<vmem>>) target(%dma_start3A_121 : memref<320x32xf32, #tpu.memory_space<hbm>>) target_semaphore(%run_scoped3A : memref<!tpu.dma_semaphore, #tpu.memory_space<semaphore_mem>>)
      %dma_wait3A = tpu.memref_slice %arg7[%add3A_111, %mul3A_119] : memref<10240x128xf32, #tpu.memory_space<hbm>> -> memref<320x32xf32, #tpu.memory_space<hbm>>
      %dma_wait3A_122 = tpu.memref_slice %arg7[%add3A_111, %mul3A_119] : memref<10240x128xf32, #tpu.memory_space<hbm>> -> memref<320x32xf32, #tpu.memory_space<hbm>>
      tpu.wait_dma2 semaphore(%run_scoped3A : memref<!tpu.dma_semaphore, #tpu.memory_space<semaphore_mem>>) src(%arg12 : memref<320x32xf32, #tpu.memory_space<vmem>>) dst(%dma_wait3A_122 : memref<320x32xf32, #tpu.memory_space<hbm>>)
      tpu.yield
    }) : () -> ()
    return
  }
}

module attributes {stable_mosaic.version = 14 : i64} {
  func.func @_tc_xw_body(%arg0: i32, %arg1: memref<2000x128xf32, #tpu.memory_space<vmem>>, %arg2: memref<128x128xf32, #tpu.memory_space<vmem>>, %arg3: memref<2000x128xf32, #tpu.memory_space<vmem>>) attributes {dimension_semantics = [#tpu.dimension_semantics<arbitrary>], iteration_bounds = array<i64: 5>, scalar_prefetch = 0 : i64, scratch_operands = 0 : i64, tpu.core_type = #tpu.core_type<tc>, window_params = [{transform_indices = @transform_0, window_bounds = array<i64: 2000, 128>}, {pipeline_mode = #tpu.pipeline_mode<synchronous>, transform_indices = @transform_1, window_bounds = array<i64: 128, 128>}, {transform_indices = @transform_2, window_bounds = array<i64: 2000, 128>}]} {
    %get3A = arith.constant 0 : index
    %get3A_0 = arith.constant 0 : index
    %get3A_1 = vector.load %arg1[%get3A, %get3A_0] : memref<2000x128xf32, #tpu.memory_space<vmem>>, vector<2000x128xf32>
    %get3A_2 = arith.constant 0 : index
    %get3A_3 = arith.constant 0 : index
    %get3A_4 = vector.load %arg2[%get3A_2, %get3A_3] : memref<128x128xf32, #tpu.memory_space<vmem>>, vector<128x128xf32>
    %dot_general3A = arith.constant dense<0.000000e+00> : vector<2000x128xf32>
    %dot_general3A_5 = tpu.matmul %get3A_1, %get3A_4, %dot_general3A {dimension_numbers = #tpu.dot_dimension_numbers<[1], [0], [0], [1], [0, 0, 1, 1], [], []>, transpose_lhs_hint = false} : vector<2000x128xf32>, vector<128x128xf32>, vector<2000x128xf32> -> vector<2000x128xf32>
    %swap3A = arith.constant 0 : index
    %swap3A_6 = arith.constant 0 : index
    %swap3A_7 = vector.load %arg3[%swap3A, %swap3A_6] : memref<2000x128xf32, #tpu.memory_space<vmem>>, vector<2000x128xf32>
    tpu.vector_store %arg3[%swap3A, %swap3A_6], %dot_general3A_5 {strides = array<i32>} : memref<2000x128xf32, #tpu.memory_space<vmem>>, vector<2000x128xf32>,
    return
  }
  func.func @transform_0(%arg0: i32) -> (i32, i32) {
    %c0_i32 = arith.constant 0 : i32
    %c0_i32_0 = arith.constant 0 : i32
    return %arg0, %c0_i32 : i32, i32
  }
  func.func @transform_1(%arg0: i32) -> (i32, i32) {
    %c0_i32 = arith.constant 0 : i32
    %c0_i32_0 = arith.constant 0 : i32
    %c0_i32_1 = arith.constant 0 : i32
    return %c0_i32, %c0_i32_0 : i32, i32
  }
  func.func @transform_2(%arg0: i32) -> (i32, i32) {
    %c0_i32 = arith.constant 0 : i32
    %c0_i32_0 = arith.constant 0 : i32
    return %arg0, %c0_i32 : i32, i32
  }
}

module attributes {stable_mosaic.version = 14 : i64} {
  func.func @_tc_final_body(%arg0: i32, %arg1: memref<2000x128xf32, #tpu.memory_space<vmem>>, %arg2: memref<64x128xf32, #tpu.memory_space<vmem>>, %arg3: memref<1x128xf32, #tpu.memory_space<vmem>>, %arg4: memref<128x128xf32, #tpu.memory_space<vmem>>, %arg5: memref<128x8xf32, #tpu.memory_space<vmem>>, %arg6: memref<2000x40xf32, #tpu.memory_space<vmem>>, %arg7: memref<2000x128xf32, #tpu.memory_space<vmem>>) attributes {dimension_semantics = [#tpu.dimension_semantics<arbitrary>], iteration_bounds = array<i64: 5>, scalar_prefetch = 0 : i64, scratch_operands = 0 : i64, tpu.core_type = #tpu.core_type<tc>, window_params = [{transform_indices = @transform_0, window_bounds = array<i64: 2000, 128>}, {pipeline_mode = #tpu.pipeline_mode<synchronous>, transform_indices = @transform_1, window_bounds = array<i64: 64, 128>}, {pipeline_mode = #tpu.pipeline_mode<synchronous>, transform_indices = @transform_2, window_bounds = array<i64: 1, 128>}, {pipeline_mode = #tpu.pipeline_mode<synchronous>, transform_indices = @transform_3, window_bounds = array<i64: 128, 128>}, {pipeline_mode = #tpu.pipeline_mode<synchronous>, transform_indices = @transform_4, window_bounds = array<i64: 128, 8>}, {transform_indices = @transform_5, window_bounds = array<i64: 2000, 40>}, {transform_indices = @transform_6, window_bounds = array<i64: 2000, 128>}]} {
    %get3A = arith.constant 0 : index
    %get3A_0 = arith.constant 0 : index
    %get3A_1 = vector.load %arg1[%get3A, %get3A_0] : memref<2000x128xf32, #tpu.memory_space<vmem>>, vector<2000x64xf32>
    %get3A_2 = arith.constant 0 : index
    %get3A_3 = arith.constant 0 : index
    %get3A_4 = vector.load %arg2[%get3A_2, %get3A_3] : memref<64x128xf32, #tpu.memory_space<vmem>>, vector<64x128xf32>
    %dot_general3A = arith.constant dense<0.000000e+00> : vector<2000x128xf32>
    %dot_general3A_5 = tpu.matmul %get3A_1, %get3A_4, %dot_general3A {dimension_numbers = #tpu.dot_dimension_numbers<[1], [0], [0], [1], [0, 0, 1, 1], [], []>, transpose_lhs_hint = false} : vector<2000x64xf32>, vector<64x128xf32>, vector<2000x128xf32> -> vector<2000x128xf32>
    %get3A_6 = arith.constant 0 : index
    %get3A_7 = arith.constant 0 : index
    %get3A_8 = vector.load %arg3[%get3A_6, %get3A_7] : memref<1x128xf32, #tpu.memory_space<vmem>>, vector<1x128xf32>
    %add3A = vector.broadcast %get3A_8 : vector<1x128xf32> to vector<2000x128xf32>
    %add3A_9 = arith.addf %dot_general3A_5, %add3A : vector<2000x128xf32>
    %swap3A = arith.constant 0 : index
    %swap3A_10 = arith.constant 0 : index
    %swap3A_11 = vector.load %arg7[%swap3A, %swap3A_10] : memref<2000x128xf32, #tpu.memory_space<vmem>>, vector<2000x128xf32>
    tpu.vector_store %arg7[%swap3A, %swap3A_10], %add3A_9 {strides = array<i32>} : memref<2000x128xf32, #tpu.memory_space<vmem>>, vector<2000x128xf32>,
    %get3A_12 = arith.constant 0 : index
    %get3A_13 = arith.constant 0 : index
    %get3A_14 = vector.load %arg4[%get3A_12, %get3A_13] : memref<128x128xf32, #tpu.memory_space<vmem>>, vector<128x128xf32>
    %dot_general3A_15 = arith.constant dense<0.000000e+00> : vector<2000x128xf32>
    %dot_general3A_16 = tpu.matmul %add3A_9, %get3A_14, %dot_general3A_15 {dimension_numbers = #tpu.dot_dimension_numbers<[1], [0], [0], [1], [0, 0, 1, 1], [], []>, transpose_lhs_hint = false} : vector<2000x128xf32>, vector<128x128xf32>, vector<2000x128xf32> -> vector<2000x128xf32>
    %slice3A = vector.extract_strided_slice %dot_general3A_16 {offsets = [0, 0], sizes = [2000, 40], strides = [1, 1]} : vector<2000x128xf32> to vector<2000x40xf32>
    %get3A_17 = arith.constant 0 : index
    %get3A_18 = arith.constant 0 : index
    %get3A_19 = vector.load %arg5[%get3A_17, %get3A_18] : memref<128x8xf32, #tpu.memory_space<vmem>>, vector<40x1xf32>
    %transpose3A = tpu.transpose %get3A_19, [1, 0] : vector<40x1xf32> -> vector<1x40xf32>
    %add3A_20 = vector.broadcast %transpose3A : vector<1x40xf32> to vector<2000x40xf32>
    %add3A_21 = arith.addf %slice3A, %add3A_20 : vector<2000x40xf32>
    %swap3A_22 = arith.constant 0 : index
    %swap3A_23 = arith.constant 0 : index
    %swap3A_24 = vector.load %arg6[%swap3A_22, %swap3A_23] : memref<2000x40xf32, #tpu.memory_space<vmem>>, vector<2000x40xf32>
    tpu.vector_store %arg6[%swap3A_22, %swap3A_23], %add3A_21 {strides = array<i32>} : memref<2000x40xf32, #tpu.memory_space<vmem>>, vector<2000x40xf32>,
    return
  }
  func.func @transform_0(%arg0: i32) -> (i32, i32) {
    %c0_i32 = arith.constant 0 : i32
    %c0_i32_0 = arith.constant 0 : i32
    return %arg0, %c0_i32 : i32, i32
  }
  func.func @transform_1(%arg0: i32) -> (i32, i32) {
    %c0_i32 = arith.constant 0 : i32
    %c0_i32_0 = arith.constant 0 : i32
    %c0_i32_1 = arith.constant 0 : i32
    return %c0_i32, %c0_i32_0 : i32, i32
  }
  func.func @transform_2(%arg0: i32) -> (i32, i32) {
    %c0_i32 = arith.constant 0 : i32
    %c0_i32_0 = arith.constant 0 : i32
    %c0_i32_1 = arith.constant 0 : i32
    return %c0_i32, %c0_i32_0 : i32, i32
  }
  func.func @transform_3(%arg0: i32) -> (i32, i32) {
    %c0_i32 = arith.constant 0 : i32
    %c0_i32_0 = arith.constant 0 : i32
    %c0_i32_1 = arith.constant 0 : i32
    return %c0_i32, %c0_i32_0 : i32, i32
  }
  func.func @transform_4(%arg0: i32) -> (i32, i32) {
    %c0_i32 = arith.constant 0 : i32
    %c0_i32_0 = arith.constant 0 : i32
    %c0_i32_1 = arith.constant 0 : i32
    return %c0_i32, %c0_i32_0 : i32, i32
  }
  func.func @transform_5(%arg0: i32) -> (i32, i32) {
    %c0_i32 = arith.constant 0 : i32
    %c0_i32_0 = arith.constant 0 : i32
    return %arg0, %c0_i32 : i32, i32
  }
  func.func @transform_6(%arg0: i32) -> (i32, i32) {
    %c0_i32 = arith.constant 0 : i32
    %c0_i32_0 = arith.constant 0 : i32
    return %arg0, %c0_i32 : i32, i32
  }
}

</mosaic_0001>

<sc_bundles>
// kernel: kernel.6.cloned.1.call-start
scs
__scs_entry_jumppad:
0x0: {  	(pc) =	sbr.rel $0x88, $3  }
0x1: {  	(tag) =	ssettag $0x0;
	lr =	simm.s32 $0x1  }
0x2: {  	[smem:$0x3F99] =	sst lr;
	_ =	strace $0xD0000000  }
0x3: {  	_ = 	snop  }
0x4: {  	_ = 	snop  }
0x5: {  	_ = 	snop  }
0x6: {  	_ = 	snop  }
0x7: {  	_ = 	snop  }
__scs_overlays_trampoline_lowered:
0x8: {  	[smem:$0x3FA8] =	sst s0  }
0x9: {  	[smem:$0x3FA9] =	sst s1  }
0xa: {  	[smem:$0x3FAA] =	sst s2  }
0xb: {  	[smem:$0x3FAB] =	sst s3  }
0xc: {  	[smem:$0x3FAC] =	sst s4  }
0xd: {  	[smem:$0x3FAD] =	sst s5  }
0xe: {  	[smem:$0x3FAE] =	sst s6  }
0xf: {  	[smem:$0x3FAF] =	sst s7  }
0x10: {  	[smem:$0x3FB0] =	sst s8  }
0x11: {  	[smem:$0x3FB1] =	sst s9;
	s0 =	simm.s32 @!p0 $0x0  }
0x12: {  	s1 =	sld [smem:$0x3F97];
	s0 =	simm.s32 @p0 $0x1  }
0x13: {  	[smem:$0x3FB2] =	sst s0;
	s0 =	simm.s32 @!p1 $0x0  }
0x14: {  	s2 =	sld [smem:$0x3F96];
	s0 =	simm.s32 @p1 $0x1  }
0x15: {  	[smem:$0x3FB3] =	sst s0;
	s0 =	simm.s32 @!p2 $0x0  }
0x16: {  	s3 =	sld [smem:$0x3FDB];
	s0 =	simm.s32 @p2 $0x1  }
0x17: {  	s4 =	simm.s32 $0x1BF5;
	[smem:$0x3FB5] =	sst s0  }
0x18: {  	s0 =	sld [smem:$0x3F98];
	_ =	swait.ge [sflag:s4], $0x0  }
0x19: {  	s7 =	sld [smem:$0x3F99]  }
0x1a: {  	s8 =	sadd.s32 $0xFFFFE003, lr  }
0x1b: {  	s9 =	sadd.s32 $0xFFFFFEF7, lr;
	s5 =	simm.s32 $0xFFFFFFFF;
	p2 =	slt.u32 s8, $0xFFFFF086  }
0x1c: {  	p1 =	slt.u32 s9, $0xF7A;
	s5 =	simm.s32 @!p2 $0x0  }
0x1d: {  	s5 =	simm.s32 @p1 $0x1;
	p0 =	seq.s32 s7, s2  }
0x1e: {  	s7 =	smul.u32 @!p0 $0xF7A, s2;
	p2 =	seq.s32 @!p0 s5, $0x0  }
0x1f: {  	s9 =	smul.u32 $0xF7A, s1;
	s8 =	simm.s32 @!p0 $0x1BF5;
	p2 =	por !p2, p0  }
0x20: {  	[sflag:s8] =	ssyncset.s32 @!p0 $0xFFFFF086;
	s6 =	sadd.s32 @!p0 s3, s7;
	s7 =	simm.s32 @!p0 $0x108  }
0x21: {  	s3 =	sadd.s32 s3, s9;
	s6 =	sadd.s32 @!p0 $0x88, s6;
	s7 =	simm.s32 @p2 $0x1082  }
0x22: {  	[simem:s7], [sflag:s8] =	dma.local @!p0 [hbm:s6], $0xF7A  }
0x23: {  	s9 =	sor.u32 $0xD0000000, s2;
	s6 =	simm.s32 $0x108;
	_ =	swait.ge @!p0 [sflag:s8], $0x0  }
0x24: {  	s3 =	sadd.s32 $0x88, s3;
	s6 =	simm.s32 @!p1 $0x1082;
	[sflag:s4] =	ssyncset.s32 $0xFFFFF086  }
0x25: {  	[simem:s6], [sflag:s4] =	dma.local [hbm:s3], $0xF7A  }
0x26: {  	[smem:$0x3F99] =	sst s1;
	(tag) =	ssettag s2;
	_ =	strace s9  }
0x27: {  	s1 =	sld [smem:$0x3FA9]  }
0x28: {  	s2 =	sld [smem:$0x3FAA]  }
0x29: {  	s4 =	sld [smem:$0x3FAC]  }
0x2a: {  	p0 =	seq.s32 s5, $0x0;
	s5 =	sld [smem:$0x3FAD]  }
0x2b: {  	s6 =	sld [smem:$0x3FAE]  }
0x2c: {  	s7 =	sld [smem:$0x3FAF]  }
0x2d: {  	s3 =	simm.s32 $0x108;
	s8 =	sld [smem:$0x3FB0]  }
0x2e: {  	s3 =	simm.s32 @!p0 $0x1082;
	s9 =	sld [smem:$0x3FB1]  }
0x2f: {  	lr =	sadd.s32 s0, s3;
	s0 =	sld [smem:$0x3FA8]  }
0x30: {  	s3 =	sld [smem:$0x3FAB]  }
0x31: {  	[smem:$0x3FB4] =	sst s10  }
0x32: {  	s10 =	sld [smem:$0x3FB2];
	_ =	sdelay $0x3  }
0x33: {  	p0 =	seq.s32 s10, $0x1;
	s10 =	sld [smem:$0x3FB4];
	_ =	sdelay $0x3  }
0x34: {  	[smem:$0x3FB4] =	sst s10  }
0x35: {  	s10 =	sld [smem:$0x3FB3];
	_ =	sdelay $0x3  }
0x36: {  	p1 =	seq.s32 s10, $0x1;
	s10 =	sld [smem:$0x3FB4];
	_ =	sdelay $0x3  }
0x37: {  	[smem:$0x3FB4] =	sst s10  }
0x38: {  	s10 =	sld [smem:$0x3FB5]  }
0x39: {  	_ = 	snop;
	(pc) =	sbr.ind lr, $3  }
0x3a: {  	_ = 	snop  }
0x3b: {  	_ = 	snop  }
0x3c: {  	p2 =	seq.s32 s10, $0x1;
	s10 =	sld [smem:$0x3FB4]  }
0x3d: {  	_ =	shalt  }
0x3e: {  	_ =	shalt  }
0x3f: {  	_ =	shalt  }
0x40: {  	_ =	shalt  }
0x41: {  	_ =	shalt  }
0x42: {  	_ =	shalt  }
0x43: {  	_ =	shalt  }
0x44: {  	_ =	shalt  }
0x45: {  	_ =	shalt  }
0x46: {  	_ =	shalt  }
0x47: {  	_ =	shalt  }
0x48: {  	_ =	shalt  }
0x49: {  	_ =	shalt  }
0x4a: {  	_ =	shalt  }
0x4b: {  	_ =	shalt  }
0x4c: {  	_ =	shalt  }
0x4d: {  	_ =	shalt  }
0x4e: {  	_ =	shalt  }
0x4f: {  	_ =	shalt  }
0x50: {  	_ =	shalt  }
0x51: {  	_ =	shalt  }
0x52: {  	_ =	shalt  }
0x53: {  	_ =	shalt  }
0x54: {  	_ =	shalt  }
0x55: {  	_ =	shalt  }
0x56: {  	_ =	shalt  }
0x57: {  	_ =	shalt  }
0x58: {  	_ =	shalt  }
0x59: {  	_ =	shalt  }
0x5a: {  	_ =	shalt  }
0x5b: {  	_ =	shalt  }
0x5c: {  	_ =	shalt  }
0x5d: {  	_ =	shalt  }
0x5e: {  	_ =	shalt  }
0x5f: {  	_ =	shalt  }
0x60: {  	_ =	shalt  }
0x61: {  	_ =	shalt  }
0x62: {  	_ =	shalt  }
0x63: {  	_ =	shalt  }
0x64: {  	_ =	shalt  }
0x65: {  	_ =	shalt  }
0x66: {  	_ =	shalt  }
0x67: {  	_ =	shalt  }
0x68: {  	_ =	shalt  }
0x69: {  	_ =	shalt  }
0x6a: {  	_ =	shalt  }
0x6b: {  	_ =	shalt  }
0x6c: {  	_ =	shalt  }
0x6d: {  	_ =	shalt  }
0x6e: {  	_ =	shalt  }
0x6f: {  	_ =	shalt  }
0x70: {  	_ =	shalt  }
0x71: {  	_ =	shalt  }
0x72: {  	_ =	shalt  }
0x73: {  	_ =	shalt  }
0x74: {  	_ =	shalt  }
0x75: {  	_ =	shalt  }
0x76: {  	_ =	shalt  }
0x77: {  	_ =	shalt  }
0x78: {  	_ =	shalt  }
0x79: {  	_ =	shalt  }
0x7a: {  	_ =	shalt  }
0x7b: {  	_ =	shalt  }
0x7c: {  	_ =	shalt  }
0x7d: {  	_ =	shalt  }
0x7e: {  	_ =	shalt  }
0x7f: {  	_ =	shalt  }
0x80: {  	_ =	shalt  }
0x81: {  	_ =	shalt  }
0x82: {  	_ =	shalt  }
0x83: {  	_ =	shalt  }
0x84: {  	_ =	shalt  }
0x85: {  	_ =	shalt  }
0x86: {  	_ =	shalt  }
0x87: {  	_ =	shalt  }
.Lfunc_end0:
.L_simem_size_0:
called_computation_lowered:
.L_overlay_start_0:
0x88: {  	s2 =	sld [smem:$0x3FD9]  }
0x89: {  	s3 =	sld [smem:$0x3FFE];
	_ =	sdelay $0x1  }
0x8a: {  	s1 =	srdreg.scid  }
0x8b: {  	s0 =	sand.u32 $0x1, s1  }
0x8c: {  	s14 =	sshll.u32 s0, $0xA;
	s2 =	sadd.s32 s3, s2  }
0x8d: {  	s2 =	sadd.s32 s2, s14  }
0x8e: {  	[smem:$0x3FC0] =	sst s2  }
0x8f: {  	_ = 	snop  }
0x90: {  	s2 =	sld [smem:$0x3FD0];
	_ =	sdelay $0x2  }
0x91: {  	s15 =	simm.s32 $0xA;
	s4 =	simm.s32 $0x10  }
0x92: {  	[smem:s4], [sflag:s15] =	dma.local [hbm:s2], $0x1  }
0x93: {  	_ =	swait.eq [sflag:s15], $0x1  }
0x94: {  	[sflag:s15] =	ssyncset.done $0x0  }
0x95: {  	s16 =	sld [smem:$0x10];
	[sflag:s15] =	ssyncadd.s32 $0xFFFFFFFF  }
0x96: {  	s17 =	sld [smem:$0x11];
	(tm) =	ssettm $0x1  }
0x97: {  	s18 =	sld [smem:$0x3FFB];
	_ =	sdelay $0x3  }
0x98: {  	_ =	strace s18  }
0x99: {  	s4 =	sld [smem:$0x3FFC];
	_ =	sdelay $0x3  }
0x9a: {  	_ =	strace s4  }
0x9b: {  	s4 =	sld [smem:$0x3FFD];
	_ =	sdelay $0x3  }
0x9c: {  	_ =	strace s4  }
0x9d: {  	_ =	strace $0x8FFFFFFF  }
0x9e: {  	s19 =	sld [smem:$0x3FDB];
	_ =	sdelay $0x1  }
0x9f: {  	s5 =	simm.s32 $_scs_section_size  }
0xa0: {  	s6 =	simm.s32 $_size__tile_overlayer_lowered;
	s7 =	simm.s32 $_tile_overlayer_lowered  }
0xa1: {  	s22 =	simm.s32 $0x1BFF;
	s21 =	sshll.u32 s7, $0x1;
	s4 =	sadd.s32 s5, s19  }
0xa2: {  	s8 =	simm.s32 $0x0;
	s20 =	sshll.u32 s6, $0x1;
	s6 =	sadd.s32 s21, s4  }
0xa3: {  	[timem:s8], [sflag:s22] =	dma.local [hbm:s6], s20  }
0xa4: {  	_ =	swait.ge [sflag:s22], s20  }
0xa5: {  	s5 =	ssub.s32 $0x0, s20;
	[sflag:s22] =	ssyncset.done $0x0  }
0xa6: {  	[sflag:s22] =	ssyncadd.s32 s5;
	_ =	sdelay $0x1  }
0xa7: {  	s23 =	simm.s32 $0x1B8B  }
0xa8: {  	_ =	swait.ge [sflag:s23], $0x1  }
0xa9: {  	[sflag:s23] =	ssyncset.done $0x0  }
0xaa: {  	s25 =	simm.s32 $0x1B8E;
	s24 =	sld [smem:$0x3FFE];
	[sflag:s23] =	ssyncadd.s32 $0xFFFFFFFF  }
0xab: {  	s26 =	simm.s32 $execute0_lowered;
	[smem:$0x3FD2] =	sst s25  }
0xac: {  	s6 =	sshll.u32 s26, $0x1;
	_ =	strace $0x80000046;
	[dreg:$0x1] =	wrdreg $0xFFFFFFFF  }
0xad: {  	s28 =	simm.s32 $_size_execute0_lowered;
	s4 =	sadd.s32 s4, s6;
	[dreg:$0x0] =	wrdreg $0x0  }
0xae: {  	s6 =	sshll.u32 s28, $0x1;
	[dreg:$0x2] =	wrdreg s4  }
0xaf: {  	[dreg:$0x3] =	wrdreg s6  }
0xb0: {  	[dreg:$0x4] =	wrdreg $0xC0  }
0xb1: {  	_ =	task [dreg:s8], $0x5FFFF  }
0xb2: {  	[dreg:$0x1] =	wrdreg $0xFFFFFFFF  }
0xb3: {  	[dreg:$0x0] =	wrdreg $0x60  }
0xb4: {  	[dreg:$0x2] =	wrdreg s17  }
0xb5: {  	[dreg:$0x3] =	wrdreg s24  }
0xb6: {  	[dreg:$0x4] =	wrdreg s16  }
0xb7: {  	[dreg:$0x5] =	wrdreg $0x2F800  }
0xb8: {  	[dreg:$0x6] =	wrdreg $0x9  }
0xb9: {  	_ =	task.clear_ibuf [dreg:s8], $0x7FFFF;
	_ =	strace $0x90000046  }
0xba: {  	s29 =	simm.s32 $0x9;
	_ =	strace $0x80000048  }
0xbb: {  	_ =	swait.ge [sflag:s29], $0x1  }
0xbc: {  	[sflag:s29] =	ssyncadd.s32 $0xFFFFFFFF  }
0xbd: {  	_ =	strace $0x90000048  }
0xbe: {  	_ =	sfence  }
0xbf: {  	s30 =	sld [smem:$0x0];
	_ =	sdelay $0x2  }
0xc0: {  	s31 =	sshll.u32 s1, $0xD;
	s1 =	sshrl.u32 s1, $0x2  }
0xc1: {  	s3 =	sand.u32 $0x4000, s31;
	s1 =	sadd.s32 s1, s30  }
0xc2: {  	s0 =	sor.u32 s3, s0;
	s1 =	sshll.u32 s1, $0x11  }
0xc3: {  	s0 =	sor.u32 s1, s0  }
0xc4: {  	s0 =	sadd.s32 $0x8F2B, s0  }
0xc5: {  	[sflag:s0] =	ssyncadd.remote.s32 $0x1  }
0xc6: {  	_ =	sfence.sel $0xFFFF  }
0xc7: {  	[dreg:$0x0] =	wrdreg $0xFFFFFFFF;
	(pc) =	sbr.abs _section_cstart, $3  }
0xc8: {  	[dreg:$0x1] =	wrdreg $0xFFFFFFFF  }
0xc9: {  	_ =	task.clear_ibuf [dreg:s8], $0x2FFFF;
	_ =	strace $0x9FFFFFFF  }
0xca: {  	(tm) =	ssettm $0x7FFFFFFF  }
0xcb: {  	_ =	shalt  }
tec
execute0_lowered:
.L_overlay_start_1:
0x0: {  	(tag) =	ssettag $0x1  }
0x1: {  	s7 =	rddreg [dreg:$0x0]  }
0x2: {  	s5 =	rddreg [dreg:$0x1]  }
0x3: {  	s6 =	rddreg [dreg:$0x2]  }
0x4: {  	s2 =	rddreg [dreg:$0x3]  }
0x5: {  	s0 =	rddreg [dreg:$0x4]  }
0x6: {  	s4 =	srdreg.scid;
	s1 =	stileid.u32  }
0x7: {  	s3 =	simm.s32 $0x0;
	s16 =	simm.s32 $0x1;
	s17 =	simm.s32 $0x0  }
0x8: {  	s8 =	sand.u32 $0x1, s4;
	s9 =	smul.u32 $0x500, s1;
	[smem:$0x7FF] =	sst s3  }
0x9: {  	s4 =	sadd.s32 $0xA00, s5;
	s14 =	smul.u32 $0x2800, s1;
	s30 =	sshll.u32 s1, $0x6  }
0xa: {  	s10 =	smul.u32 $0x5000, s8;
	s24 =	sshll.u32 s8, $0x4;
	s8 =	ssub.s32 $0x2, s8  }
0xb: {  	_ =	strace $0x80000047;
	s12 =	sor.u32 s1, s24;
	s25 =	sshrl.u32 s8, $0x1  }
0xc: {  	s28 =	sadd.s32 s14, s2;
	s29 =	sshrl.u32 s14, $0x3;
	s14 =	simm.s32 $0x2780  }
0xd: {  	s9 =	sadd.s32 s9, s10;
	s10 =	smul.u32 $0x4E, s12;
	s13 =	smin.u32 s12, $0x4  }
0xe: {  	p0 =	slt.u32 s12, $0x4;
	s15 =	ssub.s32 s8, s25;
	s6 =	sadd.s32 s6, s29  }
0xf: {  	s11 =	sadd.s32 s9, s5;
	s5 =	simm.s32 $0x4F;
	s26 =	sadd.s32 s13, s10  }
0x10: {  	s5 =	simm.s32 @!p0 $0x4E;
	s10 =	sadd.s32 $0xC00, s11;
	s11 =	smax.u32 s15, $0x1  }
0x11: {  	p0 =	sgt.u32 s12, $0x3;
	s12 =	sshrl.u32 s28, $0x3;
	s8 =	sshll.u32 s26, $0x4  }
0x12: {  	s13 =	simm.s32 $0x2;
	s15 =	simm.s32 $0x80;
	s31 =	sadd.s32 s7, s8  }
0x13: {  	s7 =	sor.u32 $0x1C02, s30;
	s8 =	sadd.s32 $0x9C40, s31;
	s9 =	sadd.s32 $0xA120, s31  }
.LBB2_1:
0x14: {  	[spmem:s12], [sflag:s7] =	dma.local [hbm:s6], $0x500  }
0x15: {  	_ =	swait.ge [sflag:s13], $0x500  }
0x16: {  	[sflag:s13] =	ssyncset.done $0x0  }
0x17: {  	[sflag:s13] =	ssyncadd.s32 $0xFFFFFB00  }
0x18: {  	[tilespmem:s3], [sflag:$0x2] =	stream.linear.gather [hbm4b:s8+s3], $0x2700, $0x38;
	[tilespmem:$0x5780] =	vst v63  }
0x19: {  	_ =	swait.ge [sflag:s13], $0x2700  }
0x1a: {  	[sflag:s13] =	ssyncset.done $0x0  }
0x1b: {  	s18 =	simm.s32 @!p0 $0x0;
	s19 =	simm.s32 @!p0 $0x2700;
	[sflag:s13] =	ssyncadd.s32 $0xFFFFD900  }
0x1c: {  	[tilespmem:s19], [sflag:$0x2] =	stream.linear.gather @!p0 [hbm4b:s9+s18], $0x80, $0x38;
	[tilespmem:$0x5780] =	vst v63  }
0x1d: {  	s18 =	simm.s32 @!p0 $0x2  }
0x1e: {  	_ =	swait.ge @!p0 [sflag:s18], $0x80  }
0x1f: {  	[sflag:s18] =	ssyncset.done @!p0 $0x0  }
0x20: {  	[sflag:s18] =	ssyncadd.s32 @!p0 $0xFFFFFF80  }
0x21: {  	[tilespmem:s14], [sflag:$0x2] =	stream.linear.gather [hbm4b:s4+s3], $0x800, $0x38;
	[tilespmem:$0x5780] =	vst v63  }
0x22: {  	_ =	swait.ge [sflag:s13], $0x800  }
0x23: {  	p2 =	sne.s32 s5, $0x1;
	[sflag:s13] =	ssyncset.done $0x0  }
.Ltmp0:
0x24: {  	p1 =	por $0x1, $0x1;
	[sflag:s13] =	ssyncadd.s32 $0xFFFFF800;
	(pc) =	sbr.rel @!p2 .LBB2_3-.Ltmp0, $4  }
0x25: {  	s20 =	simm.s32 @!p1 $0x1;
	[bflag:$0x0] =	sbarrier.arrive $0xFFFF  }
0x26: {  	[spmem:s2] =	stream.indirect.scatter.add.f32 [tilespmem:s14], [sflag:$0x1], $0x10, s3, s15, $0xb8;
	[tilespmem:$0x5780] =	vst v63  }
0x27: {  	_ =	swait.ge @!p1 [sflag:s20], $0x800  }
0x28: {  	s19 =	simm.s32 $0x0;
	s18 =	simm.s32 $0x1;
	[sflag:s20] =	ssyncset.done @!p1 $0x0  }
.LBB2_2:
0x29: {  	[sflag:s20] =	ssyncadd.s32 @!p1 $0xFFFFF800  }
0x2a: {  	s19 =	sadd.s32 $0x80, s19;
	s20 =	smov.u32 s18;
	s18 =	sadd.s32 $0x1, s18  }
0x2b: {  	p2 =	sne.s32 s5, s18  }
0x2c: {  	[spmem:s2] =	stream.indirect.scatter.add.f32 [tilespmem:s14], [sflag:$0x1], $0x10, s19, s15, $0xb8;
	[tilespmem:$0x5780] =	vst v63  }
.Ltmp1:
0x2d: {  	_ = 	snop;
	(pc) =	sbr.rel @p2 .LBB2_2-.Ltmp1, $4  }
0x2e: {  	p1 =	slt.u32 s20, $0x8  }
0x2f: {  	s20 =	simm.s32 @!p1 $0x1  }
0x30: {  	_ =	swait.ge @!p1 [sflag:s20], $0x800  }
0x31: {  	[sflag:s20] =	ssyncset.done @!p1 $0x0  }
.LBB2_3:
0x32: {  	[sflag:s20] =	ssyncadd.s32 @!p1 $0xFFFFF800  }
0x33: {  	_ =	swait.ge [sflag:s16], $0x800  }
0x34: {  	[sflag:s16] =	ssyncset.done $0x0  }
0x35: {  	[sflag:s16] =	ssyncadd.s32 $0xFFFFF800  }
0x36: {  	_ =	swait.ge [sflag:s16], $0x800  }
0x37: {  	[sflag:s16] =	ssyncset.done $0x0  }
0x38: {  	[sflag:s16] =	ssyncadd.s32 $0xFFFFF800  }
0x39: {  	_ =	swait.ge [sflag:s16], $0x800  }
0x3a: {  	[sflag:s16] =	ssyncset.done $0x0  }
0x3b: {  	[sflag:s16] =	ssyncadd.s32 $0xFFFFF800  }
0x3c: {  	_ =	swait.ge [sflag:s16], $0x800  }
0x3d: {  	[sflag:s16] =	ssyncset.done $0x0  }
0x3e: {  	[sflag:s16] =	ssyncadd.s32 $0xFFFFF800  }
0x3f: {  	_ =	swait.ge [sflag:s16], $0x800  }
0x40: {  	[sflag:s16] =	ssyncset.done $0x0  }
0x41: {  	[sflag:s16] =	ssyncadd.s32 $0xFFFFF800  }
0x42: {  	_ =	swait.ge [sflag:s16], $0x800  }
0x43: {  	[sflag:s16] =	ssyncset.done $0x0  }
0x44: {  	[sflag:s16] =	ssyncadd.s32 $0xFFFFF800  }
0x45: {  	_ =	swait.ge [sflag:s16], $0x800  }
0x46: {  	[sflag:s16] =	ssyncset.done $0x0  }
0x47: {  	[sflag:s16] =	ssyncadd.s32 $0xFFFFF800  }
0x48: {  	_ =	swait.ge [sflag:s16], $0x800  }
0x49: {  	s17 =	sadd.s32 $0x1, s17;
	[sflag:s16] =	ssyncset.done $0x0  }
0x4a: {  	p1 =	sne.s32 s17, s11;
	[sflag:s16] =	ssyncadd.s32 $0xFFFFF800  }
.Ltmp2:
0x4b: {  	[bflag:$0x0] =	sbarrier.arrive $0xFFFF;
	(pc) =	sbr.rel @p1 .LBB2_1-.Ltmp2, $4  }
0x4c: {  	[hbm:s10], [sflag:s7] =	dma.local [spmem:s12], $0x500  }
0x4d: {  	_ =	swait.ge [sflag:s13], $0x500  }
0x4e: {  	[sflag:s13] =	ssyncset.done $0x0  }
0x4f: {  	[sflag:s13] =	ssyncadd.s32 $0xFFFFFB00  }
0x50: {  	_ =	sfence.sel $0x180000  }
0x51: {  	[bflag:$0x0] =	sbarrier.arrive $0xFFFF  }
0x52: {  	p0 =	sne.s32 s1, $0x0;
	_ =	strace $0x90000047  }
0x53: {  	s0 =	sadd.s32 @!p0 $0x100000, s0;
	[bflag:$0x2] =	sbarrier.arrive $0xFFFF  }
0x54: {  	[sflag:s0] =	ssyncadd.tile.s32 @!p0 $0x1;
	_ =	shalt  }
.Lfunc_end2:
_tile_overlayer_lowered:
.L_overlay_start_2:
0x55: {  	(tag) =	ssettag $0x2  }
0x56: {  	s0 =	rddreg [dreg:$0x0];
	s2 =	stileid.u32  }
0x57: {  	s1 =	rddreg [dreg:$0x1];
	p0 =	sne.s32 s2, $0x0  }
0x58: {  	s3 =	rddreg [dreg:$0x2];
	[bflag:$0x3] =	sbarrier.arrive $0xFFFF;
	s2 =	simm.s32 @!p0 $0x1C02  }
0x59: {  	[timem:s3], [sflag:s2] =	dma.local @!p0 [hbm:s0], s1  }
0x5a: {  	s0 =	simm.s32 @!p0 $0x2  }
0x5b: {  	_ =	swait.ge @!p0 [sflag:s0], s1  }
0x5c: {  	s1 =	ssub.s32 @!p0 $0x0, s1;
	[sflag:s0] =	ssyncset.done @!p0 $0x0  }
0x5d: {  	[sflag:s0] =	ssyncadd.s32 @!p0 s1  }
0x5e: {  	[bflag:$0x3] =	sbarrier.arrive $0xFFFF  }
0x5f: {  	_ =	shalt  }

// kernel: kernel.9.cloned.1.call-start
scs
__scs_entry_jumppad:
0x0: {  	(pc) =	sbr.rel $0x88, $3  }
0x1: {  	(tag) =	ssettag $0x0;
	lr =	simm.s32 $0x1  }
0x2: {  	[smem:$0x3F99] =	sst lr;
	_ =	strace $0xD0000000  }
0x3: {  	_ = 	snop  }
0x4: {  	_ = 	snop  }
0x5: {  	_ = 	snop  }
0x6: {  	_ = 	snop  }
0x7: {  	_ = 	snop  }
__scs_overlays_trampoline_lowered:
0x8: {  	[smem:$0x3FA8] =	sst s0  }
0x9: {  	[smem:$0x3FA9] =	sst s1  }
0xa: {  	[smem:$0x3FAA] =	sst s2  }
0xb: {  	[smem:$0x3FAB] =	sst s3  }
0xc: {  	[smem:$0x3FAC] =	sst s4  }
0xd: {  	[smem:$0x3FAD] =	sst s5  }
0xe: {  	[smem:$0x3FAE] =	sst s6  }
0xf: {  	[smem:$0x3FAF] =	sst s7  }
0x10: {  	[smem:$0x3FB0] =	sst s8  }
0x11: {  	[smem:$0x3FB1] =	sst s9;
	s0 =	simm.s32 @!p0 $0x0  }
0x12: {  	s1 =	sld [smem:$0x3F97];
	s0 =	simm.s32 @p0 $0x1  }
0x13: {  	[smem:$0x3FB2] =	sst s0;
	s0 =	simm.s32 @!p1 $0x0  }
0x14: {  	s2 =	sld [smem:$0x3F96];
	s0 =	simm.s32 @p1 $0x1  }
0x15: {  	[smem:$0x3FB3] =	sst s0;
	s0 =	simm.s32 @!p2 $0x0  }
0x16: {  	s3 =	sld [smem:$0x3FDB];
	s0 =	simm.s32 @p2 $0x1  }
0x17: {  	s4 =	simm.s32 $0x1BF5;
	[smem:$0x3FB5] =	sst s0  }
0x18: {  	s0 =	sld [smem:$0x3F98];
	_ =	swait.ge [sflag:s4], $0x0  }
0x19: {  	s7 =	sld [smem:$0x3F99]  }
0x1a: {  	s8 =	sadd.s32 $0xFFFFE003, lr  }
0x1b: {  	s9 =	sadd.s32 $0xFFFFFEF7, lr;
	s5 =	simm.s32 $0xFFFFFFFF;
	p2 =	slt.u32 s8, $0xFFFFF086  }
0x1c: {  	p1 =	slt.u32 s9, $0xF7A;
	s5 =	simm.s32 @!p2 $0x0  }
0x1d: {  	s5 =	simm.s32 @p1 $0x1;
	p0 =	seq.s32 s7, s2  }
0x1e: {  	s7 =	smul.u32 @!p0 $0xF7A, s2;
	p2 =	seq.s32 @!p0 s5, $0x0  }
0x1f: {  	s9 =	smul.u32 $0xF7A, s1;
	s8 =	simm.s32 @!p0 $0x1BF5;
	p2 =	por !p2, p0  }
0x20: {  	[sflag:s8] =	ssyncset.s32 @!p0 $0xFFFFF086;
	s6 =	sadd.s32 @!p0 s3, s7;
	s7 =	simm.s32 @!p0 $0x108  }
0x21: {  	s3 =	sadd.s32 s3, s9;
	s6 =	sadd.s32 @!p0 $0x88, s6;
	s7 =	simm.s32 @p2 $0x1082  }
0x22: {  	[simem:s7], [sflag:s8] =	dma.local @!p0 [hbm:s6], $0xF7A  }
0x23: {  	s9 =	sor.u32 $0xD0000000, s2;
	s6 =	simm.s32 $0x108;
	_ =	swait.ge @!p0 [sflag:s8], $0x0  }
0x24: {  	s3 =	sadd.s32 $0x88, s3;
	s6 =	simm.s32 @!p1 $0x1082;
	[sflag:s4] =	ssyncset.s32 $0xFFFFF086  }
0x25: {  	[simem:s6], [sflag:s4] =	dma.local [hbm:s3], $0xF7A  }
0x26: {  	[smem:$0x3F99] =	sst s1;
	(tag) =	ssettag s2;
	_ =	strace s9  }
0x27: {  	s1 =	sld [smem:$0x3FA9]  }
0x28: {  	s2 =	sld [smem:$0x3FAA]  }
0x29: {  	s4 =	sld [smem:$0x3FAC]  }
0x2a: {  	p0 =	seq.s32 s5, $0x0;
	s5 =	sld [smem:$0x3FAD]  }
0x2b: {  	s6 =	sld [smem:$0x3FAE]  }
0x2c: {  	s7 =	sld [smem:$0x3FAF]  }
0x2d: {  	s3 =	simm.s32 $0x108;
	s8 =	sld [smem:$0x3FB0]  }
0x2e: {  	s3 =	simm.s32 @!p0 $0x1082;
	s9 =	sld [smem:$0x3FB1]  }
0x2f: {  	lr =	sadd.s32 s0, s3;
	s0 =	sld [smem:$0x3FA8]  }
0x30: {  	s3 =	sld [smem:$0x3FAB]  }
0x31: {  	[smem:$0x3FB4] =	sst s10  }
0x32: {  	s10 =	sld [smem:$0x3FB2];
	_ =	sdelay $0x3  }
0x33: {  	p0 =	seq.s32 s10, $0x1;
	s10 =	sld [smem:$0x3FB4];
	_ =	sdelay $0x3  }
0x34: {  	[smem:$0x3FB4] =	sst s10  }
0x35: {  	s10 =	sld [smem:$0x3FB3];
	_ =	sdelay $0x3  }
0x36: {  	p1 =	seq.s32 s10, $0x1;
	s10 =	sld [smem:$0x3FB4];
	_ =	sdelay $0x3  }
0x37: {  	[smem:$0x3FB4] =	sst s10  }
0x38: {  	s10 =	sld [smem:$0x3FB5]  }
0x39: {  	_ = 	snop;
	(pc) =	sbr.ind lr, $3  }
0x3a: {  	_ = 	snop  }
0x3b: {  	_ = 	snop  }
0x3c: {  	p2 =	seq.s32 s10, $0x1;
	s10 =	sld [smem:$0x3FB4]  }
0x3d: {  	_ =	shalt  }
0x3e: {  	_ =	shalt  }
0x3f: {  	_ =	shalt  }
0x40: {  	_ =	shalt  }
0x41: {  	_ =	shalt  }
0x42: {  	_ =	shalt  }
0x43: {  	_ =	shalt  }
0x44: {  	_ =	shalt  }
0x45: {  	_ =	shalt  }
0x46: {  	_ =	shalt  }
0x47: {  	_ =	shalt  }
0x48: {  	_ =	shalt  }
0x49: {  	_ =	shalt  }
0x4a: {  	_ =	shalt  }
0x4b: {  	_ =	shalt  }
0x4c: {  	_ =	shalt  }
0x4d: {  	_ =	shalt  }
0x4e: {  	_ =	shalt  }
0x4f: {  	_ =	shalt  }
0x50: {  	_ =	shalt  }
0x51: {  	_ =	shalt  }
0x52: {  	_ =	shalt  }
0x53: {  	_ =	shalt  }
0x54: {  	_ =	shalt  }
0x55: {  	_ =	shalt  }
0x56: {  	_ =	shalt  }
0x57: {  	_ =	shalt  }
0x58: {  	_ =	shalt  }
0x59: {  	_ =	shalt  }
0x5a: {  	_ =	shalt  }
0x5b: {  	_ =	shalt  }
0x5c: {  	_ =	shalt  }
0x5d: {  	_ =	shalt  }
0x5e: {  	_ =	shalt  }
0x5f: {  	_ =	shalt  }
0x60: {  	_ =	shalt  }
0x61: {  	_ =	shalt  }
0x62: {  	_ =	shalt  }
0x63: {  	_ =	shalt  }
0x64: {  	_ =	shalt  }
0x65: {  	_ =	shalt  }
0x66: {  	_ =	shalt  }
0x67: {  	_ =	shalt  }
0x68: {  	_ =	shalt  }
0x69: {  	_ =	shalt  }
0x6a: {  	_ =	shalt  }
0x6b: {  	_ =	shalt  }
0x6c: {  	_ =	shalt  }
0x6d: {  	_ =	shalt  }
0x6e: {  	_ =	shalt  }
0x6f: {  	_ =	shalt  }
0x70: {  	_ =	shalt  }
0x71: {  	_ =	shalt  }
0x72: {  	_ =	shalt  }
0x73: {  	_ =	shalt  }
0x74: {  	_ =	shalt  }
0x75: {  	_ =	shalt  }
0x76: {  	_ =	shalt  }
0x77: {  	_ =	shalt  }
0x78: {  	_ =	shalt  }
0x79: {  	_ =	shalt  }
0x7a: {  	_ =	shalt  }
0x7b: {  	_ =	shalt  }
0x7c: {  	_ =	shalt  }
0x7d: {  	_ =	shalt  }
0x7e: {  	_ =	shalt  }
0x7f: {  	_ =	shalt  }
0x80: {  	_ =	shalt  }
0x81: {  	_ =	shalt  }
0x82: {  	_ =	shalt  }
0x83: {  	_ =	shalt  }
0x84: {  	_ =	shalt  }
0x85: {  	_ =	shalt  }
0x86: {  	_ =	shalt  }
0x87: {  	_ =	shalt  }
.Lfunc_end0:
.L_simem_size_0:
called_computation.1_lowered:
.L_overlay_start_0:
0x88: {  	s2 =	sld [smem:$0x3FD9]  }
0x89: {  	s3 =	sld [smem:$0x3FFE];
	_ =	sdelay $0x1  }
0x8a: {  	s1 =	srdreg.scid  }
0x8b: {  	s0 =	sand.u32 $0x1, s1  }
0x8c: {  	s14 =	sshll.u32 s0, $0xA;
	s2 =	sadd.s32 s3, s2  }
0x8d: {  	s2 =	sadd.s32 s2, s14  }
0x8e: {  	[smem:$0x3FC0] =	sst s2  }
0x8f: {  	_ = 	snop  }
0x90: {  	s2 =	sld [smem:$0x3FD0];
	_ =	sdelay $0x2  }
0x91: {  	s15 =	simm.s32 $0xA;
	s4 =	simm.s32 $0x10  }
0x92: {  	[smem:s4], [sflag:s15] =	dma.local [hbm:s2], $0x1  }
0x93: {  	_ =	swait.eq [sflag:s15], $0x1  }
0x94: {  	[sflag:s15] =	ssyncset.done $0x0  }
0x95: {  	s16 =	sld [smem:$0x10];
	[sflag:s15] =	ssyncadd.s32 $0xFFFFFFFF  }
0x96: {  	s17 =	sld [smem:$0x11];
	(tm) =	ssettm $0x1  }
0x97: {  	s18 =	sld [smem:$0x3FFB];
	_ =	sdelay $0x3  }
0x98: {  	_ =	strace s18  }
0x99: {  	s4 =	sld [smem:$0x3FFC];
	_ =	sdelay $0x3  }
0x9a: {  	_ =	strace s4  }
0x9b: {  	s4 =	sld [smem:$0x3FFD];
	_ =	sdelay $0x3  }
0x9c: {  	_ =	strace s4  }
0x9d: {  	_ =	strace $0x8FFFFFFF  }
0x9e: {  	s19 =	sld [smem:$0x3FDB];
	_ =	sdelay $0x1  }
0x9f: {  	s5 =	simm.s32 $_scs_section_size  }
0xa0: {  	s6 =	simm.s32 $_size__tile_overlayer_lowered;
	s7 =	simm.s32 $_tile_overlayer_lowered  }
0xa1: {  	s22 =	simm.s32 $0x1BFF;
	s21 =	sshll.u32 s7, $0x1;
	s4 =	sadd.s32 s5, s19  }
0xa2: {  	s8 =	simm.s32 $0x0;
	s20 =	sshll.u32 s6, $0x1;
	s6 =	sadd.s32 s21, s4  }
0xa3: {  	[timem:s8], [sflag:s22] =	dma.local [hbm:s6], s20  }
0xa4: {  	_ =	swait.ge [sflag:s22], s20  }
0xa5: {  	s5 =	ssub.s32 $0x0, s20;
	[sflag:s22] =	ssyncset.done $0x0  }
0xa6: {  	[sflag:s22] =	ssyncadd.s32 s5;
	_ =	sdelay $0x1  }
0xa7: {  	s23 =	simm.s32 $0x1B8B  }
0xa8: {  	_ =	swait.ge [sflag:s23], $0x1  }
0xa9: {  	[sflag:s23] =	ssyncset.done $0x0  }
0xaa: {  	s25 =	simm.s32 $0x1B8E;
	s24 =	sld [smem:$0x3FFE];
	[sflag:s23] =	ssyncadd.s32 $0xFFFFFFFF  }
0xab: {  	s26 =	simm.s32 $execute0_lowered;
	[smem:$0x3FD2] =	sst s25  }
0xac: {  	s6 =	sshll.u32 s26, $0x1;
	_ =	strace $0x80000049;
	[dreg:$0x1] =	wrdreg $0xFFFFFFFF  }
0xad: {  	s28 =	simm.s32 $_size_execute0_lowered;
	s4 =	sadd.s32 s4, s6;
	[dreg:$0x0] =	wrdreg $0x0  }
0xae: {  	s6 =	sshll.u32 s28, $0x1;
	[dreg:$0x2] =	wrdreg s4  }
0xaf: {  	[dreg:$0x3] =	wrdreg s6  }
0xb0: {  	[dreg:$0x4] =	wrdreg $0xC0  }
0xb1: {  	_ =	task [dreg:s8], $0x5FFFF  }
0xb2: {  	[dreg:$0x1] =	wrdreg $0xFFFFFFFF  }
0xb3: {  	[dreg:$0x0] =	wrdreg $0x60  }
0xb4: {  	[dreg:$0x2] =	wrdreg s24  }
0xb5: {  	[dreg:$0x3] =	wrdreg s17  }
0xb6: {  	[dreg:$0x4] =	wrdreg s16  }
0xb7: {  	[dreg:$0x5] =	wrdreg $0x14A000  }
0xb8: {  	[dreg:$0x6] =	wrdreg $0x19A000  }
0xb9: {  	[dreg:$0x7] =	wrdreg $0x9  }
0xba: {  	_ =	task.clear_ibuf [dreg:s8], $0x8FFFF;
	_ =	strace $0x90000049  }
0xbb: {  	s29 =	simm.s32 $0x9;
	_ =	strace $0x8000004B  }
0xbc: {  	_ =	swait.ge [sflag:s29], $0x1  }
0xbd: {  	[sflag:s29] =	ssyncadd.s32 $0xFFFFFFFF  }
0xbe: {  	_ =	strace $0x9000004B  }
0xbf: {  	_ =	sfence  }
0xc0: {  	s30 =	sld [smem:$0x0];
	_ =	sdelay $0x2  }
0xc1: {  	s31 =	sshll.u32 s1, $0xD;
	s1 =	sshrl.u32 s1, $0x2  }
0xc2: {  	s3 =	sand.u32 $0x4000, s31;
	s1 =	sadd.s32 s1, s30  }
0xc3: {  	s0 =	sor.u32 s3, s0;
	s1 =	sshll.u32 s1, $0x11  }
0xc4: {  	s0 =	sor.u32 s1, s0  }
0xc5: {  	s0 =	sadd.s32 $0x8F2B, s0  }
0xc6: {  	[sflag:s0] =	ssyncadd.remote.s32 $0x1  }
0xc7: {  	_ =	sfence.sel $0xFFFF  }
0xc8: {  	[dreg:$0x0] =	wrdreg $0xFFFFFFFF;
	(pc) =	sbr.abs _section_cstart, $3  }
0xc9: {  	[dreg:$0x1] =	wrdreg $0xFFFFFFFF  }
0xca: {  	_ =	task.clear_ibuf [dreg:s8], $0x2FFFF;
	_ =	strace $0x9FFFFFFF  }
0xcb: {  	(tm) =	ssettm $0x7FFFFFFF  }
tec
execute0_lowered:
.L_overlay_start_1:
0x0: {  	(tag) =	ssettag $0x1  }
0x1: {  	s0 =	rddreg [dreg:$0x0]  }
0x2: {  	s4 =	rddreg [dreg:$0x1]  }
0x3: {  	s10 =	rddreg [dreg:$0x2]  }
0x4: {  	s1 =	rddreg [dreg:$0x3]  }
0x5: {  	s2 =	rddreg [dreg:$0x4]  }
0x6: {  	s3 =	simm.s32 $0x0;
	s5 =	srdreg.scid;
	s20 =	stileid.u32  }
0x7: {  	s28 =	simm.s32 $0x3;
	s30 =	simm.s32 $0x20;
	s14 =	smul.u32 $0x280, s20  }
0x8: {  	s31 =	simm.s32 $0x80;
	s29 =	simm.s32 $0x0;
	s7 =	smul.u32 $0x9C, s20  }
0x9: {  	[smem:$0x7FF] =	sst s3;
	s11 =	sadd.s32 $0xB600, s0;
	s17 =	smul.u32 $0x5000, s20  }
0xa: {  	s12 =	sadd.s32 $0xC00, s0;
	s13 =	sand.u32 $0x1, s5;
	s25 =	smul.u32 $0x500, s20  }
0xb: {  	s23 =	smin.u32 s20, $0x4;
	p0 =	slt.u32 s20, $0x4;
	s26 =	smul.u32 $0x2800, s20  }
0xc: {  	s9 =	sshll.u32 s20, $0x6;
	s21 =	smul.u32 $0x14000, s20;
	_ =	strace $0x8000004A  }
0xd: {  	s5 =	sshll.u32 s13, $0x2;
	s6 =	ssub.s32 $0x2, s13;
	s9 =	sor.u32 $0x1C03, s9  }
0xe: {  	s13 =	sshll.u32 s13, $0x5;
	s15 =	sadd.s32 s5, s0;
	s22 =	sshrl.u32 s6, $0x1  }
0xf: {  	s0 =	sadd.s32 $0x33600, s0;
	s5 =	simm.s32 $0x9D;
	s8 =	sadd.s32 s23, s7  }
0x10: {  	s24 =	sshrl.u32 s17, $0x3;
	s23 =	sor.u32 s13, s21;
	s14 =	sadd.s32 $0x140, s14  }
0x11: {  	s16 =	ssub.s32 s6, s22;
	s5 =	simm.s32 @!p0 $0x9C;
	s6 =	sadd.s32 s17, s1  }
0x12: {  	s7 =	sadd.s32 s10, s24;
	s8 =	sshll.u32 s8, $0x4;
	s15 =	sadd.s32 $0xA00, s15  }
0x13: {  	s22 =	sshrl.u32 s26, $0x3;
	s24 =	sshll.u32 s14, $0x1;
	p0 =	sgt.u32 s20, $0x3  }
0x14: {  	s20 =	simm.s32 $0x13500;
	s8 =	sadd.s32 s4, s8;
	[dreg:$0x8] =	wrdreg s15  }
0x15: {  	s4 =	sadd.s32 s12, s25;
	s15 =	sshrl.u32 s23, $0x3;
	s25 =	sshll.u32 s14, $0x7  }
0x16: {  	s18 =	sadd.s32 $0x9C40, s8;
	s19 =	sadd.s32 $0x9C0, s8;
	[dreg:$0x9] =	wrdreg s4  }
0x17: {  	s4 =	sadd.s32 s12, s22;
	s12 =	sadd.s32 s12, s24;
	[dreg:$0x6] =	wrdreg s18  }
0x18: {  	s26 =	sor.u32 s13, s25;
	s22 =	sadd.s32 s11, s15;
	[dreg:$0x7] =	wrdreg s19  }
0x19: {  	s25 =	sshll.u32 s14, $0x5;
	s13 =	simm.s32 $0xE500;
	[dreg:$0xa] =	wrdreg s12  }
0x1a: {  	s19 =	sshll.u32 s14, $0x2;
	s21 =	sadd.s32 $0x5000, s4;
	[dreg:$0xd] =	wrdreg s22  }
0x1b: {  	s18 =	sadd.s32 s17, s2;
	s4 =	sadd.s32 $0x5280, s4;
	s23 =	sshrl.u32 s26, $0x3  }
0x1c: {  	s26 =	sadd.s32 s0, s15;
	s12 =	simm.s32 $0x2;
	[dreg:$0xb] =	wrdreg s21  }
0x1d: {  	s10 =	sadd.s32 s10, s19;
	[dreg:$0xe] =	wrdreg s4;
	s24 =	sadd.s32 s11, s23  }
0x1e: {  	[dreg:$0x10] =	wrdreg s26;
	s22 =	sadd.s32 s0, s23;
	s23 =	sadd.s32 s25, s2  }
0x1f: {  	s26 =	sadd.s32 $0xA600, s8;
	s0 =	simm.s32 $0xBD00;
	[dreg:$0xc] =	wrdreg s10  }
0x20: {  	s4 =	simm.s32 $0x9D00;
	s11 =	simm.s32 $0x1;
	[dreg:$0xf] =	wrdreg s24  }
0x21: {  	s24 =	sadd.s32 s25, s1;
	s25 =	smax.u32 s16, $0x1;
	s10 =	simm.s32 $0xAD00  }
.LBB2_1:
0x22: {  	s14 =	sshrl.u32 s6, $0x3  }
0x23: {  	[spmem:s14], [sflag:s9] =	dma.local [hbm:s7], $0xA00  }
0x24: {  	_ =	swait.ge [sflag:s28], $0xA00  }
0x25: {  	[sflag:s28] =	ssyncset.done $0x0  }
0x26: {  	[sflag:s28] =	ssyncadd.s32 $0xFFFFF600  }
0x27: {  	[tilespmem:s3], [sflag:$0x3] =	stream.linear.gather [hbm4b:s8+s3], $0x4E00, $0x38;
	[tilespmem:$0x1EA00] =	vst v63  }
0x28: {  	_ =	swait.ge [sflag:s28], $0x4E00  }
0x29: {  	[sflag:s28] =	ssyncset.done $0x0  }
0x2a: {  	s16 =	simm.s32 $0x4E80;
	s15 =	rddreg [dreg:$0x6];
	[sflag:s28] =	ssyncadd.s32 $0xFFFFB200  }
0x2b: {  	[tilespmem:s16], [sflag:$0x3] =	stream.linear.gather [hbm4b:s15+s3], $0x4E00, $0x38;
	[tilespmem:$0x1EA00] =	vst v63  }
0x2c: {  	_ =	swait.ge [sflag:s28], $0x4E00  }
0x2d: {  	s15 =	simm.s32 @!p0 $0x0;
	[sflag:s28] =	ssyncset.done $0x0  }
0x2e: {  	s16 =	simm.s32 @!p0 $0x4E00;
	s17 =	rddreg [dreg:$0x7];
	[sflag:s28] =	ssyncadd.s32 $0xFFFFB200  }
0x2f: {  	[tilespmem:s16], [sflag:$0x3] =	stream.linear.gather @!p0 [hbm4b:s17+s15], $0x80, $0x38;
	[tilespmem:$0x1EA00] =	vst v63  }
0x30: {  	s16 =	simm.s32 @!p0 $0x3  }
0x31: {  	_ =	swait.ge @!p0 [sflag:s16], $0x80  }
0x32: {  	[sflag:s16] =	ssyncset.done @!p0 $0x0  }
0x33: {  	s17 =	simm.s32 @!p0 $0x9C80;
	[sflag:s16] =	ssyncadd.s32 @!p0 $0xFFFFFF80  }
0x34: {  	[tilespmem:s17], [sflag:$0x3] =	stream.linear.gather @!p0 [hbm4b:s26+s15], $0x80, $0x38;
	[tilespmem:$0x1EA00] =	vst v63  }
0x35: {  	_ =	swait.ge @!p0 [sflag:s16], $0x80  }
0x36: {  	[sflag:s16] =	ssyncset.done @!p0 $0x0  }
0x37: {  	s17 =	simm.s32 $0x14900;
	[sflag:s16] =	ssyncadd.s32 @!p0 $0xFFFFFF80;
	s16 =	rddreg [dreg:$0x8]  }
0x38: {  	[tilespmem:s17], [sflag:$0x3] =	stream.strided.gather [hbm4b:s16+s30], $0x100, s31, s30, $0x38;
	[tilespmem:$0x1EA00] =	vst v63  }
0x39: {  	_ =	swait.ge [sflag:s28], $0x100  }
0x3a: {  	[sflag:s28] =	ssyncset.done $0x0  }
0x3b: {  	s21 =	simm.s32 $0x10D00;
	s19 =	rddreg [dreg:$0x9];
	[sflag:s28] =	ssyncadd.s32 $0xFFFFFF00  }
0x3c: {  	[tilespmem:s21], [sflag:$0x3] =	stream.linear.gather [hbm4b:s19+s3], $0x1400, $0x38;
	[tilespmem:$0x1EA00] =	vst v63  }
0x3d: {  	_ =	swait.ge [sflag:s28], $0x1400  }
0x3e: {  	[sflag:s28] =	ssyncset.done $0x0  }
0x3f: {  	s17 =	rddreg [dreg:$0xb];
	[sflag:s28] =	ssyncadd.s32 $0xFFFFEC00  }
0x40: {  	[tilespmem:s20], [sflag:$0x3] =	stream.linear.gather [hbm4b:s17+s3], $0x1400, $0x38;
	[tilespmem:$0x1EA00] =	vst v63  }
0x41: {  	_ =	swait.ge [sflag:s28], $0x1400  }
0x42: {  	[sflag:s28] =	ssyncset.done $0x0  }
0x43: {  	s19 =	rddreg [dreg:$0xd];
	[sflag:s28] =	ssyncadd.s32 $0xFFFFEC00  }
0x44: {  	[tilespmem:s0], [sflag:$0x3] =	stream.strided.gather [hbm4b:s19+s30], $0x2800, s31, s30, $0x38;
	[tilespmem:$0x1EA00] =	vst v63  }
0x45: {  	_ =	swait.ge [sflag:s28], $0x2800  }
0x46: {  	[sflag:s28] =	ssyncset.done $0x0  }
0x47: {  	s21 =	simm.s32 $0x30;
	[sflag:s28] =	ssyncadd.s32 $0xFFFFD800  }
0x48: {  	v0 =	vld [tilespmem:s21+$0x10CD0]  }
0x49: {  	v1 =	vld [tilespmem:s21+$0x134D0];
	_ =	sdelay $0x4  }
0x4a: {  	v0 =	vadd.f32 v1, v0;
	_ =	sdelay $0x1  }
0x4b: {  	v0 =	vadd.f32 $1.000000000e+00, v0;
	_ =	sdelay $0x1  }
0x4c: {  	v1 =	vshra.s32 v0, $0x1;
	v0 =	vmul.f32 $5.000000000e-01, v0  }
0x4d: {  	v1 =	vsub.s32 $0x5F3759DF, v1  }
0x4e: {  	v2 =	vmul.f32 v1, v0;
	_ =	sdelay $0x1  }
0x4f: {  	v2 =	vmul.f32 v1, v2;
	_ =	sdelay $0x1  }
0x50: {  	v2 =	vsub.f32 $1.500000000e+00, v2;
	_ =	sdelay $0x1  }
0x51: {  	v1 =	vmul.f32 v1, v2;
	_ =	sdelay $0x1  }
0x52: {  	v2 =	vmul.f32 v1, v0;
	_ =	sdelay $0x1  }
0x53: {  	v2 =	vmul.f32 v2, v1;
	_ =	sdelay $0x1  }
0x54: {  	v2 =	vsub.f32 $1.500000000e+00, v2;
	_ =	sdelay $0x1  }
0x55: {  	v1 =	vmul.f32 v2, v1;
	_ =	sdelay $0x1  }
0x56: {  	v0 =	vmul.f32 v1, v0;
	_ =	sdelay $0x1  }
0x57: {  	v0 =	vmul.f32 v0, v1;
	_ =	sdelay $0x1  }
0x58: {  	v0 =	vsub.f32 $1.500000000e+00, v0;
	_ =	sdelay $0x1  }
0x59: {  	v0 =	vmul.f32 v0, v1;
	_ =	sdelay $0x1  }
0x5a: {  	s15 =	simm.s32 $0xBD40;
	[tilespmem:s21+$0x10CD0] =	vst v0  }
0x5b: {  	v1 =	vld [tilespmem:s15+$0xFFFFFFC0]  }
0x5c: {  	v2 =	vld [tilespmem:s15+$0xFFFFFFD0];
	_ =	sdelay $0x3  }
0x5d: {  	v1 =	vmul.f32 v0, v1  }
0x5e: {  	v0 =	vmul.f32 v0, v2  }
0x5f: {  	[tilespmem:s15+$0xFFFFFFC0] =	vst v1  }
0x60: {  	[tilespmem:s15+$0xFFFFFFD0] =	vst v0  }
0x61: {  	v0 =	vld [tilespmem:s21+$0x10CE0]  }
0x62: {  	v1 =	vld [tilespmem:s21+$0x134E0];
	_ =	sdelay $0x4  }
0x63: {  	v0 =	vadd.f32 v1, v0;
	_ =	sdelay $0x1  }
0x64: {  	v0 =	vadd.f32 $1.000000000e+00, v0;
	_ =	sdelay $0x1  }
0x65: {  	v1 =	vshra.s32 v0, $0x1;
	v0 =	vmul.f32 $5.000000000e-01, v0  }
0x66: {  	v1 =	vsub.s32 $0x5F3759DF, v1  }
0x67: {  	v2 =	vmul.f32 v1, v0;
	_ =	sdelay $0x1  }
0x68: {  	v2 =	vmul.f32 v1, v2;
	_ =	sdelay $0x1  }
0x69: {  	v2 =	vsub.f32 $1.500000000e+00, v2;
	_ =	sdelay $0x1  }
0x6a: {  	v1 =	vmul.f32 v1, v2;
	_ =	sdelay $0x1  }
0x6b: {  	v2 =	vmul.f32 v1, v0;
	_ =	sdelay $0x1  }
0x6c: {  	v2 =	vmul.f32 v2, v1;
	_ =	sdelay $0x1  }
0x6d: {  	v2 =	vsub.f32 $1.500000000e+00, v2;
	_ =	sdelay $0x1  }
0x6e: {  	v1 =	vmul.f32 v2, v1;
	_ =	sdelay $0x1  }
0x6f: {  	v0 =	vmul.f32 v1, v0;
	_ =	sdelay $0x1  }
0x70: {  	v0 =	vmul.f32 v0, v1;
	_ =	sdelay $0x1  }
0x71: {  	v0 =	vsub.f32 $1.500000000e+00, v0;
	_ =	sdelay $0x1  }
0x72: {  	v0 =	vmul.f32 v0, v1;
	_ =	sdelay $0x1  }
0x73: {  	[tilespmem:s21+$0x10CE0] =	vst v0  }
0x74: {  	v1 =	vld [tilespmem:s15+$0xFFFFFFE0]  }
0x75: {  	v2 =	vld [tilespmem:s15+$0xFFFFFFF0];
	_ =	sdelay $0x3  }
0x76: {  	v1 =	vmul.f32 v0, v1  }
0x77: {  	v0 =	vmul.f32 v0, v2  }
0x78: {  	[tilespmem:s15+$0xFFFFFFE0] =	vst v1  }
0x79: {  	[tilespmem:s15+$0xFFFFFFF0] =	vst v0  }
0x7a: {  	v0 =	vld [tilespmem:s21+$0x10CF0]  }
0x7b: {  	v1 =	vld [tilespmem:s21+$0x134F0];
	_ =	sdelay $0x4  }
0x7c: {  	v0 =	vadd.f32 v1, v0;
	_ =	sdelay $0x1  }
0x7d: {  	v0 =	vadd.f32 $1.000000000e+00, v0;
	_ =	sdelay $0x1  }
0x7e: {  	v1 =	vshra.s32 v0, $0x1;
	v0 =	vmul.f32 $5.000000000e-01, v0  }
0x7f: {  	v1 =	vsub.s32 $0x5F3759DF, v1  }
0x80: {  	v2 =	vmul.f32 v1, v0;
	_ =	sdelay $0x1  }
0x81: {  	v2 =	vmul.f32 v1, v2;
	_ =	sdelay $0x1  }
0x82: {  	v2 =	vsub.f32 $1.500000000e+00, v2;
	_ =	sdelay $0x1  }
0x83: {  	v1 =	vmul.f32 v1, v2;
	_ =	sdelay $0x1  }
0x84: {  	v2 =	vmul.f32 v1, v0;
	_ =	sdelay $0x1  }
0x85: {  	v2 =	vmul.f32 v2, v1;
	_ =	sdelay $0x1  }
0x86: {  	v2 =	vsub.f32 $1.500000000e+00, v2;
	_ =	sdelay $0x1  }
0x87: {  	v1 =	vmul.f32 v2, v1;
	_ =	sdelay $0x1  }
0x88: {  	v0 =	vmul.f32 v1, v0;
	_ =	sdelay $0x1  }
0x89: {  	v0 =	vmul.f32 v0, v1;
	_ =	sdelay $0x1  }
0x8a: {  	v0 =	vsub.f32 $1.500000000e+00, v0;
	_ =	sdelay $0x1  }
0x8b: {  	v0 =	vmul.f32 v0, v1;
	_ =	sdelay $0x1  }
0x8c: {  	[tilespmem:s21+$0x10CF0] =	vst v0  }
0x8d: {  	v1 =	vld [tilespmem:s15+$0x0]  }
0x8e: {  	v2 =	vld [tilespmem:s15+$0x10];
	_ =	sdelay $0x3  }
0x8f: {  	v1 =	vmul.f32 v0, v1  }
0x90: {  	v0 =	vmul.f32 v0, v2  }
0x91: {  	[tilespmem:s15+$0x0] =	vst v1  }
0x92: {  	[tilespmem:s15+$0x10] =	vst v0  }
0x93: {  	v0 =	vld [tilespmem:s21+$0x10D00]  }
0x94: {  	v1 =	vld [tilespmem:s21+$0x13500];
	_ =	sdelay $0x4  }
0x95: {  	v0 =	vadd.f32 v1, v0;
	_ =	sdelay $0x1  }
0x96: {  	v0 =	vadd.f32 $1.000000000e+00, v0;
	_ =	sdelay $0x1  }
0x97: {  	v1 =	vshra.s32 v0, $0x1;
	v0 =	vmul.f32 $5.000000000e-01, v0  }
0x98: {  	v1 =	vsub.s32 $0x5F3759DF, v1  }
0x99: {  	v2 =	vmul.f32 v1, v0;
	_ =	sdelay $0x1  }
0x9a: {  	v2 =	vmul.f32 v1, v2;
	_ =	sdelay $0x1  }
0x9b: {  	v2 =	vsub.f32 $1.500000000e+00, v2;
	_ =	sdelay $0x1  }
0x9c: {  	v1 =	vmul.f32 v1, v2;
	_ =	sdelay $0x1  }
0x9d: {  	v2 =	vmul.f32 v1, v0;
	_ =	sdelay $0x1  }
0x9e: {  	v2 =	vmul.f32 v2, v1;
	_ =	sdelay $0x1  }
0x9f: {  	v2 =	vsub.f32 $1.500000000e+00, v2;
	_ =	sdelay $0x1  }
0xa0: {  	v1 =	vmul.f32 v2, v1;
	_ =	sdelay $0x1  }
0xa1: {  	v0 =	vmul.f32 v1, v0;
	_ =	sdelay $0x1  }
0xa2: {  	v0 =	vmul.f32 v0, v1;
	_ =	sdelay $0x1  }
0xa3: {  	v0 =	vsub.f32 $1.500000000e+00, v0;
	_ =	sdelay $0x1  }
0xa4: {  	v0 =	vmul.f32 v0, v1;
	_ =	sdelay $0x1  }
0xa5: {  	s16 =	simm.s32 $0x1C0;
	s17 =	simm.s32 $0xBD40;
	[tilespmem:s21+$0x10D00] =	vst v0  }
.LBB2_2:
0xa6: {  	p1 =	sne.s32 s16, $0x4FC0  }
0xa7: {  	v1 =	vld [tilespmem:s15+$0x20];
	s17 =	sadd.s32 $0x80, s17;
	s19 =	smov.u32 s16;
	s16 =	sadd.s32 $0x100, s16  }
0xa8: {  	v2 =	vld [tilespmem:s15+$0x30];
	_ =	sdelay $0x3  }
0xa9: {  	v1 =	vmul.f32 v0, v1  }
0xaa: {  	v0 =	vmul.f32 v0, v2  }
0xab: {  	[tilespmem:s15+$0x20] =	vst v1  }
0xac: {  	s19 =	sshra.s32 s19, $0x2;
	[tilespmem:s15+$0x30] =	vst v0;
	s15 =	smov.u32 s17  }
0xad: {  	v0 =	vld [tilespmem:s19+$0x10CD0]  }
0xae: {  	v1 =	vld [tilespmem:s19+$0x134D0];
	_ =	sdelay $0x4  }
0xaf: {  	v0 =	vadd.f32 v1, v0;
	_ =	sdelay $0x1  }
0xb0: {  	v0 =	vadd.f32 $1.000000000e+00, v0;
	_ =	sdelay $0x1  }
0xb1: {  	v1 =	vshra.s32 v0, $0x1;
	v0 =	vmul.f32 $5.000000000e-01, v0  }
0xb2: {  	v1 =	vsub.s32 $0x5F3759DF, v1  }
0xb3: {  	v2 =	vmul.f32 v1, v0;
	_ =	sdelay $0x1  }
0xb4: {  	v2 =	vmul.f32 v1, v2;
	_ =	sdelay $0x1  }
0xb5: {  	v2 =	vsub.f32 $1.500000000e+00, v2;
	_ =	sdelay $0x1  }
0xb6: {  	v1 =	vmul.f32 v1, v2;
	_ =	sdelay $0x1  }
0xb7: {  	v2 =	vmul.f32 v1, v0;
	_ =	sdelay $0x1  }
0xb8: {  	v2 =	vmul.f32 v2, v1;
	_ =	sdelay $0x1  }
0xb9: {  	v2 =	vsub.f32 $1.500000000e+00, v2;
	_ =	sdelay $0x1  }
0xba: {  	v1 =	vmul.f32 v2, v1;
	_ =	sdelay $0x1  }
0xbb: {  	v0 =	vmul.f32 v1, v0;
	_ =	sdelay $0x1  }
0xbc: {  	v0 =	vmul.f32 v0, v1;
	_ =	sdelay $0x1  }
0xbd: {  	v0 =	vsub.f32 $1.500000000e+00, v0;
	_ =	sdelay $0x1  }
0xbe: {  	v0 =	vmul.f32 v0, v1;
	_ =	sdelay $0x1  }
0xbf: {  	[tilespmem:s19+$0x10CD0] =	vst v0  }
0xc0: {  	v1 =	vld [tilespmem:s17+$0xFFFFFFC0]  }
0xc1: {  	v2 =	vld [tilespmem:s17+$0xFFFFFFD0];
	_ =	sdelay $0x3  }
0xc2: {  	v1 =	vmul.f32 v0, v1  }
0xc3: {  	v0 =	vmul.f32 v0, v2  }
0xc4: {  	[tilespmem:s17+$0xFFFFFFC0] =	vst v1  }
0xc5: {  	[tilespmem:s17+$0xFFFFFFD0] =	vst v0  }
0xc6: {  	v0 =	vld [tilespmem:s19+$0x10CE0]  }
0xc7: {  	v1 =	vld [tilespmem:s19+$0x134E0];
	_ =	sdelay $0x4  }
0xc8: {  	v0 =	vadd.f32 v1, v0;
	_ =	sdelay $0x1  }
0xc9: {  	v0 =	vadd.f32 $1.000000000e+00, v0;
	_ =	sdelay $0x1  }
0xca: {  	v1 =	vshra.s32 v0, $0x1;
	v0 =	vmul.f32 $5.000000000e-01, v0  }
0xcb: {  	v1 =	vsub.s32 $0x5F3759DF, v1  }
0xcc: {  	v2 =	vmul.f32 v1, v0;
	_ =	sdelay $0x1  }
0xcd: {  	v2 =	vmul.f32 v1, v2;
	_ =	sdelay $0x1  }
0xce: {  	v2 =	vsub.f32 $1.500000000e+00, v2;
	_ =	sdelay $0x1  }
0xcf: {  	v1 =	vmul.f32 v1, v2;
	_ =	sdelay $0x1  }
0xd0: {  	v2 =	vmul.f32 v1, v0;
	_ =	sdelay $0x1  }
0xd1: {  	v2 =	vmul.f32 v2, v1;
	_ =	sdelay $0x1  }
0xd2: {  	v2 =	vsub.f32 $1.500000000e+00, v2;
	_ =	sdelay $0x1  }
0xd3: {  	v1 =	vmul.f32 v2, v1;
	_ =	sdelay $0x1  }
0xd4: {  	v0 =	vmul.f32 v1, v0;
	_ =	sdelay $0x1  }
0xd5: {  	v0 =	vmul.f32 v0, v1;
	_ =	sdelay $0x1  }
0xd6: {  	v0 =	vsub.f32 $1.500000000e+00, v0;
	_ =	sdelay $0x1  }
0xd7: {  	v0 =	vmul.f32 v0, v1;
	_ =	sdelay $0x1  }
0xd8: {  	[tilespmem:s19+$0x10CE0] =	vst v0  }
0xd9: {  	v1 =	vld [tilespmem:s17+$0xFFFFFFE0]  }
0xda: {  	v2 =	vld [tilespmem:s17+$0xFFFFFFF0];
	_ =	sdelay $0x3  }
0xdb: {  	v1 =	vmul.f32 v0, v1  }
0xdc: {  	v0 =	vmul.f32 v0, v2  }
0xdd: {  	[tilespmem:s17+$0xFFFFFFE0] =	vst v1  }
0xde: {  	[tilespmem:s17+$0xFFFFFFF0] =	vst v0  }
0xdf: {  	v0 =	vld [tilespmem:s19+$0x10CF0]  }
0xe0: {  	v1 =	vld [tilespmem:s19+$0x134F0];
	_ =	sdelay $0x4  }
0xe1: {  	v0 =	vadd.f32 v1, v0;
	_ =	sdelay $0x1  }
0xe2: {  	v0 =	vadd.f32 $1.000000000e+00, v0;
	_ =	sdelay $0x1  }
0xe3: {  	v1 =	vshra.s32 v0, $0x1;
	v0 =	vmul.f32 $5.000000000e-01, v0  }
0xe4: {  	v1 =	vsub.s32 $0x5F3759DF, v1  }
0xe5: {  	v2 =	vmul.f32 v1, v0;
	_ =	sdelay $0x1  }
0xe6: {  	v2 =	vmul.f32 v1, v2;
	_ =	sdelay $0x1  }
0xe7: {  	v2 =	vsub.f32 $1.500000000e+00, v2;
	_ =	sdelay $0x1  }
0xe8: {  	v1 =	vmul.f32 v1, v2;
	_ =	sdelay $0x1  }
0xe9: {  	v2 =	vmul.f32 v1, v0;
	_ =	sdelay $0x1  }
0xea: {  	v2 =	vmul.f32 v2, v1;
	_ =	sdelay $0x1  }
0xeb: {  	v2 =	vsub.f32 $1.500000000e+00, v2;
	_ =	sdelay $0x1  }
0xec: {  	v1 =	vmul.f32 v2, v1;
	_ =	sdelay $0x1  }
0xed: {  	v0 =	vmul.f32 v1, v0;
	_ =	sdelay $0x1  }
0xee: {  	v0 =	vmul.f32 v0, v1;
	_ =	sdelay $0x1  }
0xef: {  	v0 =	vsub.f32 $1.500000000e+00, v0;
	_ =	sdelay $0x1  }
0xf0: {  	v0 =	vmul.f32 v0, v1;
	_ =	sdelay $0x1  }
0xf1: {  	[tilespmem:s19+$0x10CF0] =	vst v0  }
0xf2: {  	v1 =	vld [tilespmem:s17+$0x0]  }
0xf3: {  	v2 =	vld [tilespmem:s17+$0x10];
	_ =	sdelay $0x3  }
0xf4: {  	v1 =	vmul.f32 v0, v1  }
0xf5: {  	v0 =	vmul.f32 v0, v2  }
0xf6: {  	[tilespmem:s17+$0x0] =	vst v1  }
0xf7: {  	[tilespmem:s17+$0x10] =	vst v0  }
0xf8: {  	v0 =	vld [tilespmem:s19+$0x10D00]  }
0xf9: {  	v1 =	vld [tilespmem:s19+$0x13500];
	_ =	sdelay $0x4  }
0xfa: {  	v0 =	vadd.f32 v1, v0;
	_ =	sdelay $0x1  }
0xfb: {  	v0 =	vadd.f32 $1.000000000e+00, v0;
	_ =	sdelay $0x1  }
0xfc: {  	v1 =	vshra.s32 v0, $0x1;
	v0 =	vmul.f32 $5.000000000e-01, v0  }
0xfd: {  	v1 =	vsub.s32 $0x5F3759DF, v1  }
0xfe: {  	v2 =	vmul.f32 v1, v0;
	_ =	sdelay $0x1  }
0xff: {  	v2 =	vmul.f32 v1, v2;
	_ =	sdelay $0x1  }
0x100: {  	v2 =	vsub.f32 $1.500000000e+00, v2;
	_ =	sdelay $0x1  }
0x101: {  	v1 =	vmul.f32 v1, v2;
	_ =	sdelay $0x1  }
0x102: {  	v2 =	vmul.f32 v1, v0;
	_ =	sdelay $0x1  }
0x103: {  	v2 =	vmul.f32 v2, v1;
	_ =	sdelay $0x1  }
0x104: {  	v2 =	vsub.f32 $1.500000000e+00, v2;
	_ =	sdelay $0x1  }
0x105: {  	v1 =	vmul.f32 v2, v1;
	_ =	sdelay $0x1  }
0x106: {  	v0 =	vmul.f32 v1, v0;
	_ =	sdelay $0x1  }
0x107: {  	v0 =	vmul.f32 v0, v1;
	_ =	sdelay $0x1  }
.Ltmp0:
0x108: {  	v0 =	vsub.f32 $1.500000000e+00, v0;
	(pc) =	sbr.rel @p1 .LBB2_2-.Ltmp0, $3  }
0x109: {  	_ = 	snop  }
0x10a: {  	v0 =	vmul.f32 v0, v1;
	_ =	sdelay $0x1  }
0x10b: {  	[tilespmem:s19+$0x10D00] =	vst v0  }
0x10c: {  	v1 =	vld [tilespmem:s15+$0x20]  }
0x10d: {  	v2 =	vld [tilespmem:s15+$0x30];
	_ =	sdelay $0x3  }
0x10e: {  	v1 =	vmul.f32 v0, v1  }
0x10f: {  	v0 =	vmul.f32 v0, v2  }
0x110: {  	[tilespmem:s15+$0x20] =	vst v1  }
0x111: {  	[tilespmem:s15+$0x30] =	vst v0  }
0x112: {  	[spmem:s18] =	stream.linear.scatter [tilespmem:s0], [sflag:$0x3], $0x2800, $0x38;
	[tilespmem:$0x1EA00] =	vst v63  }
0x113: {  	_ =	swait.ge [sflag:s28], $0x2800  }
0x114: {  	s21 =	simm.s32 $0x0;
	[sflag:s28] =	ssyncset.done $0x0  }
0x115: {  	s17 =	simm.s32 $0x12100;
	s16 =	rddreg [dreg:$0xa];
	[sflag:s28] =	ssyncadd.s32 $0xFFFFD800  }
0x116: {  	[tilespmem:s17], [sflag:$0x3] =	stream.linear.gather [hbm4b:s16+s21], $0x1400, $0x38;
	[tilespmem:$0x1EA00] =	vst v63  }
0x117: {  	_ =	swait.ge [sflag:s28], $0x1400  }
0x118: {  	[sflag:s28] =	ssyncset.done $0x0  }
0x119: {  	s19 =	rddreg [dreg:$0xe];
	[sflag:s28] =	ssyncadd.s32 $0xFFFFEC00  }
0x11a: {  	[tilespmem:s20], [sflag:$0x3] =	stream.linear.gather [hbm4b:s19+s21], $0x1400, $0x38;
	[tilespmem:$0x1EA00] =	vst v63  }
0x11b: {  	_ =	swait.ge [sflag:s28], $0x1400  }
0x11c: {  	[sflag:s28] =	ssyncset.done $0x0  }
0x11d: {  	s20 =	rddreg [dreg:$0xf];
	[sflag:s28] =	ssyncadd.s32 $0xFFFFEC00  }
0x11e: {  	[tilespmem:s0], [sflag:$0x3] =	stream.strided.gather [hbm4b:s20+s30], $0x2800, s31, s30, $0x38;
	[tilespmem:$0x1EA00] =	vst v63  }
0x11f: {  	_ =	swait.ge [sflag:s28], $0x2800  }
0x120: {  	[sflag:s28] =	ssyncset.done $0x0  }
0x121: {  	s21 =	simm.s32 $0x0;
	[sflag:s28] =	ssyncadd.s32 $0xFFFFD800  }
0x122: {  	v0 =	vld [tilespmem:s21+$0x12100]  }
0x123: {  	v1 =	vld [tilespmem:s21+$0x13500];
	_ =	sdelay $0x4  }
0x124: {  	v0 =	vadd.f32 v1, v0;
	_ =	sdelay $0x1  }
0x125: {  	v0 =	vadd.f32 $1.000000000e+00, v0;
	_ =	sdelay $0x1  }
0x126: {  	v1 =	vshra.s32 v0, $0x1;
	v0 =	vmul.f32 $5.000000000e-01, v0  }
0x127: {  	v1 =	vsub.s32 $0x5F3759DF, v1  }
0x128: {  	v2 =	vmul.f32 v1, v0;
	_ =	sdelay $0x1  }
0x129: {  	v2 =	vmul.f32 v1, v2;
	_ =	sdelay $0x1  }
0x12a: {  	v2 =	vsub.f32 $1.500000000e+00, v2;
	_ =	sdelay $0x1  }
0x12b: {  	v1 =	vmul.f32 v1, v2;
	_ =	sdelay $0x1  }
0x12c: {  	v2 =	vmul.f32 v1, v0;
	_ =	sdelay $0x1  }
0x12d: {  	v2 =	vmul.f32 v2, v1;
	_ =	sdelay $0x1  }
0x12e: {  	v2 =	vsub.f32 $1.500000000e+00, v2;
	_ =	sdelay $0x1  }
0x12f: {  	v1 =	vmul.f32 v2, v1;
	_ =	sdelay $0x1  }
0x130: {  	v0 =	vmul.f32 v1, v0;
	_ =	sdelay $0x1  }
0x131: {  	v0 =	vmul.f32 v0, v1;
	_ =	sdelay $0x1  }
0x132: {  	v0 =	vsub.f32 $1.500000000e+00, v0;
	_ =	sdelay $0x1  }
0x133: {  	v0 =	vmul.f32 v0, v1;
	_ =	sdelay $0x1  }
0x134: {  	s15 =	simm.s32 $0xBD40;
	[tilespmem:s21+$0x12100] =	vst v0  }
0x135: {  	v1 =	vld [tilespmem:s15+$0xFFFFFFC0]  }
0x136: {  	v2 =	vld [tilespmem:s15+$0xFFFFFFD0];
	_ =	sdelay $0x3  }
0x137: {  	v1 =	vmul.f32 v0, v1  }
0x138: {  	v0 =	vmul.f32 v0, v2  }
0x139: {  	[tilespmem:s15+$0xFFFFFFC0] =	vst v1  }
0x13a: {  	[tilespmem:s15+$0xFFFFFFD0] =	vst v0  }
0x13b: {  	v0 =	vld [tilespmem:s21+$0x12110]  }
0x13c: {  	v1 =	vld [tilespmem:s21+$0x13510];
	_ =	sdelay $0x4  }
0x13d: {  	v0 =	vadd.f32 v1, v0;
	_ =	sdelay $0x1  }
0x13e: {  	v0 =	vadd.f32 $1.000000000e+00, v0;
	_ =	sdelay $0x1  }
0x13f: {  	v1 =	vshra.s32 v0, $0x1;
	v0 =	vmul.f32 $5.000000000e-01, v0  }
0x140: {  	v1 =	vsub.s32 $0x5F3759DF, v1  }
0x141: {  	v2 =	vmul.f32 v1, v0;
	_ =	sdelay $0x1  }
0x142: {  	v2 =	vmul.f32 v1, v2;
	_ =	sdelay $0x1  }
0x143: {  	v2 =	vsub.f32 $1.500000000e+00, v2;
	_ =	sdelay $0x1  }
0x144: {  	v1 =	vmul.f32 v1, v2;
	_ =	sdelay $0x1  }
0x145: {  	v2 =	vmul.f32 v1, v0;
	_ =	sdelay $0x1  }
0x146: {  	v2 =	vmul.f32 v2, v1;
	_ =	sdelay $0x1  }
0x147: {  	v2 =	vsub.f32 $1.500000000e+00, v2;
	_ =	sdelay $0x1  }
0x148: {  	v1 =	vmul.f32 v2, v1;
	_ =	sdelay $0x1  }
0x149: {  	v0 =	vmul.f32 v1, v0;
	_ =	sdelay $0x1  }
0x14a: {  	v0 =	vmul.f32 v0, v1;
	_ =	sdelay $0x1  }
0x14b: {  	v0 =	vsub.f32 $1.500000000e+00, v0;
	_ =	sdelay $0x1  }
0x14c: {  	v0 =	vmul.f32 v0, v1;
	_ =	sdelay $0x1  }
0x14d: {  	[tilespmem:s21+$0x12110] =	vst v0  }
0x14e: {  	v1 =	vld [tilespmem:s15+$0xFFFFFFE0]  }
0x14f: {  	v2 =	vld [tilespmem:s15+$0xFFFFFFF0];
	_ =	sdelay $0x3  }
0x150: {  	v1 =	vmul.f32 v0, v1  }
0x151: {  	v0 =	vmul.f32 v0, v2  }
0x152: {  	[tilespmem:s15+$0xFFFFFFE0] =	vst v1  }
0x153: {  	[tilespmem:s15+$0xFFFFFFF0] =	vst v0  }
0x154: {  	v0 =	vld [tilespmem:s21+$0x12120]  }
0x155: {  	v1 =	vld [tilespmem:s21+$0x13520];
	_ =	sdelay $0x4  }
0x156: {  	v0 =	vadd.f32 v1, v0;
	_ =	sdelay $0x1  }
0x157: {  	v0 =	vadd.f32 $1.000000000e+00, v0;
	_ =	sdelay $0x1  }
0x158: {  	v1 =	vshra.s32 v0, $0x1;
	v0 =	vmul.f32 $5.000000000e-01, v0  }
0x159: {  	v1 =	vsub.s32 $0x5F3759DF, v1  }
0x15a: {  	v2 =	vmul.f32 v1, v0;
	_ =	sdelay $0x1  }
0x15b: {  	v2 =	vmul.f32 v1, v2;
	_ =	sdelay $0x1  }
0x15c: {  	v2 =	vsub.f32 $1.500000000e+00, v2;
	_ =	sdelay $0x1  }
0x15d: {  	v1 =	vmul.f32 v1, v2;
	_ =	sdelay $0x1  }
0x15e: {  	v2 =	vmul.f32 v1, v0;
	_ =	sdelay $0x1  }
0x15f: {  	v2 =	vmul.f32 v2, v1;
	_ =	sdelay $0x1  }
0x160: {  	v2 =	vsub.f32 $1.500000000e+00, v2;
	_ =	sdelay $0x1  }
0x161: {  	v1 =	vmul.f32 v2, v1;
	_ =	sdelay $0x1  }
0x162: {  	v0 =	vmul.f32 v1, v0;
	_ =	sdelay $0x1  }
0x163: {  	v0 =	vmul.f32 v0, v1;
	_ =	sdelay $0x1  }
0x164: {  	v0 =	vsub.f32 $1.500000000e+00, v0;
	_ =	sdelay $0x1  }
0x165: {  	v0 =	vmul.f32 v0, v1;
	_ =	sdelay $0x1  }
0x166: {  	[tilespmem:s21+$0x12120] =	vst v0  }
0x167: {  	v1 =	vld [tilespmem:s15+$0x0]  }
0x168: {  	v2 =	vld [tilespmem:s15+$0x10];
	_ =	sdelay $0x3  }
0x169: {  	v1 =	vmul.f32 v0, v1  }
0x16a: {  	v0 =	vmul.f32 v0, v2  }
0x16b: {  	[tilespmem:s15+$0x0] =	vst v1  }
0x16c: {  	[tilespmem:s15+$0x10] =	vst v0  }
0x16d: {  	v0 =	vld [tilespmem:s21+$0x12130]  }
0x16e: {  	v1 =	vld [tilespmem:s21+$0x13530];
	_ =	sdelay $0x4  }
0x16f: {  	v0 =	vadd.f32 v1, v0;
	_ =	sdelay $0x1  }
0x170: {  	v0 =	vadd.f32 $1.000000000e+00, v0;
	_ =	sdelay $0x1  }
0x171: {  	v1 =	vshra.s32 v0, $0x1;
	v0 =	vmul.f32 $5.000000000e-01, v0  }
0x172: {  	v1 =	vsub.s32 $0x5F3759DF, v1  }
0x173: {  	v2 =	vmul.f32 v1, v0;
	_ =	sdelay $0x1  }
0x174: {  	v2 =	vmul.f32 v1, v2;
	_ =	sdelay $0x1  }
0x175: {  	v2 =	vsub.f32 $1.500000000e+00, v2;
	_ =	sdelay $0x1  }
0x176: {  	v1 =	vmul.f32 v1, v2;
	_ =	sdelay $0x1  }
0x177: {  	v2 =	vmul.f32 v1, v0;
	_ =	sdelay $0x1  }
0x178: {  	v2 =	vmul.f32 v2, v1;
	_ =	sdelay $0x1  }
0x179: {  	v2 =	vsub.f32 $1.500000000e+00, v2;
	_ =	sdelay $0x1  }
0x17a: {  	v1 =	vmul.f32 v2, v1;
	_ =	sdelay $0x1  }
0x17b: {  	v0 =	vmul.f32 v1, v0;
	_ =	sdelay $0x1  }
0x17c: {  	v0 =	vmul.f32 v0, v1;
	_ =	sdelay $0x1  }
0x17d: {  	v0 =	vsub.f32 $1.500000000e+00, v0;
	_ =	sdelay $0x1  }
0x17e: {  	v0 =	vmul.f32 v0, v1;
	_ =	sdelay $0x1  }
0x17f: {  	s16 =	simm.s32 $0x100;
	s17 =	simm.s32 $0xBD40;
	[tilespmem:s21+$0x12130] =	vst v0  }
.LBB2_4:
0x180: {  	p1 =	sne.s32 s16, $0x4F00  }
0x181: {  	v1 =	vld [tilespmem:s15+$0x20];
	s17 =	sadd.s32 $0x80, s17;
	s19 =	smov.u32 s16;
	s16 =	sadd.s32 $0x100, s16  }
0x182: {  	v2 =	vld [tilespmem:s15+$0x30];
	_ =	sdelay $0x3  }
0x183: {  	v1 =	vmul.f32 v0, v1  }
0x184: {  	v0 =	vmul.f32 v0, v2  }
0x185: {  	[tilespmem:s15+$0x20] =	vst v1  }
0x186: {  	s19 =	sshra.s32 s19, $0x2;
	[tilespmem:s15+$0x30] =	vst v0;
	s15 =	smov.u32 s17  }
0x187: {  	v0 =	vld [tilespmem:s19+$0x12100]  }
0x188: {  	v1 =	vld [tilespmem:s19+$0x13500];
	_ =	sdelay $0x4  }
0x189: {  	v0 =	vadd.f32 v1, v0;
	_ =	sdelay $0x1  }
0x18a: {  	v0 =	vadd.f32 $1.000000000e+00, v0;
	_ =	sdelay $0x1  }
0x18b: {  	v1 =	vshra.s32 v0, $0x1;
	v0 =	vmul.f32 $5.000000000e-01, v0  }
0x18c: {  	v1 =	vsub.s32 $0x5F3759DF, v1  }
0x18d: {  	v2 =	vmul.f32 v1, v0;
	_ =	sdelay $0x1  }
0x18e: {  	v2 =	vmul.f32 v1, v2;
	_ =	sdelay $0x1  }
0x18f: {  	v2 =	vsub.f32 $1.500000000e+00, v2;
	_ =	sdelay $0x1  }
0x190: {  	v1 =	vmul.f32 v1, v2;
	_ =	sdelay $0x1  }
0x191: {  	v2 =	vmul.f32 v1, v0;
	_ =	sdelay $0x1  }
0x192: {  	v2 =	vmul.f32 v2, v1;
	_ =	sdelay $0x1  }
0x193: {  	v2 =	vsub.f32 $1.500000000e+00, v2;
	_ =	sdelay $0x1  }
0x194: {  	v1 =	vmul.f32 v2, v1;
	_ =	sdelay $0x1  }
0x195: {  	v0 =	vmul.f32 v1, v0;
	_ =	sdelay $0x1  }
0x196: {  	v0 =	vmul.f32 v0, v1;
	_ =	sdelay $0x1  }
0x197: {  	v0 =	vsub.f32 $1.500000000e+00, v0;
	_ =	sdelay $0x1  }
0x198: {  	v0 =	vmul.f32 v0, v1;
	_ =	sdelay $0x1  }
0x199: {  	[tilespmem:s19+$0x12100] =	vst v0  }
0x19a: {  	v1 =	vld [tilespmem:s17+$0xFFFFFFC0]  }
0x19b: {  	v2 =	vld [tilespmem:s17+$0xFFFFFFD0];
	_ =	sdelay $0x3  }
0x19c: {  	v1 =	vmul.f32 v0, v1  }
0x19d: {  	v0 =	vmul.f32 v0, v2  }
0x19e: {  	[tilespmem:s17+$0xFFFFFFC0] =	vst v1  }
0x19f: {  	[tilespmem:s17+$0xFFFFFFD0] =	vst v0  }
0x1a0: {  	v0 =	vld [tilespmem:s19+$0x12110]  }
0x1a1: {  	v1 =	vld [tilespmem:s19+$0x13510];
	_ =	sdelay $0x4  }
0x1a2: {  	v0 =	vadd.f32 v1, v0;
	_ =	sdelay $0x1  }
0x1a3: {  	v0 =	vadd.f32 $1.000000000e+00, v0;
	_ =	sdelay $0x1  }
0x1a4: {  	v1 =	vshra.s32 v0, $0x1;
	v0 =	vmul.f32 $5.000000000e-01, v0  }
0x1a5: {  	v1 =	vsub.s32 $0x5F3759DF, v1  }
0x1a6: {  	v2 =	vmul.f32 v1, v0;
	_ =	sdelay $0x1  }
0x1a7: {  	v2 =	vmul.f32 v1, v2;
	_ =	sdelay $0x1  }
0x1a8: {  	v2 =	vsub.f32 $1.500000000e+00, v2;
	_ =	sdelay $0x1  }
0x1a9: {  	v1 =	vmul.f32 v1, v2;
	_ =	sdelay $0x1  }
0x1aa: {  	v2 =	vmul.f32 v1, v0;
	_ =	sdelay $0x1  }
0x1ab: {  	v2 =	vmul.f32 v2, v1;
	_ =	sdelay $0x1  }
0x1ac: {  	v2 =	vsub.f32 $1.500000000e+00, v2;
	_ =	sdelay $0x1  }
0x1ad: {  	v1 =	vmul.f32 v2, v1;
	_ =	sdelay $0x1  }
0x1ae: {  	v0 =	vmul.f32 v1, v0;
	_ =	sdelay $0x1  }
0x1af: {  	v0 =	vmul.f32 v0, v1;
	_ =	sdelay $0x1  }
0x1b0: {  	v0 =	vsub.f32 $1.500000000e+00, v0;
	_ =	sdelay $0x1  }
0x1b1: {  	v0 =	vmul.f32 v0, v1;
	_ =	sdelay $0x1  }
0x1b2: {  	[tilespmem:s19+$0x12110] =	vst v0  }
0x1b3: {  	v1 =	vld [tilespmem:s17+$0xFFFFFFE0]  }
0x1b4: {  	v2 =	vld [tilespmem:s17+$0xFFFFFFF0];
	_ =	sdelay $0x3  }
0x1b5: {  	v1 =	vmul.f32 v0, v1  }
0x1b6: {  	v0 =	vmul.f32 v0, v2  }
0x1b7: {  	[tilespmem:s17+$0xFFFFFFE0] =	vst v1  }
0x1b8: {  	[tilespmem:s17+$0xFFFFFFF0] =	vst v0  }
0x1b9: {  	v0 =	vld [tilespmem:s19+$0x12120]  }
0x1ba: {  	v1 =	vld [tilespmem:s19+$0x13520];
	_ =	sdelay $0x4  }
0x1bb: {  	v0 =	vadd.f32 v1, v0;
	_ =	sdelay $0x1  }
0x1bc: {  	v0 =	vadd.f32 $1.000000000e+00, v0;
	_ =	sdelay $0x1  }
0x1bd: {  	v1 =	vshra.s32 v0, $0x1;
	v0 =	vmul.f32 $5.000000000e-01, v0  }
0x1be: {  	v1 =	vsub.s32 $0x5F3759DF, v1  }
0x1bf: {  	v2 =	vmul.f32 v1, v0;
	_ =	sdelay $0x1  }
0x1c0: {  	v2 =	vmul.f32 v1, v2;
	_ =	sdelay $0x1  }
0x1c1: {  	v2 =	vsub.f32 $1.500000000e+00, v2;
	_ =	sdelay $0x1  }
0x1c2: {  	v1 =	vmul.f32 v1, v2;
	_ =	sdelay $0x1  }
0x1c3: {  	v2 =	vmul.f32 v1, v0;
	_ =	sdelay $0x1  }
0x1c4: {  	v2 =	vmul.f32 v2, v1;
	_ =	sdelay $0x1  }
0x1c5: {  	v2 =	vsub.f32 $1.500000000e+00, v2;
	_ =	sdelay $0x1  }
0x1c6: {  	v1 =	vmul.f32 v2, v1;
	_ =	sdelay $0x1  }
0x1c7: {  	v0 =	vmul.f32 v1, v0;
	_ =	sdelay $0x1  }
0x1c8: {  	v0 =	vmul.f32 v0, v1;
	_ =	sdelay $0x1  }
0x1c9: {  	v0 =	vsub.f32 $1.500000000e+00, v0;
	_ =	sdelay $0x1  }
0x1ca: {  	v0 =	vmul.f32 v0, v1;
	_ =	sdelay $0x1  }
0x1cb: {  	[tilespmem:s19+$0x12120] =	vst v0  }
0x1cc: {  	v1 =	vld [tilespmem:s17+$0x0]  }
0x1cd: {  	v2 =	vld [tilespmem:s17+$0x10];
	_ =	sdelay $0x3  }
0x1ce: {  	v1 =	vmul.f32 v0, v1  }
0x1cf: {  	v0 =	vmul.f32 v0, v2  }
0x1d0: {  	[tilespmem:s17+$0x0] =	vst v1  }
0x1d1: {  	[tilespmem:s17+$0x10] =	vst v0  }
0x1d2: {  	v0 =	vld [tilespmem:s19+$0x12130]  }
0x1d3: {  	v1 =	vld [tilespmem:s19+$0x13530];
	_ =	sdelay $0x4  }
0x1d4: {  	v0 =	vadd.f32 v1, v0;
	_ =	sdelay $0x1  }
0x1d5: {  	v0 =	vadd.f32 $1.000000000e+00, v0;
	_ =	sdelay $0x1  }
0x1d6: {  	v1 =	vshra.s32 v0, $0x1;
	v0 =	vmul.f32 $5.000000000e-01, v0  }
0x1d7: {  	v1 =	vsub.s32 $0x5F3759DF, v1  }
0x1d8: {  	v2 =	vmul.f32 v1, v0;
	_ =	sdelay $0x1  }
0x1d9: {  	v2 =	vmul.f32 v1, v2;
	_ =	sdelay $0x1  }
0x1da: {  	v2 =	vsub.f32 $1.500000000e+00, v2;
	_ =	sdelay $0x1  }
0x1db: {  	v1 =	vmul.f32 v1, v2;
	_ =	sdelay $0x1  }
0x1dc: {  	v2 =	vmul.f32 v1, v0;
	_ =	sdelay $0x1  }
0x1dd: {  	v2 =	vmul.f32 v2, v1;
	_ =	sdelay $0x1  }
0x1de: {  	v2 =	vsub.f32 $1.500000000e+00, v2;
	_ =	sdelay $0x1  }
0x1df: {  	v1 =	vmul.f32 v2, v1;
	_ =	sdelay $0x1  }
0x1e0: {  	v0 =	vmul.f32 v1, v0;
	_ =	sdelay $0x1  }
0x1e1: {  	v0 =	vmul.f32 v0, v1;
	_ =	sdelay $0x1  }
.Ltmp1:
0x1e2: {  	v0 =	vsub.f32 $1.500000000e+00, v0;
	(pc) =	sbr.rel @p1 .LBB2_4-.Ltmp1, $3  }
0x1e3: {  	_ = 	snop  }
0x1e4: {  	v0 =	vmul.f32 v0, v1;
	_ =	sdelay $0x1  }
0x1e5: {  	[tilespmem:s19+$0x12130] =	vst v0  }
0x1e6: {  	v1 =	vld [tilespmem:s15+$0x20]  }
0x1e7: {  	v2 =	vld [tilespmem:s15+$0x30];
	_ =	sdelay $0x3  }
0x1e8: {  	v1 =	vmul.f32 v0, v1  }
0x1e9: {  	v63 =	vmul.f32 v0, v2  }
0x1ea: {  	[tilespmem:s15+$0x20] =	vst v1  }
0x1eb: {  	[tilespmem:s15+$0x30] =	vst v63  }
0x1ec: {  	[spmem:s23] =	stream.linear.scatter [tilespmem:s0], [sflag:$0x3], $0x2800, $0x38;
	[tilespmem:$0x1EA00] =	vst v63  }
0x1ed: {  	_ =	swait.ge [sflag:s28], $0x2800  }
0x1ee: {  	[sflag:s28] =	ssyncset.done $0x0  }
0x1ef: {  	[sflag:s28] =	ssyncadd.s32 $0xFFFFD800  }
0x1f0: {  	s20 =	simm.s32 $0x80;
	[bflag:$0x0] =	sbarrier.arrive $0xFFFF  }
0x1f1: {  	[tilespmem:s4], [sflag:$0x1] =	stream.indirect.gather [spmem:s2], $0x20, s3, s20, $0xb8;
	[tilespmem:$0x1EA00] =	vst v63  }
0x1f2: {  	_ = 	snop  }
0x1f3: {  	[tilespmem:s10], [sflag:$0x2] =	stream.indirect.gather [spmem:s2], $0x20, s20, s31, $0xb8;
	[tilespmem:$0x1EA00] =	vst v63  }
0x1f4: {  	_ =	swait.ge [sflag:s11], $0x1000  }
0x1f5: {  	[sflag:s11] =	ssyncset.done $0x0  }
0x1f6: {  	s15 =	simm.s32 $0x4E80;
	[sflag:s11] =	ssyncadd.s32 $0xFFFFF000  }
0x1f7: {  	[spmem:s1] =	stream.indirect.scatter.add.f32 [tilespmem:s4], [sflag:$0x3], $0x20, s15, s31, $0xb8;
	[tilespmem:$0x1EA00] =	vst v63  }
0x1f8: {  	p1 =	sle.u32 s5, $0x2;
	_ =	swait.ge [sflag:s28], $0x1000  }
0x1f9: {  	s16 =	simm.s32 @!p1 $0x100;
	[sflag:s28] =	ssyncset.done $0x0  }
0x1fa: {  	s17 =	simm.s32 @!p1 $0x80;
	s19 =	simm.s32 @!p1 $0x9D00;
	[sflag:s28] =	ssyncadd.s32 $0xFFFFF000  }
0x1fb: {  	[tilespmem:s19], [sflag:$0x1] =	stream.indirect.gather @!p1 [spmem:s2], $0x20, s16, s17, $0xb8;
	[tilespmem:$0x1EA00] =	vst v63  }
0x1fc: {  	_ =	swait.ge [sflag:s12], $0x1000  }
0x1fd: {  	[sflag:s12] =	ssyncset.done $0x0  }
0x1fe: {  	s21 =	simm.s32 $0x4F00;
	[sflag:s12] =	ssyncadd.s32 $0xFFFFF000  }
0x1ff: {  	[spmem:s1] =	stream.indirect.scatter.add.f32 [tilespmem:s10], [sflag:$0x3], $0x20, s21, s31, $0xb8;
	[tilespmem:$0x1EA00] =	vst v63  }
0x200: {  	s16 =	simm.s32 $0x4;
	s17 =	simm.s32 $0x180;
	_ =	swait.ge [sflag:s28], $0x1000  }
.LBB2_6:
0x201: {  	[sflag:s28] =	ssyncset.done $0x0  }
0x202: {  	s15 =	sadd.s32 $0x100, s15;
	s19 =	smov.u32 s16;
	s16 =	sadd.s32 $0x2, s16  }
0x203: {  	p1 =	sne.s32 s16, $0x9E;
	[sflag:s28] =	ssyncadd.s32 $0xFFFFF000  }
0x204: {  	[tilespmem:s10], [sflag:$0x2] =	stream.indirect.gather [spmem:s2], $0x20, s17, s31, $0xb8;
	[tilespmem:$0x1EA00] =	vst v63  }
0x205: {  	_ =	swait.ge [sflag:s11], $0x1000  }
0x206: {  	[sflag:s11] =	ssyncset.done $0x0  }
0x207: {  	[sflag:s11] =	ssyncadd.s32 $0xFFFFF000  }
0x208: {  	[spmem:s1] =	stream.indirect.scatter.add.f32 [tilespmem:s4], [sflag:$0x3], $0x20, s15, s31, $0xb8;
	[tilespmem:$0x1EA00] =	vst v63  }
0x209: {  	p2 =	sge.u32 s19, s5;
	_ =	swait.ge [sflag:s28], $0x1000  }
0x20a: {  	s19 =	sadd.s32 @!p2 $0x80, s17;
	s20 =	simm.s32 @!p2 $0x80;
	[sflag:s28] =	ssyncset.done $0x0  }
0x20b: {  	s21 =	simm.s32 @!p2 $0x9D00;
	[sflag:s28] =	ssyncadd.s32 $0xFFFFF000  }
0x20c: {  	[tilespmem:s21], [sflag:$0x1] =	stream.indirect.gather @!p2 [spmem:s2], $0x20, s19, s20, $0xb8;
	[tilespmem:$0x1EA00] =	vst v63  }
.Ltmp2:
0x20d: {  	_ =	swait.ge [sflag:s12], $0x1000;
	(pc) =	sbr.rel @p1 .LBB2_6-.Ltmp2, $4  }
0x20e: {  	s19 =	sadd.s32 $0x80, s15;
	[sflag:s12] =	ssyncset.done $0x0  }
0x20f: {  	[sflag:s12] =	ssyncadd.s32 $0xFFFFF000  }
0x210: {  	[spmem:s1] =	stream.indirect.scatter.add.f32 [tilespmem:s10], [sflag:$0x3], $0x20, s19, s31, $0xb8;
	[tilespmem:$0x1EA00] =	vst v63  }
0x211: {  	s17 =	sadd.s32 $0x100, s17;
	_ =	swait.ge [sflag:s28], $0x1000  }
0x212: {  	[sflag:s28] =	ssyncset.done $0x0  }
0x213: {  	s15 =	simm.s32 @!p0 $0x1;
	[sflag:s28] =	ssyncadd.s32 $0xFFFFF000  }
0x214: {  	_ =	swait.ge @!p0 [sflag:s15], $0x1000  }
0x215: {  	s16 =	simm.s32 @!p0 $0x9C80;
	[sflag:s15] =	ssyncset.done @!p0 $0x0  }
0x216: {  	s17 =	simm.s32 @!p0 $0x9D00;
	[sflag:s15] =	ssyncadd.s32 @!p0 $0xFFFFF000;
	s15 =	simm.s32 @!p0 $0x80  }
0x217: {  	[spmem:s1] =	stream.indirect.scatter.add.f32 @!p0 [tilespmem:s17], [sflag:$0x3], $0x20, s16, s15, $0xb8;
	[tilespmem:$0x1EA00] =	vst v63  }
0x218: {  	s15 =	simm.s32 @!p0 $0x3  }
0x219: {  	_ =	swait.ge @!p0 [sflag:s15], $0x1000  }
0x21a: {  	[sflag:s15] =	ssyncset.done @!p0 $0x0  }
0x21b: {  	[sflag:s15] =	ssyncadd.s32 @!p0 $0xFFFFF000  }
0x21c: {  	[bflag:$0x0] =	sbarrier.arrive $0xFFFF  }
0x21d: {  	v0 =	vld [tilespmem:$0x14900]  }
0x21e: {  	v1 =	vld [tilespmem:$0x14910];
	[tilespmem:s0], [sflag:$0x3] =	stream.linear.gather [spmem:s6], $0x2800, $0x38  }
0x21f: {  	_ =	swait.ge [sflag:s28], $0x2800  }
0x220: {  	[sflag:s28] =	ssyncset.done $0x0  }
0x221: {  	[sflag:s28] =	ssyncadd.s32 $0xFFFFD800  }
0x222: {  	[tilespmem:s13], [sflag:$0x3] =	stream.linear.gather [spmem:s18], $0x2800, $0x38;
	[tilespmem:$0x1EA00] =	vst v63  }
0x223: {  	_ =	swait.ge [sflag:s28], $0x2800  }
0x224: {  	[sflag:s28] =	ssyncset.done $0x0  }
0x225: {  	s15 =	simm.s32 $0x0;
	[sflag:s28] =	ssyncadd.s32 $0xFFFFD800  }
0x226: {  	v2 =	vld [tilespmem:s15+$0xE510]  }
0x227: {  	v3 =	vld [tilespmem:s15+$0xBD00]  }
0x228: {  	v4 =	vld [tilespmem:s15+$0xBD10]  }
0x229: {  	s16 =	simm.s32 $0x10D20;
	v5 =	vld [tilespmem:s15+$0xE500]  }
0x22a: {  	v6 =	vld [tilespmem:s16+$0xFFFFFFE0];
	_ =	sdelay $0x2  }
0x22b: {  	v2 =	vadd.f32 v2, v4  }
0x22c: {  	v3 =	vadd.f32 v5, v3  }
0x22d: {  	v2 =	vmul.f32 v2, v6  }
0x22e: {  	v3 =	vmul.f32 v3, v6  }
0x22f: {  	v2 =	vadd.f32 v2, v1  }
0x230: {  	v3 =	vadd.f32 v3, v0  }
0x231: {  	v2 =	vmax.f32 v2, $0.0e+00  }
0x232: {  	v9 =	vld [tilespmem:s15+$0xE530];
	v3 =	vmax.f32 v3, $0.0e+00;
	v2 =	vmul.f32 v2, v6  }
0x233: {  	v4 =	vld [tilespmem:s15+$0xBD20];
	v3 =	vmul.f32 v3, v6  }
0x234: {  	[tilespmem:s15+$0xE510] =	vst v2;
	v2 =	vld [tilespmem:s15+$0xE520]  }
0x235: {  	v5 =	vld [tilespmem:s15+$0xBD30];
	[tilespmem:s15+$0xE500] =	vst v3  }
0x236: {  	v3 =	vld [tilespmem:s16+$0xFFFFFFF0];
	_ =	sdelay $0x2  }
0x237: {  	v2 =	vadd.f32 v2, v4  }
0x238: {  	v4 =	vadd.f32 v9, v5  }
0x239: {  	v2 =	vmul.f32 v2, v3  }
0x23a: {  	v4 =	vmul.f32 v4, v3  }
0x23b: {  	v2 =	vadd.f32 v2, v0  }
0x23c: {  	v4 =	vadd.f32 v4, v1  }
0x23d: {  	v2 =	vmax.f32 v2, $0.0e+00  }
0x23e: {  	v7 =	vld [tilespmem:s15+$0xBD40];
	v4 =	vmax.f32 v4, $0.0e+00;
	v2 =	vmul.f32 v2, v3  }
0x23f: {  	v8 =	vld [tilespmem:s15+$0xBD50];
	v3 =	vmul.f32 v4, v3  }
0x240: {  	[tilespmem:s15+$0xE520] =	vst v2;
	v2 =	vld [tilespmem:s15+$0xE540]  }
0x241: {  	v5 =	vld [tilespmem:s15+$0xE550];
	[tilespmem:s15+$0xE530] =	vst v3  }
0x242: {  	v3 =	vld [tilespmem:s16+$0x0];
	_ =	sdelay $0x2  }
0x243: {  	v2 =	vadd.f32 v2, v7  }
0x244: {  	v4 =	vadd.f32 v5, v8  }
0x245: {  	v2 =	vmul.f32 v2, v3  }
0x246: {  	v4 =	vmul.f32 v4, v3  }
0x247: {  	v2 =	vadd.f32 v2, v0  }
0x248: {  	v4 =	vadd.f32 v4, v1  }
0x249: {  	v6 =	vld [tilespmem:s15+$0xBD60];
	v2 =	vmax.f32 v2, $0.0e+00  }
0x24a: {  	v5 =	vld [tilespmem:s15+$0xBD70];
	v4 =	vmax.f32 v4, $0.0e+00;
	v2 =	vmul.f32 v2, v3  }
0x24b: {  	v7 =	vld [tilespmem:s15+$0xE560];
	v3 =	vmul.f32 v4, v3  }
0x24c: {  	v4 =	vld [tilespmem:s15+$0xE570];
	[tilespmem:s15+$0xE540] =	vst v2  }
0x24d: {  	[tilespmem:s15+$0xE550] =	vst v3  }
0x24e: {  	v2 =	vld [tilespmem:s16+$0x10];
	_ =	sdelay $0x2  }
0x24f: {  	v3 =	vadd.f32 v7, v6;
	v4 =	vadd.f32 v4, v5;
	_ =	sdelay $0x1  }
0x250: {  	s17 =	simm.s32 $0x200;
	v3 =	vmul.f32 v3, v2;
	v4 =	vmul.f32 v4, v2  }
.LBB2_8:
0x251: {  	p1 =	sne.s32 s17, $0x9E00  }
0x252: {  	s16 =	sadd.s32 $0x40, s16;
	s19 =	smov.u32 s17;
	s17 =	sadd.s32 $0x200, s17;
	v3 =	vadd.f32 v3, v0;
	v4 =	vadd.f32 v4, v1  }
0x253: {  	_ = 	snop  }
0x254: {  	s19 =	sshra.s32 s19, $0x2;
	v3 =	vmax.f32 v3, $0.0e+00;
	v4 =	vmax.f32 v4, $0.0e+00  }
0x255: {  	v5 =	vld [tilespmem:s19+$0xE510];
	v3 =	vmul.f32 v3, v2;
	v2 =	vmul.f32 v4, v2  }
0x256: {  	v4 =	vld [tilespmem:s19+$0xBD00]  }
0x257: {  	v6 =	vld [tilespmem:s19+$0xBD10];
	[tilespmem:s15+$0xE560] =	vst v3  }
0x258: {  	v3 =	vld [tilespmem:s19+$0xE500];
	[tilespmem:s15+$0xE570] =	vst v2;
	s15 =	smov.u32 s19  }
0x259: {  	v2 =	vld [tilespmem:s16+$0xFFFFFFE0]  }
0x25a: {  	v7 =	vld [tilespmem:s15+$0xBD20]  }
0x25b: {  	v8 =	vld [tilespmem:s15+$0xBD30]  }
0x25c: {  	v5 =	vadd.f32 v5, v6;
	v6 =	vld [tilespmem:s15+$0xBD40]  }
0x25d: {  	v3 =	vadd.f32 v3, v4;
	v4 =	vld [tilespmem:s15+$0xBD50]  }
0x25e: {  	v5 =	vmul.f32 v5, v2  }
0x25f: {  	v3 =	vmul.f32 v3, v2  }
0x260: {  	v5 =	vadd.f32 v5, v1  }
0x261: {  	v3 =	vadd.f32 v3, v0  }
0x262: {  	v5 =	vmax.f32 v5, $0.0e+00  }
0x263: {  	v3 =	vmax.f32 v3, $0.0e+00;
	v5 =	vmul.f32 v5, v2  }
0x264: {  	v2 =	vmul.f32 v3, v2;
	v3 =	vld [tilespmem:s15+$0xE530]  }
0x265: {  	[tilespmem:s15+$0xE510] =	vst v5;
	v5 =	vld [tilespmem:s15+$0xE520]  }
0x266: {  	[tilespmem:s15+$0xE500] =	vst v2  }
0x267: {  	v2 =	vld [tilespmem:s16+$0xFFFFFFF0];
	_ =	sdelay $0x2  }
0x268: {  	v3 =	vadd.f32 v3, v8;
	v5 =	vadd.f32 v5, v7;
	_ =	sdelay $0x1  }
0x269: {  	v5 =	vmul.f32 v5, v2;
	v3 =	vmul.f32 v3, v2;
	_ =	sdelay $0x1  }
0x26a: {  	v5 =	vadd.f32 v5, v0;
	v3 =	vadd.f32 v3, v1;
	_ =	sdelay $0x1  }
0x26b: {  	v5 =	vmax.f32 v5, $0.0e+00;
	v3 =	vmax.f32 v3, $0.0e+00  }
0x26c: {  	v5 =	vmul.f32 v5, v2;
	v2 =	vmul.f32 v3, v2  }
0x26d: {  	v3 =	vld [tilespmem:s15+$0xE550]  }
0x26e: {  	[tilespmem:s15+$0xE520] =	vst v5;
	v5 =	vld [tilespmem:s15+$0xE540]  }
0x26f: {  	[tilespmem:s15+$0xE530] =	vst v2  }
0x270: {  	v2 =	vld [tilespmem:s16+$0x0];
	_ =	sdelay $0x2  }
0x271: {  	v3 =	vadd.f32 v3, v4;
	v5 =	vadd.f32 v5, v6;
	_ =	sdelay $0x1  }
0x272: {  	v4 =	vmul.f32 v5, v2;
	v3 =	vmul.f32 v3, v2;
	_ =	sdelay $0x1  }
0x273: {  	v4 =	vadd.f32 v4, v0;
	v3 =	vadd.f32 v3, v1;
	_ =	sdelay $0x1  }
0x274: {  	v4 =	vmax.f32 v4, $0.0e+00;
	v3 =	vmax.f32 v3, $0.0e+00;
	v5 =	vld [tilespmem:s15+$0xBD70]  }
0x275: {  	v4 =	vmul.f32 v4, v2;
	v2 =	vmul.f32 v3, v2;
	v3 =	vld [tilespmem:s15+$0xBD60]  }
0x276: {  	v6 =	vld [tilespmem:s15+$0xE560]  }
0x277: {  	[tilespmem:s15+$0xE540] =	vst v4;
	v4 =	vld [tilespmem:s15+$0xE570]  }
0x278: {  	[tilespmem:s15+$0xE550] =	vst v2  }
0x279: {  	v2 =	vld [tilespmem:s16+$0x10]  }
.Ltmp3:
0x27a: {  	(pc) =	sbr.rel @p1 .LBB2_8-.Ltmp3, $3  }
0x27b: {  	_ = 	snop  }
0x27c: {  	v3 =	vadd.f32 v6, v3;
	v4 =	vadd.f32 v4, v5;
	_ =	sdelay $0x1  }
0x27d: {  	v3 =	vmul.f32 v3, v2;
	v4 =	vmul.f32 v4, v2  }
0x27e: {  	_ = 	snop  }
0x27f: {  	v3 =	vadd.f32 v3, v0  }
0x280: {  	v4 =	vadd.f32 v4, v1  }
0x281: {  	v3 =	vmax.f32 v3, $0.0e+00  }
0x282: {  	v4 =	vmax.f32 v4, $0.0e+00;
	v3 =	vmul.f32 v3, v2  }
0x283: {  	v2 =	vmul.f32 v4, v2  }
0x284: {  	[tilespmem:s15+$0xE560] =	vst v3  }
0x285: {  	[tilespmem:s15+$0xE570] =	vst v2  }
0x286: {  	[spmem:s18] =	stream.linear.scatter [tilespmem:s13], [sflag:$0x3], $0x2800, $0x38;
	[tilespmem:$0x1EA00] =	vst v63  }
0x287: {  	_ =	swait.ge [sflag:s28], $0x2800  }
0x288: {  	[sflag:s28] =	ssyncset.done $0x0  }
0x289: {  	[sflag:s28] =	ssyncadd.s32 $0xFFFFD800  }
0x28a: {  	[spmem:s14], [sflag:s9] =	dma.local [hbm:s7], $0x500  }
0x28b: {  	_ =	swait.ge [sflag:s28], $0x500  }
0x28c: {  	[sflag:s28] =	ssyncset.done $0x0  }
0x28d: {  	[sflag:s28] =	ssyncadd.s32 $0xFFFFFB00  }
0x28e: {  	[tilespmem:s0], [sflag:$0x3] =	stream.linear.gather [spmem:s24], $0x2800, $0x38;
	[tilespmem:$0x1EA00] =	vst v63  }
0x28f: {  	_ =	swait.ge [sflag:s28], $0x2800  }
0x290: {  	[sflag:s28] =	ssyncset.done $0x0  }
0x291: {  	[sflag:s28] =	ssyncadd.s32 $0xFFFFD800  }
0x292: {  	[tilespmem:s13], [sflag:$0x3] =	stream.linear.gather [spmem:s23], $0x2800, $0x38;
	[tilespmem:$0x1EA00] =	vst v63  }
0x293: {  	_ =	swait.ge [sflag:s28], $0x2800  }
0x294: {  	[sflag:s28] =	ssyncset.done $0x0  }
0x295: {  	s14 =	simm.s32 $0x0;
	[sflag:s28] =	ssyncadd.s32 $0xFFFFD800  }
0x296: {  	v2 =	vld [tilespmem:s14+$0xE510]  }
0x297: {  	v3 =	vld [tilespmem:s14+$0xBD00]  }
0x298: {  	v4 =	vld [tilespmem:s14+$0xBD10]  }
0x299: {  	s15 =	simm.s32 $0x12130;
	v5 =	vld [tilespmem:s14+$0xE500]  }
0x29a: {  	v6 =	vld [tilespmem:s15+$0xFFFFFFD0];
	_ =	sdelay $0x2  }
0x29b: {  	v2 =	vadd.f32 v2, v4  }
0x29c: {  	v3 =	vadd.f32 v5, v3  }
0x29d: {  	v2 =	vmul.f32 v2, v6  }
0x29e: {  	v3 =	vmul.f32 v3, v6  }
0x29f: {  	v2 =	vadd.f32 v2, v1  }
0x2a0: {  	v3 =	vadd.f32 v3, v0  }
0x2a1: {  	v2 =	vmax.f32 v2, $0.0e+00  }
0x2a2: {  	v9 =	vld [tilespmem:s14+$0xE530];
	v3 =	vmax.f32 v3, $0.0e+00;
	v2 =	vmul.f32 v2, v6  }
0x2a3: {  	v4 =	vld [tilespmem:s14+$0xBD20];
	v3 =	vmul.f32 v3, v6  }
0x2a4: {  	[tilespmem:s14+$0xE510] =	vst v2;
	v2 =	vld [tilespmem:s14+$0xE520]  }
0x2a5: {  	v5 =	vld [tilespmem:s14+$0xBD30];
	[tilespmem:s14+$0xE500] =	vst v3  }
0x2a6: {  	v3 =	vld [tilespmem:s15+$0xFFFFFFE0];
	_ =	sdelay $0x2  }
0x2a7: {  	v2 =	vadd.f32 v2, v4  }
0x2a8: {  	v4 =	vadd.f32 v9, v5  }
0x2a9: {  	v2 =	vmul.f32 v2, v3  }
0x2aa: {  	v4 =	vmul.f32 v4, v3  }
0x2ab: {  	v2 =	vadd.f32 v2, v0  }
0x2ac: {  	v4 =	vadd.f32 v4, v1  }
0x2ad: {  	v2 =	vmax.f32 v2, $0.0e+00  }
0x2ae: {  	v7 =	vld [tilespmem:s14+$0xBD40];
	v4 =	vmax.f32 v4, $0.0e+00;
	v2 =	vmul.f32 v2, v3  }
0x2af: {  	v8 =	vld [tilespmem:s14+$0xBD50];
	v3 =	vmul.f32 v4, v3  }
0x2b0: {  	[tilespmem:s14+$0xE520] =	vst v2;
	v2 =	vld [tilespmem:s14+$0xE540]  }
0x2b1: {  	v5 =	vld [tilespmem:s14+$0xE550];
	[tilespmem:s14+$0xE530] =	vst v3  }
0x2b2: {  	v3 =	vld [tilespmem:s15+$0xFFFFFFF0];
	_ =	sdelay $0x2  }
0x2b3: {  	v2 =	vadd.f32 v2, v7  }
0x2b4: {  	v4 =	vadd.f32 v5, v8  }
0x2b5: {  	v2 =	vmul.f32 v2, v3  }
0x2b6: {  	v4 =	vmul.f32 v4, v3  }
0x2b7: {  	v2 =	vadd.f32 v2, v0  }
0x2b8: {  	v4 =	vadd.f32 v4, v1  }
0x2b9: {  	v6 =	vld [tilespmem:s14+$0xBD60];
	v2 =	vmax.f32 v2, $0.0e+00  }
0x2ba: {  	v5 =	vld [tilespmem:s14+$0xBD70];
	v4 =	vmax.f32 v4, $0.0e+00;
	v2 =	vmul.f32 v2, v3  }
0x2bb: {  	v7 =	vld [tilespmem:s14+$0xE560];
	v3 =	vmul.f32 v4, v3  }
0x2bc: {  	v4 =	vld [tilespmem:s14+$0xE570];
	[tilespmem:s14+$0xE540] =	vst v2  }
0x2bd: {  	[tilespmem:s14+$0xE550] =	vst v3  }
0x2be: {  	v2 =	vld [tilespmem:s15+$0x0];
	_ =	sdelay $0x2  }
0x2bf: {  	v3 =	vadd.f32 v7, v6;
	v4 =	vadd.f32 v4, v5;
	_ =	sdelay $0x1  }
0x2c0: {  	s16 =	simm.s32 $0x200;
	v3 =	vmul.f32 v3, v2;
	v4 =	vmul.f32 v4, v2  }
.LBB2_10:
0x2c1: {  	p1 =	sne.s32 s16, $0x9E00  }
0x2c2: {  	s15 =	sadd.s32 $0x40, s15;
	s17 =	smov.u32 s16;
	s16 =	sadd.s32 $0x200, s16;
	v3 =	vadd.f32 v3, v0;
	v4 =	vadd.f32 v4, v1  }
0x2c3: {  	_ = 	snop  }
0x2c4: {  	s17 =	sshra.s32 s17, $0x2;
	v3 =	vmax.f32 v3, $0.0e+00;
	v4 =	vmax.f32 v4, $0.0e+00  }
0x2c5: {  	v5 =	vld [tilespmem:s17+$0xE510];
	v3 =	vmul.f32 v3, v2;
	v2 =	vmul.f32 v4, v2  }
0x2c6: {  	v4 =	vld [tilespmem:s17+$0xBD00]  }
0x2c7: {  	v6 =	vld [tilespmem:s17+$0xBD10];
	[tilespmem:s14+$0xE560] =	vst v3  }
0x2c8: {  	v3 =	vld [tilespmem:s17+$0xE500];
	[tilespmem:s14+$0xE570] =	vst v2;
	s14 =	smov.u32 s17  }
0x2c9: {  	v2 =	vld [tilespmem:s15+$0xFFFFFFD0]  }
0x2ca: {  	v7 =	vld [tilespmem:s14+$0xBD20]  }
0x2cb: {  	v8 =	vld [tilespmem:s14+$0xBD30]  }
0x2cc: {  	v5 =	vadd.f32 v5, v6;
	v6 =	vld [tilespmem:s14+$0xBD40]  }
0x2cd: {  	v3 =	vadd.f32 v3, v4;
	v4 =	vld [tilespmem:s14+$0xBD50]  }
0x2ce: {  	v5 =	vmul.f32 v5, v2  }
0x2cf: {  	v3 =	vmul.f32 v3, v2  }
0x2d0: {  	v5 =	vadd.f32 v5, v1  }
0x2d1: {  	v3 =	vadd.f32 v3, v0  }
0x2d2: {  	v5 =	vmax.f32 v5, $0.0e+00  }
0x2d3: {  	v3 =	vmax.f32 v3, $0.0e+00;
	v5 =	vmul.f32 v5, v2  }
0x2d4: {  	v2 =	vmul.f32 v3, v2;
	v3 =	vld [tilespmem:s14+$0xE530]  }
0x2d5: {  	[tilespmem:s14+$0xE510] =	vst v5;
	v5 =	vld [tilespmem:s14+$0xE520]  }
0x2d6: {  	[tilespmem:s14+$0xE500] =	vst v2  }
0x2d7: {  	v2 =	vld [tilespmem:s15+$0xFFFFFFE0];
	_ =	sdelay $0x2  }
0x2d8: {  	v3 =	vadd.f32 v3, v8;
	v5 =	vadd.f32 v5, v7;
	_ =	sdelay $0x1  }
0x2d9: {  	v5 =	vmul.f32 v5, v2;
	v3 =	vmul.f32 v3, v2;
	_ =	sdelay $0x1  }
0x2da: {  	v5 =	vadd.f32 v5, v0;
	v3 =	vadd.f32 v3, v1;
	_ =	sdelay $0x1  }
0x2db: {  	v5 =	vmax.f32 v5, $0.0e+00;
	v3 =	vmax.f32 v3, $0.0e+00  }
0x2dc: {  	v5 =	vmul.f32 v5, v2;
	v2 =	vmul.f32 v3, v2  }
0x2dd: {  	v3 =	vld [tilespmem:s14+$0xE550]  }
0x2de: {  	[tilespmem:s14+$0xE520] =	vst v5;
	v5 =	vld [tilespmem:s14+$0xE540]  }
0x2df: {  	[tilespmem:s14+$0xE530] =	vst v2  }
0x2e0: {  	v2 =	vld [tilespmem:s15+$0xFFFFFFF0];
	_ =	sdelay $0x2  }
0x2e1: {  	v3 =	vadd.f32 v3, v4;
	v5 =	vadd.f32 v5, v6;
	_ =	sdelay $0x1  }
0x2e2: {  	v4 =	vmul.f32 v5, v2;
	v3 =	vmul.f32 v3, v2;
	_ =	sdelay $0x1  }
0x2e3: {  	v4 =	vadd.f32 v4, v0;
	v3 =	vadd.f32 v3, v1;
	_ =	sdelay $0x1  }
0x2e4: {  	v4 =	vmax.f32 v4, $0.0e+00;
	v3 =	vmax.f32 v3, $0.0e+00;
	v5 =	vld [tilespmem:s14+$0xBD70]  }
0x2e5: {  	v4 =	vmul.f32 v4, v2;
	v2 =	vmul.f32 v3, v2;
	v3 =	vld [tilespmem:s14+$0xBD60]  }
0x2e6: {  	v6 =	vld [tilespmem:s14+$0xE560]  }
0x2e7: {  	[tilespmem:s14+$0xE540] =	vst v4;
	v4 =	vld [tilespmem:s14+$0xE570]  }
0x2e8: {  	[tilespmem:s14+$0xE550] =	vst v2  }
0x2e9: {  	v2 =	vld [tilespmem:s15+$0x0]  }
.Ltmp4:
0x2ea: {  	(pc) =	sbr.rel @p1 .LBB2_10-.Ltmp4, $3  }
0x2eb: {  	_ = 	snop  }
0x2ec: {  	v3 =	vadd.f32 v6, v3;
	v4 =	vadd.f32 v4, v5;
	_ =	sdelay $0x1  }
0x2ed: {  	v3 =	vmul.f32 v3, v2;
	v4 =	vmul.f32 v4, v2  }
0x2ee: {  	_ = 	snop  }
0x2ef: {  	v0 =	vadd.f32 v3, v0  }
0x2f0: {  	v1 =	vadd.f32 v4, v1  }
0x2f1: {  	v0 =	vmax.f32 v0, $0.0e+00  }
0x2f2: {  	v1 =	vmax.f32 v1, $0.0e+00;
	v0 =	vmul.f32 v0, v2  }
0x2f3: {  	v1 =	vmul.f32 v1, v2  }
0x2f4: {  	[tilespmem:s14+$0xE560] =	vst v0  }
0x2f5: {  	[tilespmem:s14+$0xE570] =	vst v1  }
0x2f6: {  	[spmem:s23] =	stream.linear.scatter [tilespmem:s13], [sflag:$0x3], $0x2800, $0x38;
	[tilespmem:$0x1EA00] =	vst v63  }
0x2f7: {  	_ =	swait.ge [sflag:s28], $0x2800  }
0x2f8: {  	[sflag:s28] =	ssyncset.done $0x0  }
0x2f9: {  	s19 =	sshrl.u32 s24, $0x3;
	s15 =	rddreg [dreg:$0xc];
	[sflag:s28] =	ssyncadd.s32 $0xFFFFD800  }
0x2fa: {  	[spmem:s19], [sflag:s9] =	dma.local [hbm:s15], $0x500  }
0x2fb: {  	_ =	swait.ge [sflag:s28], $0x500  }
0x2fc: {  	[sflag:s28] =	ssyncset.done $0x0  }
0x2fd: {  	[sflag:s28] =	ssyncadd.s32 $0xFFFFFB00  }
0x2fe: {  	s20 =	simm.s32 $0x80;
	[bflag:$0x0] =	sbarrier.arrive $0xFFFF  }
0x2ff: {  	[tilespmem:s4], [sflag:$0x1] =	stream.indirect.gather [spmem:s2], $0x20, s3, s20, $0xb8;
	[tilespmem:$0x1EA00] =	vst v63  }
0x300: {  	_ = 	snop  }
0x301: {  	[tilespmem:s10], [sflag:$0x2] =	stream.indirect.gather [spmem:s2], $0x20, s20, s31, $0xb8;
	[tilespmem:$0x1EA00] =	vst v63  }
0x302: {  	_ =	swait.ge [sflag:s11], $0x1000  }
0x303: {  	[sflag:s11] =	ssyncset.done $0x0  }
0x304: {  	s14 =	simm.s32 $0x4E80;
	[sflag:s11] =	ssyncadd.s32 $0xFFFFF000  }
0x305: {  	[spmem:s1] =	stream.indirect.scatter.add.f32 [tilespmem:s4], [sflag:$0x3], $0x20, s14, s31, $0xb8;
	[tilespmem:$0x1EA00] =	vst v63  }
0x306: {  	p1 =	sle.u32 s5, $0x2;
	_ =	swait.ge [sflag:s28], $0x1000  }
0x307: {  	s16 =	simm.s32 @!p1 $0x80;
	[sflag:s28] =	ssyncset.done $0x0  }
0x308: {  	s17 =	simm.s32 @!p1 $0x9D00;
	s15 =	simm.s32 @!p1 $0x100;
	[sflag:s28] =	ssyncadd.s32 $0xFFFFF000  }
0x309: {  	[tilespmem:s17], [sflag:$0x1] =	stream.indirect.gather @!p1 [spmem:s2], $0x20, s15, s16, $0xb8;
	[tilespmem:$0x1EA00] =	vst v63  }
0x30a: {  	_ =	swait.ge [sflag:s12], $0x1000  }
0x30b: {  	[sflag:s12] =	ssyncset.done $0x0  }
0x30c: {  	s21 =	simm.s32 $0x4F00;
	[sflag:s12] =	ssyncadd.s32 $0xFFFFF000  }
0x30d: {  	[spmem:s1] =	stream.indirect.scatter.add.f32 [tilespmem:s10], [sflag:$0x3], $0x20, s21, s31, $0xb8;
	[tilespmem:$0x1EA00] =	vst v63  }
0x30e: {  	s15 =	simm.s32 $0x4;
	s16 =	simm.s32 $0x180;
	_ =	swait.ge [sflag:s28], $0x1000  }
.LBB2_12:
0x30f: {  	[sflag:s28] =	ssyncset.done $0x0  }
0x310: {  	s14 =	sadd.s32 $0x100, s14;
	s17 =	smov.u32 s15;
	s15 =	sadd.s32 $0x2, s15  }
0x311: {  	p1 =	sne.s32 s15, $0x9E;
	[sflag:s28] =	ssyncadd.s32 $0xFFFFF000  }
0x312: {  	[tilespmem:s10], [sflag:$0x2] =	stream.indirect.gather [spmem:s2], $0x20, s16, s31, $0xb8;
	[tilespmem:$0x1EA00] =	vst v63  }
0x313: {  	_ =	swait.ge [sflag:s11], $0x1000  }
0x314: {  	[sflag:s11] =	ssyncset.done $0x0  }
0x315: {  	[sflag:s11] =	ssyncadd.s32 $0xFFFFF000  }
0x316: {  	[spmem:s1] =	stream.indirect.scatter.add.f32 [tilespmem:s4], [sflag:$0x3], $0x20, s14, s31, $0xb8;
	[tilespmem:$0x1EA00] =	vst v63  }
0x317: {  	p2 =	sge.u32 s17, s5;
	_ =	swait.ge [sflag:s28], $0x1000  }
0x318: {  	s17 =	sadd.s32 @!p2 $0x80, s16;
	s19 =	simm.s32 @!p2 $0x80;
	[sflag:s28] =	ssyncset.done $0x0  }
0x319: {  	s20 =	simm.s32 @!p2 $0x9D00;
	[sflag:s28] =	ssyncadd.s32 $0xFFFFF000  }
0x31a: {  	[tilespmem:s20], [sflag:$0x1] =	stream.indirect.gather @!p2 [spmem:s2], $0x20, s17, s19, $0xb8;
	[tilespmem:$0x1EA00] =	vst v63  }
.Ltmp5:
0x31b: {  	_ =	swait.ge [sflag:s12], $0x1000;
	(pc) =	sbr.rel @p1 .LBB2_12-.Ltmp5, $4  }
0x31c: {  	s17 =	sadd.s32 $0x80, s14;
	[sflag:s12] =	ssyncset.done $0x0  }
0x31d: {  	[sflag:s12] =	ssyncadd.s32 $0xFFFFF000  }
0x31e: {  	[spmem:s1] =	stream.indirect.scatter.add.f32 [tilespmem:s10], [sflag:$0x3], $0x20, s17, s31, $0xb8;
	[tilespmem:$0x1EA00] =	vst v63  }
0x31f: {  	s16 =	sadd.s32 $0x100, s16;
	_ =	swait.ge [sflag:s28], $0x1000  }
0x320: {  	[sflag:s28] =	ssyncset.done $0x0  }
0x321: {  	s14 =	simm.s32 @!p0 $0x1;
	[sflag:s28] =	ssyncadd.s32 $0xFFFFF000  }
0x322: {  	_ =	swait.ge @!p0 [sflag:s14], $0x1000  }
0x323: {  	s15 =	simm.s32 @!p0 $0x9C80;
	[sflag:s14] =	ssyncset.done @!p0 $0x0  }
0x324: {  	s16 =	simm.s32 @!p0 $0x9D00;
	[sflag:s14] =	ssyncadd.s32 @!p0 $0xFFFFF000;
	s14 =	simm.s32 @!p0 $0x80  }
0x325: {  	[spmem:s1] =	stream.indirect.scatter.add.f32 @!p0 [tilespmem:s16], [sflag:$0x3], $0x20, s15, s14, $0xb8;
	[tilespmem:$0x1EA00] =	vst v63  }
0x326: {  	s14 =	simm.s32 @!p0 $0x3  }
0x327: {  	_ =	swait.ge @!p0 [sflag:s14], $0x1000  }
0x328: {  	[sflag:s14] =	ssyncset.done @!p0 $0x0  }
0x329: {  	[sflag:s14] =	ssyncadd.s32 @!p0 $0xFFFFF000  }
0x32a: {  	[bflag:$0x0] =	sbarrier.arrive $0xFFFF  }
0x32b: {  	[tilespmem:s0], [sflag:$0x3] =	stream.linear.gather [spmem:s6], $0x2800, $0x38;
	[tilespmem:$0x1EA00] =	vst v63  }
0x32c: {  	_ =	swait.ge [sflag:s28], $0x2800  }
0x32d: {  	[sflag:s28] =	ssyncset.done $0x0  }
0x32e: {  	[sflag:s28] =	ssyncadd.s32 $0xFFFFD800  }
0x32f: {  	[tilespmem:s13], [sflag:$0x3] =	stream.linear.gather [spmem:s18], $0x2800, $0x38;
	[tilespmem:$0x1EA00] =	vst v63  }
0x330: {  	_ =	swait.ge [sflag:s28], $0x2800  }
0x331: {  	[sflag:s28] =	ssyncset.done $0x0  }
0x332: {  	s14 =	simm.s32 $0x0;
	[sflag:s28] =	ssyncadd.s32 $0xFFFFD800  }
0x333: {  	v0 =	vld [tilespmem:s14+$0xE500]  }
0x334: {  	v1 =	vld [tilespmem:s14+$0xE510]  }
0x335: {  	v2 =	vld [tilespmem:s14+$0xBD00]  }
0x336: {  	s15 =	simm.s32 $0x10D20;
	s16 =	simm.s32 $0x200;
	v3 =	vld [tilespmem:s14+$0xBD10]  }
.LBB2_14:
0x337: {  	p1 =	sne.s32 s16, $0x9E00;
	v4 =	vld [tilespmem:s15+$0xFFFFFFE0];
	_ =	sdelay $0x2  }
0x338: {  	v0 =	vadd.f32 v0, v2  }
0x339: {  	v1 =	vadd.f32 v1, v3  }
0x33a: {  	v0 =	vmul.f32 v0, v4;
	v2 =	vld [tilespmem:s14+$0xE520]  }
0x33b: {  	v1 =	vmul.f32 v1, v4;
	v3 =	vld [tilespmem:s14+$0xE530]  }
0x33c: {  	[tilespmem:s14+$0xBD00] =	vst v0;
	v0 =	vld [tilespmem:s14+$0xBD20]  }
0x33d: {  	[tilespmem:s14+$0xBD10] =	vst v1;
	v1 =	vld [tilespmem:s14+$0xBD30]  }
0x33e: {  	v4 =	vld [tilespmem:s15+$0xFFFFFFF0];
	_ =	sdelay $0x2  }
0x33f: {  	v0 =	vadd.f32 v2, v0  }
0x340: {  	v1 =	vadd.f32 v3, v1;
	v2 =	vld [tilespmem:s14+$0xE540]  }
0x341: {  	v0 =	vmul.f32 v0, v4;
	v3 =	vld [tilespmem:s14+$0xE550]  }
0x342: {  	v1 =	vmul.f32 v1, v4;
	v4 =	vld [tilespmem:s14+$0xBD50]  }
0x343: {  	[tilespmem:s14+$0xBD20] =	vst v0;
	v0 =	vld [tilespmem:s14+$0xBD40]  }
0x344: {  	[tilespmem:s14+$0xBD30] =	vst v1  }
0x345: {  	v1 =	vld [tilespmem:s15+$0x0];
	_ =	sdelay $0x2  }
0x346: {  	v0 =	vadd.f32 v2, v0;
	v2 =	vadd.f32 v3, v4  }
0x347: {  	v3 =	vld [tilespmem:s14+$0xE560]  }
0x348: {  	v0 =	vmul.f32 v0, v1;
	v1 =	vmul.f32 v2, v1;
	v2 =	vld [tilespmem:s14+$0xE570]  }
0x349: {  	v4 =	vld [tilespmem:s14+$0xBD70]  }
0x34a: {  	[tilespmem:s14+$0xBD50] =	vst v1;
	v1 =	vld [tilespmem:s14+$0xBD60]  }
0x34b: {  	[tilespmem:s14+$0xBD40] =	vst v0  }
0x34c: {  	v5 =	vld [tilespmem:s15+$0x10];
	_ =	sdelay $0x2  }
0x34d: {  	v2 =	vadd.f32 v2, v4;
	v1 =	vadd.f32 v3, v1  }
.Ltmp6:
0x34e: {  	s17 =	sshra.s32 s16, $0x2;
	(pc) =	sbr.rel @p1 .LBB2_14-.Ltmp6, $4  }
0x34f: {  	v0 =	vld [tilespmem:s17+$0xE500];
	v3 =	vmul.f32 v1, v5;
	v4 =	vmul.f32 v2, v5  }
0x350: {  	v1 =	vld [tilespmem:s17+$0xE510]  }
0x351: {  	v2 =	vld [tilespmem:s17+$0xBD00];
	[tilespmem:s14+$0xBD60] =	vst v3  }
0x352: {  	s16 =	sadd.s32 $0x200, s16;
	s15 =	sadd.s32 $0x40, s15;
	v3 =	vld [tilespmem:s17+$0xBD10];
	[tilespmem:s14+$0xBD70] =	vst v4;
	s14 =	smov.u32 s17  }
0x353: {  	v4 =	vld [tilespmem:s15+$0xFFFFFFE0];
	_ =	sdelay $0x2  }
0x354: {  	v0 =	vadd.f32 v0, v2  }
0x355: {  	v1 =	vadd.f32 v1, v3  }
0x356: {  	v2 =	vld [tilespmem:s14+$0xE520];
	v0 =	vmul.f32 v0, v4  }
0x357: {  	v3 =	vld [tilespmem:s14+$0xE530];
	v1 =	vmul.f32 v1, v4  }
0x358: {  	[tilespmem:s14+$0xBD00] =	vst v0;
	v0 =	vld [tilespmem:s14+$0xBD20]  }
0x359: {  	[tilespmem:s14+$0xBD10] =	vst v1;
	v1 =	vld [tilespmem:s14+$0xBD30]  }
0x35a: {  	v4 =	vld [tilespmem:s15+$0xFFFFFFF0];
	_ =	sdelay $0x2  }
0x35b: {  	v0 =	vadd.f32 v2, v0  }
0x35c: {  	v1 =	vadd.f32 v3, v1  }
0x35d: {  	v5 =	vld [tilespmem:s14+$0xBD50];
	v0 =	vmul.f32 v0, v4  }
0x35e: {  	v2 =	vld [tilespmem:s14+$0xE540];
	v1 =	vmul.f32 v1, v4  }
0x35f: {  	v3 =	vld [tilespmem:s14+$0xE550];
	[tilespmem:s14+$0xBD20] =	vst v0  }
0x360: {  	v0 =	vld [tilespmem:s14+$0xBD40];
	[tilespmem:s14+$0xBD30] =	vst v1  }
0x361: {  	v1 =	vld [tilespmem:s15+$0x0];
	_ =	sdelay $0x2  }
0x362: {  	v3 =	vadd.f32 v3, v5  }
0x363: {  	v0 =	vadd.f32 v2, v0  }
0x364: {  	v4 =	vld [tilespmem:s14+$0xE560];
	v2 =	vmul.f32 v3, v1  }
0x365: {  	v5 =	vld [tilespmem:s14+$0xBD70];
	v0 =	vmul.f32 v0, v1  }
0x366: {  	v1 =	vld [tilespmem:s14+$0xBD60];
	[tilespmem:s14+$0xBD50] =	vst v2  }
0x367: {  	v3 =	vld [tilespmem:s14+$0xE570];
	[tilespmem:s14+$0xBD40] =	vst v0  }
0x368: {  	v0 =	vld [tilespmem:s15+$0x10];
	_ =	sdelay $0x2  }
0x369: {  	v1 =	vadd.f32 v4, v1  }
0x36a: {  	v2 =	vadd.f32 v3, v5  }
0x36b: {  	v1 =	vmul.f32 v1, v0  }
0x36c: {  	v0 =	vmul.f32 v2, v0  }
0x36d: {  	[tilespmem:s14+$0xBD60] =	vst v1  }
0x36e: {  	s21 =	rddreg [dreg:$0x10];
	[tilespmem:s14+$0xBD70] =	vst v0  }
0x36f: {  	[hbm4b:s21+s30] =	stream.strided.scatter [tilespmem:s0], [sflag:$0x3], $0x2800, s31, s30, $0x38;
	[tilespmem:$0x1EA00] =	vst v63  }
0x370: {  	_ =	swait.ge [sflag:s28], $0x2800  }
0x371: {  	[sflag:s28] =	ssyncset.done $0x0  }
0x372: {  	[sflag:s28] =	ssyncadd.s32 $0xFFFFD800  }
0x373: {  	[tilespmem:s0], [sflag:$0x3] =	stream.linear.gather [spmem:s24], $0x2800, $0x38;
	[tilespmem:$0x1EA00] =	vst v63  }
0x374: {  	_ =	swait.ge [sflag:s28], $0x2800  }
0x375: {  	[sflag:s28] =	ssyncset.done $0x0  }
0x376: {  	[sflag:s28] =	ssyncadd.s32 $0xFFFFD800  }
0x377: {  	[tilespmem:s13], [sflag:$0x3] =	stream.linear.gather [spmem:s23], $0x2800, $0x38;
	[tilespmem:$0x1EA00] =	vst v63  }
0x378: {  	_ =	swait.ge [sflag:s28], $0x2800  }
0x379: {  	[sflag:s28] =	ssyncset.done $0x0  }
0x37a: {  	s14 =	simm.s32 $0x0;
	[sflag:s28] =	ssyncadd.s32 $0xFFFFD800  }
0x37b: {  	v0 =	vld [tilespmem:s14+$0xE500]  }
0x37c: {  	v1 =	vld [tilespmem:s14+$0xE510]  }
0x37d: {  	v2 =	vld [tilespmem:s14+$0xBD00]  }
0x37e: {  	s16 =	simm.s32 $0x200;
	s20 =	simm.s32 $0x13500;
	s15 =	simm.s32 $0x12130;
	v3 =	vld [tilespmem:s14+$0xBD10]  }
.LBB2_16:
0x37f: {  	p1 =	sne.s32 s16, $0x9E00;
	v4 =	vld [tilespmem:s15+$0xFFFFFFD0];
	_ =	sdelay $0x2  }
0x380: {  	v0 =	vadd.f32 v0, v2  }
0x381: {  	v1 =	vadd.f32 v1, v3  }
0x382: {  	v0 =	vmul.f32 v0, v4;
	v2 =	vld [tilespmem:s14+$0xE520]  }
0x383: {  	v1 =	vmul.f32 v1, v4;
	v3 =	vld [tilespmem:s14+$0xE530]  }
0x384: {  	[tilespmem:s14+$0xBD00] =	vst v0;
	v0 =	vld [tilespmem:s14+$0xBD20]  }
0x385: {  	[tilespmem:s14+$0xBD10] =	vst v1;
	v1 =	vld [tilespmem:s14+$0xBD30]  }
0x386: {  	v4 =	vld [tilespmem:s15+$0xFFFFFFE0];
	_ =	sdelay $0x2  }
0x387: {  	v0 =	vadd.f32 v2, v0  }
0x388: {  	v1 =	vadd.f32 v3, v1;
	v2 =	vld [tilespmem:s14+$0xE540]  }
0x389: {  	v0 =	vmul.f32 v0, v4;
	v3 =	vld [tilespmem:s14+$0xE550]  }
0x38a: {  	v1 =	vmul.f32 v1, v4;
	v4 =	vld [tilespmem:s14+$0xBD50]  }
0x38b: {  	[tilespmem:s14+$0xBD20] =	vst v0;
	v0 =	vld [tilespmem:s14+$0xBD40]  }
0x38c: {  	[tilespmem:s14+$0xBD30] =	vst v1  }
0x38d: {  	v1 =	vld [tilespmem:s15+$0xFFFFFFF0];
	_ =	sdelay $0x2  }
0x38e: {  	v0 =	vadd.f32 v2, v0;
	v2 =	vadd.f32 v3, v4  }
0x38f: {  	v3 =	vld [tilespmem:s14+$0xE560]  }
0x390: {  	v0 =	vmul.f32 v0, v1;
	v1 =	vmul.f32 v2, v1;
	v2 =	vld [tilespmem:s14+$0xE570]  }
0x391: {  	v4 =	vld [tilespmem:s14+$0xBD70]  }
0x392: {  	[tilespmem:s14+$0xBD50] =	vst v1;
	v1 =	vld [tilespmem:s14+$0xBD60]  }
0x393: {  	[tilespmem:s14+$0xBD40] =	vst v0  }
0x394: {  	v5 =	vld [tilespmem:s15+$0x0];
	_ =	sdelay $0x2  }
0x395: {  	v2 =	vadd.f32 v2, v4;
	v1 =	vadd.f32 v3, v1  }
.Ltmp7:
0x396: {  	s17 =	sshra.s32 s16, $0x2;
	(pc) =	sbr.rel @p1 .LBB2_16-.Ltmp7, $4  }
0x397: {  	v0 =	vld [tilespmem:s17+$0xE500];
	v3 =	vmul.f32 v1, v5;
	v4 =	vmul.f32 v2, v5  }
0x398: {  	v1 =	vld [tilespmem:s17+$0xE510]  }
0x399: {  	v2 =	vld [tilespmem:s17+$0xBD00];
	[tilespmem:s14+$0xBD60] =	vst v3  }
0x39a: {  	s16 =	sadd.s32 $0x200, s16;
	s15 =	sadd.s32 $0x40, s15;
	v3 =	vld [tilespmem:s17+$0xBD10];
	[tilespmem:s14+$0xBD70] =	vst v4;
	s14 =	smov.u32 s17  }
0x39b: {  	v4 =	vld [tilespmem:s15+$0xFFFFFFD0];
	_ =	sdelay $0x2  }
0x39c: {  	v0 =	vadd.f32 v0, v2  }
0x39d: {  	v1 =	vadd.f32 v1, v3  }
0x39e: {  	v50 =	vld [tilespmem:s14+$0xE520];
	v0 =	vmul.f32 v0, v4  }
0x39f: {  	v51 =	vld [tilespmem:s14+$0xE530];
	v1 =	vmul.f32 v1, v4  }
0x3a0: {  	v52 =	vld [tilespmem:s14+$0xBD20];
	[tilespmem:s14+$0xBD00] =	vst v0  }
0x3a1: {  	v53 =	vld [tilespmem:s14+$0xBD30];
	[tilespmem:s14+$0xBD10] =	vst v1  }
0x3a2: {  	v54 =	vld [tilespmem:s15+$0xFFFFFFE0];
	_ =	sdelay $0x2  }
0x3a3: {  	v0 =	vadd.f32 v50, v52  }
0x3a4: {  	v1 =	vadd.f32 v51, v53  }
0x3a5: {  	v55 =	vld [tilespmem:s14+$0xE540];
	v0 =	vmul.f32 v0, v54  }
0x3a6: {  	v56 =	vld [tilespmem:s14+$0xE550];
	v1 =	vmul.f32 v1, v54  }
0x3a7: {  	v5 =	vld [tilespmem:s14+$0xBD50];
	[tilespmem:s14+$0xBD20] =	vst v0  }
0x3a8: {  	v57 =	vld [tilespmem:s14+$0xBD40];
	[tilespmem:s14+$0xBD30] =	vst v1  }
0x3a9: {  	v1 =	vld [tilespmem:s15+$0xFFFFFFF0];
	_ =	sdelay $0x2  }
0x3aa: {  	v3 =	vadd.f32 v56, v5  }
0x3ab: {  	v0 =	vadd.f32 v55, v57  }
0x3ac: {  	v58 =	vld [tilespmem:s14+$0xE560];
	v59 =	vmul.f32 v3, v1  }
0x3ad: {  	v60 =	vld [tilespmem:s14+$0xE570];
	v0 =	vmul.f32 v0, v1  }
0x3ae: {  	v62 =	vld [tilespmem:s14+$0xBD60];
	[tilespmem:s14+$0xBD50] =	vst v59  }
0x3af: {  	v61 =	vld [tilespmem:s14+$0xBD70];
	[tilespmem:s14+$0xBD40] =	vst v0  }
0x3b0: {  	v0 =	vld [tilespmem:s15+$0x0];
	_ =	sdelay $0x2  }
0x3b1: {  	v1 =	vadd.f32 v58, v62  }
0x3b2: {  	v63 =	vadd.f32 v60, v61  }
0x3b3: {  	v1 =	vmul.f32 v1, v0  }
0x3b4: {  	s29 =	sadd.s32 $0x1, s29;
	v0 =	vmul.f32 v63, v0  }
0x3b5: {  	p1 =	sne.s32 s29, s25;
	[tilespmem:s14+$0xBD60] =	vst v1  }
.Ltmp8:
0x3b6: {  	[tilespmem:s14+$0xBD70] =	vst v0;
	(pc) =	sbr.rel @p1 .LBB2_1-.Ltmp8, $4  }
0x3b7: {  	[hbm4b:s22+s30] =	stream.strided.scatter [tilespmem:s0], [sflag:$0x3], $0x2800, s31, s30, $0x38;
	[tilespmem:$0x1EA00] =	vst v63  }
0x3b8: {  	_ =	swait.ge [sflag:s28], $0x2800  }
0x3b9: {  	[sflag:s28] =	ssyncset.done $0x0  }
0x3ba: {  	[sflag:s28] =	ssyncadd.s32 $0xFFFFD800  }
0x3bb: {  	_ =	sfence.sel $0x180000  }
0x3bc: {  	[bflag:$0x0] =	sbarrier.arrive $0xFFFF  }
0x3bd: {  	_ =	strace $0x9000004A  }
0x3be: {  	s0 =	stileid.u32;
	[bflag:$0x2] =	sbarrier.arrive $0xFFFF  }
0x3bf: {  	p0 =	sne.s32 s0, $0x0;
	s0 =	rddreg [dreg:$0x5]  }
0x3c0: {  	s0 =	sadd.s32 @!p0 $0x100000, s0  }
0x3c1: {  	[sflag:s0] =	ssyncadd.tile.s32 @!p0 $0x1;
	_ =	shalt  }
.Lfunc_end2:
_tile_overlayer_lowered:
.L_overlay_start_2:
0x3c2: {  	(tag) =	ssettag $0x2  }
0x3c3: {  	s0 =	rddreg [dreg:$0x0];
	s2 =	stileid.u32  }
0x3c4: {  	s1 =	rddreg [dreg:$0x1];
	p0 =	sne.s32 s2, $0x0  }
0x3c5: {  	s3 =	rddreg [dreg:$0x2];
	[bflag:$0x3] =	sbarrier.arrive $0xFFFF;
	s2 =	simm.s32 @!p0 $0x1C03  }
0x3c6: {  	[timem:s3], [sflag:s2] =	dma.local @!p0 [hbm:s0], s1  }
0x3c7: {  	s0 =	simm.s32 @!p0 $0x3  }
0x3c8: {  	_ =	swait.ge @!p0 [sflag:s0], s1  }
0x3c9: {  	s1 =	ssub.s32 @!p0 $0x0, s1;
	[sflag:s0] =	ssyncset.done @!p0 $0x0  }
0x3ca: {  	[sflag:s0] =	ssyncadd.s32 @!p0 s1  }
0x3cb: {  	[bflag:$0x3] =	sbarrier.arrive $0xFFFF  }
0x3cc: {  	_ =	shalt  }

</sc_bundles>
